<compile_context>
chip_gen: v7x
topology: tpu7x:2x2x1
jax: 0.10.2.dev20260603
libtpu: 0.0.44.dev20260713+nightly
codegen_flags: <defaults>
</compile_context>

<pallas_src>
import jax
import jax.numpy as jnp
from jax import lax
from jax.experimental import pallas as pl
from jax.experimental.pallas import tpu as pltpu
from jax.experimental.pallas import tpu_sc as plsc

NUM_EXPERTS = 8
IN_DIM = 1024
HIDDEN_DIM = 2736
SEQ = 2048
NASSIGN = 2 * SEQ

BT = 512
NSLOTS = NASSIGN + NUM_EXPERTS * BT
NBLOCKS = NSLOTS // BT
NBPAD = 32
DT = 512
ND = IN_DIM // DT
NH = 3
HT = HIDDEN_DIM // NH
NPH = ND + NH

NC, NS, L = 2, 16, 16
NW = NC * NS


def _router_kernel(x_ref, c_ref, sel_ref, wts_ref, xbf_ref):
    xs = x_ref[...]
    cen = c_ref[...]
    xc = jnp.dot(xs, cen.T, preferred_element_type=jnp.float32,
                 precision=jax.lax.Precision.HIGHEST)
    xn = jnp.sum(xs * xs, axis=1, keepdims=True)
    cn = jnp.sum(cen * cen, axis=1)[None, :]
    dist = jnp.sqrt(jnp.maximum(xn - 2.0 * xc + cn, 0.0))
    m1 = jnp.max(dist, axis=1, keepdims=True)
    idx = jax.lax.broadcasted_iota(jnp.int32, dist.shape, 1)
    a1 = jnp.min(jnp.where(dist == m1, idx, NUM_EXPERTS), axis=1,
                 keepdims=True)
    masked = jnp.where(idx == a1, -jnp.inf, dist)
    m2 = jnp.max(masked, axis=1, keepdims=True)
    a2 = jnp.min(jnp.where(masked == m2, idx, NUM_EXPERTS), axis=1,
                 keepdims=True)
    z2 = jnp.exp(m2 - m1)
    w1 = 1.0 / (1.0 + z2)
    w2 = z2 / (1.0 + z2)
    sel_ref[...] = jnp.concatenate([a1, a2], axis=1)
    wts_ref[...] = jnp.concatenate([w1, w2], axis=1)
    xbf_ref[...] = xs.astype(jnp.bfloat16)


def _dispatch_body(sel_hbm, wts_hbm, srctok_hbm, gate_hbm, pos_hbm,
                   btab_hbm, sel_v, wts_v, srctok_v, gate_v, pos_v,
                   btab_v, cur_s):
    wid = lax.axis_index("s") * NC + lax.axis_index("c")

    @pl.when(wid == 0)
    def _():
        pltpu.sync_copy(sel_hbm, sel_v)
        pltpu.sync_copy(wts_hbm, wts_v)
        zi = jnp.zeros((L,), jnp.int32)
        zf = jnp.zeros((L,), jnp.float32)

        def _zero(i, _):
            srctok_v[pl.ds(i * L, L)] = zi
            gate_v[pl.ds(i * L, L)] = zf
            return _
        lax.fori_loop(0, NSLOTS // L, _zero, None)

        def _count(i, cnt):
            v = sel_v[pl.ds(i * L, L)]
            lanes = lax.iota(jnp.int32, L)
            for e in range(NUM_EXPERTS):
                ce = jnp.sum(jnp.where(v == e, 1, 0))
                cnt = cnt + jnp.where(lanes == e, ce, 0)
            return cnt
        cnt = lax.fori_loop(0, NASSIGN // L, _count, jnp.zeros((L,), jnp.int32))

        nblk = (cnt + (BT - 1)) // BT
        csum = plsc.cumsum(nblk)
        first_blk = csum - nblk
        seg_start = first_blk * BT
        total = jnp.sum(nblk)

        for e in range(NUM_EXPERTS):
            cur_s[e] = seg_start[e]

        ce_list = [csum[e] for e in range(NUM_EXPERTS)]
        last_e = jnp.int32(0)
        for ce in ce_list:
            last_e = last_e + jnp.where(ce <= total - 1, 1, 0)
        for c in range(NBPAD // L):
            bvec = lax.iota(jnp.int32, L) + c * L
            bexp = jnp.zeros((L,), jnp.int32)
            for ce in ce_list:
                bexp = bexp + jnp.where(bvec >= ce, 1, 0)
            valid = bvec < total
            bexp = jnp.where(valid, bexp, last_e)
            bfetch = jnp.where(valid, bvec, total - 1)
            btab_v[pl.ds(c * L, L)] = bexp
            btab_v[pl.ds(NBPAD + c * L, L)] = bfetch
            btab_v[pl.ds(2 * NBPAD + c * L, L)] = jnp.where(valid, 1, 0)

        def _scatter(i, _):
            v = sel_v[pl.ds(i * L, L)]
            w = wts_v[pl.ds(i * L, L)]
            tok = (lax.iota(jnp.int32, L) + i * L) // 2
            posv = jnp.zeros((L,), jnp.int32)
            for e in range(NUM_EXPERTS):
                m = v == e
                mi = jnp.where(m, 1, 0)
                rank = plsc.cumsum(mi) - 1
                base = cur_s[e]
                posv = jnp.where(m, base + rank, posv)
                cur_s[e] = base + jnp.sum(mi)
            plsc.store_scatter(srctok_v, [posv], tok)
            plsc.store_scatter(gate_v, [posv], w)
            pos_v[pl.ds(i * L, L)] = posv
            return _
        lax.fori_loop(0, NASSIGN // L, _scatter, None)

        pltpu.sync_copy(srctok_v, srctok_hbm)
        pltpu.sync_copy(gate_v, gate_hbm)
        pltpu.sync_copy(pos_v, pos_hbm)
        pltpu.sync_copy(btab_v, btab_hbm)


def _ffn_kernel(be_ref, bv_ref, bf_ref, x_ref, tok_ref, wg_ref, bg_ref,
                w1_ref, b1_ref, w2_ref, b2_ref, gate_ref, out_ref,
                g_acc, u_acc, xs_scr):
    b = pl.program_id(0)
    ph = pl.program_id(1)

    @pl.when(bv_ref[b] == 1)
    def _body():
        @pl.when(ph == 0)
        def _gather():
            tok = tok_ref[...]
            col = jax.lax.broadcasted_iota(jnp.int32, (BT, SEQ), 1)
            onehot = jnp.where(col == tok, 1.0, 0.0).astype(jnp.bfloat16)
            xs_scr[...] = jnp.dot(onehot, x_ref[...],
                                  preferred_element_type=jnp.float32)

        @pl.when(ph < ND)
        def _accum():
            xs = xs_scr[:, pl.ds(ph * DT, DT)]
            g = jnp.dot(xs, wg_ref[0], preferred_element_type=jnp.float32)
            u = jnp.dot(xs, w1_ref[0], preferred_element_type=jnp.float32)
            for jj in range(NH):
                gj = g[:, jj * HT:(jj + 1) * HT]
                uj = u[:, jj * HT:(jj + 1) * HT]

                @pl.when(ph == 0)
                def _(jj=jj, gj=gj, uj=uj):
                    g_acc[jj] = gj + bg_ref[0, 0][None, jj * HT:(jj + 1) * HT]
                    u_acc[jj] = uj + b1_ref[0, 0][None, jj * HT:(jj + 1) * HT]

                @pl.when(ph > 0)
                def _(jj=jj, gj=gj, uj=uj):
                    g_acc[jj] += gj
                    u_acc[jj] += uj

        @pl.when(ph >= ND)
        def _w2():
            j = ph - ND
            gate = gate_ref[...]
            g = g_acc[j]
            u = u_acc[j]
            hmid = (gate * (g * jax.nn.sigmoid(g))) * u
            y = jnp.dot(hmid, w2_ref[0], preferred_element_type=jnp.float32)

            @pl.when(j == 0)
            def _():
                out_ref[...] = y + gate * b2_ref[0, 0][None, :]

            @pl.when(j > 0)
            def _():
                out_ref[...] += y


def _ffn_in_specs():
    def _dclamp(p, bv_b):
        return jnp.where(bv_b == 1, jnp.minimum(p, ND - 1), ND - 1)

    return [
        pl.BlockSpec((SEQ, IN_DIM), lambda b, p, be, bv, bf: (0, 0)),
        pl.BlockSpec((BT, 1), lambda b, p, be, bv, bf: (bf[b], 0)),
        pl.BlockSpec((1, DT, HIDDEN_DIM),
                     lambda b, p, be, bv, bf: (be[b], _dclamp(p, bv[b]), 0)),
        pl.BlockSpec((1, 1, HIDDEN_DIM),
                     lambda b, p, be, bv, bf: (be[b], 0, 0)),
        pl.BlockSpec((1, DT, HIDDEN_DIM),
                     lambda b, p, be, bv, bf: (be[b], _dclamp(p, bv[b]), 0)),
        pl.BlockSpec((1, 1, HIDDEN_DIM),
                     lambda b, p, be, bv, bf: (be[b], 0, 0)),
        pl.BlockSpec((1, HT, IN_DIM),
                     lambda b, p, be, bv, bf:
                     (be[b], jnp.where(bv[b] == 1,
                                       jnp.clip(p - ND, 0, NH - 1),
                                       NH - 1), 0)),
        pl.BlockSpec((1, 1, IN_DIM),
                     lambda b, p, be, bv, bf: (be[b], 0, 0)),
        pl.BlockSpec((BT, 1), lambda b, p, be, bv, bf: (bf[b], 0)),
    ]


def _ffn_out_spec():
    return pl.BlockSpec((BT, IN_DIM), lambda b, p, be, bv, bf: (bf[b], 0))


def _ffn_scratch():
    return [pltpu.VMEM((NH, BT, HT), jnp.float32),
            pltpu.VMEM((NH, BT, HT), jnp.float32),
            pltpu.VMEM((BT, IN_DIM), jnp.float32)]


def _combine_body(y_hbm, pos_hbm, out_hbm, idx_v, buf_v, obuf_v, sem):
    wid = lax.axis_index("s") * NC + lax.axis_index("c")
    tok_per_w = SEQ // NW
    base_t = wid * tok_per_w
    pltpu.sync_copy(pos_hbm.at[pl.ds(base_t * 2, tok_per_w * 2)], idx_v)
    chunk = 32
    for c in range(tok_per_w // chunk):
        pltpu.async_copy(y_hbm.at[idx_v.at[pl.ds(c * chunk * 2, chunk * 2)]],
                         buf_v, sem).wait()

        def _comb(i, _):
            for j in range(IN_DIM // L):
                s = pl.ds(j * L, L)
                obuf_v[i, s] = buf_v[2 * i, s] + buf_v[2 * i + 1, s]
            return _
        lax.fori_loop(0, chunk, _comb, None)
        pltpu.sync_copy(obuf_v,
                        out_hbm.at[pl.ds(base_t + c * chunk, chunk)])


@jax.jit
def _moe_forward(xs, centroid, Wg, bg, W1, b1, W2, b2):
    _sc_mesh = plsc.VectorSubcoreMesh(core_axis_name="c", subcore_axis_name="s")
    sel, wts, x_bf = pl.pallas_call(
        _router_kernel,
        out_shape=[jax.ShapeDtypeStruct((SEQ, 2), jnp.int32),
                   jax.ShapeDtypeStruct((SEQ, 2), jnp.float32),
                   jax.ShapeDtypeStruct((SEQ, IN_DIM), jnp.bfloat16)],
    )(xs, centroid)

    dispatch = pl.kernel(
        _dispatch_body, mesh=_sc_mesh,
        out_type=[jax.ShapeDtypeStruct((NSLOTS,), jnp.int32),
                  jax.ShapeDtypeStruct((NSLOTS,), jnp.float32),
                  jax.ShapeDtypeStruct((NASSIGN,), jnp.int32),
                  jax.ShapeDtypeStruct((3 * NBPAD,), jnp.int32)],
        scratch_types=[pltpu.VMEM((NASSIGN,), jnp.int32),
                       pltpu.VMEM((NASSIGN,), jnp.float32),
                       pltpu.VMEM((NSLOTS,), jnp.int32),
                       pltpu.VMEM((NSLOTS,), jnp.float32),
                       pltpu.VMEM((NASSIGN,), jnp.int32),
                       pltpu.VMEM((3 * NBPAD,), jnp.int32),
                       pltpu.SMEM((NUM_EXPERTS,), jnp.int32)],
        compiler_params=pltpu.CompilerParams(needs_layout_passes=False),
    )
    srctok, slot_gate, pos, btab = dispatch(sel.reshape(NASSIGN),
                                            wts.reshape(NASSIGN))

    btab32 = btab.reshape(3, NBPAD)
    bexp, bfetch, bval = btab32[0], btab32[1], btab32[2]

    grid_spec = pltpu.PrefetchScalarGridSpec(
        num_scalar_prefetch=3,
        grid=(NBLOCKS, NPH),
        in_specs=_ffn_in_specs(),
        out_specs=_ffn_out_spec(),
        scratch_shapes=_ffn_scratch(),
    )
    y_sorted = pl.pallas_call(
        _ffn_kernel,
        grid_spec=grid_spec,
        out_shape=jax.ShapeDtypeStruct((NSLOTS, IN_DIM), jnp.float32),
        compiler_params=pltpu.CompilerParams(
            vmem_limit_bytes=64 * 1024 * 1024),
    )(bexp, bval, bfetch, x_bf, srctok.reshape(NSLOTS, 1), Wg,
      bg.reshape(NUM_EXPERTS, 1, HIDDEN_DIM), W1,
      b1.reshape(NUM_EXPERTS, 1, HIDDEN_DIM), W2,
      b2.reshape(NUM_EXPERTS, 1, IN_DIM), slot_gate.reshape(NSLOTS, 1))

    combine = pl.kernel(
        _combine_body, mesh=_sc_mesh,
        out_type=[jax.ShapeDtypeStruct((SEQ, IN_DIM), jnp.float32)],
        scratch_types=[pltpu.VMEM((2 * SEQ // NW,), jnp.int32),
                       pltpu.VMEM((64, IN_DIM), jnp.float32),
                       pltpu.VMEM((32, IN_DIM), jnp.float32),
                       pltpu.SemaphoreType.DMA],
        compiler_params=pltpu.CompilerParams(needs_layout_passes=False),
    )
    (out,) = combine(y_sorted, pos)
    return out


def kernel(x, centroid, Wg, bg, W1, b1, W2, b2):
    xs = x.reshape(-1, IN_DIM)
    out = _moe_forward(xs, centroid, Wg, bg, W1, b1, W2, b2)
    return out.reshape(x.shape)

# --- scband reference (transcript-rebuilt; emitter-appended) ---
"""Pipeline reference for scband-mo-efeed-forward-53008486367515 (READ-ONLY COPY).

The authoritative reference and input builder live on the scoring server;
editing this copy changes nothing except your own understanding.
"""

import jax, jax.numpy as jnp
import numpy as np

NUM_EXPERTS = 8
TOP_K = 2
IN_DIM = 1024
HIDDEN_DIM = 2736
BATCH = 1
SEQ = 2048


def setup_inputs(seed: int = 0) -> dict:
    key = jax.random.key(seed)
    ks = jax.random.split(key, 8)
    x = jax.random.normal(ks[0], (BATCH, SEQ, IN_DIM), dtype=jnp.float32)
    centroid = jax.random.normal(ks[1], (NUM_EXPERTS, IN_DIM), dtype=jnp.float32)
    Wg = jax.random.normal(ks[2], (NUM_EXPERTS, IN_DIM, HIDDEN_DIM), dtype=jnp.float32) * 0.02
    bg = jnp.zeros((NUM_EXPERTS, HIDDEN_DIM), dtype=jnp.float32)
    W1 = jax.random.normal(ks[3], (NUM_EXPERTS, IN_DIM, HIDDEN_DIM), dtype=jnp.float32) * 0.02
    b1 = jnp.zeros((NUM_EXPERTS, HIDDEN_DIM), dtype=jnp.float32)
    W2 = jax.random.normal(ks[4], (NUM_EXPERTS, HIDDEN_DIM, IN_DIM), dtype=jnp.float32) * 0.02
    b2 = jnp.zeros((NUM_EXPERTS, IN_DIM), dtype=jnp.float32)
    return {"x": x, "centroid": centroid, "Wg": Wg, "bg": bg, "W1": W1, "b1": b1, "W2": W2, "b2": b2}


def reference(x, centroid, Wg, bg, W1, b1, W2, b2):
    d = x.shape[-1]
    xs = x.reshape(-1, d)
    # torch.cdist(x_temp, centroid) -> Euclidean distance gate logits [T, E]
    diff = xs[:, None, :] - centroid[None, :, :]
    gate_logits = jnp.sqrt(jnp.sum(diff * diff, axis=-1))
    # top-k over distances (faithful to the torch code, which topk's cdist)
    weights, sel = jax.lax.top_k(gate_logits, TOP_K)
    weights = jax.nn.softmax(weights.astype(jnp.float32), axis=1).astype(x.dtype)
    # per-token per-expert gate (sum of routing weights over selected slots)
    onehot = jax.nn.one_hot(sel, NUM_EXPERTS, dtype=x.dtype)  # [T, K, E]
    gates = jnp.einsum('tk,tke->te', weights, onehot)  # [T, E]
    results = jnp.zeros_like(xs)
    for e in range(NUM_EXPERTS):
        h = jax.nn.silu(xs @ Wg[e] + bg[e]) * (xs @ W1[e] + b1[e])
        y = h @ W2[e] + b2[e]
        results = results + gates[:, e:e+1] * y
    return results.reshape(x.shape)

if __name__ == "__main__":
    import jax
    _d = setup_inputs()
    print(jax.jit(kernel)(*tuple(_d.values())))

</pallas_src>

<mosaic_0001>
#map = affine_map<(d0, d1) -> (0, 0)>
#map1 = affine_map<(d0, d1) -> (0)>
module attributes {stable_mosaic.version = 14 : i64} {
  func.func @_combine_body(%arg0: i32, %arg1: i32, %arg2: memref<8192x1024xf32, #tpu.memory_space<hbm>>, %arg3: memref<4096xi32, #tpu.memory_space<hbm>>, %arg4: memref<2048x1024xf32, #tpu.memory_space<hbm>>, %arg5: memref<128xi32, #tpu.memory_space<vmem>>, %arg6: memref<64x1024xf32, #tpu.memory_space<vmem>>, %arg7: memref<32x1024xf32, #tpu.memory_space<vmem>>, %arg8: memref<!tpu.dma_semaphore, #tpu.memory_space<semaphore_mem>>) attributes {dimension_semantics = [#tpu.dimension_semantics<core_parallel>, #tpu.dimension_semantics<subcore_parallel>], iteration_bounds = array<i64: 2, 16>, scalar_prefetch = 0 : i64, scratch_operands = 4 : i64, tpu.core_type = #tpu.core_type<sc_vector_subcore>, window_params = [{transform_indices = #map}, {transform_indices = #map1}, {transform_indices = #map}]} {
    %mul3A = arith.constant 2 : i32
    %mul3A_0 = arith.muli %arg1, %mul3A : i32
    %add3A = arith.addi %mul3A_0, %arg0 : i32
    %mul3A_1 = arith.constant 64 : i32
    %mul3A_2 = arith.muli %add3A, %mul3A_1 : i32
    %mul3A_3 = arith.constant 2 : i32
    %mul3A_4 = arith.muli %mul3A_2, %mul3A_3 : i32
    "tpu.region"() ({
      %run_scoped3A = tpu.sem_alloc : memref<!tpu.dma_semaphore, #tpu.memory_space<semaphore_mem>>
      %dma_start3A_36 = tpu.memref_slice %arg3[%mul3A_4] : memref<4096xi32, #tpu.memory_space<hbm>> -> memref<128xi32, #tpu.memory_space<hbm>>
      %dma_start3A_37 = tpu.memref_slice %arg3[%mul3A_4] : memref<4096xi32, #tpu.memory_space<hbm>> -> memref<128xi32, #tpu.memory_space<hbm>>
      tpu.enqueue_dma source(%dma_start3A_37 : memref<128xi32, #tpu.memory_space<hbm>>) target(%arg5 : memref<128xi32, #tpu.memory_space<vmem>>) target_semaphore(%run_scoped3A : memref<!tpu.dma_semaphore, #tpu.memory_space<semaphore_mem>>)
      %dma_wait3A_38 = tpu.memref_slice %arg3[%mul3A_4] : memref<4096xi32, #tpu.memory_space<hbm>> -> memref<128xi32, #tpu.memory_space<hbm>>
      %dma_wait3A_39 = tpu.memref_slice %arg3[%mul3A_4] : memref<4096xi32, #tpu.memory_space<hbm>> -> memref<128xi32, #tpu.memory_space<hbm>>
      tpu.wait_dma2 semaphore(%run_scoped3A : memref<!tpu.dma_semaphore, #tpu.memory_space<semaphore_mem>>) src(%dma_wait3A_39 : memref<128xi32, #tpu.memory_space<hbm>>) dst(%arg5 : memref<128xi32, #tpu.memory_space<vmem>>)
      tpu.yield
    }) : () -> ()
    %dma_start3A = arith.constant 0 : i32
    %dma_start3A_5 = tpu.memref_slice %arg5[%dma_start3A] : memref<128xi32, #tpu.memory_space<vmem>> -> memref<64xi32, #tpu.memory_space<vmem>>
    %dma_start3A_6 = arith.constant 0 : i32
    %dma_start3A_7 = arith.constant 0 : i32
    %dma_start3A_8 = tpu.memref_slice %arg2[%dma_start3A_6, %dma_start3A_7] : memref<8192x1024xf32, #tpu.memory_space<hbm>> -> memref<8192x1024xf32, #tpu.memory_space<hbm>>
    tpu.enqueue_indirect_dma source(%dma_start3A_8 : memref<8192x1024xf32, #tpu.memory_space<hbm>>) target(%arg6 : memref<64x1024xf32, #tpu.memory_space<vmem>>) offsets(%dma_start3A_5 : memref<64xi32, #tpu.memory_space<vmem>>) semaphore(%arg8 : memref<!tpu.dma_semaphore, #tpu.memory_space<semaphore_mem>>)
    %dma_wait3A = arith.constant 0 : i32
    %dma_wait3A_9 = tpu.memref_slice %arg5[%dma_wait3A] : memref<128xi32, #tpu.memory_space<vmem>> -> memref<64xi32, #tpu.memory_space<vmem>>
    %dma_wait3A_10 = arith.constant 0 : i32
    %dma_wait3A_11 = arith.constant 0 : i32
    %dma_wait3A_12 = tpu.memref_slice %arg2[%dma_wait3A_10, %dma_wait3A_11] : memref<8192x1024xf32, #tpu.memory_space<hbm>> -> memref<8192x1024xf32, #tpu.memory_space<hbm>>
    tpu.wait_indirect_dma semaphore(%arg8 : memref<!tpu.dma_semaphore, #tpu.memory_space<semaphore_mem>>) src(%dma_wait3A_12 : memref<8192x1024xf32, #tpu.memory_space<hbm>>) dst(%arg6 : memref<64x1024xf32, #tpu.memory_space<vmem>>)
    %scan3A = arith.constant 0 : i32
    %scan3A_13 = arith.constant 32 : i32
    %scan3A_14 = arith.addi %scan3A, %scan3A_13 : i32
    %scan3A_15 = arith.constant 1 : i32
    scf.for %scan3A_36 = %scan3A to %scan3A_14 step %scan3A_15  : i32 {
      %mul3A_37 = arith.constant 2 : i32
      %mul3A_38 = arith.muli %mul3A_37, %scan3A_36 : i32
      %get3A = arith.index_cast %mul3A_38 : i32 to index
      %get3A_39 = arith.constant 0 : index
      %get3A_40 = tpu.vector_load %arg6[%get3A, %get3A_39] {strides = array<i32>} : memref<64x1024xf32, #tpu.memory_space<vmem>>, vector<16xf32>,
      %mul3A_41 = arith.constant 2 : i32
      %mul3A_42 = arith.muli %mul3A_41, %scan3A_36 : i32
      %add3A_43 = arith.constant 1 : i32
      %add3A_44 = arith.addi %mul3A_42, %add3A_43 : i32
      %get3A_45 = arith.index_cast %add3A_44 : i32 to index
      %get3A_46 = arith.constant 0 : index
      %get3A_47 = tpu.vector_load %arg6[%get3A_45, %get3A_46] {strides = array<i32>} : memref<64x1024xf32, #tpu.memory_space<vmem>>, vector<16xf32>,
      %add3A_48 = arith.addf %get3A_40, %get3A_47 : vector<16xf32>
      %swap3A = arith.index_cast %scan3A_36 : i32 to index
      %swap3A_49 = arith.constant 0 : index
      %swap3A_50 = tpu.vector_load %arg7[%swap3A, %swap3A_49] {strides = array<i32>} : memref<32x1024xf32, #tpu.memory_space<vmem>>, vector<16xf32>,
      tpu.vector_store %arg7[%swap3A, %swap3A_49], %add3A_48 {strides = array<i32>} : memref<32x1024xf32, #tpu.memory_space<vmem>>, vector<16xf32>,
      %mul3A_51 = arith.constant 2 : i32
      %mul3A_52 = arith.muli %mul3A_51, %scan3A_36 : i32
      %get3A_53 = arith.index_cast %mul3A_52 : i32 to index
      %get3A_54 = arith.constant 16 : index
      %get3A_55 = tpu.vector_load %arg6[%get3A_53, %get3A_54] {strides = array<i32>} : memref<64x1024xf32, #tpu.memory_space<vmem>>, vector<16xf32>,
      %mul3A_56 = arith.constant 2 : i32
      %mul3A_57 = arith.muli %mul3A_56, %scan3A_36 : i32
      %add3A_58 = arith.constant 1 : i32
      %add3A_59 = arith.addi %mul3A_57, %add3A_58 : i32
      %get3A_60 = arith.index_cast %add3A_59 : i32 to index
      %get3A_61 = arith.constant 16 : index
      %get3A_62 = tpu.vector_load %arg6[%get3A_60, %get3A_61] {strides = array<i32>} : memref<64x1024xf32, #tpu.memory_space<vmem>>, vector<16xf32>,
      %add3A_63 = arith.addf %get3A_55, %get3A_62 : vector<16xf32>
      %swap3A_64 = arith.index_cast %scan3A_36 : i32 to index
      %swap3A_65 = arith.constant 16 : index
      %swap3A_66 = tpu.vector_load %arg7[%swap3A_64, %swap3A_65] {strides = array<i32>} : memref<32x1024xf32, #tpu.memory_space<vmem>>, vector<16xf32>,
      tpu.vector_store %arg7[%swap3A_64, %swap3A_65], %add3A_63 {strides = array<i32>} : memref<32x1024xf32, #tpu.memory_space<vmem>>, vector<16xf32>,
      %mul3A_67 = arith.constant 2 : i32
      %mul3A_68 = arith.muli %mul3A_67, %scan3A_36 : i32
      %get3A_69 = arith.index_cast %mul3A_68 : i32 to index
      %get3A_70 = arith.constant 32 : index
      %get3A_71 = tpu.vector_load %arg6[%get3A_69, %get3A_70] {strides = array<i32>} : memref<64x1024xf32, #tpu.memory_space<vmem>>, vector<16xf32>,
      %mul3A_72 = arith.constant 2 : i32
      %mul3A_73 = arith.muli %mul3A_72, %scan3A_36 : i32
      %add3A_74 = arith.constant 1 : i32
      %add3A_75 = arith.addi %mul3A_73, %add3A_74 : i32
      %get3A_76 = arith.index_cast %add3A_75 : i32 to index
      %get3A_77 = arith.constant 32 : index
      %get3A_78 = tpu.vector_load %arg6[%get3A_76, %get3A_77] {strides = array<i32>} : memref<64x1024xf32, #tpu.memory_space<vmem>>, vector<16xf32>,
      %add3A_79 = arith.addf %get3A_71, %get3A_78 : vector<16xf32>
      %swap3A_80 = arith.index_cast %scan3A_36 : i32 to index
      %swap3A_81 = arith.constant 32 : index
      %swap3A_82 = tpu.vector_load %arg7[%swap3A_80, %swap3A_81] {strides = array<i32>} : memref<32x1024xf32, #tpu.memory_space<vmem>>, vector<16xf32>,
      tpu.vector_store %arg7[%swap3A_80, %swap3A_81], %add3A_79 {strides = array<i32>} : memref<32x1024xf32, #tpu.memory_space<vmem>>, vector<16xf32>,
      %mul3A_83 = arith.constant 2 : i32
      %mul3A_84 = arith.muli %mul3A_83, %scan3A_36 : i32
      %get3A_85 = arith.index_cast %mul3A_84 : i32 to index
      %get3A_86 = arith.constant 48 : index
      %get3A_87 = tpu.vector_load %arg6[%get3A_85, %get3A_86] {strides = array<i32>} : memref<64x1024xf32, #tpu.memory_space<vmem>>, vector<16xf32>,
      %mul3A_88 = arith.constant 2 : i32
      %mul3A_89 = arith.muli %mul3A_88, %scan3A_36 : i32
      %add3A_90 = arith.constant 1 : i32
      %add3A_91 = arith.addi %mul3A_89, %add3A_90 : i32
      %get3A_92 = arith.index_cast %add3A_91 : i32 to index
      %get3A_93 = arith.constant 48 : index
      %get3A_94 = tpu.vector_load %arg6[%get3A_92, %get3A_93] {strides = array<i32>} : memref<64x1024xf32, #tpu.memory_space<vmem>>, vector<16xf32>,
      %add3A_95 = arith.addf %get3A_87, %get3A_94 : vector<16xf32>
      %swap3A_96 = arith.index_cast %scan3A_36 : i32 to index
      %swap3A_97 = arith.constant 48 : index
      %swap3A_98 = tpu.vector_load %arg7[%swap3A_96, %swap3A_97] {strides = array<i32>} : memref<32x1024xf32, #tpu.memory_space<vmem>>, vector<16xf32>,
      tpu.vector_store %arg7[%swap3A_96, %swap3A_97], %add3A_95 {strides = array<i32>} : memref<32x1024xf32, #tpu.memory_space<vmem>>, vector<16xf32>,
      %mul3A_99 = arith.constant 2 : i32
      %mul3A_100 = arith.muli %mul3A_99, %scan3A_36 : i32
      %get3A_101 = arith.index_cast %mul3A_100 : i32 to index
      %get3A_102 = arith.constant 64 : index
      %get3A_103 = tpu.vector_load %arg6[%get3A_101, %get3A_102] {strides = array<i32>} : memref<64x1024xf32, #tpu.memory_space<vmem>>, vector<16xf32>,
      %mul3A_104 = arith.constant 2 : i32
      %mul3A_105 = arith.muli %mul3A_104, %scan3A_36 : i32
      %add3A_106 = arith.constant 1 : i32
      %add3A_107 = arith.addi %mul3A_105, %add3A_106 : i32
      %get3A_108 = arith.index_cast %add3A_107 : i32 to index
      %get3A_109 = arith.constant 64 : index
      %get3A_110 = tpu.vector_load %arg6[%get3A_108, %get3A_109] {strides = array<i32>} : memref<64x1024xf32, #tpu.memory_space<vmem>>, vector<16xf32>,
      %add3A_111 = arith.addf %get3A_103, %get3A_110 : vector<16xf32>
      %swap3A_112 = arith.index_cast %scan3A_36 : i32 to index
      %swap3A_113 = arith.constant 64 : index
      %swap3A_114 = tpu.vector_load %arg7[%swap3A_112, %swap3A_113] {strides = array<i32>} : memref<32x1024xf32, #tpu.memory_space<vmem>>, vector<16xf32>,
      tpu.vector_store %arg7[%swap3A_112, %swap3A_113], %add3A_111 {strides = array<i32>} : memref<32x1024xf32, #tpu.memory_space<vmem>>, vector<16xf32>,
      %mul3A_115 = arith.constant 2 : i32
      %mul3A_116 = arith.muli %mul3A_115, %scan3A_36 : i32
      %get3A_117 = arith.index_cast %mul3A_116 : i32 to index
      %get3A_118 = arith.constant 80 : index
      %get3A_119 = tpu.vector_load %arg6[%get3A_117, %get3A_118] {strides = array<i32>} : memref<64x1024xf32, #tpu.memory_space<vmem>>, vector<16xf32>,
      %mul3A_120 = arith.constant 2 : i32
      %mul3A_121 = arith.muli %mul3A_120, %scan3A_36 : i32
      %add3A_122 = arith.constant 1 : i32
      %add3A_123 = arith.addi %mul3A_121, %add3A_122 : i32
      %get3A_124 = arith.index_cast %add3A_123 : i32 to index
      %get3A_125 = arith.constant 80 : index
      %get3A_126 = tpu.vector_load %arg6[%get3A_124, %get3A_125] {strides = array<i32>} : memref<64x1024xf32, #tpu.memory_space<vmem>>, vector<16xf32>,
      %add3A_127 = arith.addf %get3A_119, %get3A_126 : vector<16xf32>
      %swap3A_128 = arith.index_cast %scan3A_36 : i32 to index
      %swap3A_129 = arith.constant 80 : index
      %swap3A_130 = tpu.vector_load %arg7[%swap3A_128, %swap3A_129] {strides = array<i32>} : memref<32x1024xf32, #tpu.memory_space<vmem>>, vector<16xf32>,
      tpu.vector_store %arg7[%swap3A_128, %swap3A_129], %add3A_127 {strides = array<i32>} : memref<32x1024xf32, #tpu.memory_space<vmem>>, vector<16xf32>,
      %mul3A_131 = arith.constant 2 : i32
      %mul3A_132 = arith.muli %mul3A_131, %scan3A_36 : i32
      %get3A_133 = arith.index_cast %mul3A_132 : i32 to index
      %get3A_134 = arith.constant 96 : index
      %get3A_135 = tpu.vector_load %arg6[%get3A_133, %get3A_134] {strides = array<i32>} : memref<64x1024xf32, #tpu.memory_space<vmem>>, vector<16xf32>,
      %mul3A_136 = arith.constant 2 : i32
      %mul3A_137 = arith.muli %mul3A_136, %scan3A_36 : i32
      %add3A_138 = arith.constant 1 : i32
      %add3A_139 = arith.addi %mul3A_137, %add3A_138 : i32
      %get3A_140 = arith.index_cast %add3A_139 : i32 to index
      %get3A_141 = arith.constant 96 : index
      %get3A_142 = tpu.vector_load %arg6[%get3A_140, %get3A_141] {strides = array<i32>} : memref<64x1024xf32, #tpu.memory_space<vmem>>, vector<16xf32>,
      %add3A_143 = arith.addf %get3A_135, %get3A_142 : vector<16xf32>
      %swap3A_144 = arith.index_cast %scan3A_36 : i32 to index
      %swap3A_145 = arith.constant 96 : index
      %swap3A_146 = tpu.vector_load %arg7[%swap3A_144, %swap3A_145] {strides = array<i32>} : memref<32x1024xf32, #tpu.memory_space<vmem>>, vector<16xf32>,
      tpu.vector_store %arg7[%swap3A_144, %swap3A_145], %add3A_143 {strides = array<i32>} : memref<32x1024xf32, #tpu.memory_space<vmem>>, vector<16xf32>,
      %mul3A_147 = arith.constant 2 : i32
      %mul3A_148 = arith.muli %mul3A_147, %scan3A_36 : i32
      %get3A_149 = arith.index_cast %mul3A_148 : i32 to index
      %get3A_150 = arith.constant 112 : index
      %get3A_151 = tpu.vector_load %arg6[%get3A_149, %get3A_150] {strides = array<i32>} : memref<64x1024xf32, #tpu.memory_space<vmem>>, vector<16xf32>,
      %mul3A_152 = arith.constant 2 : i32
      %mul3A_153 = arith.muli %mul3A_152, %scan3A_36 : i32
      %add3A_154 = arith.constant 1 : i32
      %add3A_155 = arith.addi %mul3A_153, %add3A_154 : i32
      %get3A_156 = arith.index_cast %add3A_155 : i32 to index
      %get3A_157 = arith.constant 112 : index
      %get3A_158 = tpu.vector_load %arg6[%get3A_156, %get3A_157] {strides = array<i32>} : memref<64x1024xf32, #tpu.memory_space<vmem>>, vector<16xf32>,
      %add3A_159 = arith.addf %get3A_151, %get3A_158 : vector<16xf32>
      %swap3A_160 = arith.index_cast %scan3A_36 : i32 to index
      %swap3A_161 = arith.constant 112 : index
      %swap3A_162 = tpu.vector_load %arg7[%swap3A_160, %swap3A_161] {strides = array<i32>} : memref<32x1024xf32, #tpu.memory_space<vmem>>, vector<16xf32>,
      tpu.vector_store %arg7[%swap3A_160, %swap3A_161], %add3A_159 {strides = array<i32>} : memref<32x1024xf32, #tpu.memory_space<vmem>>, vector<16xf32>,
      %mul3A_163 = arith.constant 2 : i32
      %mul3A_164 = arith.muli %mul3A_163, %scan3A_36 : i32
      %get3A_165 = arith.index_cast %mul3A_164 : i32 to index
      %get3A_166 = arith.constant 128 : index
      %get3A_167 = tpu.vector_load %arg6[%get3A_165, %get3A_166] {strides = array<i32>} : memref<64x1024xf32, #tpu.memory_space<vmem>>, vector<16xf32>,
      %mul3A_168 = arith.constant 2 : i32
      %mul3A_169 = arith.muli %mul3A_168, %scan3A_36 : i32
      %add3A_170 = arith.constant 1 : i32
      %add3A_171 = arith.addi %mul3A_169, %add3A_170 : i32
      %get3A_172 = arith.index_cast %add3A_171 : i32 to index
      %get3A_173 = arith.constant 128 : index
      %get3A_174 = tpu.vector_load %arg6[%get3A_172, %get3A_173] {strides = array<i32>} : memref<64x1024xf32, #tpu.memory_space<vmem>>, vector<16xf32>,
      %add3A_175 = arith.addf %get3A_167, %get3A_174 : vector<16xf32>
      %swap3A_176 = arith.index_cast %scan3A_36 : i32 to index
      %swap3A_177 = arith.constant 128 : index
      %swap3A_178 = tpu.vector_load %arg7[%swap3A_176, %swap3A_177] {strides = array<i32>} : memref<32x1024xf32, #tpu.memory_space<vmem>>, vector<16xf32>,
      tpu.vector_store %arg7[%swap3A_176, %swap3A_177], %add3A_175 {strides = array<i32>} : memref<32x1024xf32, #tpu.memory_space<vmem>>, vector<16xf32>,
      %mul3A_179 = arith.constant 2 : i32
      %mul3A_180 = arith.muli %mul3A_179, %scan3A_36 : i32
      %get3A_181 = arith.index_cast %mul3A_180 : i32 to index
      %get3A_182 = arith.constant 144 : index
      %get3A_183 = tpu.vector_load %arg6[%get3A_181, %get3A_182] {strides = array<i32>} : memref<64x1024xf32, #tpu.memory_space<vmem>>, vector<16xf32>,
      %mul3A_184 = arith.constant 2 : i32
      %mul3A_185 = arith.muli %mul3A_184, %scan3A_36 : i32
      %add3A_186 = arith.constant 1 : i32
      %add3A_187 = arith.addi %mul3A_185, %add3A_186 : i32
      %get3A_188 = arith.index_cast %add3A_187 : i32 to index
      %get3A_189 = arith.constant 144 : index
      %get3A_190 = tpu.vector_load %arg6[%get3A_188, %get3A_189] {strides = array<i32>} : memref<64x1024xf32, #tpu.memory_space<vmem>>, vector<16xf32>,
      %add3A_191 = arith.addf %get3A_183, %get3A_190 : vector<16xf32>
      %swap3A_192 = arith.index_cast %scan3A_36 : i32 to index
      %swap3A_193 = arith.constant 144 : index
      %swap3A_194 = tpu.vector_load %arg7[%swap3A_192, %swap3A_193] {strides = array<i32>} : memref<32x1024xf32, #tpu.memory_space<vmem>>, vector<16xf32>,
      tpu.vector_store %arg7[%swap3A_192, %swap3A_193], %add3A_191 {strides = array<i32>} : memref<32x1024xf32, #tpu.memory_space<vmem>>, vector<16xf32>,
      %mul3A_195 = arith.constant 2 : i32
      %mul3A_196 = arith.muli %mul3A_195, %scan3A_36 : i32
      %get3A_197 = arith.index_cast %mul3A_196 : i32 to index
      %get3A_198 = arith.constant 160 : index
      %get3A_199 = tpu.vector_load %arg6[%get3A_197, %get3A_198] {strides = array<i32>} : memref<64x1024xf32, #tpu.memory_space<vmem>>, vector<16xf32>,
      %mul3A_200 = arith.constant 2 : i32
      %mul3A_201 = arith.muli %mul3A_200, %scan3A_36 : i32
      %add3A_202 = arith.constant 1 : i32
      %add3A_203 = arith.addi %mul3A_201, %add3A_202 : i32
      %get3A_204 = arith.index_cast %add3A_203 : i32 to index
      %get3A_205 = arith.constant 160 : index
      %get3A_206 = tpu.vector_load %arg6[%get3A_204, %get3A_205] {strides = array<i32>} : memref<64x1024xf32, #tpu.memory_space<vmem>>, vector<16xf32>,
      %add3A_207 = arith.addf %get3A_199, %get3A_206 : vector<16xf32>
      %swap3A_208 = arith.index_cast %scan3A_36 : i32 to index
      %swap3A_209 = arith.constant 160 : index
      %swap3A_210 = tpu.vector_load %arg7[%swap3A_208, %swap3A_209] {strides = array<i32>} : memref<32x1024xf32, #tpu.memory_space<vmem>>, vector<16xf32>,
      tpu.vector_store %arg7[%swap3A_208, %swap3A_209], %add3A_207 {strides = array<i32>} : memref<32x1024xf32, #tpu.memory_space<vmem>>, vector<16xf32>,
      %mul3A_211 = arith.constant 2 : i32
      %mul3A_212 = arith.muli %mul3A_211, %scan3A_36 : i32
      %get3A_213 = arith.index_cast %mul3A_212 : i32 to index
      %get3A_214 = arith.constant 176 : index
      %get3A_215 = tpu.vector_load %arg6[%get3A_213, %get3A_214] {strides = array<i32>} : memref<64x1024xf32, #tpu.memory_space<vmem>>, vector<16xf32>,
      %mul3A_216 = arith.constant 2 : i32
      %mul3A_217 = arith.muli %mul3A_216, %scan3A_36 : i32
      %add3A_218 = arith.constant 1 : i32
      %add3A_219 = arith.addi %mul3A_217, %add3A_218 : i32
      %get3A_220 = arith.index_cast %add3A_219 : i32 to index
      %get3A_221 = arith.constant 176 : index
      %get3A_222 = tpu.vector_load %arg6[%get3A_220, %get3A_221] {strides = array<i32>} : memref<64x1024xf32, #tpu.memory_space<vmem>>, vector<16xf32>,
      %add3A_223 = arith.addf %get3A_215, %get3A_222 : vector<16xf32>
      %swap3A_224 = arith.index_cast %scan3A_36 : i32 to index
      %swap3A_225 = arith.constant 176 : index
      %swap3A_226 = tpu.vector_load %arg7[%swap3A_224, %swap3A_225] {strides = array<i32>} : memref<32x1024xf32, #tpu.memory_space<vmem>>, vector<16xf32>,
      tpu.vector_store %arg7[%swap3A_224, %swap3A_225], %add3A_223 {strides = array<i32>} : memref<32x1024xf32, #tpu.memory_space<vmem>>, vector<16xf32>,
      %mul3A_227 = arith.constant 2 : i32
      %mul3A_228 = arith.muli %mul3A_227, %scan3A_36 : i32
      %get3A_229 = arith.index_cast %mul3A_228 : i32 to index
      %get3A_230 = arith.constant 192 : index
      %get3A_231 = tpu.vector_load %arg6[%get3A_229, %get3A_230] {strides = array<i32>} : memref<64x1024xf32, #tpu.memory_space<vmem>>, vector<16xf32>,
      %mul3A_232 = arith.constant 2 : i32
      %mul3A_233 = arith.muli %mul3A_232, %scan3A_36 : i32
      %add3A_234 = arith.constant 1 : i32
      %add3A_235 = arith.addi %mul3A_233, %add3A_234 : i32
      %get3A_236 = arith.index_cast %add3A_235 : i32 to index
      %get3A_237 = arith.constant 192 : index
      %get3A_238 = tpu.vector_load %arg6[%get3A_236, %get3A_237] {strides = array<i32>} : memref<64x1024xf32, #tpu.memory_space<vmem>>, vector<16xf32>,
      %add3A_239 = arith.addf %get3A_231, %get3A_238 : vector<16xf32>
      %swap3A_240 = arith.index_cast %scan3A_36 : i32 to index
      %swap3A_241 = arith.constant 192 : index
      %swap3A_242 = tpu.vector_load %arg7[%swap3A_240, %swap3A_241] {strides = array<i32>} : memref<32x1024xf32, #tpu.memory_space<vmem>>, vector<16xf32>,
      tpu.vector_store %arg7[%swap3A_240, %swap3A_241], %add3A_239 {strides = array<i32>} : memref<32x1024xf32, #tpu.memory_space<vmem>>, vector<16xf32>,
      %mul3A_243 = arith.constant 2 : i32
      %mul3A_244 = arith.muli %mul3A_243, %scan3A_36 : i32
      %get3A_245 = arith.index_cast %mul3A_244 : i32 to index
      %get3A_246 = arith.constant 208 : index
      %get3A_247 = tpu.vector_load %arg6[%get3A_245, %get3A_246] {strides = array<i32>} : memref<64x1024xf32, #tpu.memory_space<vmem>>, vector<16xf32>,
      %mul3A_248 = arith.constant 2 : i32
      %mul3A_249 = arith.muli %mul3A_248, %scan3A_36 : i32
      %add3A_250 = arith.constant 1 : i32
      %add3A_251 = arith.addi %mul3A_249, %add3A_250 : i32
      %get3A_252 = arith.index_cast %add3A_251 : i32 to index
      %get3A_253 = arith.constant 208 : index
      %get3A_254 = tpu.vector_load %arg6[%get3A_252, %get3A_253] {strides = array<i32>} : memref<64x1024xf32, #tpu.memory_space<vmem>>, vector<16xf32>,
      %add3A_255 = arith.addf %get3A_247, %get3A_254 : vector<16xf32>
      %swap3A_256 = arith.index_cast %scan3A_36 : i32 to index
      %swap3A_257 = arith.constant 208 : index
      %swap3A_258 = tpu.vector_load %arg7[%swap3A_256, %swap3A_257] {strides = array<i32>} : memref<32x1024xf32, #tpu.memory_space<vmem>>, vector<16xf32>,
      tpu.vector_store %arg7[%swap3A_256, %swap3A_257], %add3A_255 {strides = array<i32>} : memref<32x1024xf32, #tpu.memory_space<vmem>>, vector<16xf32>,
      %mul3A_259 = arith.constant 2 : i32
      %mul3A_260 = arith.muli %mul3A_259, %scan3A_36 : i32
      %get3A_261 = arith.index_cast %mul3A_260 : i32 to index
      %get3A_262 = arith.constant 224 : index
      %get3A_263 = tpu.vector_load %arg6[%get3A_261, %get3A_262] {strides = array<i32>} : memref<64x1024xf32, #tpu.memory_space<vmem>>, vector<16xf32>,
      %mul3A_264 = arith.constant 2 : i32
      %mul3A_265 = arith.muli %mul3A_264, %scan3A_36 : i32
      %add3A_266 = arith.constant 1 : i32
      %add3A_267 = arith.addi %mul3A_265, %add3A_266 : i32
      %get3A_268 = arith.index_cast %add3A_267 : i32 to index
      %get3A_269 = arith.constant 224 : index
      %get3A_270 = tpu.vector_load %arg6[%get3A_268, %get3A_269] {strides = array<i32>} : memref<64x1024xf32, #tpu.memory_space<vmem>>, vector<16xf32>,
      %add3A_271 = arith.addf %get3A_263, %get3A_270 : vector<16xf32>
      %swap3A_272 = arith.index_cast %scan3A_36 : i32 to index
      %swap3A_273 = arith.constant 224 : index
      %swap3A_274 = tpu.vector_load %arg7[%swap3A_272, %swap3A_273] {strides = array<i32>} : memref<32x1024xf32, #tpu.memory_space<vmem>>, vector<16xf32>,
      tpu.vector_store %arg7[%swap3A_272, %swap3A_273], %add3A_271 {strides = array<i32>} : memref<32x1024xf32, #tpu.memory_space<vmem>>, vector<16xf32>,
      %mul3A_275 = arith.constant 2 : i32
      %mul3A_276 = arith.muli %mul3A_275, %scan3A_36 : i32
      %get3A_277 = arith.index_cast %mul3A_276 : i32 to index
      %get3A_278 = arith.constant 240 : index
      %get3A_279 = tpu.vector_load %arg6[%get3A_277, %get3A_278] {strides = array<i32>} : memref<64x1024xf32, #tpu.memory_space<vmem>>, vector<16xf32>,
      %mul3A_280 = arith.constant 2 : i32
      %mul3A_281 = arith.muli %mul3A_280, %scan3A_36 : i32
      %add3A_282 = arith.constant 1 : i32
      %add3A_283 = arith.addi %mul3A_281, %add3A_282 : i32
      %get3A_284 = arith.index_cast %add3A_283 : i32 to index
      %get3A_285 = arith.constant 240 : index
      %get3A_286 = tpu.vector_load %arg6[%get3A_284, %get3A_285] {strides = array<i32>} : memref<64x1024xf32, #tpu.memory_space<vmem>>, vector<16xf32>,
      %add3A_287 = arith.addf %get3A_279, %get3A_286 : vector<16xf32>
      %swap3A_288 = arith.index_cast %scan3A_36 : i32 to index
      %swap3A_289 = arith.constant 240 : index
      %swap3A_290 = tpu.vector_load %arg7[%swap3A_288, %swap3A_289] {strides = array<i32>} : memref<32x1024xf32, #tpu.memory_space<vmem>>, vector<16xf32>,
      tpu.vector_store %arg7[%swap3A_288, %swap3A_289], %add3A_287 {strides = array<i32>} : memref<32x1024xf32, #tpu.memory_space<vmem>>, vector<16xf32>,
      %mul3A_291 = arith.constant 2 : i32
      %mul3A_292 = arith.muli %mul3A_291, %scan3A_36 : i32
      %get3A_293 = arith.index_cast %mul3A_292 : i32 to index
      %get3A_294 = arith.constant 256 : index
      %get3A_295 = tpu.vector_load %arg6[%get3A_293, %get3A_294] {strides = array<i32>} : memref<64x1024xf32, #tpu.memory_space<vmem>>, vector<16xf32>,
      %mul3A_296 = arith.constant 2 : i32
      %mul3A_297 = arith.muli %mul3A_296, %scan3A_36 : i32
      %add3A_298 = arith.constant 1 : i32
      %add3A_299 = arith.addi %mul3A_297, %add3A_298 : i32
      %get3A_300 = arith.index_cast %add3A_299 : i32 to index
      %get3A_301 = arith.constant 256 : index
      %get3A_302 = tpu.vector_load %arg6[%get3A_300, %get3A_301] {strides = array<i32>} : memref<64x1024xf32, #tpu.memory_space<vmem>>, vector<16xf32>,
      %add3A_303 = arith.addf %get3A_295, %get3A_302 : vector<16xf32>
      %swap3A_304 = arith.index_cast %scan3A_36 : i32 to index
      %swap3A_305 = arith.constant 256 : index
      %swap3A_306 = tpu.vector_load %arg7[%swap3A_304, %swap3A_305] {strides = array<i32>} : memref<32x1024xf32, #tpu.memory_space<vmem>>, vector<16xf32>,
      tpu.vector_store %arg7[%swap3A_304, %swap3A_305], %add3A_303 {strides = array<i32>} : memref<32x1024xf32, #tpu.memory_space<vmem>>, vector<16xf32>,
      %mul3A_307 = arith.constant 2 : i32
      %mul3A_308 = arith.muli %mul3A_307, %scan3A_36 : i32
      %get3A_309 = arith.index_cast %mul3A_308 : i32 to index
      %get3A_310 = arith.constant 272 : index
      %get3A_311 = tpu.vector_load %arg6[%get3A_309, %get3A_310] {strides = array<i32>} : memref<64x1024xf32, #tpu.memory_space<vmem>>, vector<16xf32>,
      %mul3A_312 = arith.constant 2 : i32
      %mul3A_313 = arith.muli %mul3A_312, %scan3A_36 : i32
      %add3A_314 = arith.constant 1 : i32
      %add3A_315 = arith.addi %mul3A_313, %add3A_314 : i32
      %get3A_316 = arith.index_cast %add3A_315 : i32 to index
      %get3A_317 = arith.constant 272 : index
      %get3A_318 = tpu.vector_load %arg6[%get3A_316, %get3A_317] {strides = array<i32>} : memref<64x1024xf32, #tpu.memory_space<vmem>>, vector<16xf32>,
      %add3A_319 = arith.addf %get3A_311, %get3A_318 : vector<16xf32>
      %swap3A_320 = arith.index_cast %scan3A_36 : i32 to index
      %swap3A_321 = arith.constant 272 : index
      %swap3A_322 = tpu.vector_load %arg7[%swap3A_320, %swap3A_321] {strides = array<i32>} : memref<32x1024xf32, #tpu.memory_space<vmem>>, vector<16xf32>,
      tpu.vector_store %arg7[%swap3A_320, %swap3A_321], %add3A_319 {strides = array<i32>} : memref<32x1024xf32, #tpu.memory_space<vmem>>, vector<16xf32>,
      %mul3A_323 = arith.constant 2 : i32
      %mul3A_324 = arith.muli %mul3A_323, %scan3A_36 : i32
      %get3A_325 = arith.index_cast %mul3A_324 : i32 to index
      %get3A_326 = arith.constant 288 : index
      %get3A_327 = tpu.vector_load %arg6[%get3A_325, %get3A_326] {strides = array<i32>} : memref<64x1024xf32, #tpu.memory_space<vmem>>, vector<16xf32>,
      %mul3A_328 = arith.constant 2 : i32
      %mul3A_329 = arith.muli %mul3A_328, %scan3A_36 : i32
      %add3A_330 = arith.constant 1 : i32
      %add3A_331 = arith.addi %mul3A_329, %add3A_330 : i32
      %get3A_332 = arith.index_cast %add3A_331 : i32 to index
      %get3A_333 = arith.constant 288 : index
      %get3A_334 = tpu.vector_load %arg6[%get3A_332, %get3A_333] {strides = array<i32>} : memref<64x1024xf32, #tpu.memory_space<vmem>>, vector<16xf32>,
      %add3A_335 = arith.addf %get3A_327, %get3A_334 : vector<16xf32>
      %swap3A_336 = arith.index_cast %scan3A_36 : i32 to index
      %swap3A_337 = arith.constant 288 : index
      %swap3A_338 = tpu.vector_load %arg7[%swap3A_336, %swap3A_337] {strides = array<i32>} : memref<32x1024xf32, #tpu.memory_space<vmem>>, vector<16xf32>,
      tpu.vector_store %arg7[%swap3A_336, %swap3A_337], %add3A_335 {strides = array<i32>} : memref<32x1024xf32, #tpu.memory_space<vmem>>, vector<16xf32>,
      %mul3A_339 = arith.constant 2 : i32
      %mul3A_340 = arith.muli %mul3A_339, %scan3A_36 : i32
      %get3A_341 = arith.index_cast %mul3A_340 : i32 to index
      %get3A_342 = arith.constant 304 : index
      %get3A_343 = tpu.vector_load %arg6[%get3A_341, %get3A_342] {strides = array<i32>} : memref<64x1024xf32, #tpu.memory_space<vmem>>, vector<16xf32>,
      %mul3A_344 = arith.constant 2 : i32
      %mul3A_345 = arith.muli %mul3A_344, %scan3A_36 : i32
      %add3A_346 = arith.constant 1 : i32
      %add3A_347 = arith.addi %mul3A_345, %add3A_346 : i32
      %get3A_348 = arith.index_cast %add3A_347 : i32 to index
      %get3A_349 = arith.constant 304 : index
      %get3A_350 = tpu.vector_load %arg6[%get3A_348, %get3A_349] {strides = array<i32>} : memref<64x1024xf32, #tpu.memory_space<vmem>>, vector<16xf32>,
      %add3A_351 = arith.addf %get3A_343, %get3A_350 : vector<16xf32>
      %swap3A_352 = arith.index_cast %scan3A_36 : i32 to index
      %swap3A_353 = arith.constant 304 : index
      %swap3A_354 = tpu.vector_load %arg7[%swap3A_352, %swap3A_353] {strides = array<i32>} : memref<32x1024xf32, #tpu.memory_space<vmem>>, vector<16xf32>,
      tpu.vector_store %arg7[%swap3A_352, %swap3A_353], %add3A_351 {strides = array<i32>} : memref<32x1024xf32, #tpu.memory_space<vmem>>, vector<16xf32>,
      %mul3A_355 = arith.constant 2 : i32
      %mul3A_356 = arith.muli %mul3A_355, %scan3A_36 : i32
      %get3A_357 = arith.index_cast %mul3A_356 : i32 to index
      %get3A_358 = arith.constant 320 : index
      %get3A_359 = tpu.vector_load %arg6[%get3A_357, %get3A_358] {strides = array<i32>} : memref<64x1024xf32, #tpu.memory_space<vmem>>, vector<16xf32>,
      %mul3A_360 = arith.constant 2 : i32
      %mul3A_361 = arith.muli %mul3A_360, %scan3A_36 : i32
      %add3A_362 = arith.constant 1 : i32
      %add3A_363 = arith.addi %mul3A_361, %add3A_362 : i32
      %get3A_364 = arith.index_cast %add3A_363 : i32 to index
      %get3A_365 = arith.constant 320 : index
      %get3A_366 = tpu.vector_load %arg6[%get3A_364, %get3A_365] {strides = array<i32>} : memref<64x1024xf32, #tpu.memory_space<vmem>>, vector<16xf32>,
      %add3A_367 = arith.addf %get3A_359, %get3A_366 : vector<16xf32>
      %swap3A_368 = arith.index_cast %scan3A_36 : i32 to index
      %swap3A_369 = arith.constant 320 : index
      %swap3A_370 = tpu.vector_load %arg7[%swap3A_368, %swap3A_369] {strides = array<i32>} : memref<32x1024xf32, #tpu.memory_space<vmem>>, vector<16xf32>,
      tpu.vector_store %arg7[%swap3A_368, %swap3A_369], %add3A_367 {strides = array<i32>} : memref<32x1024xf32, #tpu.memory_space<vmem>>, vector<16xf32>,
      %mul3A_371 = arith.constant 2 : i32
      %mul3A_372 = arith.muli %mul3A_371, %scan3A_36 : i32
      %get3A_373 = arith.index_cast %mul3A_372 : i32 to index
      %get3A_374 = arith.constant 336 : index
      %get3A_375 = tpu.vector_load %arg6[%get3A_373, %get3A_374] {strides = array<i32>} : memref<64x1024xf32, #tpu.memory_space<vmem>>, vector<16xf32>,
      %mul3A_376 = arith.constant 2 : i32
      %mul3A_377 = arith.muli %mul3A_376, %scan3A_36 : i32
      %add3A_378 = arith.constant 1 : i32
      %add3A_379 = arith.addi %mul3A_377, %add3A_378 : i32
      %get3A_380 = arith.index_cast %add3A_379 : i32 to index
      %get3A_381 = arith.constant 336 : index
      %get3A_382 = tpu.vector_load %arg6[%get3A_380, %get3A_381] {strides = array<i32>} : memref<64x1024xf32, #tpu.memory_space<vmem>>, vector<16xf32>,
      %add3A_383 = arith.addf %get3A_375, %get3A_382 : vector<16xf32>
      %swap3A_384 = arith.index_cast %scan3A_36 : i32 to index
      %swap3A_385 = arith.constant 336 : index
      %swap3A_386 = tpu.vector_load %arg7[%swap3A_384, %swap3A_385] {strides = array<i32>} : memref<32x1024xf32, #tpu.memory_space<vmem>>, vector<16xf32>,
      tpu.vector_store %arg7[%swap3A_384, %swap3A_385], %add3A_383 {strides = array<i32>} : memref<32x1024xf32, #tpu.memory_space<vmem>>, vector<16xf32>,
      %mul3A_387 = arith.constant 2 : i32
      %mul3A_388 = arith.muli %mul3A_387, %scan3A_36 : i32
      %get3A_389 = arith.index_cast %mul3A_388 : i32 to index
      %get3A_390 = arith.constant 352 : index
      %get3A_391 = tpu.vector_load %arg6[%get3A_389, %get3A_390] {strides = array<i32>} : memref<64x1024xf32, #tpu.memory_space<vmem>>, vector<16xf32>,
      %mul3A_392 = arith.constant 2 : i32
      %mul3A_393 = arith.muli %mul3A_392, %scan3A_36 : i32
      %add3A_394 = arith.constant 1 : i32
      %add3A_395 = arith.addi %mul3A_393, %add3A_394 : i32
      %get3A_396 = arith.index_cast %add3A_395 : i32 to index
      %get3A_397 = arith.constant 352 : index
      %get3A_398 = tpu.vector_load %arg6[%get3A_396, %get3A_397] {strides = array<i32>} : memref<64x1024xf32, #tpu.memory_space<vmem>>, vector<16xf32>,
      %add3A_399 = arith.addf %get3A_391, %get3A_398 : vector<16xf32>
      %swap3A_400 = arith.index_cast %scan3A_36 : i32 to index
      %swap3A_401 = arith.constant 352 : index
      %swap3A_402 = tpu.vector_load %arg7[%swap3A_400, %swap3A_401] {strides = array<i32>} : memref<32x1024xf32, #tpu.memory_space<vmem>>, vector<16xf32>,
      tpu.vector_store %arg7[%swap3A_400, %swap3A_401], %add3A_399 {strides = array<i32>} : memref<32x1024xf32, #tpu.memory_space<vmem>>, vector<16xf32>,
      %mul3A_403 = arith.constant 2 : i32
      %mul3A_404 = arith.muli %mul3A_403, %scan3A_36 : i32
      %get3A_405 = arith.index_cast %mul3A_404 : i32 to index
      %get3A_406 = arith.constant 368 : index
      %get3A_407 = tpu.vector_load %arg6[%get3A_405, %get3A_406] {strides = array<i32>} : memref<64x1024xf32, #tpu.memory_space<vmem>>, vector<16xf32>,
      %mul3A_408 = arith.constant 2 : i32
      %mul3A_409 = arith.muli %mul3A_408, %scan3A_36 : i32
      %add3A_410 = arith.constant 1 : i32
      %add3A_411 = arith.addi %mul3A_409, %add3A_410 : i32
      %get3A_412 = arith.index_cast %add3A_411 : i32 to index
      %get3A_413 = arith.constant 368 : index
      %get3A_414 = tpu.vector_load %arg6[%get3A_412, %get3A_413] {strides = array<i32>} : memref<64x1024xf32, #tpu.memory_space<vmem>>, vector<16xf32>,
      %add3A_415 = arith.addf %get3A_407, %get3A_414 : vector<16xf32>
      %swap3A_416 = arith.index_cast %scan3A_36 : i32 to index
      %swap3A_417 = arith.constant 368 : index
      %swap3A_418 = tpu.vector_load %arg7[%swap3A_416, %swap3A_417] {strides = array<i32>} : memref<32x1024xf32, #tpu.memory_space<vmem>>, vector<16xf32>,
      tpu.vector_store %arg7[%swap3A_416, %swap3A_417], %add3A_415 {strides = array<i32>} : memref<32x1024xf32, #tpu.memory_space<vmem>>, vector<16xf32>,
      %mul3A_419 = arith.constant 2 : i32
      %mul3A_420 = arith.muli %mul3A_419, %scan3A_36 : i32
      %get3A_421 = arith.index_cast %mul3A_420 : i32 to index
      %get3A_422 = arith.constant 384 : index
      %get3A_423 = tpu.vector_load %arg6[%get3A_421, %get3A_422] {strides = array<i32>} : memref<64x1024xf32, #tpu.memory_space<vmem>>, vector<16xf32>,
      %mul3A_424 = arith.constant 2 : i32
      %mul3A_425 = arith.muli %mul3A_424, %scan3A_36 : i32
      %add3A_426 = arith.constant 1 : i32
      %add3A_427 = arith.addi %mul3A_425, %add3A_426 : i32
      %get3A_428 = arith.index_cast %add3A_427 : i32 to index
      %get3A_429 = arith.constant 384 : index
      %get3A_430 = tpu.vector_load %arg6[%get3A_428, %get3A_429] {strides = array<i32>} : memref<64x1024xf32, #tpu.memory_space<vmem>>, vector<16xf32>,
      %add3A_431 = arith.addf %get3A_423, %get3A_430 : vector<16xf32>
      %swap3A_432 = arith.index_cast %scan3A_36 : i32 to index
      %swap3A_433 = arith.constant 384 : index
      %swap3A_434 = tpu.vector_load %arg7[%swap3A_432, %swap3A_433] {strides = array<i32>} : memref<32x1024xf32, #tpu.memory_space<vmem>>, vector<16xf32>,
      tpu.vector_store %arg7[%swap3A_432, %swap3A_433], %add3A_431 {strides = array<i32>} : memref<32x1024xf32, #tpu.memory_space<vmem>>, vector<16xf32>,
      %mul3A_435 = arith.constant 2 : i32
      %mul3A_436 = arith.muli %mul3A_435, %scan3A_36 : i32
      %get3A_437 = arith.index_cast %mul3A_436 : i32 to index
      %get3A_438 = arith.constant 400 : index
      %get3A_439 = tpu.vector_load %arg6[%get3A_437, %get3A_438] {strides = array<i32>} : memref<64x1024xf32, #tpu.memory_space<vmem>>, vector<16xf32>,
      %mul3A_440 = arith.constant 2 : i32
      %mul3A_441 = arith.muli %mul3A_440, %scan3A_36 : i32
      %add3A_442 = arith.constant 1 : i32
      %add3A_443 = arith.addi %mul3A_441, %add3A_442 : i32
      %get3A_444 = arith.index_cast %add3A_443 : i32 to index
      %get3A_445 = arith.constant 400 : index
      %get3A_446 = tpu.vector_load %arg6[%get3A_444, %get3A_445] {strides = array<i32>} : memref<64x1024xf32, #tpu.memory_space<vmem>>, vector<16xf32>,
      %add3A_447 = arith.addf %get3A_439, %get3A_446 : vector<16xf32>
      %swap3A_448 = arith.index_cast %scan3A_36 : i32 to index
      %swap3A_449 = arith.constant 400 : index
      %swap3A_450 = tpu.vector_load %arg7[%swap3A_448, %swap3A_449] {strides = array<i32>} : memref<32x1024xf32, #tpu.memory_space<vmem>>, vector<16xf32>,
      tpu.vector_store %arg7[%swap3A_448, %swap3A_449], %add3A_447 {strides = array<i32>} : memref<32x1024xf32, #tpu.memory_space<vmem>>, vector<16xf32>,
      %mul3A_451 = arith.constant 2 : i32
      %mul3A_452 = arith.muli %mul3A_451, %scan3A_36 : i32
      %get3A_453 = arith.index_cast %mul3A_452 : i32 to index
      %get3A_454 = arith.constant 416 : index
      %get3A_455 = tpu.vector_load %arg6[%get3A_453, %get3A_454] {strides = array<i32>} : memref<64x1024xf32, #tpu.memory_space<vmem>>, vector<16xf32>,
      %mul3A_456 = arith.constant 2 : i32
      %mul3A_457 = arith.muli %mul3A_456, %scan3A_36 : i32
      %add3A_458 = arith.constant 1 : i32
      %add3A_459 = arith.addi %mul3A_457, %add3A_458 : i32
      %get3A_460 = arith.index_cast %add3A_459 : i32 to index
      %get3A_461 = arith.constant 416 : index
      %get3A_462 = tpu.vector_load %arg6[%get3A_460, %get3A_461] {strides = array<i32>} : memref<64x1024xf32, #tpu.memory_space<vmem>>, vector<16xf32>,
      %add3A_463 = arith.addf %get3A_455, %get3A_462 : vector<16xf32>
      %swap3A_464 = arith.index_cast %scan3A_36 : i32 to index
      %swap3A_465 = arith.constant 416 : index
      %swap3A_466 = tpu.vector_load %arg7[%swap3A_464, %swap3A_465] {strides = array<i32>} : memref<32x1024xf32, #tpu.memory_space<vmem>>, vector<16xf32>,
      tpu.vector_store %arg7[%swap3A_464, %swap3A_465], %add3A_463 {strides = array<i32>} : memref<32x1024xf32, #tpu.memory_space<vmem>>, vector<16xf32>,
      %mul3A_467 = arith.constant 2 : i32
      %mul3A_468 = arith.muli %mul3A_467, %scan3A_36 : i32
      %get3A_469 = arith.index_cast %mul3A_468 : i32 to index
      %get3A_470 = arith.constant 432 : index
      %get3A_471 = tpu.vector_load %arg6[%get3A_469, %get3A_470] {strides = array<i32>} : memref<64x1024xf32, #tpu.memory_space<vmem>>, vector<16xf32>,
      %mul3A_472 = arith.constant 2 : i32
      %mul3A_473 = arith.muli %mul3A_472, %scan3A_36 : i32
      %add3A_474 = arith.constant 1 : i32
      %add3A_475 = arith.addi %mul3A_473, %add3A_474 : i32
      %get3A_476 = arith.index_cast %add3A_475 : i32 to index
      %get3A_477 = arith.constant 432 : index
      %get3A_478 = tpu.vector_load %arg6[%get3A_476, %get3A_477] {strides = array<i32>} : memref<64x1024xf32, #tpu.memory_space<vmem>>, vector<16xf32>,
      %add3A_479 = arith.addf %get3A_471, %get3A_478 : vector<16xf32>
      %swap3A_480 = arith.index_cast %scan3A_36 : i32 to index
      %swap3A_481 = arith.constant 432 : index
      %swap3A_482 = tpu.vector_load %arg7[%swap3A_480, %swap3A_481] {strides = array<i32>} : memref<32x1024xf32, #tpu.memory_space<vmem>>, vector<16xf32>,
      tpu.vector_store %arg7[%swap3A_480, %swap3A_481], %add3A_479 {strides = array<i32>} : memref<32x1024xf32, #tpu.memory_space<vmem>>, vector<16xf32>,
      %mul3A_483 = arith.constant 2 : i32
      %mul3A_484 = arith.muli %mul3A_483, %scan3A_36 : i32
      %get3A_485 = arith.index_cast %mul3A_484 : i32 to index
      %get3A_486 = arith.constant 448 : index
      %get3A_487 = tpu.vector_load %arg6[%get3A_485, %get3A_486] {strides = array<i32>} : memref<64x1024xf32, #tpu.memory_space<vmem>>, vector<16xf32>,
      %mul3A_488 = arith.constant 2 : i32
      %mul3A_489 = arith.muli %mul3A_488, %scan3A_36 : i32
      %add3A_490 = arith.constant 1 : i32
      %add3A_491 = arith.addi %mul3A_489, %add3A_490 : i32
      %get3A_492 = arith.index_cast %add3A_491 : i32 to index
      %get3A_493 = arith.constant 448 : index
      %get3A_494 = tpu.vector_load %arg6[%get3A_492, %get3A_493] {strides = array<i32>} : memref<64x1024xf32, #tpu.memory_space<vmem>>, vector<16xf32>,
      %add3A_495 = arith.addf %get3A_487, %get3A_494 : vector<16xf32>
      %swap3A_496 = arith.index_cast %scan3A_36 : i32 to index
      %swap3A_497 = arith.constant 448 : index
      %swap3A_498 = tpu.vector_load %arg7[%swap3A_496, %swap3A_497] {strides = array<i32>} : memref<32x1024xf32, #tpu.memory_space<vmem>>, vector<16xf32>,
      tpu.vector_store %arg7[%swap3A_496, %swap3A_497], %add3A_495 {strides = array<i32>} : memref<32x1024xf32, #tpu.memory_space<vmem>>, vector<16xf32>,
      %mul3A_499 = arith.constant 2 : i32
      %mul3A_500 = arith.muli %mul3A_499, %scan3A_36 : i32
      %get3A_501 = arith.index_cast %mul3A_500 : i32 to index
      %get3A_502 = arith.constant 464 : index
      %get3A_503 = tpu.vector_load %arg6[%get3A_501, %get3A_502] {strides = array<i32>} : memref<64x1024xf32, #tpu.memory_space<vmem>>, vector<16xf32>,
      %mul3A_504 = arith.constant 2 : i32
      %mul3A_505 = arith.muli %mul3A_504, %scan3A_36 : i32
      %add3A_506 = arith.constant 1 : i32
      %add3A_507 = arith.addi %mul3A_505, %add3A_506 : i32
      %get3A_508 = arith.index_cast %add3A_507 : i32 to index
      %get3A_509 = arith.constant 464 : index
      %get3A_510 = tpu.vector_load %arg6[%get3A_508, %get3A_509] {strides = array<i32>} : memref<64x1024xf32, #tpu.memory_space<vmem>>, vector<16xf32>,
      %add3A_511 = arith.addf %get3A_503, %get3A_510 : vector<16xf32>
      %swap3A_512 = arith.index_cast %scan3A_36 : i32 to index
      %swap3A_513 = arith.constant 464 : index
      %swap3A_514 = tpu.vector_load %arg7[%swap3A_512, %swap3A_513] {strides = array<i32>} : memref<32x1024xf32, #tpu.memory_space<vmem>>, vector<16xf32>,
      tpu.vector_store %arg7[%swap3A_512, %swap3A_513], %add3A_511 {strides = array<i32>} : memref<32x1024xf32, #tpu.memory_space<vmem>>, vector<16xf32>,
      %mul3A_515 = arith.constant 2 : i32
      %mul3A_516 = arith.muli %mul3A_515, %scan3A_36 : i32
      %get3A_517 = arith.index_cast %mul3A_516 : i32 to index
      %get3A_518 = arith.constant 480 : index
      %get3A_519 = tpu.vector_load %arg6[%get3A_517, %get3A_518] {strides = array<i32>} : memref<64x1024xf32, #tpu.memory_space<vmem>>, vector<16xf32>,
      %mul3A_520 = arith.constant 2 : i32
      %mul3A_521 = arith.muli %mul3A_520, %scan3A_36 : i32
      %add3A_522 = arith.constant 1 : i32
      %add3A_523 = arith.addi %mul3A_521, %add3A_522 : i32
      %get3A_524 = arith.index_cast %add3A_523 : i32 to index
      %get3A_525 = arith.constant 480 : index
      %get3A_526 = tpu.vector_load %arg6[%get3A_524, %get3A_525] {strides = array<i32>} : memref<64x1024xf32, #tpu.memory_space<vmem>>, vector<16xf32>,
      %add3A_527 = arith.addf %get3A_519, %get3A_526 : vector<16xf32>
      %swap3A_528 = arith.index_cast %scan3A_36 : i32 to index
      %swap3A_529 = arith.constant 480 : index
      %swap3A_530 = tpu.vector_load %arg7[%swap3A_528, %swap3A_529] {strides = array<i32>} : memref<32x1024xf32, #tpu.memory_space<vmem>>, vector<16xf32>,
      tpu.vector_store %arg7[%swap3A_528, %swap3A_529], %add3A_527 {strides = array<i32>} : memref<32x1024xf32, #tpu.memory_space<vmem>>, vector<16xf32>,
      %mul3A_531 = arith.constant 2 : i32
      %mul3A_532 = arith.muli %mul3A_531, %scan3A_36 : i32
      %get3A_533 = arith.index_cast %mul3A_532 : i32 to index
      %get3A_534 = arith.constant 496 : index
      %get3A_535 = tpu.vector_load %arg6[%get3A_533, %get3A_534] {strides = array<i32>} : memref<64x1024xf32, #tpu.memory_space<vmem>>, vector<16xf32>,
      %mul3A_536 = arith.constant 2 : i32
      %mul3A_537 = arith.muli %mul3A_536, %scan3A_36 : i32
      %add3A_538 = arith.constant 1 : i32
      %add3A_539 = arith.addi %mul3A_537, %add3A_538 : i32
      %get3A_540 = arith.index_cast %add3A_539 : i32 to index
      %get3A_541 = arith.constant 496 : index
      %get3A_542 = tpu.vector_load %arg6[%get3A_540, %get3A_541] {strides = array<i32>} : memref<64x1024xf32, #tpu.memory_space<vmem>>, vector<16xf32>,
      %add3A_543 = arith.addf %get3A_535, %get3A_542 : vector<16xf32>
      %swap3A_544 = arith.index_cast %scan3A_36 : i32 to index
      %swap3A_545 = arith.constant 496 : index
      %swap3A_546 = tpu.vector_load %arg7[%swap3A_544, %swap3A_545] {strides = array<i32>} : memref<32x1024xf32, #tpu.memory_space<vmem>>, vector<16xf32>,
      tpu.vector_store %arg7[%swap3A_544, %swap3A_545], %add3A_543 {strides = array<i32>} : memref<32x1024xf32, #tpu.memory_space<vmem>>, vector<16xf32>,
      %mul3A_547 = arith.constant 2 : i32
      %mul3A_548 = arith.muli %mul3A_547, %scan3A_36 : i32
      %get3A_549 = arith.index_cast %mul3A_548 : i32 to index
      %get3A_550 = arith.constant 512 : index
      %get3A_551 = tpu.vector_load %arg6[%get3A_549, %get3A_550] {strides = array<i32>} : memref<64x1024xf32, #tpu.memory_space<vmem>>, vector<16xf32>,
      %mul3A_552 = arith.constant 2 : i32
      %mul3A_553 = arith.muli %mul3A_552, %scan3A_36 : i32
      %add3A_554 = arith.constant 1 : i32
      %add3A_555 = arith.addi %mul3A_553, %add3A_554 : i32
      %get3A_556 = arith.index_cast %add3A_555 : i32 to index
      %get3A_557 = arith.constant 512 : index
      %get3A_558 = tpu.vector_load %arg6[%get3A_556, %get3A_557] {strides = array<i32>} : memref<64x1024xf32, #tpu.memory_space<vmem>>, vector<16xf32>,
      %add3A_559 = arith.addf %get3A_551, %get3A_558 : vector<16xf32>
      %swap3A_560 = arith.index_cast %scan3A_36 : i32 to index
      %swap3A_561 = arith.constant 512 : index
      %swap3A_562 = tpu.vector_load %arg7[%swap3A_560, %swap3A_561] {strides = array<i32>} : memref<32x1024xf32, #tpu.memory_space<vmem>>, vector<16xf32>,
      tpu.vector_store %arg7[%swap3A_560, %swap3A_561], %add3A_559 {strides = array<i32>} : memref<32x1024xf32, #tpu.memory_space<vmem>>, vector<16xf32>,
      %mul3A_563 = arith.constant 2 : i32
      %mul3A_564 = arith.muli %mul3A_563, %scan3A_36 : i32
      %get3A_565 = arith.index_cast %mul3A_564 : i32 to index
      %get3A_566 = arith.constant 528 : index
      %get3A_567 = tpu.vector_load %arg6[%get3A_565, %get3A_566] {strides = array<i32>} : memref<64x1024xf32, #tpu.memory_space<vmem>>, vector<16xf32>,
      %mul3A_568 = arith.constant 2 : i32
      %mul3A_569 = arith.muli %mul3A_568, %scan3A_36 : i32
      %add3A_570 = arith.constant 1 : i32
      %add3A_571 = arith.addi %mul3A_569, %add3A_570 : i32
      %get3A_572 = arith.index_cast %add3A_571 : i32 to index
      %get3A_573 = arith.constant 528 : index
      %get3A_574 = tpu.vector_load %arg6[%get3A_572, %get3A_573] {strides = array<i32>} : memref<64x1024xf32, #tpu.memory_space<vmem>>, vector<16xf32>,
      %add3A_575 = arith.addf %get3A_567, %get3A_574 : vector<16xf32>
      %swap3A_576 = arith.index_cast %scan3A_36 : i32 to index
      %swap3A_577 = arith.constant 528 : index
      %swap3A_578 = tpu.vector_load %arg7[%swap3A_576, %swap3A_577] {strides = array<i32>} : memref<32x1024xf32, #tpu.memory_space<vmem>>, vector<16xf32>,
      tpu.vector_store %arg7[%swap3A_576, %swap3A_577], %add3A_575 {strides = array<i32>} : memref<32x1024xf32, #tpu.memory_space<vmem>>, vector<16xf32>,
      %mul3A_579 = arith.constant 2 : i32
      %mul3A_580 = arith.muli %mul3A_579, %scan3A_36 : i32
      %get3A_581 = arith.index_cast %mul3A_580 : i32 to index
      %get3A_582 = arith.constant 544 : index
      %get3A_583 = tpu.vector_load %arg6[%get3A_581, %get3A_582] {strides = array<i32>} : memref<64x1024xf32, #tpu.memory_space<vmem>>, vector<16xf32>,
      %mul3A_584 = arith.constant 2 : i32
      %mul3A_585 = arith.muli %mul3A_584, %scan3A_36 : i32
      %add3A_586 = arith.constant 1 : i32
      %add3A_587 = arith.addi %mul3A_585, %add3A_586 : i32
      %get3A_588 = arith.index_cast %add3A_587 : i32 to index
      %get3A_589 = arith.constant 544 : index
      %get3A_590 = tpu.vector_load %arg6[%get3A_588, %get3A_589] {strides = array<i32>} : memref<64x1024xf32, #tpu.memory_space<vmem>>, vector<16xf32>,
      %add3A_591 = arith.addf %get3A_583, %get3A_590 : vector<16xf32>
      %swap3A_592 = arith.index_cast %scan3A_36 : i32 to index
      %swap3A_593 = arith.constant 544 : index
      %swap3A_594 = tpu.vector_load %arg7[%swap3A_592, %swap3A_593] {strides = array<i32>} : memref<32x1024xf32, #tpu.memory_space<vmem>>, vector<16xf32>,
      tpu.vector_store %arg7[%swap3A_592, %swap3A_593], %add3A_591 {strides = array<i32>} : memref<32x1024xf32, #tpu.memory_space<vmem>>, vector<16xf32>,
      %mul3A_595 = arith.constant 2 : i32
      %mul3A_596 = arith.muli %mul3A_595, %scan3A_36 : i32
      %get3A_597 = arith.index_cast %mul3A_596 : i32 to index
      %get3A_598 = arith.constant 560 : index
      %get3A_599 = tpu.vector_load %arg6[%get3A_597, %get3A_598] {strides = array<i32>} : memref<64x1024xf32, #tpu.memory_space<vmem>>, vector<16xf32>,
      %mul3A_600 = arith.constant 2 : i32
      %mul3A_601 = arith.muli %mul3A_600, %scan3A_36 : i32
      %add3A_602 = arith.constant 1 : i32
      %add3A_603 = arith.addi %mul3A_601, %add3A_602 : i32
      %get3A_604 = arith.index_cast %add3A_603 : i32 to index
      %get3A_605 = arith.constant 560 : index
      %get3A_606 = tpu.vector_load %arg6[%get3A_604, %get3A_605] {strides = array<i32>} : memref<64x1024xf32, #tpu.memory_space<vmem>>, vector<16xf32>,
      %add3A_607 = arith.addf %get3A_599, %get3A_606 : vector<16xf32>
      %swap3A_608 = arith.index_cast %scan3A_36 : i32 to index
      %swap3A_609 = arith.constant 560 : index
      %swap3A_610 = tpu.vector_load %arg7[%swap3A_608, %swap3A_609] {strides = array<i32>} : memref<32x1024xf32, #tpu.memory_space<vmem>>, vector<16xf32>,
      tpu.vector_store %arg7[%swap3A_608, %swap3A_609], %add3A_607 {strides = array<i32>} : memref<32x1024xf32, #tpu.memory_space<vmem>>, vector<16xf32>,
      %mul3A_611 = arith.constant 2 : i32
      %mul3A_612 = arith.muli %mul3A_611, %scan3A_36 : i32
      %get3A_613 = arith.index_cast %mul3A_612 : i32 to index
      %get3A_614 = arith.constant 576 : index
      %get3A_615 = tpu.vector_load %arg6[%get3A_613, %get3A_614] {strides = array<i32>} : memref<64x1024xf32, #tpu.memory_space<vmem>>, vector<16xf32>,
      %mul3A_616 = arith.constant 2 : i32
      %mul3A_617 = arith.muli %mul3A_616, %scan3A_36 : i32
      %add3A_618 = arith.constant 1 : i32
      %add3A_619 = arith.addi %mul3A_617, %add3A_618 : i32
      %get3A_620 = arith.index_cast %add3A_619 : i32 to index
      %get3A_621 = arith.constant 576 : index
      %get3A_622 = tpu.vector_load %arg6[%get3A_620, %get3A_621] {strides = array<i32>} : memref<64x1024xf32, #tpu.memory_space<vmem>>, vector<16xf32>,
      %add3A_623 = arith.addf %get3A_615, %get3A_622 : vector<16xf32>
      %swap3A_624 = arith.index_cast %scan3A_36 : i32 to index
      %swap3A_625 = arith.constant 576 : index
      %swap3A_626 = tpu.vector_load %arg7[%swap3A_624, %swap3A_625] {strides = array<i32>} : memref<32x1024xf32, #tpu.memory_space<vmem>>, vector<16xf32>,
      tpu.vector_store %arg7[%swap3A_624, %swap3A_625], %add3A_623 {strides = array<i32>} : memref<32x1024xf32, #tpu.memory_space<vmem>>, vector<16xf32>,
      %mul3A_627 = arith.constant 2 : i32
      %mul3A_628 = arith.muli %mul3A_627, %scan3A_36 : i32
      %get3A_629 = arith.index_cast %mul3A_628 : i32 to index
      %get3A_630 = arith.constant 592 : index
      %get3A_631 = tpu.vector_load %arg6[%get3A_629, %get3A_630] {strides = array<i32>} : memref<64x1024xf32, #tpu.memory_space<vmem>>, vector<16xf32>,
      %mul3A_632 = arith.constant 2 : i32
      %mul3A_633 = arith.muli %mul3A_632, %scan3A_36 : i32
      %add3A_634 = arith.constant 1 : i32
      %add3A_635 = arith.addi %mul3A_633, %add3A_634 : i32
      %get3A_636 = arith.index_cast %add3A_635 : i32 to index
      %get3A_637 = arith.constant 592 : index
      %get3A_638 = tpu.vector_load %arg6[%get3A_636, %get3A_637] {strides = array<i32>} : memref<64x1024xf32, #tpu.memory_space<vmem>>, vector<16xf32>,
      %add3A_639 = arith.addf %get3A_631, %get3A_638 : vector<16xf32>
      %swap3A_640 = arith.index_cast %scan3A_36 : i32 to index
      %swap3A_641 = arith.constant 592 : index
      %swap3A_642 = tpu.vector_load %arg7[%swap3A_640, %swap3A_641] {strides = array<i32>} : memref<32x1024xf32, #tpu.memory_space<vmem>>, vector<16xf32>,
      tpu.vector_store %arg7[%swap3A_640, %swap3A_641], %add3A_639 {strides = array<i32>} : memref<32x1024xf32, #tpu.memory_space<vmem>>, vector<16xf32>,
      %mul3A_643 = arith.constant 2 : i32
      %mul3A_644 = arith.muli %mul3A_643, %scan3A_36 : i32
      %get3A_645 = arith.index_cast %mul3A_644 : i32 to index
      %get3A_646 = arith.constant 608 : index
      %get3A_647 = tpu.vector_load %arg6[%get3A_645, %get3A_646] {strides = array<i32>} : memref<64x1024xf32, #tpu.memory_space<vmem>>, vector<16xf32>,
      %mul3A_648 = arith.constant 2 : i32
      %mul3A_649 = arith.muli %mul3A_648, %scan3A_36 : i32
      %add3A_650 = arith.constant 1 : i32
      %add3A_651 = arith.addi %mul3A_649, %add3A_650 : i32
      %get3A_652 = arith.index_cast %add3A_651 : i32 to index
      %get3A_653 = arith.constant 608 : index
      %get3A_654 = tpu.vector_load %arg6[%get3A_652, %get3A_653] {strides = array<i32>} : memref<64x1024xf32, #tpu.memory_space<vmem>>, vector<16xf32>,
      %add3A_655 = arith.addf %get3A_647, %get3A_654 : vector<16xf32>
      %swap3A_656 = arith.index_cast %scan3A_36 : i32 to index
      %swap3A_657 = arith.constant 608 : index
      %swap3A_658 = tpu.vector_load %arg7[%swap3A_656, %swap3A_657] {strides = array<i32>} : memref<32x1024xf32, #tpu.memory_space<vmem>>, vector<16xf32>,
      tpu.vector_store %arg7[%swap3A_656, %swap3A_657], %add3A_655 {strides = array<i32>} : memref<32x1024xf32, #tpu.memory_space<vmem>>, vector<16xf32>,
      %mul3A_659 = arith.constant 2 : i32
      %mul3A_660 = arith.muli %mul3A_659, %scan3A_36 : i32
      %get3A_661 = arith.index_cast %mul3A_660 : i32 to index
      %get3A_662 = arith.constant 624 : index
      %get3A_663 = tpu.vector_load %arg6[%get3A_661, %get3A_662] {strides = array<i32>} : memref<64x1024xf32, #tpu.memory_space<vmem>>, vector<16xf32>,
      %mul3A_664 = arith.constant 2 : i32
      %mul3A_665 = arith.muli %mul3A_664, %scan3A_36 : i32
      %add3A_666 = arith.constant 1 : i32
      %add3A_667 = arith.addi %mul3A_665, %add3A_666 : i32
      %get3A_668 = arith.index_cast %add3A_667 : i32 to index
      %get3A_669 = arith.constant 624 : index
      %get3A_670 = tpu.vector_load %arg6[%get3A_668, %get3A_669] {strides = array<i32>} : memref<64x1024xf32, #tpu.memory_space<vmem>>, vector<16xf32>,
      %add3A_671 = arith.addf %get3A_663, %get3A_670 : vector<16xf32>
      %swap3A_672 = arith.index_cast %scan3A_36 : i32 to index
      %swap3A_673 = arith.constant 624 : index
      %swap3A_674 = tpu.vector_load %arg7[%swap3A_672, %swap3A_673] {strides = array<i32>} : memref<32x1024xf32, #tpu.memory_space<vmem>>, vector<16xf32>,
      tpu.vector_store %arg7[%swap3A_672, %swap3A_673], %add3A_671 {strides = array<i32>} : memref<32x1024xf32, #tpu.memory_space<vmem>>, vector<16xf32>,
      %mul3A_675 = arith.constant 2 : i32
      %mul3A_676 = arith.muli %mul3A_675, %scan3A_36 : i32
      %get3A_677 = arith.index_cast %mul3A_676 : i32 to index
      %get3A_678 = arith.constant 640 : index
      %get3A_679 = tpu.vector_load %arg6[%get3A_677, %get3A_678] {strides = array<i32>} : memref<64x1024xf32, #tpu.memory_space<vmem>>, vector<16xf32>,
      %mul3A_680 = arith.constant 2 : i32
      %mul3A_681 = arith.muli %mul3A_680, %scan3A_36 : i32
      %add3A_682 = arith.constant 1 : i32
      %add3A_683 = arith.addi %mul3A_681, %add3A_682 : i32
      %get3A_684 = arith.index_cast %add3A_683 : i32 to index
      %get3A_685 = arith.constant 640 : index
      %get3A_686 = tpu.vector_load %arg6[%get3A_684, %get3A_685] {strides = array<i32>} : memref<64x1024xf32, #tpu.memory_space<vmem>>, vector<16xf32>,
      %add3A_687 = arith.addf %get3A_679, %get3A_686 : vector<16xf32>
      %swap3A_688 = arith.index_cast %scan3A_36 : i32 to index
      %swap3A_689 = arith.constant 640 : index
      %swap3A_690 = tpu.vector_load %arg7[%swap3A_688, %swap3A_689] {strides = array<i32>} : memref<32x1024xf32, #tpu.memory_space<vmem>>, vector<16xf32>,
      tpu.vector_store %arg7[%swap3A_688, %swap3A_689], %add3A_687 {strides = array<i32>} : memref<32x1024xf32, #tpu.memory_space<vmem>>, vector<16xf32>,
      %mul3A_691 = arith.constant 2 : i32
      %mul3A_692 = arith.muli %mul3A_691, %scan3A_36 : i32
      %get3A_693 = arith.index_cast %mul3A_692 : i32 to index
      %get3A_694 = arith.constant 656 : index
      %get3A_695 = tpu.vector_load %arg6[%get3A_693, %get3A_694] {strides = array<i32>} : memref<64x1024xf32, #tpu.memory_space<vmem>>, vector<16xf32>,
      %mul3A_696 = arith.constant 2 : i32
      %mul3A_697 = arith.muli %mul3A_696, %scan3A_36 : i32
      %add3A_698 = arith.constant 1 : i32
      %add3A_699 = arith.addi %mul3A_697, %add3A_698 : i32
      %get3A_700 = arith.index_cast %add3A_699 : i32 to index
      %get3A_701 = arith.constant 656 : index
      %get3A_702 = tpu.vector_load %arg6[%get3A_700, %get3A_701] {strides = array<i32>} : memref<64x1024xf32, #tpu.memory_space<vmem>>, vector<16xf32>,
      %add3A_703 = arith.addf %get3A_695, %get3A_702 : vector<16xf32>
      %swap3A_704 = arith.index_cast %scan3A_36 : i32 to index
      %swap3A_705 = arith.constant 656 : index
      %swap3A_706 = tpu.vector_load %arg7[%swap3A_704, %swap3A_705] {strides = array<i32>} : memref<32x1024xf32, #tpu.memory_space<vmem>>, vector<16xf32>,
      tpu.vector_store %arg7[%swap3A_704, %swap3A_705], %add3A_703 {strides = array<i32>} : memref<32x1024xf32, #tpu.memory_space<vmem>>, vector<16xf32>,
      %mul3A_707 = arith.constant 2 : i32
      %mul3A_708 = arith.muli %mul3A_707, %scan3A_36 : i32
      %get3A_709 = arith.index_cast %mul3A_708 : i32 to index
      %get3A_710 = arith.constant 672 : index
      %get3A_711 = tpu.vector_load %arg6[%get3A_709, %get3A_710] {strides = array<i32>} : memref<64x1024xf32, #tpu.memory_space<vmem>>, vector<16xf32>,
      %mul3A_712 = arith.constant 2 : i32
      %mul3A_713 = arith.muli %mul3A_712, %scan3A_36 : i32
      %add3A_714 = arith.constant 1 : i32
      %add3A_715 = arith.addi %mul3A_713, %add3A_714 : i32
      %get3A_716 = arith.index_cast %add3A_715 : i32 to index
      %get3A_717 = arith.constant 672 : index
      %get3A_718 = tpu.vector_load %arg6[%get3A_716, %get3A_717] {strides = array<i32>} : memref<64x1024xf32, #tpu.memory_space<vmem>>, vector<16xf32>,
      %add3A_719 = arith.addf %get3A_711, %get3A_718 : vector<16xf32>
      %swap3A_720 = arith.index_cast %scan3A_36 : i32 to index
      %swap3A_721 = arith.constant 672 : index
      %swap3A_722 = tpu.vector_load %arg7[%swap3A_720, %swap3A_721] {strides = array<i32>} : memref<32x1024xf32, #tpu.memory_space<vmem>>, vector<16xf32>,
      tpu.vector_store %arg7[%swap3A_720, %swap3A_721], %add3A_719 {strides = array<i32>} : memref<32x1024xf32, #tpu.memory_space<vmem>>, vector<16xf32>,
      %mul3A_723 = arith.constant 2 : i32
      %mul3A_724 = arith.muli %mul3A_723, %scan3A_36 : i32
      %get3A_725 = arith.index_cast %mul3A_724 : i32 to index
      %get3A_726 = arith.constant 688 : index
      %get3A_727 = tpu.vector_load %arg6[%get3A_725, %get3A_726] {strides = array<i32>} : memref<64x1024xf32, #tpu.memory_space<vmem>>, vector<16xf32>,
      %mul3A_728 = arith.constant 2 : i32
      %mul3A_729 = arith.muli %mul3A_728, %scan3A_36 : i32
      %add3A_730 = arith.constant 1 : i32
      %add3A_731 = arith.addi %mul3A_729, %add3A_730 : i32
      %get3A_732 = arith.index_cast %add3A_731 : i32 to index
      %get3A_733 = arith.constant 688 : index
      %get3A_734 = tpu.vector_load %arg6[%get3A_732, %get3A_733] {strides = array<i32>} : memref<64x1024xf32, #tpu.memory_space<vmem>>, vector<16xf32>,
      %add3A_735 = arith.addf %get3A_727, %get3A_734 : vector<16xf32>
      %swap3A_736 = arith.index_cast %scan3A_36 : i32 to index
      %swap3A_737 = arith.constant 688 : index
      %swap3A_738 = tpu.vector_load %arg7[%swap3A_736, %swap3A_737] {strides = array<i32>} : memref<32x1024xf32, #tpu.memory_space<vmem>>, vector<16xf32>,
      tpu.vector_store %arg7[%swap3A_736, %swap3A_737], %add3A_735 {strides = array<i32>} : memref<32x1024xf32, #tpu.memory_space<vmem>>, vector<16xf32>,
      %mul3A_739 = arith.constant 2 : i32
      %mul3A_740 = arith.muli %mul3A_739, %scan3A_36 : i32
      %get3A_741 = arith.index_cast %mul3A_740 : i32 to index
      %get3A_742 = arith.constant 704 : index
      %get3A_743 = tpu.vector_load %arg6[%get3A_741, %get3A_742] {strides = array<i32>} : memref<64x1024xf32, #tpu.memory_space<vmem>>, vector<16xf32>,
      %mul3A_744 = arith.constant 2 : i32
      %mul3A_745 = arith.muli %mul3A_744, %scan3A_36 : i32
      %add3A_746 = arith.constant 1 : i32
      %add3A_747 = arith.addi %mul3A_745, %add3A_746 : i32
      %get3A_748 = arith.index_cast %add3A_747 : i32 to index
      %get3A_749 = arith.constant 704 : index
      %get3A_750 = tpu.vector_load %arg6[%get3A_748, %get3A_749] {strides = array<i32>} : memref<64x1024xf32, #tpu.memory_space<vmem>>, vector<16xf32>,
      %add3A_751 = arith.addf %get3A_743, %get3A_750 : vector<16xf32>
      %swap3A_752 = arith.index_cast %scan3A_36 : i32 to index
      %swap3A_753 = arith.constant 704 : index
      %swap3A_754 = tpu.vector_load %arg7[%swap3A_752, %swap3A_753] {strides = array<i32>} : memref<32x1024xf32, #tpu.memory_space<vmem>>, vector<16xf32>,
      tpu.vector_store %arg7[%swap3A_752, %swap3A_753], %add3A_751 {strides = array<i32>} : memref<32x1024xf32, #tpu.memory_space<vmem>>, vector<16xf32>,
      %mul3A_755 = arith.constant 2 : i32
      %mul3A_756 = arith.muli %mul3A_755, %scan3A_36 : i32
      %get3A_757 = arith.index_cast %mul3A_756 : i32 to index
      %get3A_758 = arith.constant 720 : index
      %get3A_759 = tpu.vector_load %arg6[%get3A_757, %get3A_758] {strides = array<i32>} : memref<64x1024xf32, #tpu.memory_space<vmem>>, vector<16xf32>,
      %mul3A_760 = arith.constant 2 : i32
      %mul3A_761 = arith.muli %mul3A_760, %scan3A_36 : i32
      %add3A_762 = arith.constant 1 : i32
      %add3A_763 = arith.addi %mul3A_761, %add3A_762 : i32
      %get3A_764 = arith.index_cast %add3A_763 : i32 to index
      %get3A_765 = arith.constant 720 : index
      %get3A_766 = tpu.vector_load %arg6[%get3A_764, %get3A_765] {strides = array<i32>} : memref<64x1024xf32, #tpu.memory_space<vmem>>, vector<16xf32>,
      %add3A_767 = arith.addf %get3A_759, %get3A_766 : vector<16xf32>
      %swap3A_768 = arith.index_cast %scan3A_36 : i32 to index
      %swap3A_769 = arith.constant 720 : index
      %swap3A_770 = tpu.vector_load %arg7[%swap3A_768, %swap3A_769] {strides = array<i32>} : memref<32x1024xf32, #tpu.memory_space<vmem>>, vector<16xf32>,
      tpu.vector_store %arg7[%swap3A_768, %swap3A_769], %add3A_767 {strides = array<i32>} : memref<32x1024xf32, #tpu.memory_space<vmem>>, vector<16xf32>,
      %mul3A_771 = arith.constant 2 : i32
      %mul3A_772 = arith.muli %mul3A_771, %scan3A_36 : i32
      %get3A_773 = arith.index_cast %mul3A_772 : i32 to index
      %get3A_774 = arith.constant 736 : index
      %get3A_775 = tpu.vector_load %arg6[%get3A_773, %get3A_774] {strides = array<i32>} : memref<64x1024xf32, #tpu.memory_space<vmem>>, vector<16xf32>,
      %mul3A_776 = arith.constant 2 : i32
      %mul3A_777 = arith.muli %mul3A_776, %scan3A_36 : i32
      %add3A_778 = arith.constant 1 : i32
      %add3A_779 = arith.addi %mul3A_777, %add3A_778 : i32
      %get3A_780 = arith.index_cast %add3A_779 : i32 to index
      %get3A_781 = arith.constant 736 : index
      %get3A_782 = tpu.vector_load %arg6[%get3A_780, %get3A_781] {strides = array<i32>} : memref<64x1024xf32, #tpu.memory_space<vmem>>, vector<16xf32>,
      %add3A_783 = arith.addf %get3A_775, %get3A_782 : vector<16xf32>
      %swap3A_784 = arith.index_cast %scan3A_36 : i32 to index
      %swap3A_785 = arith.constant 736 : index
      %swap3A_786 = tpu.vector_load %arg7[%swap3A_784, %swap3A_785] {strides = array<i32>} : memref<32x1024xf32, #tpu.memory_space<vmem>>, vector<16xf32>,
      tpu.vector_store %arg7[%swap3A_784, %swap3A_785], %add3A_783 {strides = array<i32>} : memref<32x1024xf32, #tpu.memory_space<vmem>>, vector<16xf32>,
      %mul3A_787 = arith.constant 2 : i32
      %mul3A_788 = arith.muli %mul3A_787, %scan3A_36 : i32
      %get3A_789 = arith.index_cast %mul3A_788 : i32 to index
      %get3A_790 = arith.constant 752 : index
      %get3A_791 = tpu.vector_load %arg6[%get3A_789, %get3A_790] {strides = array<i32>} : memref<64x1024xf32, #tpu.memory_space<vmem>>, vector<16xf32>,
      %mul3A_792 = arith.constant 2 : i32
      %mul3A_793 = arith.muli %mul3A_792, %scan3A_36 : i32
      %add3A_794 = arith.constant 1 : i32
      %add3A_795 = arith.addi %mul3A_793, %add3A_794 : i32
      %get3A_796 = arith.index_cast %add3A_795 : i32 to index
      %get3A_797 = arith.constant 752 : index
      %get3A_798 = tpu.vector_load %arg6[%get3A_796, %get3A_797] {strides = array<i32>} : memref<64x1024xf32, #tpu.memory_space<vmem>>, vector<16xf32>,
      %add3A_799 = arith.addf %get3A_791, %get3A_798 : vector<16xf32>
      %swap3A_800 = arith.index_cast %scan3A_36 : i32 to index
      %swap3A_801 = arith.constant 752 : index
      %swap3A_802 = tpu.vector_load %arg7[%swap3A_800, %swap3A_801] {strides = array<i32>} : memref<32x1024xf32, #tpu.memory_space<vmem>>, vector<16xf32>,
      tpu.vector_store %arg7[%swap3A_800, %swap3A_801], %add3A_799 {strides = array<i32>} : memref<32x1024xf32, #tpu.memory_space<vmem>>, vector<16xf32>,
      %mul3A_803 = arith.constant 2 : i32
      %mul3A_804 = arith.muli %mul3A_803, %scan3A_36 : i32
      %get3A_805 = arith.index_cast %mul3A_804 : i32 to index
      %get3A_806 = arith.constant 768 : index
      %get3A_807 = tpu.vector_load %arg6[%get3A_805, %get3A_806] {strides = array<i32>} : memref<64x1024xf32, #tpu.memory_space<vmem>>, vector<16xf32>,
      %mul3A_808 = arith.constant 2 : i32
      %mul3A_809 = arith.muli %mul3A_808, %scan3A_36 : i32
      %add3A_810 = arith.constant 1 : i32
      %add3A_811 = arith.addi %mul3A_809, %add3A_810 : i32
      %get3A_812 = arith.index_cast %add3A_811 : i32 to index
      %get3A_813 = arith.constant 768 : index
      %get3A_814 = tpu.vector_load %arg6[%get3A_812, %get3A_813] {strides = array<i32>} : memref<64x1024xf32, #tpu.memory_space<vmem>>, vector<16xf32>,
      %add3A_815 = arith.addf %get3A_807, %get3A_814 : vector<16xf32>
      %swap3A_816 = arith.index_cast %scan3A_36 : i32 to index
      %swap3A_817 = arith.constant 768 : index
      %swap3A_818 = tpu.vector_load %arg7[%swap3A_816, %swap3A_817] {strides = array<i32>} : memref<32x1024xf32, #tpu.memory_space<vmem>>, vector<16xf32>,
      tpu.vector_store %arg7[%swap3A_816, %swap3A_817], %add3A_815 {strides = array<i32>} : memref<32x1024xf32, #tpu.memory_space<vmem>>, vector<16xf32>,
      %mul3A_819 = arith.constant 2 : i32
      %mul3A_820 = arith.muli %mul3A_819, %scan3A_36 : i32
      %get3A_821 = arith.index_cast %mul3A_820 : i32 to index
      %get3A_822 = arith.constant 784 : index
      %get3A_823 = tpu.vector_load %arg6[%get3A_821, %get3A_822] {strides = array<i32>} : memref<64x1024xf32, #tpu.memory_space<vmem>>, vector<16xf32>,
      %mul3A_824 = arith.constant 2 : i32
      %mul3A_825 = arith.muli %mul3A_824, %scan3A_36 : i32
      %add3A_826 = arith.constant 1 : i32
      %add3A_827 = arith.addi %mul3A_825, %add3A_826 : i32
      %get3A_828 = arith.index_cast %add3A_827 : i32 to index
      %get3A_829 = arith.constant 784 : index
      %get3A_830 = tpu.vector_load %arg6[%get3A_828, %get3A_829] {strides = array<i32>} : memref<64x1024xf32, #tpu.memory_space<vmem>>, vector<16xf32>,
      %add3A_831 = arith.addf %get3A_823, %get3A_830 : vector<16xf32>
      %swap3A_832 = arith.index_cast %scan3A_36 : i32 to index
      %swap3A_833 = arith.constant 784 : index
      %swap3A_834 = tpu.vector_load %arg7[%swap3A_832, %swap3A_833] {strides = array<i32>} : memref<32x1024xf32, #tpu.memory_space<vmem>>, vector<16xf32>,
      tpu.vector_store %arg7[%swap3A_832, %swap3A_833], %add3A_831 {strides = array<i32>} : memref<32x1024xf32, #tpu.memory_space<vmem>>, vector<16xf32>,
      %mul3A_835 = arith.constant 2 : i32
      %mul3A_836 = arith.muli %mul3A_835, %scan3A_36 : i32
      %get3A_837 = arith.index_cast %mul3A_836 : i32 to index
      %get3A_838 = arith.constant 800 : index
      %get3A_839 = tpu.vector_load %arg6[%get3A_837, %get3A_838] {strides = array<i32>} : memref<64x1024xf32, #tpu.memory_space<vmem>>, vector<16xf32>,
      %mul3A_840 = arith.constant 2 : i32
      %mul3A_841 = arith.muli %mul3A_840, %scan3A_36 : i32
      %add3A_842 = arith.constant 1 : i32
      %add3A_843 = arith.addi %mul3A_841, %add3A_842 : i32
      %get3A_844 = arith.index_cast %add3A_843 : i32 to index
      %get3A_845 = arith.constant 800 : index
      %get3A_846 = tpu.vector_load %arg6[%get3A_844, %get3A_845] {strides = array<i32>} : memref<64x1024xf32, #tpu.memory_space<vmem>>, vector<16xf32>,
      %add3A_847 = arith.addf %get3A_839, %get3A_846 : vector<16xf32>
      %swap3A_848 = arith.index_cast %scan3A_36 : i32 to index
      %swap3A_849 = arith.constant 800 : index
      %swap3A_850 = tpu.vector_load %arg7[%swap3A_848, %swap3A_849] {strides = array<i32>} : memref<32x1024xf32, #tpu.memory_space<vmem>>, vector<16xf32>,
      tpu.vector_store %arg7[%swap3A_848, %swap3A_849], %add3A_847 {strides = array<i32>} : memref<32x1024xf32, #tpu.memory_space<vmem>>, vector<16xf32>,
      %mul3A_851 = arith.constant 2 : i32
      %mul3A_852 = arith.muli %mul3A_851, %scan3A_36 : i32
      %get3A_853 = arith.index_cast %mul3A_852 : i32 to index
      %get3A_854 = arith.constant 816 : index
      %get3A_855 = tpu.vector_load %arg6[%get3A_853, %get3A_854] {strides = array<i32>} : memref<64x1024xf32, #tpu.memory_space<vmem>>, vector<16xf32>,
      %mul3A_856 = arith.constant 2 : i32
      %mul3A_857 = arith.muli %mul3A_856, %scan3A_36 : i32
      %add3A_858 = arith.constant 1 : i32
      %add3A_859 = arith.addi %mul3A_857, %add3A_858 : i32
      %get3A_860 = arith.index_cast %add3A_859 : i32 to index
      %get3A_861 = arith.constant 816 : index
      %get3A_862 = tpu.vector_load %arg6[%get3A_860, %get3A_861] {strides = array<i32>} : memref<64x1024xf32, #tpu.memory_space<vmem>>, vector<16xf32>,
      %add3A_863 = arith.addf %get3A_855, %get3A_862 : vector<16xf32>
      %swap3A_864 = arith.index_cast %scan3A_36 : i32 to index
      %swap3A_865 = arith.constant 816 : index
      %swap3A_866 = tpu.vector_load %arg7[%swap3A_864, %swap3A_865] {strides = array<i32>} : memref<32x1024xf32, #tpu.memory_space<vmem>>, vector<16xf32>,
      tpu.vector_store %arg7[%swap3A_864, %swap3A_865], %add3A_863 {strides = array<i32>} : memref<32x1024xf32, #tpu.memory_space<vmem>>, vector<16xf32>,
      %mul3A_867 = arith.constant 2 : i32
      %mul3A_868 = arith.muli %mul3A_867, %scan3A_36 : i32
      %get3A_869 = arith.index_cast %mul3A_868 : i32 to index
      %get3A_870 = arith.constant 832 : index
      %get3A_871 = tpu.vector_load %arg6[%get3A_869, %get3A_870] {strides = array<i32>} : memref<64x1024xf32, #tpu.memory_space<vmem>>, vector<16xf32>,
      %mul3A_872 = arith.constant 2 : i32
      %mul3A_873 = arith.muli %mul3A_872, %scan3A_36 : i32
      %add3A_874 = arith.constant 1 : i32
      %add3A_875 = arith.addi %mul3A_873, %add3A_874 : i32
      %get3A_876 = arith.index_cast %add3A_875 : i32 to index
      %get3A_877 = arith.constant 832 : index
      %get3A_878 = tpu.vector_load %arg6[%get3A_876, %get3A_877] {strides = array<i32>} : memref<64x1024xf32, #tpu.memory_space<vmem>>, vector<16xf32>,
      %add3A_879 = arith.addf %get3A_871, %get3A_878 : vector<16xf32>
      %swap3A_880 = arith.index_cast %scan3A_36 : i32 to index
      %swap3A_881 = arith.constant 832 : index
      %swap3A_882 = tpu.vector_load %arg7[%swap3A_880, %swap3A_881] {strides = array<i32>} : memref<32x1024xf32, #tpu.memory_space<vmem>>, vector<16xf32>,
      tpu.vector_store %arg7[%swap3A_880, %swap3A_881], %add3A_879 {strides = array<i32>} : memref<32x1024xf32, #tpu.memory_space<vmem>>, vector<16xf32>,
      %mul3A_883 = arith.constant 2 : i32
      %mul3A_884 = arith.muli %mul3A_883, %scan3A_36 : i32
      %get3A_885 = arith.index_cast %mul3A_884 : i32 to index
      %get3A_886 = arith.constant 848 : index
      %get3A_887 = tpu.vector_load %arg6[%get3A_885, %get3A_886] {strides = array<i32>} : memref<64x1024xf32, #tpu.memory_space<vmem>>, vector<16xf32>,
      %mul3A_888 = arith.constant 2 : i32
      %mul3A_889 = arith.muli %mul3A_888, %scan3A_36 : i32
      %add3A_890 = arith.constant 1 : i32
      %add3A_891 = arith.addi %mul3A_889, %add3A_890 : i32
      %get3A_892 = arith.index_cast %add3A_891 : i32 to index
      %get3A_893 = arith.constant 848 : index
      %get3A_894 = tpu.vector_load %arg6[%get3A_892, %get3A_893] {strides = array<i32>} : memref<64x1024xf32, #tpu.memory_space<vmem>>, vector<16xf32>,
      %add3A_895 = arith.addf %get3A_887, %get3A_894 : vector<16xf32>
      %swap3A_896 = arith.index_cast %scan3A_36 : i32 to index
      %swap3A_897 = arith.constant 848 : index
      %swap3A_898 = tpu.vector_load %arg7[%swap3A_896, %swap3A_897] {strides = array<i32>} : memref<32x1024xf32, #tpu.memory_space<vmem>>, vector<16xf32>,
      tpu.vector_store %arg7[%swap3A_896, %swap3A_897], %add3A_895 {strides = array<i32>} : memref<32x1024xf32, #tpu.memory_space<vmem>>, vector<16xf32>,
      %mul3A_899 = arith.constant 2 : i32
      %mul3A_900 = arith.muli %mul3A_899, %scan3A_36 : i32
      %get3A_901 = arith.index_cast %mul3A_900 : i32 to index
      %get3A_902 = arith.constant 864 : index
      %get3A_903 = tpu.vector_load %arg6[%get3A_901, %get3A_902] {strides = array<i32>} : memref<64x1024xf32, #tpu.memory_space<vmem>>, vector<16xf32>,
      %mul3A_904 = arith.constant 2 : i32
      %mul3A_905 = arith.muli %mul3A_904, %scan3A_36 : i32
      %add3A_906 = arith.constant 1 : i32
      %add3A_907 = arith.addi %mul3A_905, %add3A_906 : i32
      %get3A_908 = arith.index_cast %add3A_907 : i32 to index
      %get3A_909 = arith.constant 864 : index
      %get3A_910 = tpu.vector_load %arg6[%get3A_908, %get3A_909] {strides = array<i32>} : memref<64x1024xf32, #tpu.memory_space<vmem>>, vector<16xf32>,
      %add3A_911 = arith.addf %get3A_903, %get3A_910 : vector<16xf32>
      %swap3A_912 = arith.index_cast %scan3A_36 : i32 to index
      %swap3A_913 = arith.constant 864 : index
      %swap3A_914 = tpu.vector_load %arg7[%swap3A_912, %swap3A_913] {strides = array<i32>} : memref<32x1024xf32, #tpu.memory_space<vmem>>, vector<16xf32>,
      tpu.vector_store %arg7[%swap3A_912, %swap3A_913], %add3A_911 {strides = array<i32>} : memref<32x1024xf32, #tpu.memory_space<vmem>>, vector<16xf32>,
      %mul3A_915 = arith.constant 2 : i32
      %mul3A_916 = arith.muli %mul3A_915, %scan3A_36 : i32
      %get3A_917 = arith.index_cast %mul3A_916 : i32 to index
      %get3A_918 = arith.constant 880 : index
      %get3A_919 = tpu.vector_load %arg6[%get3A_917, %get3A_918] {strides = array<i32>} : memref<64x1024xf32, #tpu.memory_space<vmem>>, vector<16xf32>,
      %mul3A_920 = arith.constant 2 : i32
      %mul3A_921 = arith.muli %mul3A_920, %scan3A_36 : i32
      %add3A_922 = arith.constant 1 : i32
      %add3A_923 = arith.addi %mul3A_921, %add3A_922 : i32
      %get3A_924 = arith.index_cast %add3A_923 : i32 to index
      %get3A_925 = arith.constant 880 : index
      %get3A_926 = tpu.vector_load %arg6[%get3A_924, %get3A_925] {strides = array<i32>} : memref<64x1024xf32, #tpu.memory_space<vmem>>, vector<16xf32>,
      %add3A_927 = arith.addf %get3A_919, %get3A_926 : vector<16xf32>
      %swap3A_928 = arith.index_cast %scan3A_36 : i32 to index
      %swap3A_929 = arith.constant 880 : index
      %swap3A_930 = tpu.vector_load %arg7[%swap3A_928, %swap3A_929] {strides = array<i32>} : memref<32x1024xf32, #tpu.memory_space<vmem>>, vector<16xf32>,
      tpu.vector_store %arg7[%swap3A_928, %swap3A_929], %add3A_927 {strides = array<i32>} : memref<32x1024xf32, #tpu.memory_space<vmem>>, vector<16xf32>,
      %mul3A_931 = arith.constant 2 : i32
      %mul3A_932 = arith.muli %mul3A_931, %scan3A_36 : i32
      %get3A_933 = arith.index_cast %mul3A_932 : i32 to index
      %get3A_934 = arith.constant 896 : index
      %get3A_935 = tpu.vector_load %arg6[%get3A_933, %get3A_934] {strides = array<i32>} : memref<64x1024xf32, #tpu.memory_space<vmem>>, vector<16xf32>,
      %mul3A_936 = arith.constant 2 : i32
      %mul3A_937 = arith.muli %mul3A_936, %scan3A_36 : i32
      %add3A_938 = arith.constant 1 : i32
      %add3A_939 = arith.addi %mul3A_937, %add3A_938 : i32
      %get3A_940 = arith.index_cast %add3A_939 : i32 to index
      %get3A_941 = arith.constant 896 : index
      %get3A_942 = tpu.vector_load %arg6[%get3A_940, %get3A_941] {strides = array<i32>} : memref<64x1024xf32, #tpu.memory_space<vmem>>, vector<16xf32>,
      %add3A_943 = arith.addf %get3A_935, %get3A_942 : vector<16xf32>
      %swap3A_944 = arith.index_cast %scan3A_36 : i32 to index
      %swap3A_945 = arith.constant 896 : index
      %swap3A_946 = tpu.vector_load %arg7[%swap3A_944, %swap3A_945] {strides = array<i32>} : memref<32x1024xf32, #tpu.memory_space<vmem>>, vector<16xf32>,
      tpu.vector_store %arg7[%swap3A_944, %swap3A_945], %add3A_943 {strides = array<i32>} : memref<32x1024xf32, #tpu.memory_space<vmem>>, vector<16xf32>,
      %mul3A_947 = arith.constant 2 : i32
      %mul3A_948 = arith.muli %mul3A_947, %scan3A_36 : i32
      %get3A_949 = arith.index_cast %mul3A_948 : i32 to index
      %get3A_950 = arith.constant 912 : index
      %get3A_951 = tpu.vector_load %arg6[%get3A_949, %get3A_950] {strides = array<i32>} : memref<64x1024xf32, #tpu.memory_space<vmem>>, vector<16xf32>,
      %mul3A_952 = arith.constant 2 : i32
      %mul3A_953 = arith.muli %mul3A_952, %scan3A_36 : i32
      %add3A_954 = arith.constant 1 : i32
      %add3A_955 = arith.addi %mul3A_953, %add3A_954 : i32
      %get3A_956 = arith.index_cast %add3A_955 : i32 to index
      %get3A_957 = arith.constant 912 : index
      %get3A_958 = tpu.vector_load %arg6[%get3A_956, %get3A_957] {strides = array<i32>} : memref<64x1024xf32, #tpu.memory_space<vmem>>, vector<16xf32>,
      %add3A_959 = arith.addf %get3A_951, %get3A_958 : vector<16xf32>
      %swap3A_960 = arith.index_cast %scan3A_36 : i32 to index
      %swap3A_961 = arith.constant 912 : index
      %swap3A_962 = tpu.vector_load %arg7[%swap3A_960, %swap3A_961] {strides = array<i32>} : memref<32x1024xf32, #tpu.memory_space<vmem>>, vector<16xf32>,
      tpu.vector_store %arg7[%swap3A_960, %swap3A_961], %add3A_959 {strides = array<i32>} : memref<32x1024xf32, #tpu.memory_space<vmem>>, vector<16xf32>,
      %mul3A_963 = arith.constant 2 : i32
      %mul3A_964 = arith.muli %mul3A_963, %scan3A_36 : i32
      %get3A_965 = arith.index_cast %mul3A_964 : i32 to index
      %get3A_966 = arith.constant 928 : index
      %get3A_967 = tpu.vector_load %arg6[%get3A_965, %get3A_966] {strides = array<i32>} : memref<64x1024xf32, #tpu.memory_space<vmem>>, vector<16xf32>,
      %mul3A_968 = arith.constant 2 : i32
      %mul3A_969 = arith.muli %mul3A_968, %scan3A_36 : i32
      %add3A_970 = arith.constant 1 : i32
      %add3A_971 = arith.addi %mul3A_969, %add3A_970 : i32
      %get3A_972 = arith.index_cast %add3A_971 : i32 to index
      %get3A_973 = arith.constant 928 : index
      %get3A_974 = tpu.vector_load %arg6[%get3A_972, %get3A_973] {strides = array<i32>} : memref<64x1024xf32, #tpu.memory_space<vmem>>, vector<16xf32>,
      %add3A_975 = arith.addf %get3A_967, %get3A_974 : vector<16xf32>
      %swap3A_976 = arith.index_cast %scan3A_36 : i32 to index
      %swap3A_977 = arith.constant 928 : index
      %swap3A_978 = tpu.vector_load %arg7[%swap3A_976, %swap3A_977] {strides = array<i32>} : memref<32x1024xf32, #tpu.memory_space<vmem>>, vector<16xf32>,
      tpu.vector_store %arg7[%swap3A_976, %swap3A_977], %add3A_975 {strides = array<i32>} : memref<32x1024xf32, #tpu.memory_space<vmem>>, vector<16xf32>,
      %mul3A_979 = arith.constant 2 : i32
      %mul3A_980 = arith.muli %mul3A_979, %scan3A_36 : i32
      %get3A_981 = arith.index_cast %mul3A_980 : i32 to index
      %get3A_982 = arith.constant 944 : index
      %get3A_983 = tpu.vector_load %arg6[%get3A_981, %get3A_982] {strides = array<i32>} : memref<64x1024xf32, #tpu.memory_space<vmem>>, vector<16xf32>,
      %mul3A_984 = arith.constant 2 : i32
      %mul3A_985 = arith.muli %mul3A_984, %scan3A_36 : i32
      %add3A_986 = arith.constant 1 : i32
      %add3A_987 = arith.addi %mul3A_985, %add3A_986 : i32
      %get3A_988 = arith.index_cast %add3A_987 : i32 to index
      %get3A_989 = arith.constant 944 : index
      %get3A_990 = tpu.vector_load %arg6[%get3A_988, %get3A_989] {strides = array<i32>} : memref<64x1024xf32, #tpu.memory_space<vmem>>, vector<16xf32>,
      %add3A_991 = arith.addf %get3A_983, %get3A_990 : vector<16xf32>
      %swap3A_992 = arith.index_cast %scan3A_36 : i32 to index
      %swap3A_993 = arith.constant 944 : index
      %swap3A_994 = tpu.vector_load %arg7[%swap3A_992, %swap3A_993] {strides = array<i32>} : memref<32x1024xf32, #tpu.memory_space<vmem>>, vector<16xf32>,
      tpu.vector_store %arg7[%swap3A_992, %swap3A_993], %add3A_991 {strides = array<i32>} : memref<32x1024xf32, #tpu.memory_space<vmem>>, vector<16xf32>,
      %mul3A_995 = arith.constant 2 : i32
      %mul3A_996 = arith.muli %mul3A_995, %scan3A_36 : i32
      %get3A_997 = arith.index_cast %mul3A_996 : i32 to index
      %get3A_998 = arith.constant 960 : index
      %get3A_999 = tpu.vector_load %arg6[%get3A_997, %get3A_998] {strides = array<i32>} : memref<64x1024xf32, #tpu.memory_space<vmem>>, vector<16xf32>,
      %mul3A_1000 = arith.constant 2 : i32
      %mul3A_1001 = arith.muli %mul3A_1000, %scan3A_36 : i32
      %add3A_1002 = arith.constant 1 : i32
      %add3A_1003 = arith.addi %mul3A_1001, %add3A_1002 : i32
      %get3A_1004 = arith.index_cast %add3A_1003 : i32 to index
      %get3A_1005 = arith.constant 960 : index
      %get3A_1006 = tpu.vector_load %arg6[%get3A_1004, %get3A_1005] {strides = array<i32>} : memref<64x1024xf32, #tpu.memory_space<vmem>>, vector<16xf32>,
      %add3A_1007 = arith.addf %get3A_999, %get3A_1006 : vector<16xf32>
      %swap3A_1008 = arith.index_cast %scan3A_36 : i32 to index
      %swap3A_1009 = arith.constant 960 : index
      %swap3A_1010 = tpu.vector_load %arg7[%swap3A_1008, %swap3A_1009] {strides = array<i32>} : memref<32x1024xf32, #tpu.memory_space<vmem>>, vector<16xf32>,
      tpu.vector_store %arg7[%swap3A_1008, %swap3A_1009], %add3A_1007 {strides = array<i32>} : memref<32x1024xf32, #tpu.memory_space<vmem>>, vector<16xf32>,
      %mul3A_1011 = arith.constant 2 : i32
      %mul3A_1012 = arith.muli %mul3A_1011, %scan3A_36 : i32
      %get3A_1013 = arith.index_cast %mul3A_1012 : i32 to index
      %get3A_1014 = arith.constant 976 : index
      %get3A_1015 = tpu.vector_load %arg6[%get3A_1013, %get3A_1014] {strides = array<i32>} : memref<64x1024xf32, #tpu.memory_space<vmem>>, vector<16xf32>,
      %mul3A_1016 = arith.constant 2 : i32
      %mul3A_1017 = arith.muli %mul3A_1016, %scan3A_36 : i32
      %add3A_1018 = arith.constant 1 : i32
      %add3A_1019 = arith.addi %mul3A_1017, %add3A_1018 : i32
      %get3A_1020 = arith.index_cast %add3A_1019 : i32 to index
      %get3A_1021 = arith.constant 976 : index
      %get3A_1022 = tpu.vector_load %arg6[%get3A_1020, %get3A_1021] {strides = array<i32>} : memref<64x1024xf32, #tpu.memory_space<vmem>>, vector<16xf32>,
      %add3A_1023 = arith.addf %get3A_1015, %get3A_1022 : vector<16xf32>
      %swap3A_1024 = arith.index_cast %scan3A_36 : i32 to index
      %swap3A_1025 = arith.constant 976 : index
      %swap3A_1026 = tpu.vector_load %arg7[%swap3A_1024, %swap3A_1025] {strides = array<i32>} : memref<32x1024xf32, #tpu.memory_space<vmem>>, vector<16xf32>,
      tpu.vector_store %arg7[%swap3A_1024, %swap3A_1025], %add3A_1023 {strides = array<i32>} : memref<32x1024xf32, #tpu.memory_space<vmem>>, vector<16xf32>,
      %mul3A_1027 = arith.constant 2 : i32
      %mul3A_1028 = arith.muli %mul3A_1027, %scan3A_36 : i32
      %get3A_1029 = arith.index_cast %mul3A_1028 : i32 to index
      %get3A_1030 = arith.constant 992 : index
      %get3A_1031 = tpu.vector_load %arg6[%get3A_1029, %get3A_1030] {strides = array<i32>} : memref<64x1024xf32, #tpu.memory_space<vmem>>, vector<16xf32>,
      %mul3A_1032 = arith.constant 2 : i32
      %mul3A_1033 = arith.muli %mul3A_1032, %scan3A_36 : i32
      %add3A_1034 = arith.constant 1 : i32
      %add3A_1035 = arith.addi %mul3A_1033, %add3A_1034 : i32
      %get3A_1036 = arith.index_cast %add3A_1035 : i32 to index
      %get3A_1037 = arith.constant 992 : index
      %get3A_1038 = tpu.vector_load %arg6[%get3A_1036, %get3A_1037] {strides = array<i32>} : memref<64x1024xf32, #tpu.memory_space<vmem>>, vector<16xf32>,
      %add3A_1039 = arith.addf %get3A_1031, %get3A_1038 : vector<16xf32>
      %swap3A_1040 = arith.index_cast %scan3A_36 : i32 to index
      %swap3A_1041 = arith.constant 992 : index
      %swap3A_1042 = tpu.vector_load %arg7[%swap3A_1040, %swap3A_1041] {strides = array<i32>} : memref<32x1024xf32, #tpu.memory_space<vmem>>, vector<16xf32>,
      tpu.vector_store %arg7[%swap3A_1040, %swap3A_1041], %add3A_1039 {strides = array<i32>} : memref<32x1024xf32, #tpu.memory_space<vmem>>, vector<16xf32>,
      %mul3A_1043 = arith.constant 2 : i32
      %mul3A_1044 = arith.muli %mul3A_1043, %scan3A_36 : i32
      %get3A_1045 = arith.index_cast %mul3A_1044 : i32 to index
      %get3A_1046 = arith.constant 1008 : index
      %get3A_1047 = tpu.vector_load %arg6[%get3A_1045, %get3A_1046] {strides = array<i32>} : memref<64x1024xf32, #tpu.memory_space<vmem>>, vector<16xf32>,
      %mul3A_1048 = arith.constant 2 : i32
      %mul3A_1049 = arith.muli %mul3A_1048, %scan3A_36 : i32
      %add3A_1050 = arith.constant 1 : i32
      %add3A_1051 = arith.addi %mul3A_1049, %add3A_1050 : i32
      %get3A_1052 = arith.index_cast %add3A_1051 : i32 to index
      %get3A_1053 = arith.constant 1008 : index
      %get3A_1054 = tpu.vector_load %arg6[%get3A_1052, %get3A_1053] {strides = array<i32>} : memref<64x1024xf32, #tpu.memory_space<vmem>>, vector<16xf32>,
      %add3A_1055 = arith.addf %get3A_1047, %get3A_1054 : vector<16xf32>
      %swap3A_1056 = arith.index_cast %scan3A_36 : i32 to index
      %swap3A_1057 = arith.constant 1008 : index
      %swap3A_1058 = tpu.vector_load %arg7[%swap3A_1056, %swap3A_1057] {strides = array<i32>} : memref<32x1024xf32, #tpu.memory_space<vmem>>, vector<16xf32>,
      tpu.vector_store %arg7[%swap3A_1056, %swap3A_1057], %add3A_1055 {strides = array<i32>} : memref<32x1024xf32, #tpu.memory_space<vmem>>, vector<16xf32>,
    }
    %scan3A_16 = arith.constant 32 : i32
    %add3A_17 = arith.constant 0 : i32
    %add3A_18 = arith.addi %mul3A_2, %add3A_17 : i32
    "tpu.region"() ({
      %run_scoped3A = tpu.sem_alloc : memref<!tpu.dma_semaphore, #tpu.memory_space<semaphore_mem>>
      %dma_start3A_36 = arith.constant 0 : i32
      %dma_start3A_37 = tpu.memref_slice %arg4[%add3A_18, %dma_start3A_36] : memref<2048x1024xf32, #tpu.memory_space<hbm>> -> memref<32x1024xf32, #tpu.memory_space<hbm>>
      %dma_start3A_38 = arith.constant 0 : i32
      %dma_start3A_39 = tpu.memref_slice %arg4[%add3A_18, %dma_start3A_38] : memref<2048x1024xf32, #tpu.memory_space<hbm>> -> memref<32x1024xf32, #tpu.memory_space<hbm>>
      tpu.enqueue_dma source(%arg7 : memref<32x1024xf32, #tpu.memory_space<vmem>>) target(%dma_start3A_39 : memref<32x1024xf32, #tpu.memory_space<hbm>>) target_semaphore(%run_scoped3A : memref<!tpu.dma_semaphore, #tpu.memory_space<semaphore_mem>>)
      %dma_wait3A_40 = arith.constant 0 : i32
      %dma_wait3A_41 = tpu.memref_slice %arg4[%add3A_18, %dma_wait3A_40] : memref<2048x1024xf32, #tpu.memory_space<hbm>> -> memref<32x1024xf32, #tpu.memory_space<hbm>>
      %dma_wait3A_42 = arith.constant 0 : i32
      %dma_wait3A_43 = tpu.memref_slice %arg4[%add3A_18, %dma_wait3A_42] : memref<2048x1024xf32, #tpu.memory_space<hbm>> -> memref<32x1024xf32, #tpu.memory_space<hbm>>
      tpu.wait_dma2 semaphore(%run_scoped3A : memref<!tpu.dma_semaphore, #tpu.memory_space<semaphore_mem>>) src(%arg7 : memref<32x1024xf32, #tpu.memory_space<vmem>>) dst(%dma_wait3A_43 : memref<32x1024xf32, #tpu.memory_space<hbm>>)
      tpu.yield
    }) : () -> ()
    %dma_start3A_19 = arith.constant 64 : i32
    %dma_start3A_20 = tpu.memref_slice %arg5[%dma_start3A_19] : memref<128xi32, #tpu.memory_space<vmem>> -> memref<64xi32, #tpu.memory_space<vmem>>
    %dma_start3A_21 = arith.constant 0 : i32
    %dma_start3A_22 = arith.constant 0 : i32
    %dma_start3A_23 = tpu.memref_slice %arg2[%dma_start3A_21, %dma_start3A_22] : memref<8192x1024xf32, #tpu.memory_space<hbm>> -> memref<8192x1024xf32, #tpu.memory_space<hbm>>
    tpu.enqueue_indirect_dma source(%dma_start3A_23 : memref<8192x1024xf32, #tpu.memory_space<hbm>>) target(%arg6 : memref<64x1024xf32, #tpu.memory_space<vmem>>) offsets(%dma_start3A_20 : memref<64xi32, #tpu.memory_space<vmem>>) semaphore(%arg8 : memref<!tpu.dma_semaphore, #tpu.memory_space<semaphore_mem>>)
    %dma_wait3A_24 = arith.constant 64 : i32
    %dma_wait3A_25 = tpu.memref_slice %arg5[%dma_wait3A_24] : memref<128xi32, #tpu.memory_space<vmem>> -> memref<64xi32, #tpu.memory_space<vmem>>
    %dma_wait3A_26 = arith.constant 0 : i32
    %dma_wait3A_27 = arith.constant 0 : i32
    %dma_wait3A_28 = tpu.memref_slice %arg2[%dma_wait3A_26, %dma_wait3A_27] : memref<8192x1024xf32, #tpu.memory_space<hbm>> -> memref<8192x1024xf32, #tpu.memory_space<hbm>>
    tpu.wait_indirect_dma semaphore(%arg8 : memref<!tpu.dma_semaphore, #tpu.memory_space<semaphore_mem>>) src(%dma_wait3A_28 : memref<8192x1024xf32, #tpu.memory_space<hbm>>) dst(%arg6 : memref<64x1024xf32, #tpu.memory_space<vmem>>)
    %scan3A_29 = arith.constant 0 : i32
    %scan3A_30 = arith.constant 32 : i32
    %scan3A_31 = arith.addi %scan3A_29, %scan3A_30 : i32
    %scan3A_32 = arith.constant 1 : i32
    scf.for %scan3A_36 = %scan3A_29 to %scan3A_31 step %scan3A_32  : i32 {
      %mul3A_37 = arith.constant 2 : i32
      %mul3A_38 = arith.muli %mul3A_37, %scan3A_36 : i32
      %get3A = arith.index_cast %mul3A_38 : i32 to index
      %get3A_39 = arith.constant 0 : index
      %get3A_40 = tpu.vector_load %arg6[%get3A, %get3A_39] {strides = array<i32>} : memref<64x1024xf32, #tpu.memory_space<vmem>>, vector<16xf32>,
      %mul3A_41 = arith.constant 2 : i32
      %mul3A_42 = arith.muli %mul3A_41, %scan3A_36 : i32
      %add3A_43 = arith.constant 1 : i32
      %add3A_44 = arith.addi %mul3A_42, %add3A_43 : i32
      %get3A_45 = arith.index_cast %add3A_44 : i32 to index
      %get3A_46 = arith.constant 0 : index
      %get3A_47 = tpu.vector_load %arg6[%get3A_45, %get3A_46] {strides = array<i32>} : memref<64x1024xf32, #tpu.memory_space<vmem>>, vector<16xf32>,
      %add3A_48 = arith.addf %get3A_40, %get3A_47 : vector<16xf32>
      %swap3A = arith.index_cast %scan3A_36 : i32 to index
      %swap3A_49 = arith.constant 0 : index
      %swap3A_50 = tpu.vector_load %arg7[%swap3A, %swap3A_49] {strides = array<i32>} : memref<32x1024xf32, #tpu.memory_space<vmem>>, vector<16xf32>,
      tpu.vector_store %arg7[%swap3A, %swap3A_49], %add3A_48 {strides = array<i32>} : memref<32x1024xf32, #tpu.memory_space<vmem>>, vector<16xf32>,
      %mul3A_51 = arith.constant 2 : i32
      %mul3A_52 = arith.muli %mul3A_51, %scan3A_36 : i32
      %get3A_53 = arith.index_cast %mul3A_52 : i32 to index
      %get3A_54 = arith.constant 16 : index
      %get3A_55 = tpu.vector_load %arg6[%get3A_53, %get3A_54] {strides = array<i32>} : memref<64x1024xf32, #tpu.memory_space<vmem>>, vector<16xf32>,
      %mul3A_56 = arith.constant 2 : i32
      %mul3A_57 = arith.muli %mul3A_56, %scan3A_36 : i32
      %add3A_58 = arith.constant 1 : i32
      %add3A_59 = arith.addi %mul3A_57, %add3A_58 : i32
      %get3A_60 = arith.index_cast %add3A_59 : i32 to index
      %get3A_61 = arith.constant 16 : index
      %get3A_62 = tpu.vector_load %arg6[%get3A_60, %get3A_61] {strides = array<i32>} : memref<64x1024xf32, #tpu.memory_space<vmem>>, vector<16xf32>,
      %add3A_63 = arith.addf %get3A_55, %get3A_62 : vector<16xf32>
      %swap3A_64 = arith.index_cast %scan3A_36 : i32 to index
      %swap3A_65 = arith.constant 16 : index
      %swap3A_66 = tpu.vector_load %arg7[%swap3A_64, %swap3A_65] {strides = array<i32>} : memref<32x1024xf32, #tpu.memory_space<vmem>>, vector<16xf32>,
      tpu.vector_store %arg7[%swap3A_64, %swap3A_65], %add3A_63 {strides = array<i32>} : memref<32x1024xf32, #tpu.memory_space<vmem>>, vector<16xf32>,
      %mul3A_67 = arith.constant 2 : i32
      %mul3A_68 = arith.muli %mul3A_67, %scan3A_36 : i32
      %get3A_69 = arith.index_cast %mul3A_68 : i32 to index
      %get3A_70 = arith.constant 32 : index
      %get3A_71 = tpu.vector_load %arg6[%get3A_69, %get3A_70] {strides = array<i32>} : memref<64x1024xf32, #tpu.memory_space<vmem>>, vector<16xf32>,
      %mul3A_72 = arith.constant 2 : i32
      %mul3A_73 = arith.muli %mul3A_72, %scan3A_36 : i32
      %add3A_74 = arith.constant 1 : i32
      %add3A_75 = arith.addi %mul3A_73, %add3A_74 : i32
      %get3A_76 = arith.index_cast %add3A_75 : i32 to index
      %get3A_77 = arith.constant 32 : index
      %get3A_78 = tpu.vector_load %arg6[%get3A_76, %get3A_77] {strides = array<i32>} : memref<64x1024xf32, #tpu.memory_space<vmem>>, vector<16xf32>,
      %add3A_79 = arith.addf %get3A_71, %get3A_78 : vector<16xf32>
      %swap3A_80 = arith.index_cast %scan3A_36 : i32 to index
      %swap3A_81 = arith.constant 32 : index
      %swap3A_82 = tpu.vector_load %arg7[%swap3A_80, %swap3A_81] {strides = array<i32>} : memref<32x1024xf32, #tpu.memory_space<vmem>>, vector<16xf32>,
      tpu.vector_store %arg7[%swap3A_80, %swap3A_81], %add3A_79 {strides = array<i32>} : memref<32x1024xf32, #tpu.memory_space<vmem>>, vector<16xf32>,
      %mul3A_83 = arith.constant 2 : i32
      %mul3A_84 = arith.muli %mul3A_83, %scan3A_36 : i32
      %get3A_85 = arith.index_cast %mul3A_84 : i32 to index
      %get3A_86 = arith.constant 48 : index
      %get3A_87 = tpu.vector_load %arg6[%get3A_85, %get3A_86] {strides = array<i32>} : memref<64x1024xf32, #tpu.memory_space<vmem>>, vector<16xf32>,
      %mul3A_88 = arith.constant 2 : i32
      %mul3A_89 = arith.muli %mul3A_88, %scan3A_36 : i32
      %add3A_90 = arith.constant 1 : i32
      %add3A_91 = arith.addi %mul3A_89, %add3A_90 : i32
      %get3A_92 = arith.index_cast %add3A_91 : i32 to index
      %get3A_93 = arith.constant 48 : index
      %get3A_94 = tpu.vector_load %arg6[%get3A_92, %get3A_93] {strides = array<i32>} : memref<64x1024xf32, #tpu.memory_space<vmem>>, vector<16xf32>,
      %add3A_95 = arith.addf %get3A_87, %get3A_94 : vector<16xf32>
      %swap3A_96 = arith.index_cast %scan3A_36 : i32 to index
      %swap3A_97 = arith.constant 48 : index
      %swap3A_98 = tpu.vector_load %arg7[%swap3A_96, %swap3A_97] {strides = array<i32>} : memref<32x1024xf32, #tpu.memory_space<vmem>>, vector<16xf32>,
      tpu.vector_store %arg7[%swap3A_96, %swap3A_97], %add3A_95 {strides = array<i32>} : memref<32x1024xf32, #tpu.memory_space<vmem>>, vector<16xf32>,
      %mul3A_99 = arith.constant 2 : i32
      %mul3A_100 = arith.muli %mul3A_99, %scan3A_36 : i32
      %get3A_101 = arith.index_cast %mul3A_100 : i32 to index
      %get3A_102 = arith.constant 64 : index
      %get3A_103 = tpu.vector_load %arg6[%get3A_101, %get3A_102] {strides = array<i32>} : memref<64x1024xf32, #tpu.memory_space<vmem>>, vector<16xf32>,
      %mul3A_104 = arith.constant 2 : i32
      %mul3A_105 = arith.muli %mul3A_104, %scan3A_36 : i32
      %add3A_106 = arith.constant 1 : i32
      %add3A_107 = arith.addi %mul3A_105, %add3A_106 : i32
      %get3A_108 = arith.index_cast %add3A_107 : i32 to index
      %get3A_109 = arith.constant 64 : index
      %get3A_110 = tpu.vector_load %arg6[%get3A_108, %get3A_109] {strides = array<i32>} : memref<64x1024xf32, #tpu.memory_space<vmem>>, vector<16xf32>,
      %add3A_111 = arith.addf %get3A_103, %get3A_110 : vector<16xf32>
      %swap3A_112 = arith.index_cast %scan3A_36 : i32 to index
      %swap3A_113 = arith.constant 64 : index
      %swap3A_114 = tpu.vector_load %arg7[%swap3A_112, %swap3A_113] {strides = array<i32>} : memref<32x1024xf32, #tpu.memory_space<vmem>>, vector<16xf32>,
      tpu.vector_store %arg7[%swap3A_112, %swap3A_113], %add3A_111 {strides = array<i32>} : memref<32x1024xf32, #tpu.memory_space<vmem>>, vector<16xf32>,
      %mul3A_115 = arith.constant 2 : i32
      %mul3A_116 = arith.muli %mul3A_115, %scan3A_36 : i32
      %get3A_117 = arith.index_cast %mul3A_116 : i32 to index
      %get3A_118 = arith.constant 80 : index
      %get3A_119 = tpu.vector_load %arg6[%get3A_117, %get3A_118] {strides = array<i32>} : memref<64x1024xf32, #tpu.memory_space<vmem>>, vector<16xf32>,
      %mul3A_120 = arith.constant 2 : i32
      %mul3A_121 = arith.muli %mul3A_120, %scan3A_36 : i32
      %add3A_122 = arith.constant 1 : i32
      %add3A_123 = arith.addi %mul3A_121, %add3A_122 : i32
      %get3A_124 = arith.index_cast %add3A_123 : i32 to index
      %get3A_125 = arith.constant 80 : index
      %get3A_126 = tpu.vector_load %arg6[%get3A_124, %get3A_125] {strides = array<i32>} : memref<64x1024xf32, #tpu.memory_space<vmem>>, vector<16xf32>,
      %add3A_127 = arith.addf %get3A_119, %get3A_126 : vector<16xf32>
      %swap3A_128 = arith.index_cast %scan3A_36 : i32 to index
      %swap3A_129 = arith.constant 80 : index
      %swap3A_130 = tpu.vector_load %arg7[%swap3A_128, %swap3A_129] {strides = array<i32>} : memref<32x1024xf32, #tpu.memory_space<vmem>>, vector<16xf32>,
      tpu.vector_store %arg7[%swap3A_128, %swap3A_129], %add3A_127 {strides = array<i32>} : memref<32x1024xf32, #tpu.memory_space<vmem>>, vector<16xf32>,
      %mul3A_131 = arith.constant 2 : i32
      %mul3A_132 = arith.muli %mul3A_131, %scan3A_36 : i32
      %get3A_133 = arith.index_cast %mul3A_132 : i32 to index
      %get3A_134 = arith.constant 96 : index
      %get3A_135 = tpu.vector_load %arg6[%get3A_133, %get3A_134] {strides = array<i32>} : memref<64x1024xf32, #tpu.memory_space<vmem>>, vector<16xf32>,
      %mul3A_136 = arith.constant 2 : i32
      %mul3A_137 = arith.muli %mul3A_136, %scan3A_36 : i32
      %add3A_138 = arith.constant 1 : i32
      %add3A_139 = arith.addi %mul3A_137, %add3A_138 : i32
      %get3A_140 = arith.index_cast %add3A_139 : i32 to index
      %get3A_141 = arith.constant 96 : index
      %get3A_142 = tpu.vector_load %arg6[%get3A_140, %get3A_141] {strides = array<i32>} : memref<64x1024xf32, #tpu.memory_space<vmem>>, vector<16xf32>,
      %add3A_143 = arith.addf %get3A_135, %get3A_142 : vector<16xf32>
      %swap3A_144 = arith.index_cast %scan3A_36 : i32 to index
      %swap3A_145 = arith.constant 96 : index
      %swap3A_146 = tpu.vector_load %arg7[%swap3A_144, %swap3A_145] {strides = array<i32>} : memref<32x1024xf32, #tpu.memory_space<vmem>>, vector<16xf32>,
      tpu.vector_store %arg7[%swap3A_144, %swap3A_145], %add3A_143 {strides = array<i32>} : memref<32x1024xf32, #tpu.memory_space<vmem>>, vector<16xf32>,
      %mul3A_147 = arith.constant 2 : i32
      %mul3A_148 = arith.muli %mul3A_147, %scan3A_36 : i32
      %get3A_149 = arith.index_cast %mul3A_148 : i32 to index
      %get3A_150 = arith.constant 112 : index
      %get3A_151 = tpu.vector_load %arg6[%get3A_149, %get3A_150] {strides = array<i32>} : memref<64x1024xf32, #tpu.memory_space<vmem>>, vector<16xf32>,
      %mul3A_152 = arith.constant 2 : i32
      %mul3A_153 = arith.muli %mul3A_152, %scan3A_36 : i32
      %add3A_154 = arith.constant 1 : i32
      %add3A_155 = arith.addi %mul3A_153, %add3A_154 : i32
      %get3A_156 = arith.index_cast %add3A_155 : i32 to index
      %get3A_157 = arith.constant 112 : index
      %get3A_158 = tpu.vector_load %arg6[%get3A_156, %get3A_157] {strides = array<i32>} : memref<64x1024xf32, #tpu.memory_space<vmem>>, vector<16xf32>,
      %add3A_159 = arith.addf %get3A_151, %get3A_158 : vector<16xf32>
      %swap3A_160 = arith.index_cast %scan3A_36 : i32 to index
      %swap3A_161 = arith.constant 112 : index
      %swap3A_162 = tpu.vector_load %arg7[%swap3A_160, %swap3A_161] {strides = array<i32>} : memref<32x1024xf32, #tpu.memory_space<vmem>>, vector<16xf32>,
      tpu.vector_store %arg7[%swap3A_160, %swap3A_161], %add3A_159 {strides = array<i32>} : memref<32x1024xf32, #tpu.memory_space<vmem>>, vector<16xf32>,
      %mul3A_163 = arith.constant 2 : i32
      %mul3A_164 = arith.muli %mul3A_163, %scan3A_36 : i32
      %get3A_165 = arith.index_cast %mul3A_164 : i32 to index
      %get3A_166 = arith.constant 128 : index
      %get3A_167 = tpu.vector_load %arg6[%get3A_165, %get3A_166] {strides = array<i32>} : memref<64x1024xf32, #tpu.memory_space<vmem>>, vector<16xf32>,
      %mul3A_168 = arith.constant 2 : i32
      %mul3A_169 = arith.muli %mul3A_168, %scan3A_36 : i32
      %add3A_170 = arith.constant 1 : i32
      %add3A_171 = arith.addi %mul3A_169, %add3A_170 : i32
      %get3A_172 = arith.index_cast %add3A_171 : i32 to index
      %get3A_173 = arith.constant 128 : index
      %get3A_174 = tpu.vector_load %arg6[%get3A_172, %get3A_173] {strides = array<i32>} : memref<64x1024xf32, #tpu.memory_space<vmem>>, vector<16xf32>,
      %add3A_175 = arith.addf %get3A_167, %get3A_174 : vector<16xf32>
      %swap3A_176 = arith.index_cast %scan3A_36 : i32 to index
      %swap3A_177 = arith.constant 128 : index
      %swap3A_178 = tpu.vector_load %arg7[%swap3A_176, %swap3A_177] {strides = array<i32>} : memref<32x1024xf32, #tpu.memory_space<vmem>>, vector<16xf32>,
      tpu.vector_store %arg7[%swap3A_176, %swap3A_177], %add3A_175 {strides = array<i32>} : memref<32x1024xf32, #tpu.memory_space<vmem>>, vector<16xf32>,
      %mul3A_179 = arith.constant 2 : i32
      %mul3A_180 = arith.muli %mul3A_179, %scan3A_36 : i32
      %get3A_181 = arith.index_cast %mul3A_180 : i32 to index
      %get3A_182 = arith.constant 144 : index
      %get3A_183 = tpu.vector_load %arg6[%get3A_181, %get3A_182] {strides = array<i32>} : memref<64x1024xf32, #tpu.memory_space<vmem>>, vector<16xf32>,
      %mul3A_184 = arith.constant 2 : i32
      %mul3A_185 = arith.muli %mul3A_184, %scan3A_36 : i32
      %add3A_186 = arith.constant 1 : i32
      %add3A_187 = arith.addi %mul3A_185, %add3A_186 : i32
      %get3A_188 = arith.index_cast %add3A_187 : i32 to index
      %get3A_189 = arith.constant 144 : index
      %get3A_190 = tpu.vector_load %arg6[%get3A_188, %get3A_189] {strides = array<i32>} : memref<64x1024xf32, #tpu.memory_space<vmem>>, vector<16xf32>,
      %add3A_191 = arith.addf %get3A_183, %get3A_190 : vector<16xf32>
      %swap3A_192 = arith.index_cast %scan3A_36 : i32 to index
      %swap3A_193 = arith.constant 144 : index
      %swap3A_194 = tpu.vector_load %arg7[%swap3A_192, %swap3A_193] {strides = array<i32>} : memref<32x1024xf32, #tpu.memory_space<vmem>>, vector<16xf32>,
      tpu.vector_store %arg7[%swap3A_192, %swap3A_193], %add3A_191 {strides = array<i32>} : memref<32x1024xf32, #tpu.memory_space<vmem>>, vector<16xf32>,
      %mul3A_195 = arith.constant 2 : i32
      %mul3A_196 = arith.muli %mul3A_195, %scan3A_36 : i32
      %get3A_197 = arith.index_cast %mul3A_196 : i32 to index
      %get3A_198 = arith.constant 160 : index
      %get3A_199 = tpu.vector_load %arg6[%get3A_197, %get3A_198] {strides = array<i32>} : memref<64x1024xf32, #tpu.memory_space<vmem>>, vector<16xf32>,
      %mul3A_200 = arith.constant 2 : i32
      %mul3A_201 = arith.muli %mul3A_200, %scan3A_36 : i32
      %add3A_202 = arith.constant 1 : i32
      %add3A_203 = arith.addi %mul3A_201, %add3A_202 : i32
      %get3A_204 = arith.index_cast %add3A_203 : i32 to index
      %get3A_205 = arith.constant 160 : index
      %get3A_206 = tpu.vector_load %arg6[%get3A_204, %get3A_205] {strides = array<i32>} : memref<64x1024xf32, #tpu.memory_space<vmem>>, vector<16xf32>,
      %add3A_207 = arith.addf %get3A_199, %get3A_206 : vector<16xf32>
      %swap3A_208 = arith.index_cast %scan3A_36 : i32 to index
      %swap3A_209 = arith.constant 160 : index
      %swap3A_210 = tpu.vector_load %arg7[%swap3A_208, %swap3A_209] {strides = array<i32>} : memref<32x1024xf32, #tpu.memory_space<vmem>>, vector<16xf32>,
      tpu.vector_store %arg7[%swap3A_208, %swap3A_209], %add3A_207 {strides = array<i32>} : memref<32x1024xf32, #tpu.memory_space<vmem>>, vector<16xf32>,
      %mul3A_211 = arith.constant 2 : i32
      %mul3A_212 = arith.muli %mul3A_211, %scan3A_36 : i32
      %get3A_213 = arith.index_cast %mul3A_212 : i32 to index
      %get3A_214 = arith.constant 176 : index
      %get3A_215 = tpu.vector_load %arg6[%get3A_213, %get3A_214] {strides = array<i32>} : memref<64x1024xf32, #tpu.memory_space<vmem>>, vector<16xf32>,
      %mul3A_216 = arith.constant 2 : i32
      %mul3A_217 = arith.muli %mul3A_216, %scan3A_36 : i32
      %add3A_218 = arith.constant 1 : i32
      %add3A_219 = arith.addi %mul3A_217, %add3A_218 : i32
      %get3A_220 = arith.index_cast %add3A_219 : i32 to index
      %get3A_221 = arith.constant 176 : index
      %get3A_222 = tpu.vector_load %arg6[%get3A_220, %get3A_221] {strides = array<i32>} : memref<64x1024xf32, #tpu.memory_space<vmem>>, vector<16xf32>,
      %add3A_223 = arith.addf %get3A_215, %get3A_222 : vector<16xf32>
      %swap3A_224 = arith.index_cast %scan3A_36 : i32 to index
      %swap3A_225 = arith.constant 176 : index
      %swap3A_226 = tpu.vector_load %arg7[%swap3A_224, %swap3A_225] {strides = array<i32>} : memref<32x1024xf32, #tpu.memory_space<vmem>>, vector<16xf32>,
      tpu.vector_store %arg7[%swap3A_224, %swap3A_225], %add3A_223 {strides = array<i32>} : memref<32x1024xf32, #tpu.memory_space<vmem>>, vector<16xf32>,
      %mul3A_227 = arith.constant 2 : i32
      %mul3A_228 = arith.muli %mul3A_227, %scan3A_36 : i32
      %get3A_229 = arith.index_cast %mul3A_228 : i32 to index
      %get3A_230 = arith.constant 192 : index
      %get3A_231 = tpu.vector_load %arg6[%get3A_229, %get3A_230] {strides = array<i32>} : memref<64x1024xf32, #tpu.memory_space<vmem>>, vector<16xf32>,
      %mul3A_232 = arith.constant 2 : i32
      %mul3A_233 = arith.muli %mul3A_232, %scan3A_36 : i32
      %add3A_234 = arith.constant 1 : i32
      %add3A_235 = arith.addi %mul3A_233, %add3A_234 : i32
      %get3A_236 = arith.index_cast %add3A_235 : i32 to index
      %get3A_237 = arith.constant 192 : index
      %get3A_238 = tpu.vector_load %arg6[%get3A_236, %get3A_237] {strides = array<i32>} : memref<64x1024xf32, #tpu.memory_space<vmem>>, vector<16xf32>,
      %add3A_239 = arith.addf %get3A_231, %get3A_238 : vector<16xf32>
      %swap3A_240 = arith.index_cast %scan3A_36 : i32 to index
      %swap3A_241 = arith.constant 192 : index
      %swap3A_242 = tpu.vector_load %arg7[%swap3A_240, %swap3A_241] {strides = array<i32>} : memref<32x1024xf32, #tpu.memory_space<vmem>>, vector<16xf32>,
      tpu.vector_store %arg7[%swap3A_240, %swap3A_241], %add3A_239 {strides = array<i32>} : memref<32x1024xf32, #tpu.memory_space<vmem>>, vector<16xf32>,
      %mul3A_243 = arith.constant 2 : i32
      %mul3A_244 = arith.muli %mul3A_243, %scan3A_36 : i32
      %get3A_245 = arith.index_cast %mul3A_244 : i32 to index
      %get3A_246 = arith.constant 208 : index
      %get3A_247 = tpu.vector_load %arg6[%get3A_245, %get3A_246] {strides = array<i32>} : memref<64x1024xf32, #tpu.memory_space<vmem>>, vector<16xf32>,
      %mul3A_248 = arith.constant 2 : i32
      %mul3A_249 = arith.muli %mul3A_248, %scan3A_36 : i32
      %add3A_250 = arith.constant 1 : i32
      %add3A_251 = arith.addi %mul3A_249, %add3A_250 : i32
      %get3A_252 = arith.index_cast %add3A_251 : i32 to index
      %get3A_253 = arith.constant 208 : index
      %get3A_254 = tpu.vector_load %arg6[%get3A_252, %get3A_253] {strides = array<i32>} : memref<64x1024xf32, #tpu.memory_space<vmem>>, vector<16xf32>,
      %add3A_255 = arith.addf %get3A_247, %get3A_254 : vector<16xf32>
      %swap3A_256 = arith.index_cast %scan3A_36 : i32 to index
      %swap3A_257 = arith.constant 208 : index
      %swap3A_258 = tpu.vector_load %arg7[%swap3A_256, %swap3A_257] {strides = array<i32>} : memref<32x1024xf32, #tpu.memory_space<vmem>>, vector<16xf32>,
      tpu.vector_store %arg7[%swap3A_256, %swap3A_257], %add3A_255 {strides = array<i32>} : memref<32x1024xf32, #tpu.memory_space<vmem>>, vector<16xf32>,
      %mul3A_259 = arith.constant 2 : i32
      %mul3A_260 = arith.muli %mul3A_259, %scan3A_36 : i32
      %get3A_261 = arith.index_cast %mul3A_260 : i32 to index
      %get3A_262 = arith.constant 224 : index
      %get3A_263 = tpu.vector_load %arg6[%get3A_261, %get3A_262] {strides = array<i32>} : memref<64x1024xf32, #tpu.memory_space<vmem>>, vector<16xf32>,
      %mul3A_264 = arith.constant 2 : i32
      %mul3A_265 = arith.muli %mul3A_264, %scan3A_36 : i32
      %add3A_266 = arith.constant 1 : i32
      %add3A_267 = arith.addi %mul3A_265, %add3A_266 : i32
      %get3A_268 = arith.index_cast %add3A_267 : i32 to index
      %get3A_269 = arith.constant 224 : index
      %get3A_270 = tpu.vector_load %arg6[%get3A_268, %get3A_269] {strides = array<i32>} : memref<64x1024xf32, #tpu.memory_space<vmem>>, vector<16xf32>,
      %add3A_271 = arith.addf %get3A_263, %get3A_270 : vector<16xf32>
      %swap3A_272 = arith.index_cast %scan3A_36 : i32 to index
      %swap3A_273 = arith.constant 224 : index
      %swap3A_274 = tpu.vector_load %arg7[%swap3A_272, %swap3A_273] {strides = array<i32>} : memref<32x1024xf32, #tpu.memory_space<vmem>>, vector<16xf32>,
      tpu.vector_store %arg7[%swap3A_272, %swap3A_273], %add3A_271 {strides = array<i32>} : memref<32x1024xf32, #tpu.memory_space<vmem>>, vector<16xf32>,
      %mul3A_275 = arith.constant 2 : i32
      %mul3A_276 = arith.muli %mul3A_275, %scan3A_36 : i32
      %get3A_277 = arith.index_cast %mul3A_276 : i32 to index
      %get3A_278 = arith.constant 240 : index
      %get3A_279 = tpu.vector_load %arg6[%get3A_277, %get3A_278] {strides = array<i32>} : memref<64x1024xf32, #tpu.memory_space<vmem>>, vector<16xf32>,
      %mul3A_280 = arith.constant 2 : i32
      %mul3A_281 = arith.muli %mul3A_280, %scan3A_36 : i32
      %add3A_282 = arith.constant 1 : i32
      %add3A_283 = arith.addi %mul3A_281, %add3A_282 : i32
      %get3A_284 = arith.index_cast %add3A_283 : i32 to index
      %get3A_285 = arith.constant 240 : index
      %get3A_286 = tpu.vector_load %arg6[%get3A_284, %get3A_285] {strides = array<i32>} : memref<64x1024xf32, #tpu.memory_space<vmem>>, vector<16xf32>,
      %add3A_287 = arith.addf %get3A_279, %get3A_286 : vector<16xf32>
      %swap3A_288 = arith.index_cast %scan3A_36 : i32 to index
      %swap3A_289 = arith.constant 240 : index
      %swap3A_290 = tpu.vector_load %arg7[%swap3A_288, %swap3A_289] {strides = array<i32>} : memref<32x1024xf32, #tpu.memory_space<vmem>>, vector<16xf32>,
      tpu.vector_store %arg7[%swap3A_288, %swap3A_289], %add3A_287 {strides = array<i32>} : memref<32x1024xf32, #tpu.memory_space<vmem>>, vector<16xf32>,
      %mul3A_291 = arith.constant 2 : i32
      %mul3A_292 = arith.muli %mul3A_291, %scan3A_36 : i32
      %get3A_293 = arith.index_cast %mul3A_292 : i32 to index
      %get3A_294 = arith.constant 256 : index
      %get3A_295 = tpu.vector_load %arg6[%get3A_293, %get3A_294] {strides = array<i32>} : memref<64x1024xf32, #tpu.memory_space<vmem>>, vector<16xf32>,
      %mul3A_296 = arith.constant 2 : i32
      %mul3A_297 = arith.muli %mul3A_296, %scan3A_36 : i32
      %add3A_298 = arith.constant 1 : i32
      %add3A_299 = arith.addi %mul3A_297, %add3A_298 : i32
      %get3A_300 = arith.index_cast %add3A_299 : i32 to index
      %get3A_301 = arith.constant 256 : index
      %get3A_302 = tpu.vector_load %arg6[%get3A_300, %get3A_301] {strides = array<i32>} : memref<64x1024xf32, #tpu.memory_space<vmem>>, vector<16xf32>,
      %add3A_303 = arith.addf %get3A_295, %get3A_302 : vector<16xf32>
      %swap3A_304 = arith.index_cast %scan3A_36 : i32 to index
      %swap3A_305 = arith.constant 256 : index
      %swap3A_306 = tpu.vector_load %arg7[%swap3A_304, %swap3A_305] {strides = array<i32>} : memref<32x1024xf32, #tpu.memory_space<vmem>>, vector<16xf32>,
      tpu.vector_store %arg7[%swap3A_304, %swap3A_305], %add3A_303 {strides = array<i32>} : memref<32x1024xf32, #tpu.memory_space<vmem>>, vector<16xf32>,
      %mul3A_307 = arith.constant 2 : i32
      %mul3A_308 = arith.muli %mul3A_307, %scan3A_36 : i32
      %get3A_309 = arith.index_cast %mul3A_308 : i32 to index
      %get3A_310 = arith.constant 272 : index
      %get3A_311 = tpu.vector_load %arg6[%get3A_309, %get3A_310] {strides = array<i32>} : memref<64x1024xf32, #tpu.memory_space<vmem>>, vector<16xf32>,
      %mul3A_312 = arith.constant 2 : i32
      %mul3A_313 = arith.muli %mul3A_312, %scan3A_36 : i32
      %add3A_314 = arith.constant 1 : i32
      %add3A_315 = arith.addi %mul3A_313, %add3A_314 : i32
      %get3A_316 = arith.index_cast %add3A_315 : i32 to index
      %get3A_317 = arith.constant 272 : index
      %get3A_318 = tpu.vector_load %arg6[%get3A_316, %get3A_317] {strides = array<i32>} : memref<64x1024xf32, #tpu.memory_space<vmem>>, vector<16xf32>,
      %add3A_319 = arith.addf %get3A_311, %get3A_318 : vector<16xf32>
      %swap3A_320 = arith.index_cast %scan3A_36 : i32 to index
      %swap3A_321 = arith.constant 272 : index
      %swap3A_322 = tpu.vector_load %arg7[%swap3A_320, %swap3A_321] {strides = array<i32>} : memref<32x1024xf32, #tpu.memory_space<vmem>>, vector<16xf32>,
      tpu.vector_store %arg7[%swap3A_320, %swap3A_321], %add3A_319 {strides = array<i32>} : memref<32x1024xf32, #tpu.memory_space<vmem>>, vector<16xf32>,
      %mul3A_323 = arith.constant 2 : i32
      %mul3A_324 = arith.muli %mul3A_323, %scan3A_36 : i32
      %get3A_325 = arith.index_cast %mul3A_324 : i32 to index
      %get3A_326 = arith.constant 288 : index
      %get3A_327 = tpu.vector_load %arg6[%get3A_325, %get3A_326] {strides = array<i32>} : memref<64x1024xf32, #tpu.memory_space<vmem>>, vector<16xf32>,
      %mul3A_328 = arith.constant 2 : i32
      %mul3A_329 = arith.muli %mul3A_328, %scan3A_36 : i32
      %add3A_330 = arith.constant 1 : i32
      %add3A_331 = arith.addi %mul3A_329, %add3A_330 : i32
      %get3A_332 = arith.index_cast %add3A_331 : i32 to index
      %get3A_333 = arith.constant 288 : index
      %get3A_334 = tpu.vector_load %arg6[%get3A_332, %get3A_333] {strides = array<i32>} : memref<64x1024xf32, #tpu.memory_space<vmem>>, vector<16xf32>,
      %add3A_335 = arith.addf %get3A_327, %get3A_334 : vector<16xf32>
      %swap3A_336 = arith.index_cast %scan3A_36 : i32 to index
      %swap3A_337 = arith.constant 288 : index
      %swap3A_338 = tpu.vector_load %arg7[%swap3A_336, %swap3A_337] {strides = array<i32>} : memref<32x1024xf32, #tpu.memory_space<vmem>>, vector<16xf32>,
      tpu.vector_store %arg7[%swap3A_336, %swap3A_337], %add3A_335 {strides = array<i32>} : memref<32x1024xf32, #tpu.memory_space<vmem>>, vector<16xf32>,
      %mul3A_339 = arith.constant 2 : i32
      %mul3A_340 = arith.muli %mul3A_339, %scan3A_36 : i32
      %get3A_341 = arith.index_cast %mul3A_340 : i32 to index
      %get3A_342 = arith.constant 304 : index
      %get3A_343 = tpu.vector_load %arg6[%get3A_341, %get3A_342] {strides = array<i32>} : memref<64x1024xf32, #tpu.memory_space<vmem>>, vector<16xf32>,
      %mul3A_344 = arith.constant 2 : i32
      %mul3A_345 = arith.muli %mul3A_344, %scan3A_36 : i32
      %add3A_346 = arith.constant 1 : i32
      %add3A_347 = arith.addi %mul3A_345, %add3A_346 : i32
      %get3A_348 = arith.index_cast %add3A_347 : i32 to index
      %get3A_349 = arith.constant 304 : index
      %get3A_350 = tpu.vector_load %arg6[%get3A_348, %get3A_349] {strides = array<i32>} : memref<64x1024xf32, #tpu.memory_space<vmem>>, vector<16xf32>,
      %add3A_351 = arith.addf %get3A_343, %get3A_350 : vector<16xf32>
      %swap3A_352 = arith.index_cast %scan3A_36 : i32 to index
      %swap3A_353 = arith.constant 304 : index
      %swap3A_354 = tpu.vector_load %arg7[%swap3A_352, %swap3A_353] {strides = array<i32>} : memref<32x1024xf32, #tpu.memory_space<vmem>>, vector<16xf32>,
      tpu.vector_store %arg7[%swap3A_352, %swap3A_353], %add3A_351 {strides = array<i32>} : memref<32x1024xf32, #tpu.memory_space<vmem>>, vector<16xf32>,
      %mul3A_355 = arith.constant 2 : i32
      %mul3A_356 = arith.muli %mul3A_355, %scan3A_36 : i32
      %get3A_357 = arith.index_cast %mul3A_356 : i32 to index
      %get3A_358 = arith.constant 320 : index
      %get3A_359 = tpu.vector_load %arg6[%get3A_357, %get3A_358] {strides = array<i32>} : memref<64x1024xf32, #tpu.memory_space<vmem>>, vector<16xf32>,
      %mul3A_360 = arith.constant 2 : i32
      %mul3A_361 = arith.muli %mul3A_360, %scan3A_36 : i32
      %add3A_362 = arith.constant 1 : i32
      %add3A_363 = arith.addi %mul3A_361, %add3A_362 : i32
      %get3A_364 = arith.index_cast %add3A_363 : i32 to index
      %get3A_365 = arith.constant 320 : index
      %get3A_366 = tpu.vector_load %arg6[%get3A_364, %get3A_365] {strides = array<i32>} : memref<64x1024xf32, #tpu.memory_space<vmem>>, vector<16xf32>,
      %add3A_367 = arith.addf %get3A_359, %get3A_366 : vector<16xf32>
      %swap3A_368 = arith.index_cast %scan3A_36 : i32 to index
      %swap3A_369 = arith.constant 320 : index
      %swap3A_370 = tpu.vector_load %arg7[%swap3A_368, %swap3A_369] {strides = array<i32>} : memref<32x1024xf32, #tpu.memory_space<vmem>>, vector<16xf32>,
      tpu.vector_store %arg7[%swap3A_368, %swap3A_369], %add3A_367 {strides = array<i32>} : memref<32x1024xf32, #tpu.memory_space<vmem>>, vector<16xf32>,
      %mul3A_371 = arith.constant 2 : i32
      %mul3A_372 = arith.muli %mul3A_371, %scan3A_36 : i32
      %get3A_373 = arith.index_cast %mul3A_372 : i32 to index
      %get3A_374 = arith.constant 336 : index
      %get3A_375 = tpu.vector_load %arg6[%get3A_373, %get3A_374] {strides = array<i32>} : memref<64x1024xf32, #tpu.memory_space<vmem>>, vector<16xf32>,
      %mul3A_376 = arith.constant 2 : i32
      %mul3A_377 = arith.muli %mul3A_376, %scan3A_36 : i32
      %add3A_378 = arith.constant 1 : i32
      %add3A_379 = arith.addi %mul3A_377, %add3A_378 : i32
      %get3A_380 = arith.index_cast %add3A_379 : i32 to index
      %get3A_381 = arith.constant 336 : index
      %get3A_382 = tpu.vector_load %arg6[%get3A_380, %get3A_381] {strides = array<i32>} : memref<64x1024xf32, #tpu.memory_space<vmem>>, vector<16xf32>,
      %add3A_383 = arith.addf %get3A_375, %get3A_382 : vector<16xf32>
      %swap3A_384 = arith.index_cast %scan3A_36 : i32 to index
      %swap3A_385 = arith.constant 336 : index
      %swap3A_386 = tpu.vector_load %arg7[%swap3A_384, %swap3A_385] {strides = array<i32>} : memref<32x1024xf32, #tpu.memory_space<vmem>>, vector<16xf32>,
      tpu.vector_store %arg7[%swap3A_384, %swap3A_385], %add3A_383 {strides = array<i32>} : memref<32x1024xf32, #tpu.memory_space<vmem>>, vector<16xf32>,
      %mul3A_387 = arith.constant 2 : i32
      %mul3A_388 = arith.muli %mul3A_387, %scan3A_36 : i32
      %get3A_389 = arith.index_cast %mul3A_388 : i32 to index
      %get3A_390 = arith.constant 352 : index
      %get3A_391 = tpu.vector_load %arg6[%get3A_389, %get3A_390] {strides = array<i32>} : memref<64x1024xf32, #tpu.memory_space<vmem>>, vector<16xf32>,
      %mul3A_392 = arith.constant 2 : i32
      %mul3A_393 = arith.muli %mul3A_392, %scan3A_36 : i32
      %add3A_394 = arith.constant 1 : i32
      %add3A_395 = arith.addi %mul3A_393, %add3A_394 : i32
      %get3A_396 = arith.index_cast %add3A_395 : i32 to index
      %get3A_397 = arith.constant 352 : index
      %get3A_398 = tpu.vector_load %arg6[%get3A_396, %get3A_397] {strides = array<i32>} : memref<64x1024xf32, #tpu.memory_space<vmem>>, vector<16xf32>,
      %add3A_399 = arith.addf %get3A_391, %get3A_398 : vector<16xf32>
      %swap3A_400 = arith.index_cast %scan3A_36 : i32 to index
      %swap3A_401 = arith.constant 352 : index
      %swap3A_402 = tpu.vector_load %arg7[%swap3A_400, %swap3A_401] {strides = array<i32>} : memref<32x1024xf32, #tpu.memory_space<vmem>>, vector<16xf32>,
      tpu.vector_store %arg7[%swap3A_400, %swap3A_401], %add3A_399 {strides = array<i32>} : memref<32x1024xf32, #tpu.memory_space<vmem>>, vector<16xf32>,
      %mul3A_403 = arith.constant 2 : i32
      %mul3A_404 = arith.muli %mul3A_403, %scan3A_36 : i32
      %get3A_405 = arith.index_cast %mul3A_404 : i32 to index
      %get3A_406 = arith.constant 368 : index
      %get3A_407 = tpu.vector_load %arg6[%get3A_405, %get3A_406] {strides = array<i32>} : memref<64x1024xf32, #tpu.memory_space<vmem>>, vector<16xf32>,
      %mul3A_408 = arith.constant 2 : i32
      %mul3A_409 = arith.muli %mul3A_408, %scan3A_36 : i32
      %add3A_410 = arith.constant 1 : i32
      %add3A_411 = arith.addi %mul3A_409, %add3A_410 : i32
      %get3A_412 = arith.index_cast %add3A_411 : i32 to index
      %get3A_413 = arith.constant 368 : index
      %get3A_414 = tpu.vector_load %arg6[%get3A_412, %get3A_413] {strides = array<i32>} : memref<64x1024xf32, #tpu.memory_space<vmem>>, vector<16xf32>,
      %add3A_415 = arith.addf %get3A_407, %get3A_414 : vector<16xf32>
      %swap3A_416 = arith.index_cast %scan3A_36 : i32 to index
      %swap3A_417 = arith.constant 368 : index
      %swap3A_418 = tpu.vector_load %arg7[%swap3A_416, %swap3A_417] {strides = array<i32>} : memref<32x1024xf32, #tpu.memory_space<vmem>>, vector<16xf32>,
      tpu.vector_store %arg7[%swap3A_416, %swap3A_417], %add3A_415 {strides = array<i32>} : memref<32x1024xf32, #tpu.memory_space<vmem>>, vector<16xf32>,
      %mul3A_419 = arith.constant 2 : i32
      %mul3A_420 = arith.muli %mul3A_419, %scan3A_36 : i32
      %get3A_421 = arith.index_cast %mul3A_420 : i32 to index
      %get3A_422 = arith.constant 384 : index
      %get3A_423 = tpu.vector_load %arg6[%get3A_421, %get3A_422] {strides = array<i32>} : memref<64x1024xf32, #tpu.memory_space<vmem>>, vector<16xf32>,
      %mul3A_424 = arith.constant 2 : i32
      %mul3A_425 = arith.muli %mul3A_424, %scan3A_36 : i32
      %add3A_426 = arith.constant 1 : i32
      %add3A_427 = arith.addi %mul3A_425, %add3A_426 : i32
      %get3A_428 = arith.index_cast %add3A_427 : i32 to index
      %get3A_429 = arith.constant 384 : index
      %get3A_430 = tpu.vector_load %arg6[%get3A_428, %get3A_429] {strides = array<i32>} : memref<64x1024xf32, #tpu.memory_space<vmem>>, vector<16xf32>,
      %add3A_431 = arith.addf %get3A_423, %get3A_430 : vector<16xf32>
      %swap3A_432 = arith.index_cast %scan3A_36 : i32 to index
      %swap3A_433 = arith.constant 384 : index
      %swap3A_434 = tpu.vector_load %arg7[%swap3A_432, %swap3A_433] {strides = array<i32>} : memref<32x1024xf32, #tpu.memory_space<vmem>>, vector<16xf32>,
      tpu.vector_store %arg7[%swap3A_432, %swap3A_433], %add3A_431 {strides = array<i32>} : memref<32x1024xf32, #tpu.memory_space<vmem>>, vector<16xf32>,
      %mul3A_435 = arith.constant 2 : i32
      %mul3A_436 = arith.muli %mul3A_435, %scan3A_36 : i32
      %get3A_437 = arith.index_cast %mul3A_436 : i32 to index
      %get3A_438 = arith.constant 400 : index
      %get3A_439 = tpu.vector_load %arg6[%get3A_437, %get3A_438] {strides = array<i32>} : memref<64x1024xf32, #tpu.memory_space<vmem>>, vector<16xf32>,
      %mul3A_440 = arith.constant 2 : i32
      %mul3A_441 = arith.muli %mul3A_440, %scan3A_36 : i32
      %add3A_442 = arith.constant 1 : i32
      %add3A_443 = arith.addi %mul3A_441, %add3A_442 : i32
      %get3A_444 = arith.index_cast %add3A_443 : i32 to index
      %get3A_445 = arith.constant 400 : index
      %get3A_446 = tpu.vector_load %arg6[%get3A_444, %get3A_445] {strides = array<i32>} : memref<64x1024xf32, #tpu.memory_space<vmem>>, vector<16xf32>,
      %add3A_447 = arith.addf %get3A_439, %get3A_446 : vector<16xf32>
      %swap3A_448 = arith.index_cast %scan3A_36 : i32 to index
      %swap3A_449 = arith.constant 400 : index
      %swap3A_450 = tpu.vector_load %arg7[%swap3A_448, %swap3A_449] {strides = array<i32>} : memref<32x1024xf32, #tpu.memory_space<vmem>>, vector<16xf32>,
      tpu.vector_store %arg7[%swap3A_448, %swap3A_449], %add3A_447 {strides = array<i32>} : memref<32x1024xf32, #tpu.memory_space<vmem>>, vector<16xf32>,
      %mul3A_451 = arith.constant 2 : i32
      %mul3A_452 = arith.muli %mul3A_451, %scan3A_36 : i32
      %get3A_453 = arith.index_cast %mul3A_452 : i32 to index
      %get3A_454 = arith.constant 416 : index
      %get3A_455 = tpu.vector_load %arg6[%get3A_453, %get3A_454] {strides = array<i32>} : memref<64x1024xf32, #tpu.memory_space<vmem>>, vector<16xf32>,
      %mul3A_456 = arith.constant 2 : i32
      %mul3A_457 = arith.muli %mul3A_456, %scan3A_36 : i32
      %add3A_458 = arith.constant 1 : i32
      %add3A_459 = arith.addi %mul3A_457, %add3A_458 : i32
      %get3A_460 = arith.index_cast %add3A_459 : i32 to index
      %get3A_461 = arith.constant 416 : index
      %get3A_462 = tpu.vector_load %arg6[%get3A_460, %get3A_461] {strides = array<i32>} : memref<64x1024xf32, #tpu.memory_space<vmem>>, vector<16xf32>,
      %add3A_463 = arith.addf %get3A_455, %get3A_462 : vector<16xf32>
      %swap3A_464 = arith.index_cast %scan3A_36 : i32 to index
      %swap3A_465 = arith.constant 416 : index
      %swap3A_466 = tpu.vector_load %arg7[%swap3A_464, %swap3A_465] {strides = array<i32>} : memref<32x1024xf32, #tpu.memory_space<vmem>>, vector<16xf32>,
      tpu.vector_store %arg7[%swap3A_464, %swap3A_465], %add3A_463 {strides = array<i32>} : memref<32x1024xf32, #tpu.memory_space<vmem>>, vector<16xf32>,
      %mul3A_467 = arith.constant 2 : i32
      %mul3A_468 = arith.muli %mul3A_467, %scan3A_36 : i32
      %get3A_469 = arith.index_cast %mul3A_468 : i32 to index
      %get3A_470 = arith.constant 432 : index
      %get3A_471 = tpu.vector_load %arg6[%get3A_469, %get3A_470] {strides = array<i32>} : memref<64x1024xf32, #tpu.memory_space<vmem>>, vector<16xf32>,
      %mul3A_472 = arith.constant 2 : i32
      %mul3A_473 = arith.muli %mul3A_472, %scan3A_36 : i32
      %add3A_474 = arith.constant 1 : i32
      %add3A_475 = arith.addi %mul3A_473, %add3A_474 : i32
      %get3A_476 = arith.index_cast %add3A_475 : i32 to index
      %get3A_477 = arith.constant 432 : index
      %get3A_478 = tpu.vector_load %arg6[%get3A_476, %get3A_477] {strides = array<i32>} : memref<64x1024xf32, #tpu.memory_space<vmem>>, vector<16xf32>,
      %add3A_479 = arith.addf %get3A_471, %get3A_478 : vector<16xf32>
      %swap3A_480 = arith.index_cast %scan3A_36 : i32 to index
      %swap3A_481 = arith.constant 432 : index
      %swap3A_482 = tpu.vector_load %arg7[%swap3A_480, %swap3A_481] {strides = array<i32>} : memref<32x1024xf32, #tpu.memory_space<vmem>>, vector<16xf32>,
      tpu.vector_store %arg7[%swap3A_480, %swap3A_481], %add3A_479 {strides = array<i32>} : memref<32x1024xf32, #tpu.memory_space<vmem>>, vector<16xf32>,
      %mul3A_483 = arith.constant 2 : i32
      %mul3A_484 = arith.muli %mul3A_483, %scan3A_36 : i32
      %get3A_485 = arith.index_cast %mul3A_484 : i32 to index
      %get3A_486 = arith.constant 448 : index
      %get3A_487 = tpu.vector_load %arg6[%get3A_485, %get3A_486] {strides = array<i32>} : memref<64x1024xf32, #tpu.memory_space<vmem>>, vector<16xf32>,
      %mul3A_488 = arith.constant 2 : i32
      %mul3A_489 = arith.muli %mul3A_488, %scan3A_36 : i32
      %add3A_490 = arith.constant 1 : i32
      %add3A_491 = arith.addi %mul3A_489, %add3A_490 : i32
      %get3A_492 = arith.index_cast %add3A_491 : i32 to index
      %get3A_493 = arith.constant 448 : index
      %get3A_494 = tpu.vector_load %arg6[%get3A_492, %get3A_493] {strides = array<i32>} : memref<64x1024xf32, #tpu.memory_space<vmem>>, vector<16xf32>,
      %add3A_495 = arith.addf %get3A_487, %get3A_494 : vector<16xf32>
      %swap3A_496 = arith.index_cast %scan3A_36 : i32 to index
      %swap3A_497 = arith.constant 448 : index
      %swap3A_498 = tpu.vector_load %arg7[%swap3A_496, %swap3A_497] {strides = array<i32>} : memref<32x1024xf32, #tpu.memory_space<vmem>>, vector<16xf32>,
      tpu.vector_store %arg7[%swap3A_496, %swap3A_497], %add3A_495 {strides = array<i32>} : memref<32x1024xf32, #tpu.memory_space<vmem>>, vector<16xf32>,
      %mul3A_499 = arith.constant 2 : i32
      %mul3A_500 = arith.muli %mul3A_499, %scan3A_36 : i32
      %get3A_501 = arith.index_cast %mul3A_500 : i32 to index
      %get3A_502 = arith.constant 464 : index
      %get3A_503 = tpu.vector_load %arg6[%get3A_501, %get3A_502] {strides = array<i32>} : memref<64x1024xf32, #tpu.memory_space<vmem>>, vector<16xf32>,
      %mul3A_504 = arith.constant 2 : i32
      %mul3A_505 = arith.muli %mul3A_504, %scan3A_36 : i32
      %add3A_506 = arith.constant 1 : i32
      %add3A_507 = arith.addi %mul3A_505, %add3A_506 : i32
      %get3A_508 = arith.index_cast %add3A_507 : i32 to index
      %get3A_509 = arith.constant 464 : index
      %get3A_510 = tpu.vector_load %arg6[%get3A_508, %get3A_509] {strides = array<i32>} : memref<64x1024xf32, #tpu.memory_space<vmem>>, vector<16xf32>,
      %add3A_511 = arith.addf %get3A_503, %get3A_510 : vector<16xf32>
      %swap3A_512 = arith.index_cast %scan3A_36 : i32 to index
      %swap3A_513 = arith.constant 464 : index
      %swap3A_514 = tpu.vector_load %arg7[%swap3A_512, %swap3A_513] {strides = array<i32>} : memref<32x1024xf32, #tpu.memory_space<vmem>>, vector<16xf32>,
      tpu.vector_store %arg7[%swap3A_512, %swap3A_513], %add3A_511 {strides = array<i32>} : memref<32x1024xf32, #tpu.memory_space<vmem>>, vector<16xf32>,
      %mul3A_515 = arith.constant 2 : i32
      %mul3A_516 = arith.muli %mul3A_515, %scan3A_36 : i32
      %get3A_517 = arith.index_cast %mul3A_516 : i32 to index
      %get3A_518 = arith.constant 480 : index
      %get3A_519 = tpu.vector_load %arg6[%get3A_517, %get3A_518] {strides = array<i32>} : memref<64x1024xf32, #tpu.memory_space<vmem>>, vector<16xf32>,
      %mul3A_520 = arith.constant 2 : i32
      %mul3A_521 = arith.muli %mul3A_520, %scan3A_36 : i32
      %add3A_522 = arith.constant 1 : i32
      %add3A_523 = arith.addi %mul3A_521, %add3A_522 : i32
      %get3A_524 = arith.index_cast %add3A_523 : i32 to index
      %get3A_525 = arith.constant 480 : index
      %get3A_526 = tpu.vector_load %arg6[%get3A_524, %get3A_525] {strides = array<i32>} : memref<64x1024xf32, #tpu.memory_space<vmem>>, vector<16xf32>,
      %add3A_527 = arith.addf %get3A_519, %get3A_526 : vector<16xf32>
      %swap3A_528 = arith.index_cast %scan3A_36 : i32 to index
      %swap3A_529 = arith.constant 480 : index
      %swap3A_530 = tpu.vector_load %arg7[%swap3A_528, %swap3A_529] {strides = array<i32>} : memref<32x1024xf32, #tpu.memory_space<vmem>>, vector<16xf32>,
      tpu.vector_store %arg7[%swap3A_528, %swap3A_529], %add3A_527 {strides = array<i32>} : memref<32x1024xf32, #tpu.memory_space<vmem>>, vector<16xf32>,
      %mul3A_531 = arith.constant 2 : i32
      %mul3A_532 = arith.muli %mul3A_531, %scan3A_36 : i32
      %get3A_533 = arith.index_cast %mul3A_532 : i32 to index
      %get3A_534 = arith.constant 496 : index
      %get3A_535 = tpu.vector_load %arg6[%get3A_533, %get3A_534] {strides = array<i32>} : memref<64x1024xf32, #tpu.memory_space<vmem>>, vector<16xf32>,
      %mul3A_536 = arith.constant 2 : i32
      %mul3A_537 = arith.muli %mul3A_536, %scan3A_36 : i32
      %add3A_538 = arith.constant 1 : i32
      %add3A_539 = arith.addi %mul3A_537, %add3A_538 : i32
      %get3A_540 = arith.index_cast %add3A_539 : i32 to index
      %get3A_541 = arith.constant 496 : index
      %get3A_542 = tpu.vector_load %arg6[%get3A_540, %get3A_541] {strides = array<i32>} : memref<64x1024xf32, #tpu.memory_space<vmem>>, vector<16xf32>,
      %add3A_543 = arith.addf %get3A_535, %get3A_542 : vector<16xf32>
      %swap3A_544 = arith.index_cast %scan3A_36 : i32 to index
      %swap3A_545 = arith.constant 496 : index
      %swap3A_546 = tpu.vector_load %arg7[%swap3A_544, %swap3A_545] {strides = array<i32>} : memref<32x1024xf32, #tpu.memory_space<vmem>>, vector<16xf32>,
      tpu.vector_store %arg7[%swap3A_544, %swap3A_545], %add3A_543 {strides = array<i32>} : memref<32x1024xf32, #tpu.memory_space<vmem>>, vector<16xf32>,
      %mul3A_547 = arith.constant 2 : i32
      %mul3A_548 = arith.muli %mul3A_547, %scan3A_36 : i32
      %get3A_549 = arith.index_cast %mul3A_548 : i32 to index
      %get3A_550 = arith.constant 512 : index
      %get3A_551 = tpu.vector_load %arg6[%get3A_549, %get3A_550] {strides = array<i32>} : memref<64x1024xf32, #tpu.memory_space<vmem>>, vector<16xf32>,
      %mul3A_552 = arith.constant 2 : i32
      %mul3A_553 = arith.muli %mul3A_552, %scan3A_36 : i32
      %add3A_554 = arith.constant 1 : i32
      %add3A_555 = arith.addi %mul3A_553, %add3A_554 : i32
      %get3A_556 = arith.index_cast %add3A_555 : i32 to index
      %get3A_557 = arith.constant 512 : index
      %get3A_558 = tpu.vector_load %arg6[%get3A_556, %get3A_557] {strides = array<i32>} : memref<64x1024xf32, #tpu.memory_space<vmem>>, vector<16xf32>,
      %add3A_559 = arith.addf %get3A_551, %get3A_558 : vector<16xf32>
      %swap3A_560 = arith.index_cast %scan3A_36 : i32 to index
      %swap3A_561 = arith.constant 512 : index
      %swap3A_562 = tpu.vector_load %arg7[%swap3A_560, %swap3A_561] {strides = array<i32>} : memref<32x1024xf32, #tpu.memory_space<vmem>>, vector<16xf32>,
      tpu.vector_store %arg7[%swap3A_560, %swap3A_561], %add3A_559 {strides = array<i32>} : memref<32x1024xf32, #tpu.memory_space<vmem>>, vector<16xf32>,
      %mul3A_563 = arith.constant 2 : i32
      %mul3A_564 = arith.muli %mul3A_563, %scan3A_36 : i32
      %get3A_565 = arith.index_cast %mul3A_564 : i32 to index
      %get3A_566 = arith.constant 528 : index
      %get3A_567 = tpu.vector_load %arg6[%get3A_565, %get3A_566] {strides = array<i32>} : memref<64x1024xf32, #tpu.memory_space<vmem>>, vector<16xf32>,
      %mul3A_568 = arith.constant 2 : i32
      %mul3A_569 = arith.muli %mul3A_568, %scan3A_36 : i32
      %add3A_570 = arith.constant 1 : i32
      %add3A_571 = arith.addi %mul3A_569, %add3A_570 : i32
      %get3A_572 = arith.index_cast %add3A_571 : i32 to index
      %get3A_573 = arith.constant 528 : index
      %get3A_574 = tpu.vector_load %arg6[%get3A_572, %get3A_573] {strides = array<i32>} : memref<64x1024xf32, #tpu.memory_space<vmem>>, vector<16xf32>,
      %add3A_575 = arith.addf %get3A_567, %get3A_574 : vector<16xf32>
      %swap3A_576 = arith.index_cast %scan3A_36 : i32 to index
      %swap3A_577 = arith.constant 528 : index
      %swap3A_578 = tpu.vector_load %arg7[%swap3A_576, %swap3A_577] {strides = array<i32>} : memref<32x1024xf32, #tpu.memory_space<vmem>>, vector<16xf32>,
      tpu.vector_store %arg7[%swap3A_576, %swap3A_577], %add3A_575 {strides = array<i32>} : memref<32x1024xf32, #tpu.memory_space<vmem>>, vector<16xf32>,
      %mul3A_579 = arith.constant 2 : i32
      %mul3A_580 = arith.muli %mul3A_579, %scan3A_36 : i32
      %get3A_581 = arith.index_cast %mul3A_580 : i32 to index
      %get3A_582 = arith.constant 544 : index
      %get3A_583 = tpu.vector_load %arg6[%get3A_581, %get3A_582] {strides = array<i32>} : memref<64x1024xf32, #tpu.memory_space<vmem>>, vector<16xf32>,
      %mul3A_584 = arith.constant 2 : i32
      %mul3A_585 = arith.muli %mul3A_584, %scan3A_36 : i32
      %add3A_586 = arith.constant 1 : i32
      %add3A_587 = arith.addi %mul3A_585, %add3A_586 : i32
      %get3A_588 = arith.index_cast %add3A_587 : i32 to index
      %get3A_589 = arith.constant 544 : index
      %get3A_590 = tpu.vector_load %arg6[%get3A_588, %get3A_589] {strides = array<i32>} : memref<64x1024xf32, #tpu.memory_space<vmem>>, vector<16xf32>,
      %add3A_591 = arith.addf %get3A_583, %get3A_590 : vector<16xf32>
      %swap3A_592 = arith.index_cast %scan3A_36 : i32 to index
      %swap3A_593 = arith.constant 544 : index
      %swap3A_594 = tpu.vector_load %arg7[%swap3A_592, %swap3A_593] {strides = array<i32>} : memref<32x1024xf32, #tpu.memory_space<vmem>>, vector<16xf32>,
      tpu.vector_store %arg7[%swap3A_592, %swap3A_593], %add3A_591 {strides = array<i32>} : memref<32x1024xf32, #tpu.memory_space<vmem>>, vector<16xf32>,
      %mul3A_595 = arith.constant 2 : i32
      %mul3A_596 = arith.muli %mul3A_595, %scan3A_36 : i32
      %get3A_597 = arith.index_cast %mul3A_596 : i32 to index
      %get3A_598 = arith.constant 560 : index
      %get3A_599 = tpu.vector_load %arg6[%get3A_597, %get3A_598] {strides = array<i32>} : memref<64x1024xf32, #tpu.memory_space<vmem>>, vector<16xf32>,
      %mul3A_600 = arith.constant 2 : i32
      %mul3A_601 = arith.muli %mul3A_600, %scan3A_36 : i32
      %add3A_602 = arith.constant 1 : i32
      %add3A_603 = arith.addi %mul3A_601, %add3A_602 : i32
      %get3A_604 = arith.index_cast %add3A_603 : i32 to index
      %get3A_605 = arith.constant 560 : index
      %get3A_606 = tpu.vector_load %arg6[%get3A_604, %get3A_605] {strides = array<i32>} : memref<64x1024xf32, #tpu.memory_space<vmem>>, vector<16xf32>,
      %add3A_607 = arith.addf %get3A_599, %get3A_606 : vector<16xf32>
      %swap3A_608 = arith.index_cast %scan3A_36 : i32 to index
      %swap3A_609 = arith.constant 560 : index
      %swap3A_610 = tpu.vector_load %arg7[%swap3A_608, %swap3A_609] {strides = array<i32>} : memref<32x1024xf32, #tpu.memory_space<vmem>>, vector<16xf32>,
      tpu.vector_store %arg7[%swap3A_608, %swap3A_609], %add3A_607 {strides = array<i32>} : memref<32x1024xf32, #tpu.memory_space<vmem>>, vector<16xf32>,
      %mul3A_611 = arith.constant 2 : i32
      %mul3A_612 = arith.muli %mul3A_611, %scan3A_36 : i32
      %get3A_613 = arith.index_cast %mul3A_612 : i32 to index
      %get3A_614 = arith.constant 576 : index
      %get3A_615 = tpu.vector_load %arg6[%get3A_613, %get3A_614] {strides = array<i32>} : memref<64x1024xf32, #tpu.memory_space<vmem>>, vector<16xf32>,
      %mul3A_616 = arith.constant 2 : i32
      %mul3A_617 = arith.muli %mul3A_616, %scan3A_36 : i32
      %add3A_618 = arith.constant 1 : i32
      %add3A_619 = arith.addi %mul3A_617, %add3A_618 : i32
      %get3A_620 = arith.index_cast %add3A_619 : i32 to index
      %get3A_621 = arith.constant 576 : index
      %get3A_622 = tpu.vector_load %arg6[%get3A_620, %get3A_621] {strides = array<i32>} : memref<64x1024xf32, #tpu.memory_space<vmem>>, vector<16xf32>,
      %add3A_623 = arith.addf %get3A_615, %get3A_622 : vector<16xf32>
      %swap3A_624 = arith.index_cast %scan3A_36 : i32 to index
      %swap3A_625 = arith.constant 576 : index
      %swap3A_626 = tpu.vector_load %arg7[%swap3A_624, %swap3A_625] {strides = array<i32>} : memref<32x1024xf32, #tpu.memory_space<vmem>>, vector<16xf32>,
      tpu.vector_store %arg7[%swap3A_624, %swap3A_625], %add3A_623 {strides = array<i32>} : memref<32x1024xf32, #tpu.memory_space<vmem>>, vector<16xf32>,
      %mul3A_627 = arith.constant 2 : i32
      %mul3A_628 = arith.muli %mul3A_627, %scan3A_36 : i32
      %get3A_629 = arith.index_cast %mul3A_628 : i32 to index
      %get3A_630 = arith.constant 592 : index
      %get3A_631 = tpu.vector_load %arg6[%get3A_629, %get3A_630] {strides = array<i32>} : memref<64x1024xf32, #tpu.memory_space<vmem>>, vector<16xf32>,
      %mul3A_632 = arith.constant 2 : i32
      %mul3A_633 = arith.muli %mul3A_632, %scan3A_36 : i32
      %add3A_634 = arith.constant 1 : i32
      %add3A_635 = arith.addi %mul3A_633, %add3A_634 : i32
      %get3A_636 = arith.index_cast %add3A_635 : i32 to index
      %get3A_637 = arith.constant 592 : index
      %get3A_638 = tpu.vector_load %arg6[%get3A_636, %get3A_637] {strides = array<i32>} : memref<64x1024xf32, #tpu.memory_space<vmem>>, vector<16xf32>,
      %add3A_639 = arith.addf %get3A_631, %get3A_638 : vector<16xf32>
      %swap3A_640 = arith.index_cast %scan3A_36 : i32 to index
      %swap3A_641 = arith.constant 592 : index
      %swap3A_642 = tpu.vector_load %arg7[%swap3A_640, %swap3A_641] {strides = array<i32>} : memref<32x1024xf32, #tpu.memory_space<vmem>>, vector<16xf32>,
      tpu.vector_store %arg7[%swap3A_640, %swap3A_641], %add3A_639 {strides = array<i32>} : memref<32x1024xf32, #tpu.memory_space<vmem>>, vector<16xf32>,
      %mul3A_643 = arith.constant 2 : i32
      %mul3A_644 = arith.muli %mul3A_643, %scan3A_36 : i32
      %get3A_645 = arith.index_cast %mul3A_644 : i32 to index
      %get3A_646 = arith.constant 608 : index
      %get3A_647 = tpu.vector_load %arg6[%get3A_645, %get3A_646] {strides = array<i32>} : memref<64x1024xf32, #tpu.memory_space<vmem>>, vector<16xf32>,
      %mul3A_648 = arith.constant 2 : i32
      %mul3A_649 = arith.muli %mul3A_648, %scan3A_36 : i32
      %add3A_650 = arith.constant 1 : i32
      %add3A_651 = arith.addi %mul3A_649, %add3A_650 : i32
      %get3A_652 = arith.index_cast %add3A_651 : i32 to index
      %get3A_653 = arith.constant 608 : index
      %get3A_654 = tpu.vector_load %arg6[%get3A_652, %get3A_653] {strides = array<i32>} : memref<64x1024xf32, #tpu.memory_space<vmem>>, vector<16xf32>,
      %add3A_655 = arith.addf %get3A_647, %get3A_654 : vector<16xf32>
      %swap3A_656 = arith.index_cast %scan3A_36 : i32 to index
      %swap3A_657 = arith.constant 608 : index
      %swap3A_658 = tpu.vector_load %arg7[%swap3A_656, %swap3A_657] {strides = array<i32>} : memref<32x1024xf32, #tpu.memory_space<vmem>>, vector<16xf32>,
      tpu.vector_store %arg7[%swap3A_656, %swap3A_657], %add3A_655 {strides = array<i32>} : memref<32x1024xf32, #tpu.memory_space<vmem>>, vector<16xf32>,
      %mul3A_659 = arith.constant 2 : i32
      %mul3A_660 = arith.muli %mul3A_659, %scan3A_36 : i32
      %get3A_661 = arith.index_cast %mul3A_660 : i32 to index
      %get3A_662 = arith.constant 624 : index
      %get3A_663 = tpu.vector_load %arg6[%get3A_661, %get3A_662] {strides = array<i32>} : memref<64x1024xf32, #tpu.memory_space<vmem>>, vector<16xf32>,
      %mul3A_664 = arith.constant 2 : i32
      %mul3A_665 = arith.muli %mul3A_664, %scan3A_36 : i32
      %add3A_666 = arith.constant 1 : i32
      %add3A_667 = arith.addi %mul3A_665, %add3A_666 : i32
      %get3A_668 = arith.index_cast %add3A_667 : i32 to index
      %get3A_669 = arith.constant 624 : index
      %get3A_670 = tpu.vector_load %arg6[%get3A_668, %get3A_669] {strides = array<i32>} : memref<64x1024xf32, #tpu.memory_space<vmem>>, vector<16xf32>,
      %add3A_671 = arith.addf %get3A_663, %get3A_670 : vector<16xf32>
      %swap3A_672 = arith.index_cast %scan3A_36 : i32 to index
      %swap3A_673 = arith.constant 624 : index
      %swap3A_674 = tpu.vector_load %arg7[%swap3A_672, %swap3A_673] {strides = array<i32>} : memref<32x1024xf32, #tpu.memory_space<vmem>>, vector<16xf32>,
      tpu.vector_store %arg7[%swap3A_672, %swap3A_673], %add3A_671 {strides = array<i32>} : memref<32x1024xf32, #tpu.memory_space<vmem>>, vector<16xf32>,
      %mul3A_675 = arith.constant 2 : i32
      %mul3A_676 = arith.muli %mul3A_675, %scan3A_36 : i32
      %get3A_677 = arith.index_cast %mul3A_676 : i32 to index
      %get3A_678 = arith.constant 640 : index
      %get3A_679 = tpu.vector_load %arg6[%get3A_677, %get3A_678] {strides = array<i32>} : memref<64x1024xf32, #tpu.memory_space<vmem>>, vector<16xf32>,
      %mul3A_680 = arith.constant 2 : i32
      %mul3A_681 = arith.muli %mul3A_680, %scan3A_36 : i32
      %add3A_682 = arith.constant 1 : i32
      %add3A_683 = arith.addi %mul3A_681, %add3A_682 : i32
      %get3A_684 = arith.index_cast %add3A_683 : i32 to index
      %get3A_685 = arith.constant 640 : index
      %get3A_686 = tpu.vector_load %arg6[%get3A_684, %get3A_685] {strides = array<i32>} : memref<64x1024xf32, #tpu.memory_space<vmem>>, vector<16xf32>,
      %add3A_687 = arith.addf %get3A_679, %get3A_686 : vector<16xf32>
      %swap3A_688 = arith.index_cast %scan3A_36 : i32 to index
      %swap3A_689 = arith.constant 640 : index
      %swap3A_690 = tpu.vector_load %arg7[%swap3A_688, %swap3A_689] {strides = array<i32>} : memref<32x1024xf32, #tpu.memory_space<vmem>>, vector<16xf32>,
      tpu.vector_store %arg7[%swap3A_688, %swap3A_689], %add3A_687 {strides = array<i32>} : memref<32x1024xf32, #tpu.memory_space<vmem>>, vector<16xf32>,
      %mul3A_691 = arith.constant 2 : i32
      %mul3A_692 = arith.muli %mul3A_691, %scan3A_36 : i32
      %get3A_693 = arith.index_cast %mul3A_692 : i32 to index
      %get3A_694 = arith.constant 656 : index
      %get3A_695 = tpu.vector_load %arg6[%get3A_693, %get3A_694] {strides = array<i32>} : memref<64x1024xf32, #tpu.memory_space<vmem>>, vector<16xf32>,
      %mul3A_696 = arith.constant 2 : i32
      %mul3A_697 = arith.muli %mul3A_696, %scan3A_36 : i32
      %add3A_698 = arith.constant 1 : i32
      %add3A_699 = arith.addi %mul3A_697, %add3A_698 : i32
      %get3A_700 = arith.index_cast %add3A_699 : i32 to index
      %get3A_701 = arith.constant 656 : index
      %get3A_702 = tpu.vector_load %arg6[%get3A_700, %get3A_701] {strides = array<i32>} : memref<64x1024xf32, #tpu.memory_space<vmem>>, vector<16xf32>,
      %add3A_703 = arith.addf %get3A_695, %get3A_702 : vector<16xf32>
      %swap3A_704 = arith.index_cast %scan3A_36 : i32 to index
      %swap3A_705 = arith.constant 656 : index
      %swap3A_706 = tpu.vector_load %arg7[%swap3A_704, %swap3A_705] {strides = array<i32>} : memref<32x1024xf32, #tpu.memory_space<vmem>>, vector<16xf32>,
      tpu.vector_store %arg7[%swap3A_704, %swap3A_705], %add3A_703 {strides = array<i32>} : memref<32x1024xf32, #tpu.memory_space<vmem>>, vector<16xf32>,
      %mul3A_707 = arith.constant 2 : i32
      %mul3A_708 = arith.muli %mul3A_707, %scan3A_36 : i32
      %get3A_709 = arith.index_cast %mul3A_708 : i32 to index
      %get3A_710 = arith.constant 672 : index
      %get3A_711 = tpu.vector_load %arg6[%get3A_709, %get3A_710] {strides = array<i32>} : memref<64x1024xf32, #tpu.memory_space<vmem>>, vector<16xf32>,
      %mul3A_712 = arith.constant 2 : i32
      %mul3A_713 = arith.muli %mul3A_712, %scan3A_36 : i32
      %add3A_714 = arith.constant 1 : i32
      %add3A_715 = arith.addi %mul3A_713, %add3A_714 : i32
      %get3A_716 = arith.index_cast %add3A_715 : i32 to index
      %get3A_717 = arith.constant 672 : index
      %get3A_718 = tpu.vector_load %arg6[%get3A_716, %get3A_717] {strides = array<i32>} : memref<64x1024xf32, #tpu.memory_space<vmem>>, vector<16xf32>,
      %add3A_719 = arith.addf %get3A_711, %get3A_718 : vector<16xf32>
      %swap3A_720 = arith.index_cast %scan3A_36 : i32 to index
      %swap3A_721 = arith.constant 672 : index
      %swap3A_722 = tpu.vector_load %arg7[%swap3A_720, %swap3A_721] {strides = array<i32>} : memref<32x1024xf32, #tpu.memory_space<vmem>>, vector<16xf32>,
      tpu.vector_store %arg7[%swap3A_720, %swap3A_721], %add3A_719 {strides = array<i32>} : memref<32x1024xf32, #tpu.memory_space<vmem>>, vector<16xf32>,
      %mul3A_723 = arith.constant 2 : i32
      %mul3A_724 = arith.muli %mul3A_723, %scan3A_36 : i32
      %get3A_725 = arith.index_cast %mul3A_724 : i32 to index
      %get3A_726 = arith.constant 688 : index
      %get3A_727 = tpu.vector_load %arg6[%get3A_725, %get3A_726] {strides = array<i32>} : memref<64x1024xf32, #tpu.memory_space<vmem>>, vector<16xf32>,
      %mul3A_728 = arith.constant 2 : i32
      %mul3A_729 = arith.muli %mul3A_728, %scan3A_36 : i32
      %add3A_730 = arith.constant 1 : i32
      %add3A_731 = arith.addi %mul3A_729, %add3A_730 : i32
      %get3A_732 = arith.index_cast %add3A_731 : i32 to index
      %get3A_733 = arith.constant 688 : index
      %get3A_734 = tpu.vector_load %arg6[%get3A_732, %get3A_733] {strides = array<i32>} : memref<64x1024xf32, #tpu.memory_space<vmem>>, vector<16xf32>,
      %add3A_735 = arith.addf %get3A_727, %get3A_734 : vector<16xf32>
      %swap3A_736 = arith.index_cast %scan3A_36 : i32 to index
      %swap3A_737 = arith.constant 688 : index
      %swap3A_738 = tpu.vector_load %arg7[%swap3A_736, %swap3A_737] {strides = array<i32>} : memref<32x1024xf32, #tpu.memory_space<vmem>>, vector<16xf32>,
      tpu.vector_store %arg7[%swap3A_736, %swap3A_737], %add3A_735 {strides = array<i32>} : memref<32x1024xf32, #tpu.memory_space<vmem>>, vector<16xf32>,
      %mul3A_739 = arith.constant 2 : i32
      %mul3A_740 = arith.muli %mul3A_739, %scan3A_36 : i32
      %get3A_741 = arith.index_cast %mul3A_740 : i32 to index
      %get3A_742 = arith.constant 704 : index
      %get3A_743 = tpu.vector_load %arg6[%get3A_741, %get3A_742] {strides = array<i32>} : memref<64x1024xf32, #tpu.memory_space<vmem>>, vector<16xf32>,
      %mul3A_744 = arith.constant 2 : i32
      %mul3A_745 = arith.muli %mul3A_744, %scan3A_36 : i32
      %add3A_746 = arith.constant 1 : i32
      %add3A_747 = arith.addi %mul3A_745, %add3A_746 : i32
      %get3A_748 = arith.index_cast %add3A_747 : i32 to index
      %get3A_749 = arith.constant 704 : index
      %get3A_750 = tpu.vector_load %arg6[%get3A_748, %get3A_749] {strides = array<i32>} : memref<64x1024xf32, #tpu.memory_space<vmem>>, vector<16xf32>,
      %add3A_751 = arith.addf %get3A_743, %get3A_750 : vector<16xf32>
      %swap3A_752 = arith.index_cast %scan3A_36 : i32 to index
      %swap3A_753 = arith.constant 704 : index
      %swap3A_754 = tpu.vector_load %arg7[%swap3A_752, %swap3A_753] {strides = array<i32>} : memref<32x1024xf32, #tpu.memory_space<vmem>>, vector<16xf32>,
      tpu.vector_store %arg7[%swap3A_752, %swap3A_753], %add3A_751 {strides = array<i32>} : memref<32x1024xf32, #tpu.memory_space<vmem>>, vector<16xf32>,
      %mul3A_755 = arith.constant 2 : i32
      %mul3A_756 = arith.muli %mul3A_755, %scan3A_36 : i32
      %get3A_757 = arith.index_cast %mul3A_756 : i32 to index
      %get3A_758 = arith.constant 720 : index
      %get3A_759 = tpu.vector_load %arg6[%get3A_757, %get3A_758] {strides = array<i32>} : memref<64x1024xf32, #tpu.memory_space<vmem>>, vector<16xf32>,
      %mul3A_760 = arith.constant 2 : i32
      %mul3A_761 = arith.muli %mul3A_760, %scan3A_36 : i32
      %add3A_762 = arith.constant 1 : i32
      %add3A_763 = arith.addi %mul3A_761, %add3A_762 : i32
      %get3A_764 = arith.index_cast %add3A_763 : i32 to index
      %get3A_765 = arith.constant 720 : index
      %get3A_766 = tpu.vector_load %arg6[%get3A_764, %get3A_765] {strides = array<i32>} : memref<64x1024xf32, #tpu.memory_space<vmem>>, vector<16xf32>,
      %add3A_767 = arith.addf %get3A_759, %get3A_766 : vector<16xf32>
      %swap3A_768 = arith.index_cast %scan3A_36 : i32 to index
      %swap3A_769 = arith.constant 720 : index
      %swap3A_770 = tpu.vector_load %arg7[%swap3A_768, %swap3A_769] {strides = array<i32>} : memref<32x1024xf32, #tpu.memory_space<vmem>>, vector<16xf32>,
      tpu.vector_store %arg7[%swap3A_768, %swap3A_769], %add3A_767 {strides = array<i32>} : memref<32x1024xf32, #tpu.memory_space<vmem>>, vector<16xf32>,
      %mul3A_771 = arith.constant 2 : i32
      %mul3A_772 = arith.muli %mul3A_771, %scan3A_36 : i32
      %get3A_773 = arith.index_cast %mul3A_772 : i32 to index
      %get3A_774 = arith.constant 736 : index
      %get3A_775 = tpu.vector_load %arg6[%get3A_773, %get3A_774] {strides = array<i32>} : memref<64x1024xf32, #tpu.memory_space<vmem>>, vector<16xf32>,
      %mul3A_776 = arith.constant 2 : i32
      %mul3A_777 = arith.muli %mul3A_776, %scan3A_36 : i32
      %add3A_778 = arith.constant 1 : i32
      %add3A_779 = arith.addi %mul3A_777, %add3A_778 : i32
      %get3A_780 = arith.index_cast %add3A_779 : i32 to index
      %get3A_781 = arith.constant 736 : index
      %get3A_782 = tpu.vector_load %arg6[%get3A_780, %get3A_781] {strides = array<i32>} : memref<64x1024xf32, #tpu.memory_space<vmem>>, vector<16xf32>,
      %add3A_783 = arith.addf %get3A_775, %get3A_782 : vector<16xf32>
      %swap3A_784 = arith.index_cast %scan3A_36 : i32 to index
      %swap3A_785 = arith.constant 736 : index
      %swap3A_786 = tpu.vector_load %arg7[%swap3A_784, %swap3A_785] {strides = array<i32>} : memref<32x1024xf32, #tpu.memory_space<vmem>>, vector<16xf32>,
      tpu.vector_store %arg7[%swap3A_784, %swap3A_785], %add3A_783 {strides = array<i32>} : memref<32x1024xf32, #tpu.memory_space<vmem>>, vector<16xf32>,
      %mul3A_787 = arith.constant 2 : i32
      %mul3A_788 = arith.muli %mul3A_787, %scan3A_36 : i32
      %get3A_789 = arith.index_cast %mul3A_788 : i32 to index
      %get3A_790 = arith.constant 752 : index
      %get3A_791 = tpu.vector_load %arg6[%get3A_789, %get3A_790] {strides = array<i32>} : memref<64x1024xf32, #tpu.memory_space<vmem>>, vector<16xf32>,
      %mul3A_792 = arith.constant 2 : i32
      %mul3A_793 = arith.muli %mul3A_792, %scan3A_36 : i32
      %add3A_794 = arith.constant 1 : i32
      %add3A_795 = arith.addi %mul3A_793, %add3A_794 : i32
      %get3A_796 = arith.index_cast %add3A_795 : i32 to index
      %get3A_797 = arith.constant 752 : index
      %get3A_798 = tpu.vector_load %arg6[%get3A_796, %get3A_797] {strides = array<i32>} : memref<64x1024xf32, #tpu.memory_space<vmem>>, vector<16xf32>,
      %add3A_799 = arith.addf %get3A_791, %get3A_798 : vector<16xf32>
      %swap3A_800 = arith.index_cast %scan3A_36 : i32 to index
      %swap3A_801 = arith.constant 752 : index
      %swap3A_802 = tpu.vector_load %arg7[%swap3A_800, %swap3A_801] {strides = array<i32>} : memref<32x1024xf32, #tpu.memory_space<vmem>>, vector<16xf32>,
      tpu.vector_store %arg7[%swap3A_800, %swap3A_801], %add3A_799 {strides = array<i32>} : memref<32x1024xf32, #tpu.memory_space<vmem>>, vector<16xf32>,
      %mul3A_803 = arith.constant 2 : i32
      %mul3A_804 = arith.muli %mul3A_803, %scan3A_36 : i32
      %get3A_805 = arith.index_cast %mul3A_804 : i32 to index
      %get3A_806 = arith.constant 768 : index
      %get3A_807 = tpu.vector_load %arg6[%get3A_805, %get3A_806] {strides = array<i32>} : memref<64x1024xf32, #tpu.memory_space<vmem>>, vector<16xf32>,
      %mul3A_808 = arith.constant 2 : i32
      %mul3A_809 = arith.muli %mul3A_808, %scan3A_36 : i32
      %add3A_810 = arith.constant 1 : i32
      %add3A_811 = arith.addi %mul3A_809, %add3A_810 : i32
      %get3A_812 = arith.index_cast %add3A_811 : i32 to index
      %get3A_813 = arith.constant 768 : index
      %get3A_814 = tpu.vector_load %arg6[%get3A_812, %get3A_813] {strides = array<i32>} : memref<64x1024xf32, #tpu.memory_space<vmem>>, vector<16xf32>,
      %add3A_815 = arith.addf %get3A_807, %get3A_814 : vector<16xf32>
      %swap3A_816 = arith.index_cast %scan3A_36 : i32 to index
      %swap3A_817 = arith.constant 768 : index
      %swap3A_818 = tpu.vector_load %arg7[%swap3A_816, %swap3A_817] {strides = array<i32>} : memref<32x1024xf32, #tpu.memory_space<vmem>>, vector<16xf32>,
      tpu.vector_store %arg7[%swap3A_816, %swap3A_817], %add3A_815 {strides = array<i32>} : memref<32x1024xf32, #tpu.memory_space<vmem>>, vector<16xf32>,
      %mul3A_819 = arith.constant 2 : i32
      %mul3A_820 = arith.muli %mul3A_819, %scan3A_36 : i32
      %get3A_821 = arith.index_cast %mul3A_820 : i32 to index
      %get3A_822 = arith.constant 784 : index
      %get3A_823 = tpu.vector_load %arg6[%get3A_821, %get3A_822] {strides = array<i32>} : memref<64x1024xf32, #tpu.memory_space<vmem>>, vector<16xf32>,
      %mul3A_824 = arith.constant 2 : i32
      %mul3A_825 = arith.muli %mul3A_824, %scan3A_36 : i32
      %add3A_826 = arith.constant 1 : i32
      %add3A_827 = arith.addi %mul3A_825, %add3A_826 : i32
      %get3A_828 = arith.index_cast %add3A_827 : i32 to index
      %get3A_829 = arith.constant 784 : index
      %get3A_830 = tpu.vector_load %arg6[%get3A_828, %get3A_829] {strides = array<i32>} : memref<64x1024xf32, #tpu.memory_space<vmem>>, vector<16xf32>,
      %add3A_831 = arith.addf %get3A_823, %get3A_830 : vector<16xf32>
      %swap3A_832 = arith.index_cast %scan3A_36 : i32 to index
      %swap3A_833 = arith.constant 784 : index
      %swap3A_834 = tpu.vector_load %arg7[%swap3A_832, %swap3A_833] {strides = array<i32>} : memref<32x1024xf32, #tpu.memory_space<vmem>>, vector<16xf32>,
      tpu.vector_store %arg7[%swap3A_832, %swap3A_833], %add3A_831 {strides = array<i32>} : memref<32x1024xf32, #tpu.memory_space<vmem>>, vector<16xf32>,
      %mul3A_835 = arith.constant 2 : i32
      %mul3A_836 = arith.muli %mul3A_835, %scan3A_36 : i32
      %get3A_837 = arith.index_cast %mul3A_836 : i32 to index
      %get3A_838 = arith.constant 800 : index
      %get3A_839 = tpu.vector_load %arg6[%get3A_837, %get3A_838] {strides = array<i32>} : memref<64x1024xf32, #tpu.memory_space<vmem>>, vector<16xf32>,
      %mul3A_840 = arith.constant 2 : i32
      %mul3A_841 = arith.muli %mul3A_840, %scan3A_36 : i32
      %add3A_842 = arith.constant 1 : i32
      %add3A_843 = arith.addi %mul3A_841, %add3A_842 : i32
      %get3A_844 = arith.index_cast %add3A_843 : i32 to index
      %get3A_845 = arith.constant 800 : index
      %get3A_846 = tpu.vector_load %arg6[%get3A_844, %get3A_845] {strides = array<i32>} : memref<64x1024xf32, #tpu.memory_space<vmem>>, vector<16xf32>,
      %add3A_847 = arith.addf %get3A_839, %get3A_846 : vector<16xf32>
      %swap3A_848 = arith.index_cast %scan3A_36 : i32 to index
      %swap3A_849 = arith.constant 800 : index
      %swap3A_850 = tpu.vector_load %arg7[%swap3A_848, %swap3A_849] {strides = array<i32>} : memref<32x1024xf32, #tpu.memory_space<vmem>>, vector<16xf32>,
      tpu.vector_store %arg7[%swap3A_848, %swap3A_849], %add3A_847 {strides = array<i32>} : memref<32x1024xf32, #tpu.memory_space<vmem>>, vector<16xf32>,
      %mul3A_851 = arith.constant 2 : i32
      %mul3A_852 = arith.muli %mul3A_851, %scan3A_36 : i32
      %get3A_853 = arith.index_cast %mul3A_852 : i32 to index
      %get3A_854 = arith.constant 816 : index
      %get3A_855 = tpu.vector_load %arg6[%get3A_853, %get3A_854] {strides = array<i32>} : memref<64x1024xf32, #tpu.memory_space<vmem>>, vector<16xf32>,
      %mul3A_856 = arith.constant 2 : i32
      %mul3A_857 = arith.muli %mul3A_856, %scan3A_36 : i32
      %add3A_858 = arith.constant 1 : i32
      %add3A_859 = arith.addi %mul3A_857, %add3A_858 : i32
      %get3A_860 = arith.index_cast %add3A_859 : i32 to index
      %get3A_861 = arith.constant 816 : index
      %get3A_862 = tpu.vector_load %arg6[%get3A_860, %get3A_861] {strides = array<i32>} : memref<64x1024xf32, #tpu.memory_space<vmem>>, vector<16xf32>,
      %add3A_863 = arith.addf %get3A_855, %get3A_862 : vector<16xf32>
      %swap3A_864 = arith.index_cast %scan3A_36 : i32 to index
      %swap3A_865 = arith.constant 816 : index
      %swap3A_866 = tpu.vector_load %arg7[%swap3A_864, %swap3A_865] {strides = array<i32>} : memref<32x1024xf32, #tpu.memory_space<vmem>>, vector<16xf32>,
      tpu.vector_store %arg7[%swap3A_864, %swap3A_865], %add3A_863 {strides = array<i32>} : memref<32x1024xf32, #tpu.memory_space<vmem>>, vector<16xf32>,
      %mul3A_867 = arith.constant 2 : i32
      %mul3A_868 = arith.muli %mul3A_867, %scan3A_36 : i32
      %get3A_869 = arith.index_cast %mul3A_868 : i32 to index
      %get3A_870 = arith.constant 832 : index
      %get3A_871 = tpu.vector_load %arg6[%get3A_869, %get3A_870] {strides = array<i32>} : memref<64x1024xf32, #tpu.memory_space<vmem>>, vector<16xf32>,
      %mul3A_872 = arith.constant 2 : i32
      %mul3A_873 = arith.muli %mul3A_872, %scan3A_36 : i32
      %add3A_874 = arith.constant 1 : i32
      %add3A_875 = arith.addi %mul3A_873, %add3A_874 : i32
      %get3A_876 = arith.index_cast %add3A_875 : i32 to index
      %get3A_877 = arith.constant 832 : index
      %get3A_878 = tpu.vector_load %arg6[%get3A_876, %get3A_877] {strides = array<i32>} : memref<64x1024xf32, #tpu.memory_space<vmem>>, vector<16xf32>,
      %add3A_879 = arith.addf %get3A_871, %get3A_878 : vector<16xf32>
      %swap3A_880 = arith.index_cast %scan3A_36 : i32 to index
      %swap3A_881 = arith.constant 832 : index
      %swap3A_882 = tpu.vector_load %arg7[%swap3A_880, %swap3A_881] {strides = array<i32>} : memref<32x1024xf32, #tpu.memory_space<vmem>>, vector<16xf32>,
      tpu.vector_store %arg7[%swap3A_880, %swap3A_881], %add3A_879 {strides = array<i32>} : memref<32x1024xf32, #tpu.memory_space<vmem>>, vector<16xf32>,
      %mul3A_883 = arith.constant 2 : i32
      %mul3A_884 = arith.muli %mul3A_883, %scan3A_36 : i32
      %get3A_885 = arith.index_cast %mul3A_884 : i32 to index
      %get3A_886 = arith.constant 848 : index
      %get3A_887 = tpu.vector_load %arg6[%get3A_885, %get3A_886] {strides = array<i32>} : memref<64x1024xf32, #tpu.memory_space<vmem>>, vector<16xf32>,
      %mul3A_888 = arith.constant 2 : i32
      %mul3A_889 = arith.muli %mul3A_888, %scan3A_36 : i32
      %add3A_890 = arith.constant 1 : i32
      %add3A_891 = arith.addi %mul3A_889, %add3A_890 : i32
      %get3A_892 = arith.index_cast %add3A_891 : i32 to index
      %get3A_893 = arith.constant 848 : index
      %get3A_894 = tpu.vector_load %arg6[%get3A_892, %get3A_893] {strides = array<i32>} : memref<64x1024xf32, #tpu.memory_space<vmem>>, vector<16xf32>,
      %add3A_895 = arith.addf %get3A_887, %get3A_894 : vector<16xf32>
      %swap3A_896 = arith.index_cast %scan3A_36 : i32 to index
      %swap3A_897 = arith.constant 848 : index
      %swap3A_898 = tpu.vector_load %arg7[%swap3A_896, %swap3A_897] {strides = array<i32>} : memref<32x1024xf32, #tpu.memory_space<vmem>>, vector<16xf32>,
      tpu.vector_store %arg7[%swap3A_896, %swap3A_897], %add3A_895 {strides = array<i32>} : memref<32x1024xf32, #tpu.memory_space<vmem>>, vector<16xf32>,
      %mul3A_899 = arith.constant 2 : i32
      %mul3A_900 = arith.muli %mul3A_899, %scan3A_36 : i32
      %get3A_901 = arith.index_cast %mul3A_900 : i32 to index
      %get3A_902 = arith.constant 864 : index
      %get3A_903 = tpu.vector_load %arg6[%get3A_901, %get3A_902] {strides = array<i32>} : memref<64x1024xf32, #tpu.memory_space<vmem>>, vector<16xf32>,
      %mul3A_904 = arith.constant 2 : i32
      %mul3A_905 = arith.muli %mul3A_904, %scan3A_36 : i32
      %add3A_906 = arith.constant 1 : i32
      %add3A_907 = arith.addi %mul3A_905, %add3A_906 : i32
      %get3A_908 = arith.index_cast %add3A_907 : i32 to index
      %get3A_909 = arith.constant 864 : index
      %get3A_910 = tpu.vector_load %arg6[%get3A_908, %get3A_909] {strides = array<i32>} : memref<64x1024xf32, #tpu.memory_space<vmem>>, vector<16xf32>,
      %add3A_911 = arith.addf %get3A_903, %get3A_910 : vector<16xf32>
      %swap3A_912 = arith.index_cast %scan3A_36 : i32 to index
      %swap3A_913 = arith.constant 864 : index
      %swap3A_914 = tpu.vector_load %arg7[%swap3A_912, %swap3A_913] {strides = array<i32>} : memref<32x1024xf32, #tpu.memory_space<vmem>>, vector<16xf32>,
      tpu.vector_store %arg7[%swap3A_912, %swap3A_913], %add3A_911 {strides = array<i32>} : memref<32x1024xf32, #tpu.memory_space<vmem>>, vector<16xf32>,
      %mul3A_915 = arith.constant 2 : i32
      %mul3A_916 = arith.muli %mul3A_915, %scan3A_36 : i32
      %get3A_917 = arith.index_cast %mul3A_916 : i32 to index
      %get3A_918 = arith.constant 880 : index
      %get3A_919 = tpu.vector_load %arg6[%get3A_917, %get3A_918] {strides = array<i32>} : memref<64x1024xf32, #tpu.memory_space<vmem>>, vector<16xf32>,
      %mul3A_920 = arith.constant 2 : i32
      %mul3A_921 = arith.muli %mul3A_920, %scan3A_36 : i32
      %add3A_922 = arith.constant 1 : i32
      %add3A_923 = arith.addi %mul3A_921, %add3A_922 : i32
      %get3A_924 = arith.index_cast %add3A_923 : i32 to index
      %get3A_925 = arith.constant 880 : index
      %get3A_926 = tpu.vector_load %arg6[%get3A_924, %get3A_925] {strides = array<i32>} : memref<64x1024xf32, #tpu.memory_space<vmem>>, vector<16xf32>,
      %add3A_927 = arith.addf %get3A_919, %get3A_926 : vector<16xf32>
      %swap3A_928 = arith.index_cast %scan3A_36 : i32 to index
      %swap3A_929 = arith.constant 880 : index
      %swap3A_930 = tpu.vector_load %arg7[%swap3A_928, %swap3A_929] {strides = array<i32>} : memref<32x1024xf32, #tpu.memory_space<vmem>>, vector<16xf32>,
      tpu.vector_store %arg7[%swap3A_928, %swap3A_929], %add3A_927 {strides = array<i32>} : memref<32x1024xf32, #tpu.memory_space<vmem>>, vector<16xf32>,
      %mul3A_931 = arith.constant 2 : i32
      %mul3A_932 = arith.muli %mul3A_931, %scan3A_36 : i32
      %get3A_933 = arith.index_cast %mul3A_932 : i32 to index
      %get3A_934 = arith.constant 896 : index
      %get3A_935 = tpu.vector_load %arg6[%get3A_933, %get3A_934] {strides = array<i32>} : memref<64x1024xf32, #tpu.memory_space<vmem>>, vector<16xf32>,
      %mul3A_936 = arith.constant 2 : i32
      %mul3A_937 = arith.muli %mul3A_936, %scan3A_36 : i32
      %add3A_938 = arith.constant 1 : i32
      %add3A_939 = arith.addi %mul3A_937, %add3A_938 : i32
      %get3A_940 = arith.index_cast %add3A_939 : i32 to index
      %get3A_941 = arith.constant 896 : index
      %get3A_942 = tpu.vector_load %arg6[%get3A_940, %get3A_941] {strides = array<i32>} : memref<64x1024xf32, #tpu.memory_space<vmem>>, vector<16xf32>,
      %add3A_943 = arith.addf %get3A_935, %get3A_942 : vector<16xf32>
      %swap3A_944 = arith.index_cast %scan3A_36 : i32 to index
      %swap3A_945 = arith.constant 896 : index
      %swap3A_946 = tpu.vector_load %arg7[%swap3A_944, %swap3A_945] {strides = array<i32>} : memref<32x1024xf32, #tpu.memory_space<vmem>>, vector<16xf32>,
      tpu.vector_store %arg7[%swap3A_944, %swap3A_945], %add3A_943 {strides = array<i32>} : memref<32x1024xf32, #tpu.memory_space<vmem>>, vector<16xf32>,
      %mul3A_947 = arith.constant 2 : i32
      %mul3A_948 = arith.muli %mul3A_947, %scan3A_36 : i32
      %get3A_949 = arith.index_cast %mul3A_948 : i32 to index
      %get3A_950 = arith.constant 912 : index
      %get3A_951 = tpu.vector_load %arg6[%get3A_949, %get3A_950] {strides = array<i32>} : memref<64x1024xf32, #tpu.memory_space<vmem>>, vector<16xf32>,
      %mul3A_952 = arith.constant 2 : i32
      %mul3A_953 = arith.muli %mul3A_952, %scan3A_36 : i32
      %add3A_954 = arith.constant 1 : i32
      %add3A_955 = arith.addi %mul3A_953, %add3A_954 : i32
      %get3A_956 = arith.index_cast %add3A_955 : i32 to index
      %get3A_957 = arith.constant 912 : index
      %get3A_958 = tpu.vector_load %arg6[%get3A_956, %get3A_957] {strides = array<i32>} : memref<64x1024xf32, #tpu.memory_space<vmem>>, vector<16xf32>,
      %add3A_959 = arith.addf %get3A_951, %get3A_958 : vector<16xf32>
      %swap3A_960 = arith.index_cast %scan3A_36 : i32 to index
      %swap3A_961 = arith.constant 912 : index
      %swap3A_962 = tpu.vector_load %arg7[%swap3A_960, %swap3A_961] {strides = array<i32>} : memref<32x1024xf32, #tpu.memory_space<vmem>>, vector<16xf32>,
      tpu.vector_store %arg7[%swap3A_960, %swap3A_961], %add3A_959 {strides = array<i32>} : memref<32x1024xf32, #tpu.memory_space<vmem>>, vector<16xf32>,
      %mul3A_963 = arith.constant 2 : i32
      %mul3A_964 = arith.muli %mul3A_963, %scan3A_36 : i32
      %get3A_965 = arith.index_cast %mul3A_964 : i32 to index
      %get3A_966 = arith.constant 928 : index
      %get3A_967 = tpu.vector_load %arg6[%get3A_965, %get3A_966] {strides = array<i32>} : memref<64x1024xf32, #tpu.memory_space<vmem>>, vector<16xf32>,
      %mul3A_968 = arith.constant 2 : i32
      %mul3A_969 = arith.muli %mul3A_968, %scan3A_36 : i32
      %add3A_970 = arith.constant 1 : i32
      %add3A_971 = arith.addi %mul3A_969, %add3A_970 : i32
      %get3A_972 = arith.index_cast %add3A_971 : i32 to index
      %get3A_973 = arith.constant 928 : index
      %get3A_974 = tpu.vector_load %arg6[%get3A_972, %get3A_973] {strides = array<i32>} : memref<64x1024xf32, #tpu.memory_space<vmem>>, vector<16xf32>,
      %add3A_975 = arith.addf %get3A_967, %get3A_974 : vector<16xf32>
      %swap3A_976 = arith.index_cast %scan3A_36 : i32 to index
      %swap3A_977 = arith.constant 928 : index
      %swap3A_978 = tpu.vector_load %arg7[%swap3A_976, %swap3A_977] {strides = array<i32>} : memref<32x1024xf32, #tpu.memory_space<vmem>>, vector<16xf32>,
      tpu.vector_store %arg7[%swap3A_976, %swap3A_977], %add3A_975 {strides = array<i32>} : memref<32x1024xf32, #tpu.memory_space<vmem>>, vector<16xf32>,
      %mul3A_979 = arith.constant 2 : i32
      %mul3A_980 = arith.muli %mul3A_979, %scan3A_36 : i32
      %get3A_981 = arith.index_cast %mul3A_980 : i32 to index
      %get3A_982 = arith.constant 944 : index
      %get3A_983 = tpu.vector_load %arg6[%get3A_981, %get3A_982] {strides = array<i32>} : memref<64x1024xf32, #tpu.memory_space<vmem>>, vector<16xf32>,
      %mul3A_984 = arith.constant 2 : i32
      %mul3A_985 = arith.muli %mul3A_984, %scan3A_36 : i32
      %add3A_986 = arith.constant 1 : i32
      %add3A_987 = arith.addi %mul3A_985, %add3A_986 : i32
      %get3A_988 = arith.index_cast %add3A_987 : i32 to index
      %get3A_989 = arith.constant 944 : index
      %get3A_990 = tpu.vector_load %arg6[%get3A_988, %get3A_989] {strides = array<i32>} : memref<64x1024xf32, #tpu.memory_space<vmem>>, vector<16xf32>,
      %add3A_991 = arith.addf %get3A_983, %get3A_990 : vector<16xf32>
      %swap3A_992 = arith.index_cast %scan3A_36 : i32 to index
      %swap3A_993 = arith.constant 944 : index
      %swap3A_994 = tpu.vector_load %arg7[%swap3A_992, %swap3A_993] {strides = array<i32>} : memref<32x1024xf32, #tpu.memory_space<vmem>>, vector<16xf32>,
      tpu.vector_store %arg7[%swap3A_992, %swap3A_993], %add3A_991 {strides = array<i32>} : memref<32x1024xf32, #tpu.memory_space<vmem>>, vector<16xf32>,
      %mul3A_995 = arith.constant 2 : i32
      %mul3A_996 = arith.muli %mul3A_995, %scan3A_36 : i32
      %get3A_997 = arith.index_cast %mul3A_996 : i32 to index
      %get3A_998 = arith.constant 960 : index
      %get3A_999 = tpu.vector_load %arg6[%get3A_997, %get3A_998] {strides = array<i32>} : memref<64x1024xf32, #tpu.memory_space<vmem>>, vector<16xf32>,
      %mul3A_1000 = arith.constant 2 : i32
      %mul3A_1001 = arith.muli %mul3A_1000, %scan3A_36 : i32
      %add3A_1002 = arith.constant 1 : i32
      %add3A_1003 = arith.addi %mul3A_1001, %add3A_1002 : i32
      %get3A_1004 = arith.index_cast %add3A_1003 : i32 to index
      %get3A_1005 = arith.constant 960 : index
      %get3A_1006 = tpu.vector_load %arg6[%get3A_1004, %get3A_1005] {strides = array<i32>} : memref<64x1024xf32, #tpu.memory_space<vmem>>, vector<16xf32>,
      %add3A_1007 = arith.addf %get3A_999, %get3A_1006 : vector<16xf32>
      %swap3A_1008 = arith.index_cast %scan3A_36 : i32 to index
      %swap3A_1009 = arith.constant 960 : index
      %swap3A_1010 = tpu.vector_load %arg7[%swap3A_1008, %swap3A_1009] {strides = array<i32>} : memref<32x1024xf32, #tpu.memory_space<vmem>>, vector<16xf32>,
      tpu.vector_store %arg7[%swap3A_1008, %swap3A_1009], %add3A_1007 {strides = array<i32>} : memref<32x1024xf32, #tpu.memory_space<vmem>>, vector<16xf32>,
      %mul3A_1011 = arith.constant 2 : i32
      %mul3A_1012 = arith.muli %mul3A_1011, %scan3A_36 : i32
      %get3A_1013 = arith.index_cast %mul3A_1012 : i32 to index
      %get3A_1014 = arith.constant 976 : index
      %get3A_1015 = tpu.vector_load %arg6[%get3A_1013, %get3A_1014] {strides = array<i32>} : memref<64x1024xf32, #tpu.memory_space<vmem>>, vector<16xf32>,
      %mul3A_1016 = arith.constant 2 : i32
      %mul3A_1017 = arith.muli %mul3A_1016, %scan3A_36 : i32
      %add3A_1018 = arith.constant 1 : i32
      %add3A_1019 = arith.addi %mul3A_1017, %add3A_1018 : i32
      %get3A_1020 = arith.index_cast %add3A_1019 : i32 to index
      %get3A_1021 = arith.constant 976 : index
      %get3A_1022 = tpu.vector_load %arg6[%get3A_1020, %get3A_1021] {strides = array<i32>} : memref<64x1024xf32, #tpu.memory_space<vmem>>, vector<16xf32>,
      %add3A_1023 = arith.addf %get3A_1015, %get3A_1022 : vector<16xf32>
      %swap3A_1024 = arith.index_cast %scan3A_36 : i32 to index
      %swap3A_1025 = arith.constant 976 : index
      %swap3A_1026 = tpu.vector_load %arg7[%swap3A_1024, %swap3A_1025] {strides = array<i32>} : memref<32x1024xf32, #tpu.memory_space<vmem>>, vector<16xf32>,
      tpu.vector_store %arg7[%swap3A_1024, %swap3A_1025], %add3A_1023 {strides = array<i32>} : memref<32x1024xf32, #tpu.memory_space<vmem>>, vector<16xf32>,
      %mul3A_1027 = arith.constant 2 : i32
      %mul3A_1028 = arith.muli %mul3A_1027, %scan3A_36 : i32
      %get3A_1029 = arith.index_cast %mul3A_1028 : i32 to index
      %get3A_1030 = arith.constant 992 : index
      %get3A_1031 = tpu.vector_load %arg6[%get3A_1029, %get3A_1030] {strides = array<i32>} : memref<64x1024xf32, #tpu.memory_space<vmem>>, vector<16xf32>,
      %mul3A_1032 = arith.constant 2 : i32
      %mul3A_1033 = arith.muli %mul3A_1032, %scan3A_36 : i32
      %add3A_1034 = arith.constant 1 : i32
      %add3A_1035 = arith.addi %mul3A_1033, %add3A_1034 : i32
      %get3A_1036 = arith.index_cast %add3A_1035 : i32 to index
      %get3A_1037 = arith.constant 992 : index
      %get3A_1038 = tpu.vector_load %arg6[%get3A_1036, %get3A_1037] {strides = array<i32>} : memref<64x1024xf32, #tpu.memory_space<vmem>>, vector<16xf32>,
      %add3A_1039 = arith.addf %get3A_1031, %get3A_1038 : vector<16xf32>
      %swap3A_1040 = arith.index_cast %scan3A_36 : i32 to index
      %swap3A_1041 = arith.constant 992 : index
      %swap3A_1042 = tpu.vector_load %arg7[%swap3A_1040, %swap3A_1041] {strides = array<i32>} : memref<32x1024xf32, #tpu.memory_space<vmem>>, vector<16xf32>,
      tpu.vector_store %arg7[%swap3A_1040, %swap3A_1041], %add3A_1039 {strides = array<i32>} : memref<32x1024xf32, #tpu.memory_space<vmem>>, vector<16xf32>,
      %mul3A_1043 = arith.constant 2 : i32
      %mul3A_1044 = arith.muli %mul3A_1043, %scan3A_36 : i32
      %get3A_1045 = arith.index_cast %mul3A_1044 : i32 to index
      %get3A_1046 = arith.constant 1008 : index
      %get3A_1047 = tpu.vector_load %arg6[%get3A_1045, %get3A_1046] {strides = array<i32>} : memref<64x1024xf32, #tpu.memory_space<vmem>>, vector<16xf32>,
      %mul3A_1048 = arith.constant 2 : i32
      %mul3A_1049 = arith.muli %mul3A_1048, %scan3A_36 : i32
      %add3A_1050 = arith.constant 1 : i32
      %add3A_1051 = arith.addi %mul3A_1049, %add3A_1050 : i32
      %get3A_1052 = arith.index_cast %add3A_1051 : i32 to index
      %get3A_1053 = arith.constant 1008 : index
      %get3A_1054 = tpu.vector_load %arg6[%get3A_1052, %get3A_1053] {strides = array<i32>} : memref<64x1024xf32, #tpu.memory_space<vmem>>, vector<16xf32>,
      %add3A_1055 = arith.addf %get3A_1047, %get3A_1054 : vector<16xf32>
      %swap3A_1056 = arith.index_cast %scan3A_36 : i32 to index
      %swap3A_1057 = arith.constant 1008 : index
      %swap3A_1058 = tpu.vector_load %arg7[%swap3A_1056, %swap3A_1057] {strides = array<i32>} : memref<32x1024xf32, #tpu.memory_space<vmem>>, vector<16xf32>,
      tpu.vector_store %arg7[%swap3A_1056, %swap3A_1057], %add3A_1055 {strides = array<i32>} : memref<32x1024xf32, #tpu.memory_space<vmem>>, vector<16xf32>,
    }
    %scan3A_33 = arith.constant 32 : i32
    %add3A_34 = arith.constant 32 : i32
    %add3A_35 = arith.addi %mul3A_2, %add3A_34 : i32
    "tpu.region"() ({
      %run_scoped3A = tpu.sem_alloc : memref<!tpu.dma_semaphore, #tpu.memory_space<semaphore_mem>>
      %dma_start3A_36 = arith.constant 0 : i32
      %dma_start3A_37 = tpu.memref_slice %arg4[%add3A_35, %dma_start3A_36] : memref<2048x1024xf32, #tpu.memory_space<hbm>> -> memref<32x1024xf32, #tpu.memory_space<hbm>>
      %dma_start3A_38 = arith.constant 0 : i32
      %dma_start3A_39 = tpu.memref_slice %arg4[%add3A_35, %dma_start3A_38] : memref<2048x1024xf32, #tpu.memory_space<hbm>> -> memref<32x1024xf32, #tpu.memory_space<hbm>>
      tpu.enqueue_dma source(%arg7 : memref<32x1024xf32, #tpu.memory_space<vmem>>) target(%dma_start3A_39 : memref<32x1024xf32, #tpu.memory_space<hbm>>) target_semaphore(%run_scoped3A : memref<!tpu.dma_semaphore, #tpu.memory_space<semaphore_mem>>)
      %dma_wait3A_40 = arith.constant 0 : i32
      %dma_wait3A_41 = tpu.memref_slice %arg4[%add3A_35, %dma_wait3A_40] : memref<2048x1024xf32, #tpu.memory_space<hbm>> -> memref<32x1024xf32, #tpu.memory_space<hbm>>
      %dma_wait3A_42 = arith.constant 0 : i32
      %dma_wait3A_43 = tpu.memref_slice %arg4[%add3A_35, %dma_wait3A_42] : memref<2048x1024xf32, #tpu.memory_space<hbm>> -> memref<32x1024xf32, #tpu.memory_space<hbm>>
      tpu.wait_dma2 semaphore(%run_scoped3A : memref<!tpu.dma_semaphore, #tpu.memory_space<semaphore_mem>>) src(%arg7 : memref<32x1024xf32, #tpu.memory_space<vmem>>) dst(%dma_wait3A_43 : memref<32x1024xf32, #tpu.memory_space<hbm>>)
      tpu.yield
    }) : () -> ()
    return
  }
}

#map = affine_map<(d0, d1) -> (0)>
module attributes {stable_mosaic.version = 14 : i64} {
  func.func @_dispatch_body(%arg0: i32, %arg1: i32, %arg2: memref<4096xi32, #tpu.memory_space<hbm>>, %arg3: memref<4096xf32, #tpu.memory_space<hbm>>, %arg4: memref<8192xi32, #tpu.memory_space<hbm>>, %arg5: memref<8192xf32, #tpu.memory_space<hbm>>, %arg6: memref<4096xi32, #tpu.memory_space<hbm>>, %arg7: memref<96xi32, #tpu.memory_space<hbm>>, %arg8: memref<4096xi32, #tpu.memory_space<vmem>>, %arg9: memref<4096xf32, #tpu.memory_space<vmem>>, %arg10: memref<8192xi32, #tpu.memory_space<vmem>>, %arg11: memref<8192xf32, #tpu.memory_space<vmem>>, %arg12: memref<4096xi32, #tpu.memory_space<vmem>>, %arg13: memref<96xi32, #tpu.memory_space<vmem>>, %arg14: memref<8xi32, #tpu.memory_space<smem>>) attributes {dimension_semantics = [#tpu.dimension_semantics<core_parallel>, #tpu.dimension_semantics<subcore_parallel>], iteration_bounds = array<i64: 2, 16>, scalar_prefetch = 0 : i64, scratch_operands = 7 : i64, tpu.core_type = #tpu.core_type<sc_vector_subcore>, window_params = [{transform_indices = #map}, {transform_indices = #map}, {transform_indices = #map}, {transform_indices = #map}, {transform_indices = #map}, {transform_indices = #map}]} {
    %mul3A = arith.constant 2 : i32
    %mul3A_0 = arith.muli %arg1, %mul3A : i32
    %add3A = arith.addi %mul3A_0, %arg0 : i32
    %eq3A = arith.constant 0 : i32
    %eq3A_1 = arith.cmpi eq, %add3A, %eq3A : i32
    %convert_element_type3A = arith.extui %eq3A_1 : i1 to i32
    %cond3A = arith.constant 0 : i32
    %cond3A_2 = arith.cmpi ne, %convert_element_type3A, %cond3A : i32
    scf.if %cond3A_2 {
      "tpu.region"() ({
        %run_scoped3A = tpu.sem_alloc : memref<!tpu.dma_semaphore, #tpu.memory_space<semaphore_mem>>
        tpu.enqueue_dma source(%arg2 : memref<4096xi32, #tpu.memory_space<hbm>>) target(%arg8 : memref<4096xi32, #tpu.memory_space<vmem>>) target_semaphore(%run_scoped3A : memref<!tpu.dma_semaphore, #tpu.memory_space<semaphore_mem>>)
        tpu.wait_dma2 semaphore(%run_scoped3A : memref<!tpu.dma_semaphore, #tpu.memory_space<semaphore_mem>>) src(%arg2 : memref<4096xi32, #tpu.memory_space<hbm>>) dst(%arg8 : memref<4096xi32, #tpu.memory_space<vmem>>)
        tpu.yield
      }) : () -> ()
      "tpu.region"() ({
        %run_scoped3A = tpu.sem_alloc : memref<!tpu.dma_semaphore, #tpu.memory_space<semaphore_mem>>
        tpu.enqueue_dma source(%arg3 : memref<4096xf32, #tpu.memory_space<hbm>>) target(%arg9 : memref<4096xf32, #tpu.memory_space<vmem>>) target_semaphore(%run_scoped3A : memref<!tpu.dma_semaphore, #tpu.memory_space<semaphore_mem>>)
        tpu.wait_dma2 semaphore(%run_scoped3A : memref<!tpu.dma_semaphore, #tpu.memory_space<semaphore_mem>>) src(%arg3 : memref<4096xf32, #tpu.memory_space<hbm>>) dst(%arg9 : memref<4096xf32, #tpu.memory_space<vmem>>)
        tpu.yield
      }) : () -> ()
      %broadcast_in_dim3A = arith.constant 0 : i32
      %broadcast_in_dim3A_3 = vector.broadcast %broadcast_in_dim3A : i32 to vector<16xi32>
      %broadcast_in_dim3A_4 = arith.constant 0.000000e+00 : f32
      %broadcast_in_dim3A_5 = vector.broadcast %broadcast_in_dim3A_4 : f32 to vector<16xf32>
      %scan3A = arith.constant 0 : i32
      %scan3A_6 = arith.constant 512 : i32
      %scan3A_7 = arith.addi %scan3A, %scan3A_6 : i32
      %scan3A_8 = arith.constant 1 : i32
      scf.for %scan3A_342 = %scan3A to %scan3A_7 step %scan3A_8  : i32 {
        %mul3A_343 = arith.constant 16 : i32
        %mul3A_344 = arith.muli %scan3A_342, %mul3A_343 : i32
        %swap3A_345 = arith.index_cast %mul3A_344 : i32 to index
        %swap3A_346 = tpu.vector_load %arg10[%swap3A_345] {strides = array<i32>} : memref<8192xi32, #tpu.memory_space<vmem>>, vector<16xi32>,
        tpu.vector_store %arg10[%swap3A_345], %broadcast_in_dim3A_3 {strides = array<i32>} : memref<8192xi32, #tpu.memory_space<vmem>>, vector<16xi32>,
        %mul3A_347 = arith.constant 16 : i32
        %mul3A_348 = arith.muli %scan3A_342, %mul3A_347 : i32
        %swap3A_349 = arith.index_cast %mul3A_348 : i32 to index
        %swap3A_350 = tpu.vector_load %arg11[%swap3A_349] {strides = array<i32>} : memref<8192xf32, #tpu.memory_space<vmem>>, vector<16xf32>,
        tpu.vector_store %arg11[%swap3A_349], %broadcast_in_dim3A_5 {strides = array<i32>} : memref<8192xf32, #tpu.memory_space<vmem>>, vector<16xf32>,
      }
      %scan3A_9 = arith.constant 512 : i32
      %broadcast_in_dim3A_10 = arith.constant 0 : i32
      %broadcast_in_dim3A_11 = vector.broadcast %broadcast_in_dim3A_10 : i32 to vector<16xi32>
      %scan3A_12 = arith.constant 0 : i32
      %scan3A_13 = arith.constant 256 : i32
      %scan3A_14 = arith.addi %scan3A_12, %scan3A_13 : i32
      %scan3A_15 = arith.constant 1 : i32
      %scan3A_16 = scf.for %scan3A_342 = %scan3A_12 to %scan3A_14 step %scan3A_15 iter_args(%scan3A_343 = %broadcast_in_dim3A_11) -> (vector<16xi32>)  : i32 {
        %mul3A_344 = arith.constant 16 : i32
        %mul3A_345 = arith.muli %scan3A_342, %mul3A_344 : i32
        %get3A = arith.index_cast %mul3A_345 : i32 to index
        %get3A_346 = tpu.vector_load %arg8[%get3A] {strides = array<i32>} : memref<4096xi32, #tpu.memory_space<vmem>>, vector<16xi32>,
        %iota3A_347 = tpu.iota {dimensions = array<i32: 0>} : vector<16xi32>
        %eq3A_348 = arith.constant 0 : i32
        %eq3A_349 = vector.broadcast %eq3A_348 : i32 to vector<16xi32>
        %eq3A_350 = arith.cmpi eq, %get3A_346, %eq3A_349 : vector<16xi32>
        %jit3A_351 = arith.constant 1 : i32
        %jit3A_352 = arith.constant 0 : i32
        %broadcast_in_dim3A_353 = vector.broadcast %jit3A_351 : i32 to vector<16xi32>
        %broadcast_in_dim3A_354 = vector.broadcast %jit3A_352 : i32 to vector<16xi32>
        %select_n3A_355 = arith.select %eq3A_350, %broadcast_in_dim3A_353, %broadcast_in_dim3A_354 : vector<16xi1>, vector<16xi32>
        %reduce_sum3A_356 = arith.constant true
        %reduce_sum3A_357 = vector.broadcast %reduce_sum3A_356 : i1 to vector<16xi1>
        %reduce_sum3A_358 = tpu.scan <sum>, %select_n3A_355 masked %reduce_sum3A_357 : vector<16xi32>, vector<16xi1> -> vector<16xi32>
        %reduce_sum3A_359 = vector.extract %reduce_sum3A_358[15] : i32 from vector<16xi32>
        %eq3A_360 = arith.constant 0 : i32
        %eq3A_361 = vector.broadcast %eq3A_360 : i32 to vector<16xi32>
        %eq3A_362 = arith.cmpi eq, %iota3A_347, %eq3A_361 : vector<16xi32>
        %jit3A_363 = arith.constant 0 : i32
        %broadcast_in_dim3A_364 = vector.broadcast %reduce_sum3A_359 : i32 to vector<16xi32>
        %broadcast_in_dim3A_365 = vector.broadcast %jit3A_363 : i32 to vector<16xi32>
        %select_n3A_366 = arith.select %eq3A_362, %broadcast_in_dim3A_364, %broadcast_in_dim3A_365 : vector<16xi1>, vector<16xi32>
        %add3A_367 = arith.addi %scan3A_343, %select_n3A_366 : vector<16xi32>
        %eq3A_368 = arith.constant 1 : i32
        %eq3A_369 = vector.broadcast %eq3A_368 : i32 to vector<16xi32>
        %eq3A_370 = arith.cmpi eq, %get3A_346, %eq3A_369 : vector<16xi32>
        %jit3A_371 = arith.constant 1 : i32
        %jit3A_372 = arith.constant 0 : i32
        %broadcast_in_dim3A_373 = vector.broadcast %jit3A_371 : i32 to vector<16xi32>
        %broadcast_in_dim3A_374 = vector.broadcast %jit3A_372 : i32 to vector<16xi32>
        %select_n3A_375 = arith.select %eq3A_370, %broadcast_in_dim3A_373, %broadcast_in_dim3A_374 : vector<16xi1>, vector<16xi32>
        %reduce_sum3A_376 = arith.constant true
        %reduce_sum3A_377 = vector.broadcast %reduce_sum3A_376 : i1 to vector<16xi1>
        %reduce_sum3A_378 = tpu.scan <sum>, %select_n3A_375 masked %reduce_sum3A_377 : vector<16xi32>, vector<16xi1> -> vector<16xi32>
        %reduce_sum3A_379 = vector.extract %reduce_sum3A_378[15] : i32 from vector<16xi32>
        %eq3A_380 = arith.constant 1 : i32
        %eq3A_381 = vector.broadcast %eq3A_380 : i32 to vector<16xi32>
        %eq3A_382 = arith.cmpi eq, %iota3A_347, %eq3A_381 : vector<16xi32>
        %jit3A_383 = arith.constant 0 : i32
        %broadcast_in_dim3A_384 = vector.broadcast %reduce_sum3A_379 : i32 to vector<16xi32>
        %broadcast_in_dim3A_385 = vector.broadcast %jit3A_383 : i32 to vector<16xi32>
        %select_n3A_386 = arith.select %eq3A_382, %broadcast_in_dim3A_384, %broadcast_in_dim3A_385 : vector<16xi1>, vector<16xi32>
        %add3A_387 = arith.addi %add3A_367, %select_n3A_386 : vector<16xi32>
        %eq3A_388 = arith.constant 2 : i32
        %eq3A_389 = vector.broadcast %eq3A_388 : i32 to vector<16xi32>
        %eq3A_390 = arith.cmpi eq, %get3A_346, %eq3A_389 : vector<16xi32>
        %jit3A_391 = arith.constant 1 : i32
        %jit3A_392 = arith.constant 0 : i32
        %broadcast_in_dim3A_393 = vector.broadcast %jit3A_391 : i32 to vector<16xi32>
        %broadcast_in_dim3A_394 = vector.broadcast %jit3A_392 : i32 to vector<16xi32>
        %select_n3A_395 = arith.select %eq3A_390, %broadcast_in_dim3A_393, %broadcast_in_dim3A_394 : vector<16xi1>, vector<16xi32>
        %reduce_sum3A_396 = arith.constant true
        %reduce_sum3A_397 = vector.broadcast %reduce_sum3A_396 : i1 to vector<16xi1>
        %reduce_sum3A_398 = tpu.scan <sum>, %select_n3A_395 masked %reduce_sum3A_397 : vector<16xi32>, vector<16xi1> -> vector<16xi32>
        %reduce_sum3A_399 = vector.extract %reduce_sum3A_398[15] : i32 from vector<16xi32>
        %eq3A_400 = arith.constant 2 : i32
        %eq3A_401 = vector.broadcast %eq3A_400 : i32 to vector<16xi32>
        %eq3A_402 = arith.cmpi eq, %iota3A_347, %eq3A_401 : vector<16xi32>
        %jit3A_403 = arith.constant 0 : i32
        %broadcast_in_dim3A_404 = vector.broadcast %reduce_sum3A_399 : i32 to vector<16xi32>
        %broadcast_in_dim3A_405 = vector.broadcast %jit3A_403 : i32 to vector<16xi32>
        %select_n3A_406 = arith.select %eq3A_402, %broadcast_in_dim3A_404, %broadcast_in_dim3A_405 : vector<16xi1>, vector<16xi32>
        %add3A_407 = arith.addi %add3A_387, %select_n3A_406 : vector<16xi32>
        %eq3A_408 = arith.constant 3 : i32
        %eq3A_409 = vector.broadcast %eq3A_408 : i32 to vector<16xi32>
        %eq3A_410 = arith.cmpi eq, %get3A_346, %eq3A_409 : vector<16xi32>
        %jit3A_411 = arith.constant 1 : i32
        %jit3A_412 = arith.constant 0 : i32
        %broadcast_in_dim3A_413 = vector.broadcast %jit3A_411 : i32 to vector<16xi32>
        %broadcast_in_dim3A_414 = vector.broadcast %jit3A_412 : i32 to vector<16xi32>
        %select_n3A_415 = arith.select %eq3A_410, %broadcast_in_dim3A_413, %broadcast_in_dim3A_414 : vector<16xi1>, vector<16xi32>
        %reduce_sum3A_416 = arith.constant true
        %reduce_sum3A_417 = vector.broadcast %reduce_sum3A_416 : i1 to vector<16xi1>
        %reduce_sum3A_418 = tpu.scan <sum>, %select_n3A_415 masked %reduce_sum3A_417 : vector<16xi32>, vector<16xi1> -> vector<16xi32>
        %reduce_sum3A_419 = vector.extract %reduce_sum3A_418[15] : i32 from vector<16xi32>
        %eq3A_420 = arith.constant 3 : i32
        %eq3A_421 = vector.broadcast %eq3A_420 : i32 to vector<16xi32>
        %eq3A_422 = arith.cmpi eq, %iota3A_347, %eq3A_421 : vector<16xi32>
        %jit3A_423 = arith.constant 0 : i32
        %broadcast_in_dim3A_424 = vector.broadcast %reduce_sum3A_419 : i32 to vector<16xi32>
        %broadcast_in_dim3A_425 = vector.broadcast %jit3A_423 : i32 to vector<16xi32>
        %select_n3A_426 = arith.select %eq3A_422, %broadcast_in_dim3A_424, %broadcast_in_dim3A_425 : vector<16xi1>, vector<16xi32>
        %add3A_427 = arith.addi %add3A_407, %select_n3A_426 : vector<16xi32>
        %eq3A_428 = arith.constant 4 : i32
        %eq3A_429 = vector.broadcast %eq3A_428 : i32 to vector<16xi32>
        %eq3A_430 = arith.cmpi eq, %get3A_346, %eq3A_429 : vector<16xi32>
        %jit3A_431 = arith.constant 1 : i32
        %jit3A_432 = arith.constant 0 : i32
        %broadcast_in_dim3A_433 = vector.broadcast %jit3A_431 : i32 to vector<16xi32>
        %broadcast_in_dim3A_434 = vector.broadcast %jit3A_432 : i32 to vector<16xi32>
        %select_n3A_435 = arith.select %eq3A_430, %broadcast_in_dim3A_433, %broadcast_in_dim3A_434 : vector<16xi1>, vector<16xi32>
        %reduce_sum3A_436 = arith.constant true
        %reduce_sum3A_437 = vector.broadcast %reduce_sum3A_436 : i1 to vector<16xi1>
        %reduce_sum3A_438 = tpu.scan <sum>, %select_n3A_435 masked %reduce_sum3A_437 : vector<16xi32>, vector<16xi1> -> vector<16xi32>
        %reduce_sum3A_439 = vector.extract %reduce_sum3A_438[15] : i32 from vector<16xi32>
        %eq3A_440 = arith.constant 4 : i32
        %eq3A_441 = vector.broadcast %eq3A_440 : i32 to vector<16xi32>
        %eq3A_442 = arith.cmpi eq, %iota3A_347, %eq3A_441 : vector<16xi32>
        %jit3A_443 = arith.constant 0 : i32
        %broadcast_in_dim3A_444 = vector.broadcast %reduce_sum3A_439 : i32 to vector<16xi32>
        %broadcast_in_dim3A_445 = vector.broadcast %jit3A_443 : i32 to vector<16xi32>
        %select_n3A_446 = arith.select %eq3A_442, %broadcast_in_dim3A_444, %broadcast_in_dim3A_445 : vector<16xi1>, vector<16xi32>
        %add3A_447 = arith.addi %add3A_427, %select_n3A_446 : vector<16xi32>
        %eq3A_448 = arith.constant 5 : i32
        %eq3A_449 = vector.broadcast %eq3A_448 : i32 to vector<16xi32>
        %eq3A_450 = arith.cmpi eq, %get3A_346, %eq3A_449 : vector<16xi32>
        %jit3A_451 = arith.constant 1 : i32
        %jit3A_452 = arith.constant 0 : i32
        %broadcast_in_dim3A_453 = vector.broadcast %jit3A_451 : i32 to vector<16xi32>
        %broadcast_in_dim3A_454 = vector.broadcast %jit3A_452 : i32 to vector<16xi32>
        %select_n3A_455 = arith.select %eq3A_450, %broadcast_in_dim3A_453, %broadcast_in_dim3A_454 : vector<16xi1>, vector<16xi32>
        %reduce_sum3A_456 = arith.constant true
        %reduce_sum3A_457 = vector.broadcast %reduce_sum3A_456 : i1 to vector<16xi1>
        %reduce_sum3A_458 = tpu.scan <sum>, %select_n3A_455 masked %reduce_sum3A_457 : vector<16xi32>, vector<16xi1> -> vector<16xi32>
        %reduce_sum3A_459 = vector.extract %reduce_sum3A_458[15] : i32 from vector<16xi32>
        %eq3A_460 = arith.constant 5 : i32
        %eq3A_461 = vector.broadcast %eq3A_460 : i32 to vector<16xi32>
        %eq3A_462 = arith.cmpi eq, %iota3A_347, %eq3A_461 : vector<16xi32>
        %jit3A_463 = arith.constant 0 : i32
        %broadcast_in_dim3A_464 = vector.broadcast %reduce_sum3A_459 : i32 to vector<16xi32>
        %broadcast_in_dim3A_465 = vector.broadcast %jit3A_463 : i32 to vector<16xi32>
        %select_n3A_466 = arith.select %eq3A_462, %broadcast_in_dim3A_464, %broadcast_in_dim3A_465 : vector<16xi1>, vector<16xi32>
        %add3A_467 = arith.addi %add3A_447, %select_n3A_466 : vector<16xi32>
        %eq3A_468 = arith.constant 6 : i32
        %eq3A_469 = vector.broadcast %eq3A_468 : i32 to vector<16xi32>
        %eq3A_470 = arith.cmpi eq, %get3A_346, %eq3A_469 : vector<16xi32>
        %jit3A_471 = arith.constant 1 : i32
        %jit3A_472 = arith.constant 0 : i32
        %broadcast_in_dim3A_473 = vector.broadcast %jit3A_471 : i32 to vector<16xi32>
        %broadcast_in_dim3A_474 = vector.broadcast %jit3A_472 : i32 to vector<16xi32>
        %select_n3A_475 = arith.select %eq3A_470, %broadcast_in_dim3A_473, %broadcast_in_dim3A_474 : vector<16xi1>, vector<16xi32>
        %reduce_sum3A_476 = arith.constant true
        %reduce_sum3A_477 = vector.broadcast %reduce_sum3A_476 : i1 to vector<16xi1>
        %reduce_sum3A_478 = tpu.scan <sum>, %select_n3A_475 masked %reduce_sum3A_477 : vector<16xi32>, vector<16xi1> -> vector<16xi32>
        %reduce_sum3A_479 = vector.extract %reduce_sum3A_478[15] : i32 from vector<16xi32>
        %eq3A_480 = arith.constant 6 : i32
        %eq3A_481 = vector.broadcast %eq3A_480 : i32 to vector<16xi32>
        %eq3A_482 = arith.cmpi eq, %iota3A_347, %eq3A_481 : vector<16xi32>
        %jit3A_483 = arith.constant 0 : i32
        %broadcast_in_dim3A_484 = vector.broadcast %reduce_sum3A_479 : i32 to vector<16xi32>
        %broadcast_in_dim3A_485 = vector.broadcast %jit3A_483 : i32 to vector<16xi32>
        %select_n3A_486 = arith.select %eq3A_482, %broadcast_in_dim3A_484, %broadcast_in_dim3A_485 : vector<16xi1>, vector<16xi32>
        %add3A_487 = arith.addi %add3A_467, %select_n3A_486 : vector<16xi32>
        %eq3A_488 = arith.constant 7 : i32
        %eq3A_489 = vector.broadcast %eq3A_488 : i32 to vector<16xi32>
        %eq3A_490 = arith.cmpi eq, %get3A_346, %eq3A_489 : vector<16xi32>
        %jit3A_491 = arith.constant 1 : i32
        %jit3A_492 = arith.constant 0 : i32
        %broadcast_in_dim3A_493 = vector.broadcast %jit3A_491 : i32 to vector<16xi32>
        %broadcast_in_dim3A_494 = vector.broadcast %jit3A_492 : i32 to vector<16xi32>
        %select_n3A_495 = arith.select %eq3A_490, %broadcast_in_dim3A_493, %broadcast_in_dim3A_494 : vector<16xi1>, vector<16xi32>
        %reduce_sum3A_496 = arith.constant true
        %reduce_sum3A_497 = vector.broadcast %reduce_sum3A_496 : i1 to vector<16xi1>
        %reduce_sum3A_498 = tpu.scan <sum>, %select_n3A_495 masked %reduce_sum3A_497 : vector<16xi32>, vector<16xi1> -> vector<16xi32>
        %reduce_sum3A_499 = vector.extract %reduce_sum3A_498[15] : i32 from vector<16xi32>
        %eq3A_500 = arith.constant 7 : i32
        %eq3A_501 = vector.broadcast %eq3A_500 : i32 to vector<16xi32>
        %eq3A_502 = arith.cmpi eq, %iota3A_347, %eq3A_501 : vector<16xi32>
        %jit3A_503 = arith.constant 0 : i32
        %broadcast_in_dim3A_504 = vector.broadcast %reduce_sum3A_499 : i32 to vector<16xi32>
        %broadcast_in_dim3A_505 = vector.broadcast %jit3A_503 : i32 to vector<16xi32>
        %select_n3A_506 = arith.select %eq3A_502, %broadcast_in_dim3A_504, %broadcast_in_dim3A_505 : vector<16xi1>, vector<16xi32>
        %add3A_507 = arith.addi %add3A_487, %select_n3A_506 : vector<16xi32>
        scf.yield %add3A_507 : vector<16xi32>
      }
      %scan3A_17 = arith.constant 256 : i32
      %add3A_18 = arith.constant 511 : i32
      %add3A_19 = vector.broadcast %add3A_18 : i32 to vector<16xi32>
      %add3A_20 = arith.addi %scan3A_16, %add3A_19 : vector<16xi32>
      %jit3A = arith.constant 512 : i32
      %div3A = vector.broadcast %jit3A : i32 to vector<16xi32>
      %div3A_21 = arith.divsi %add3A_20, %div3A : vector<16xi32>
      %sign3A = arith.constant 0 : i32
      %sign3A_22 = vector.broadcast %sign3A : i32 to vector<16xi32>
      %sign3A_23 = arith.cmpi sgt, %add3A_20, %sign3A_22 : vector<16xi32>
      %sign3A_24 = arith.extui %sign3A_23 : vector<16xi1> to vector<16xi32>
      %sign3A_25 = arith.constant 0 : i32
      %sign3A_26 = vector.broadcast %sign3A_25 : i32 to vector<16xi32>
      %sign3A_27 = arith.cmpi slt, %add3A_20, %sign3A_26 : vector<16xi32>
      %sign3A_28 = arith.extui %sign3A_27 : vector<16xi1> to vector<16xi32>
      %sign3A_29 = arith.subi %sign3A_24, %sign3A_28 : vector<16xi32>
      %sign3A_30 = arith.constant 0 : i32
      %sign3A_31 = arith.cmpi sgt, %jit3A, %sign3A_30 : i32
      %sign3A_32 = arith.extui %sign3A_31 : i1 to i32
      %sign3A_33 = arith.constant 0 : i32
      %sign3A_34 = arith.cmpi slt, %jit3A, %sign3A_33 : i32
      %sign3A_35 = arith.extui %sign3A_34 : i1 to i32
      %sign3A_36 = arith.subi %sign3A_32, %sign3A_35 : i32
      %ne3A = vector.broadcast %sign3A_36 : i32 to vector<16xi32>
      %ne3A_37 = arith.cmpi ne, %sign3A_29, %ne3A : vector<16xi32>
      %rem3A = vector.broadcast %jit3A : i32 to vector<16xi32>
      %rem3A_38 = arith.remsi %add3A_20, %rem3A : vector<16xi32>
      %ne3A_39 = arith.constant 0 : i32
      %ne3A_40 = vector.broadcast %ne3A_39 : i32 to vector<16xi32>
      %ne3A_41 = arith.cmpi ne, %rem3A_38, %ne3A_40 : vector<16xi32>
      %and3A = arith.andi %ne3A_37, %ne3A_41 : vector<16xi1>
      %sub3A = arith.constant 1 : i32
      %sub3A_42 = vector.broadcast %sub3A : i32 to vector<16xi32>
      %sub3A_43 = arith.subi %div3A_21, %sub3A_42 : vector<16xi32>
      %select_n3A = arith.select %and3A, %sub3A_43, %div3A_21 : vector<16xi1>, vector<16xi32>
      %broadcast_in_dim3A_44 = arith.constant true
      %broadcast_in_dim3A_45 = vector.broadcast %broadcast_in_dim3A_44 : i1 to vector<16xi1>
      %masked_cumsum3A = tpu.scan <sum>, %select_n3A masked %broadcast_in_dim3A_45 : vector<16xi32>, vector<16xi1> -> vector<16xi32>
      %sub3A_46 = arith.subi %masked_cumsum3A, %select_n3A : vector<16xi32>
      %mul3A_47 = arith.constant 512 : i32
      %mul3A_48 = vector.broadcast %mul3A_47 : i32 to vector<16xi32>
      %mul3A_49 = arith.muli %sub3A_46, %mul3A_48 : vector<16xi32>
      %reduce_sum3A = arith.constant true
      %reduce_sum3A_50 = vector.broadcast %reduce_sum3A : i1 to vector<16xi1>
      %reduce_sum3A_51 = tpu.scan <sum>, %select_n3A masked %reduce_sum3A_50 : vector<16xi32>, vector<16xi1> -> vector<16xi32>
      %reduce_sum3A_52 = vector.extract %reduce_sum3A_51[15] : i32 from vector<16xi32>
      %slice3A = vector.extract_strided_slice %mul3A_49 {offsets = [0], sizes = [1], strides = [1]} : vector<16xi32> to vector<1xi32>
      %squeeze3A = vector.extract %slice3A[0] : i32 from vector<1xi32>
      %swap3A = arith.constant 0 : i32
      %swap3A_53 = arith.index_cast %swap3A : i32 to index
      %swap3A_54 = memref.load %arg14[%swap3A_53] : memref<8xi32, #tpu.memory_space<smem>>
      memref.store %squeeze3A, %arg14[%swap3A_53] : memref<8xi32, #tpu.memory_space<smem>>
      %slice3A_55 = vector.extract_strided_slice %mul3A_49 {offsets = [1], sizes = [1], strides = [1]} : vector<16xi32> to vector<1xi32>
      %squeeze3A_56 = vector.extract %slice3A_55[0] : i32 from vector<1xi32>
      %swap3A_57 = arith.constant 1 : i32
      %swap3A_58 = arith.index_cast %swap3A_57 : i32 to index
      %swap3A_59 = memref.load %arg14[%swap3A_58] : memref<8xi32, #tpu.memory_space<smem>>
      memref.store %squeeze3A_56, %arg14[%swap3A_58] : memref<8xi32, #tpu.memory_space<smem>>
      %slice3A_60 = vector.extract_strided_slice %mul3A_49 {offsets = [2], sizes = [1], strides = [1]} : vector<16xi32> to vector<1xi32>
      %squeeze3A_61 = vector.extract %slice3A_60[0] : i32 from vector<1xi32>
      %swap3A_62 = arith.constant 2 : i32
      %swap3A_63 = arith.index_cast %swap3A_62 : i32 to index
      %swap3A_64 = memref.load %arg14[%swap3A_63] : memref<8xi32, #tpu.memory_space<smem>>
      memref.store %squeeze3A_61, %arg14[%swap3A_63] : memref<8xi32, #tpu.memory_space<smem>>
      %slice3A_65 = vector.extract_strided_slice %mul3A_49 {offsets = [3], sizes = [1], strides = [1]} : vector<16xi32> to vector<1xi32>
      %squeeze3A_66 = vector.extract %slice3A_65[0] : i32 from vector<1xi32>
      %swap3A_67 = arith.constant 3 : i32
      %swap3A_68 = arith.index_cast %swap3A_67 : i32 to index
      %swap3A_69 = memref.load %arg14[%swap3A_68] : memref<8xi32, #tpu.memory_space<smem>>
      memref.store %squeeze3A_66, %arg14[%swap3A_68] : memref<8xi32, #tpu.memory_space<smem>>
      %slice3A_70 = vector.extract_strided_slice %mul3A_49 {offsets = [4], sizes = [1], strides = [1]} : vector<16xi32> to vector<1xi32>
      %squeeze3A_71 = vector.extract %slice3A_70[0] : i32 from vector<1xi32>
      %swap3A_72 = arith.constant 4 : i32
      %swap3A_73 = arith.index_cast %swap3A_72 : i32 to index
      %swap3A_74 = memref.load %arg14[%swap3A_73] : memref<8xi32, #tpu.memory_space<smem>>
      memref.store %squeeze3A_71, %arg14[%swap3A_73] : memref<8xi32, #tpu.memory_space<smem>>
      %slice3A_75 = vector.extract_strided_slice %mul3A_49 {offsets = [5], sizes = [1], strides = [1]} : vector<16xi32> to vector<1xi32>
      %squeeze3A_76 = vector.extract %slice3A_75[0] : i32 from vector<1xi32>
      %swap3A_77 = arith.constant 5 : i32
      %swap3A_78 = arith.index_cast %swap3A_77 : i32 to index
      %swap3A_79 = memref.load %arg14[%swap3A_78] : memref<8xi32, #tpu.memory_space<smem>>
      memref.store %squeeze3A_76, %arg14[%swap3A_78] : memref<8xi32, #tpu.memory_space<smem>>
      %slice3A_80 = vector.extract_strided_slice %mul3A_49 {offsets = [6], sizes = [1], strides = [1]} : vector<16xi32> to vector<1xi32>
      %squeeze3A_81 = vector.extract %slice3A_80[0] : i32 from vector<1xi32>
      %swap3A_82 = arith.constant 6 : i32
      %swap3A_83 = arith.index_cast %swap3A_82 : i32 to index
      %swap3A_84 = memref.load %arg14[%swap3A_83] : memref<8xi32, #tpu.memory_space<smem>>
      memref.store %squeeze3A_81, %arg14[%swap3A_83] : memref<8xi32, #tpu.memory_space<smem>>
      %slice3A_85 = vector.extract_strided_slice %mul3A_49 {offsets = [7], sizes = [1], strides = [1]} : vector<16xi32> to vector<1xi32>
      %squeeze3A_86 = vector.extract %slice3A_85[0] : i32 from vector<1xi32>
      %swap3A_87 = arith.constant 7 : i32
      %swap3A_88 = arith.index_cast %swap3A_87 : i32 to index
      %swap3A_89 = memref.load %arg14[%swap3A_88] : memref<8xi32, #tpu.memory_space<smem>>
      memref.store %squeeze3A_86, %arg14[%swap3A_88] : memref<8xi32, #tpu.memory_space<smem>>
      %slice3A_90 = vector.extract_strided_slice %masked_cumsum3A {offsets = [0], sizes = [1], strides = [1]} : vector<16xi32> to vector<1xi32>
      %squeeze3A_91 = vector.extract %slice3A_90[0] : i32 from vector<1xi32>
      %slice3A_92 = vector.extract_strided_slice %masked_cumsum3A {offsets = [1], sizes = [1], strides = [1]} : vector<16xi32> to vector<1xi32>
      %squeeze3A_93 = vector.extract %slice3A_92[0] : i32 from vector<1xi32>
      %slice3A_94 = vector.extract_strided_slice %masked_cumsum3A {offsets = [2], sizes = [1], strides = [1]} : vector<16xi32> to vector<1xi32>
      %squeeze3A_95 = vector.extract %slice3A_94[0] : i32 from vector<1xi32>
      %slice3A_96 = vector.extract_strided_slice %masked_cumsum3A {offsets = [3], sizes = [1], strides = [1]} : vector<16xi32> to vector<1xi32>
      %squeeze3A_97 = vector.extract %slice3A_96[0] : i32 from vector<1xi32>
      %slice3A_98 = vector.extract_strided_slice %masked_cumsum3A {offsets = [4], sizes = [1], strides = [1]} : vector<16xi32> to vector<1xi32>
      %squeeze3A_99 = vector.extract %slice3A_98[0] : i32 from vector<1xi32>
      %slice3A_100 = vector.extract_strided_slice %masked_cumsum3A {offsets = [5], sizes = [1], strides = [1]} : vector<16xi32> to vector<1xi32>
      %squeeze3A_101 = vector.extract %slice3A_100[0] : i32 from vector<1xi32>
      %slice3A_102 = vector.extract_strided_slice %masked_cumsum3A {offsets = [6], sizes = [1], strides = [1]} : vector<16xi32> to vector<1xi32>
      %squeeze3A_103 = vector.extract %slice3A_102[0] : i32 from vector<1xi32>
      %slice3A_104 = vector.extract_strided_slice %masked_cumsum3A {offsets = [7], sizes = [1], strides = [1]} : vector<16xi32> to vector<1xi32>
      %squeeze3A_105 = vector.extract %slice3A_104[0] : i32 from vector<1xi32>
      %sub3A_106 = arith.constant 1 : i32
      %sub3A_107 = arith.subi %reduce_sum3A_52, %sub3A_106 : i32
      %le3A = arith.cmpi sle, %squeeze3A_91, %sub3A_107 : i32
      %jit3A_108 = arith.constant 1 : i32
      %jit3A_109 = arith.constant 0 : i32
      %select_n3A_110 = arith.select %le3A, %jit3A_108, %jit3A_109 : i32
      %add3A_111 = arith.constant 0 : i32
      %add3A_112 = arith.addi %add3A_111, %select_n3A_110 : i32
      %sub3A_113 = arith.constant 1 : i32
      %sub3A_114 = arith.subi %reduce_sum3A_52, %sub3A_113 : i32
      %le3A_115 = arith.cmpi sle, %squeeze3A_93, %sub3A_114 : i32
      %jit3A_116 = arith.constant 1 : i32
      %jit3A_117 = arith.constant 0 : i32
      %select_n3A_118 = arith.select %le3A_115, %jit3A_116, %jit3A_117 : i32
      %add3A_119 = arith.addi %add3A_112, %select_n3A_118 : i32
      %sub3A_120 = arith.constant 1 : i32
      %sub3A_121 = arith.subi %reduce_sum3A_52, %sub3A_120 : i32
      %le3A_122 = arith.cmpi sle, %squeeze3A_95, %sub3A_121 : i32
      %jit3A_123 = arith.constant 1 : i32
      %jit3A_124 = arith.constant 0 : i32
      %select_n3A_125 = arith.select %le3A_122, %jit3A_123, %jit3A_124 : i32
      %add3A_126 = arith.addi %add3A_119, %select_n3A_125 : i32
      %sub3A_127 = arith.constant 1 : i32
      %sub3A_128 = arith.subi %reduce_sum3A_52, %sub3A_127 : i32
      %le3A_129 = arith.cmpi sle, %squeeze3A_97, %sub3A_128 : i32
      %jit3A_130 = arith.constant 1 : i32
      %jit3A_131 = arith.constant 0 : i32
      %select_n3A_132 = arith.select %le3A_129, %jit3A_130, %jit3A_131 : i32
      %add3A_133 = arith.addi %add3A_126, %select_n3A_132 : i32
      %sub3A_134 = arith.constant 1 : i32
      %sub3A_135 = arith.subi %reduce_sum3A_52, %sub3A_134 : i32
      %le3A_136 = arith.cmpi sle, %squeeze3A_99, %sub3A_135 : i32
      %jit3A_137 = arith.constant 1 : i32
      %jit3A_138 = arith.constant 0 : i32
      %select_n3A_139 = arith.select %le3A_136, %jit3A_137, %jit3A_138 : i32
      %add3A_140 = arith.addi %add3A_133, %select_n3A_139 : i32
      %sub3A_141 = arith.constant 1 : i32
      %sub3A_142 = arith.subi %reduce_sum3A_52, %sub3A_141 : i32
      %le3A_143 = arith.cmpi sle, %squeeze3A_101, %sub3A_142 : i32
      %jit3A_144 = arith.constant 1 : i32
      %jit3A_145 = arith.constant 0 : i32
      %select_n3A_146 = arith.select %le3A_143, %jit3A_144, %jit3A_145 : i32
      %add3A_147 = arith.addi %add3A_140, %select_n3A_146 : i32
      %sub3A_148 = arith.constant 1 : i32
      %sub3A_149 = arith.subi %reduce_sum3A_52, %sub3A_148 : i32
      %le3A_150 = arith.cmpi sle, %squeeze3A_103, %sub3A_149 : i32
      %jit3A_151 = arith.constant 1 : i32
      %jit3A_152 = arith.constant 0 : i32
      %select_n3A_153 = arith.select %le3A_150, %jit3A_151, %jit3A_152 : i32
      %add3A_154 = arith.addi %add3A_147, %select_n3A_153 : i32
      %sub3A_155 = arith.constant 1 : i32
      %sub3A_156 = arith.subi %reduce_sum3A_52, %sub3A_155 : i32
      %le3A_157 = arith.cmpi sle, %squeeze3A_105, %sub3A_156 : i32
      %jit3A_158 = arith.constant 1 : i32
      %jit3A_159 = arith.constant 0 : i32
      %select_n3A_160 = arith.select %le3A_157, %jit3A_158, %jit3A_159 : i32
      %add3A_161 = arith.addi %add3A_154, %select_n3A_160 : i32
      %iota3A = tpu.iota {dimensions = array<i32: 0>} : vector<16xi32>
      %add3A_162 = arith.constant 0 : i32
      %add3A_163 = vector.broadcast %add3A_162 : i32 to vector<16xi32>
      %add3A_164 = arith.addi %iota3A, %add3A_163 : vector<16xi32>
      %broadcast_in_dim3A_165 = arith.constant 0 : i32
      %broadcast_in_dim3A_166 = vector.broadcast %broadcast_in_dim3A_165 : i32 to vector<16xi32>
      %ge3A = vector.broadcast %squeeze3A_91 : i32 to vector<16xi32>
      %ge3A_167 = arith.cmpi sge, %add3A_164, %ge3A : vector<16xi32>
      %jit3A_168 = arith.constant 1 : i32
      %jit3A_169 = arith.constant 0 : i32
      %broadcast_in_dim3A_170 = vector.broadcast %jit3A_168 : i32 to vector<16xi32>
      %broadcast_in_dim3A_171 = vector.broadcast %jit3A_169 : i32 to vector<16xi32>
      %select_n3A_172 = arith.select %ge3A_167, %broadcast_in_dim3A_170, %broadcast_in_dim3A_171 : vector<16xi1>, vector<16xi32>
      %add3A_173 = arith.addi %broadcast_in_dim3A_166, %select_n3A_172 : vector<16xi32>
      %ge3A_174 = vector.broadcast %squeeze3A_93 : i32 to vector<16xi32>
      %ge3A_175 = arith.cmpi sge, %add3A_164, %ge3A_174 : vector<16xi32>
      %jit3A_176 = arith.constant 1 : i32
      %jit3A_177 = arith.constant 0 : i32
      %broadcast_in_dim3A_178 = vector.broadcast %jit3A_176 : i32 to vector<16xi32>
      %broadcast_in_dim3A_179 = vector.broadcast %jit3A_177 : i32 to vector<16xi32>
      %select_n3A_180 = arith.select %ge3A_175, %broadcast_in_dim3A_178, %broadcast_in_dim3A_179 : vector<16xi1>, vector<16xi32>
      %add3A_181 = arith.addi %add3A_173, %select_n3A_180 : vector<16xi32>
      %ge3A_182 = vector.broadcast %squeeze3A_95 : i32 to vector<16xi32>
      %ge3A_183 = arith.cmpi sge, %add3A_164, %ge3A_182 : vector<16xi32>
      %jit3A_184 = arith.constant 1 : i32
      %jit3A_185 = arith.constant 0 : i32
      %broadcast_in_dim3A_186 = vector.broadcast %jit3A_184 : i32 to vector<16xi32>
      %broadcast_in_dim3A_187 = vector.broadcast %jit3A_185 : i32 to vector<16xi32>
      %select_n3A_188 = arith.select %ge3A_183, %broadcast_in_dim3A_186, %broadcast_in_dim3A_187 : vector<16xi1>, vector<16xi32>
      %add3A_189 = arith.addi %add3A_181, %select_n3A_188 : vector<16xi32>
      %ge3A_190 = vector.broadcast %squeeze3A_97 : i32 to vector<16xi32>
      %ge3A_191 = arith.cmpi sge, %add3A_164, %ge3A_190 : vector<16xi32>
      %jit3A_192 = arith.constant 1 : i32
      %jit3A_193 = arith.constant 0 : i32
      %broadcast_in_dim3A_194 = vector.broadcast %jit3A_192 : i32 to vector<16xi32>
      %broadcast_in_dim3A_195 = vector.broadcast %jit3A_193 : i32 to vector<16xi32>
      %select_n3A_196 = arith.select %ge3A_191, %broadcast_in_dim3A_194, %broadcast_in_dim3A_195 : vector<16xi1>, vector<16xi32>
      %add3A_197 = arith.addi %add3A_189, %select_n3A_196 : vector<16xi32>
      %ge3A_198 = vector.broadcast %squeeze3A_99 : i32 to vector<16xi32>
      %ge3A_199 = arith.cmpi sge, %add3A_164, %ge3A_198 : vector<16xi32>
      %jit3A_200 = arith.constant 1 : i32
      %jit3A_201 = arith.constant 0 : i32
      %broadcast_in_dim3A_202 = vector.broadcast %jit3A_200 : i32 to vector<16xi32>
      %broadcast_in_dim3A_203 = vector.broadcast %jit3A_201 : i32 to vector<16xi32>
      %select_n3A_204 = arith.select %ge3A_199, %broadcast_in_dim3A_202, %broadcast_in_dim3A_203 : vector<16xi1>, vector<16xi32>
      %add3A_205 = arith.addi %add3A_197, %select_n3A_204 : vector<16xi32>
      %ge3A_206 = vector.broadcast %squeeze3A_101 : i32 to vector<16xi32>
      %ge3A_207 = arith.cmpi sge, %add3A_164, %ge3A_206 : vector<16xi32>
      %jit3A_208 = arith.constant 1 : i32
      %jit3A_209 = arith.constant 0 : i32
      %broadcast_in_dim3A_210 = vector.broadcast %jit3A_208 : i32 to vector<16xi32>
      %broadcast_in_dim3A_211 = vector.broadcast %jit3A_209 : i32 to vector<16xi32>
      %select_n3A_212 = arith.select %ge3A_207, %broadcast_in_dim3A_210, %broadcast_in_dim3A_211 : vector<16xi1>, vector<16xi32>
      %add3A_213 = arith.addi %add3A_205, %select_n3A_212 : vector<16xi32>
      %ge3A_214 = vector.broadcast %squeeze3A_103 : i32 to vector<16xi32>
      %ge3A_215 = arith.cmpi sge, %add3A_164, %ge3A_214 : vector<16xi32>
      %jit3A_216 = arith.constant 1 : i32
      %jit3A_217 = arith.constant 0 : i32
      %broadcast_in_dim3A_218 = vector.broadcast %jit3A_216 : i32 to vector<16xi32>
      %broadcast_in_dim3A_219 = vector.broadcast %jit3A_217 : i32 to vector<16xi32>
      %select_n3A_220 = arith.select %ge3A_215, %broadcast_in_dim3A_218, %broadcast_in_dim3A_219 : vector<16xi1>, vector<16xi32>
      %add3A_221 = arith.addi %add3A_213, %select_n3A_220 : vector<16xi32>
      %ge3A_222 = vector.broadcast %squeeze3A_105 : i32 to vector<16xi32>
      %ge3A_223 = arith.cmpi sge, %add3A_164, %ge3A_222 : vector<16xi32>
      %jit3A_224 = arith.constant 1 : i32
      %jit3A_225 = arith.constant 0 : i32
      %broadcast_in_dim3A_226 = vector.broadcast %jit3A_224 : i32 to vector<16xi32>
      %broadcast_in_dim3A_227 = vector.broadcast %jit3A_225 : i32 to vector<16xi32>
      %select_n3A_228 = arith.select %ge3A_223, %broadcast_in_dim3A_226, %broadcast_in_dim3A_227 : vector<16xi1>, vector<16xi32>
      %add3A_229 = arith.addi %add3A_221, %select_n3A_228 : vector<16xi32>
      %lt3A = vector.broadcast %reduce_sum3A_52 : i32 to vector<16xi32>
      %lt3A_230 = arith.cmpi slt, %add3A_164, %lt3A : vector<16xi32>
      %broadcast_in_dim3A_231 = vector.broadcast %add3A_161 : i32 to vector<16xi32>
      %select_n3A_232 = arith.select %lt3A_230, %add3A_229, %broadcast_in_dim3A_231 : vector<16xi1>, vector<16xi32>
      %sub3A_233 = arith.constant 1 : i32
      %sub3A_234 = arith.subi %reduce_sum3A_52, %sub3A_233 : i32
      %broadcast_in_dim3A_235 = vector.broadcast %sub3A_234 : i32 to vector<16xi32>
      %select_n3A_236 = arith.select %lt3A_230, %add3A_164, %broadcast_in_dim3A_235 : vector<16xi1>, vector<16xi32>
      %swap3A_237 = arith.constant 0 : index
      %swap3A_238 = tpu.vector_load %arg13[%swap3A_237] {strides = array<i32>} : memref<96xi32, #tpu.memory_space<vmem>>, vector<16xi32>,
      tpu.vector_store %arg13[%swap3A_237], %select_n3A_232 {strides = array<i32>} : memref<96xi32, #tpu.memory_space<vmem>>, vector<16xi32>,
      %swap3A_239 = arith.constant 32 : index
      %swap3A_240 = tpu.vector_load %arg13[%swap3A_239] {strides = array<i32>} : memref<96xi32, #tpu.memory_space<vmem>>, vector<16xi32>,
      tpu.vector_store %arg13[%swap3A_239], %select_n3A_236 {strides = array<i32>} : memref<96xi32, #tpu.memory_space<vmem>>, vector<16xi32>,
      %jit3A_241 = arith.constant 1 : i32
      %jit3A_242 = arith.constant 0 : i32
      %broadcast_in_dim3A_243 = vector.broadcast %jit3A_241 : i32 to vector<16xi32>
      %broadcast_in_dim3A_244 = vector.broadcast %jit3A_242 : i32 to vector<16xi32>
      %select_n3A_245 = arith.select %lt3A_230, %broadcast_in_dim3A_243, %broadcast_in_dim3A_244 : vector<16xi1>, vector<16xi32>
      %swap3A_246 = arith.constant 64 : index
      %swap3A_247 = tpu.vector_load %arg13[%swap3A_246] {strides = array<i32>} : memref<96xi32, #tpu.memory_space<vmem>>, vector<16xi32>,
      tpu.vector_store %arg13[%swap3A_246], %select_n3A_245 {strides = array<i32>} : memref<96xi32, #tpu.memory_space<vmem>>, vector<16xi32>,
      %iota3A_248 = tpu.iota {dimensions = array<i32: 0>} : vector<16xi32>
      %add3A_249 = arith.constant 16 : i32
      %add3A_250 = vector.broadcast %add3A_249 : i32 to vector<16xi32>
      %add3A_251 = arith.addi %iota3A_248, %add3A_250 : vector<16xi32>
      %broadcast_in_dim3A_252 = arith.constant 0 : i32
      %broadcast_in_dim3A_253 = vector.broadcast %broadcast_in_dim3A_252 : i32 to vector<16xi32>
      %ge3A_254 = vector.broadcast %squeeze3A_91 : i32 to vector<16xi32>
      %ge3A_255 = arith.cmpi sge, %add3A_251, %ge3A_254 : vector<16xi32>
      %jit3A_256 = arith.constant 1 : i32
      %jit3A_257 = arith.constant 0 : i32
      %broadcast_in_dim3A_258 = vector.broadcast %jit3A_256 : i32 to vector<16xi32>
      %broadcast_in_dim3A_259 = vector.broadcast %jit3A_257 : i32 to vector<16xi32>
      %select_n3A_260 = arith.select %ge3A_255, %broadcast_in_dim3A_258, %broadcast_in_dim3A_259 : vector<16xi1>, vector<16xi32>
      %add3A_261 = arith.addi %broadcast_in_dim3A_253, %select_n3A_260 : vector<16xi32>
      %ge3A_262 = vector.broadcast %squeeze3A_93 : i32 to vector<16xi32>
      %ge3A_263 = arith.cmpi sge, %add3A_251, %ge3A_262 : vector<16xi32>
      %jit3A_264 = arith.constant 1 : i32
      %jit3A_265 = arith.constant 0 : i32
      %broadcast_in_dim3A_266 = vector.broadcast %jit3A_264 : i32 to vector<16xi32>
      %broadcast_in_dim3A_267 = vector.broadcast %jit3A_265 : i32 to vector<16xi32>
      %select_n3A_268 = arith.select %ge3A_263, %broadcast_in_dim3A_266, %broadcast_in_dim3A_267 : vector<16xi1>, vector<16xi32>
      %add3A_269 = arith.addi %add3A_261, %select_n3A_268 : vector<16xi32>
      %ge3A_270 = vector.broadcast %squeeze3A_95 : i32 to vector<16xi32>
      %ge3A_271 = arith.cmpi sge, %add3A_251, %ge3A_270 : vector<16xi32>
      %jit3A_272 = arith.constant 1 : i32
      %jit3A_273 = arith.constant 0 : i32
      %broadcast_in_dim3A_274 = vector.broadcast %jit3A_272 : i32 to vector<16xi32>
      %broadcast_in_dim3A_275 = vector.broadcast %jit3A_273 : i32 to vector<16xi32>
      %select_n3A_276 = arith.select %ge3A_271, %broadcast_in_dim3A_274, %broadcast_in_dim3A_275 : vector<16xi1>, vector<16xi32>
      %add3A_277 = arith.addi %add3A_269, %select_n3A_276 : vector<16xi32>
      %ge3A_278 = vector.broadcast %squeeze3A_97 : i32 to vector<16xi32>
      %ge3A_279 = arith.cmpi sge, %add3A_251, %ge3A_278 : vector<16xi32>
      %jit3A_280 = arith.constant 1 : i32
      %jit3A_281 = arith.constant 0 : i32
      %broadcast_in_dim3A_282 = vector.broadcast %jit3A_280 : i32 to vector<16xi32>
      %broadcast_in_dim3A_283 = vector.broadcast %jit3A_281 : i32 to vector<16xi32>
      %select_n3A_284 = arith.select %ge3A_279, %broadcast_in_dim3A_282, %broadcast_in_dim3A_283 : vector<16xi1>, vector<16xi32>
      %add3A_285 = arith.addi %add3A_277, %select_n3A_284 : vector<16xi32>
      %ge3A_286 = vector.broadcast %squeeze3A_99 : i32 to vector<16xi32>
      %ge3A_287 = arith.cmpi sge, %add3A_251, %ge3A_286 : vector<16xi32>
      %jit3A_288 = arith.constant 1 : i32
      %jit3A_289 = arith.constant 0 : i32
      %broadcast_in_dim3A_290 = vector.broadcast %jit3A_288 : i32 to vector<16xi32>
      %broadcast_in_dim3A_291 = vector.broadcast %jit3A_289 : i32 to vector<16xi32>
      %select_n3A_292 = arith.select %ge3A_287, %broadcast_in_dim3A_290, %broadcast_in_dim3A_291 : vector<16xi1>, vector<16xi32>
      %add3A_293 = arith.addi %add3A_285, %select_n3A_292 : vector<16xi32>
      %ge3A_294 = vector.broadcast %squeeze3A_101 : i32 to vector<16xi32>
      %ge3A_295 = arith.cmpi sge, %add3A_251, %ge3A_294 : vector<16xi32>
      %jit3A_296 = arith.constant 1 : i32
      %jit3A_297 = arith.constant 0 : i32
      %broadcast_in_dim3A_298 = vector.broadcast %jit3A_296 : i32 to vector<16xi32>
      %broadcast_in_dim3A_299 = vector.broadcast %jit3A_297 : i32 to vector<16xi32>
      %select_n3A_300 = arith.select %ge3A_295, %broadcast_in_dim3A_298, %broadcast_in_dim3A_299 : vector<16xi1>, vector<16xi32>
      %add3A_301 = arith.addi %add3A_293, %select_n3A_300 : vector<16xi32>
      %ge3A_302 = vector.broadcast %squeeze3A_103 : i32 to vector<16xi32>
      %ge3A_303 = arith.cmpi sge, %add3A_251, %ge3A_302 : vector<16xi32>
      %jit3A_304 = arith.constant 1 : i32
      %jit3A_305 = arith.constant 0 : i32
      %broadcast_in_dim3A_306 = vector.broadcast %jit3A_304 : i32 to vector<16xi32>
      %broadcast_in_dim3A_307 = vector.broadcast %jit3A_305 : i32 to vector<16xi32>
      %select_n3A_308 = arith.select %ge3A_303, %broadcast_in_dim3A_306, %broadcast_in_dim3A_307 : vector<16xi1>, vector<16xi32>
      %add3A_309 = arith.addi %add3A_301, %select_n3A_308 : vector<16xi32>
      %ge3A_310 = vector.broadcast %squeeze3A_105 : i32 to vector<16xi32>
      %ge3A_311 = arith.cmpi sge, %add3A_251, %ge3A_310 : vector<16xi32>
      %jit3A_312 = arith.constant 1 : i32
      %jit3A_313 = arith.constant 0 : i32
      %broadcast_in_dim3A_314 = vector.broadcast %jit3A_312 : i32 to vector<16xi32>
      %broadcast_in_dim3A_315 = vector.broadcast %jit3A_313 : i32 to vector<16xi32>
      %select_n3A_316 = arith.select %ge3A_311, %broadcast_in_dim3A_314, %broadcast_in_dim3A_315 : vector<16xi1>, vector<16xi32>
      %add3A_317 = arith.addi %add3A_309, %select_n3A_316 : vector<16xi32>
      %lt3A_318 = vector.broadcast %reduce_sum3A_52 : i32 to vector<16xi32>
      %lt3A_319 = arith.cmpi slt, %add3A_251, %lt3A_318 : vector<16xi32>
      %broadcast_in_dim3A_320 = vector.broadcast %add3A_161 : i32 to vector<16xi32>
      %select_n3A_321 = arith.select %lt3A_319, %add3A_317, %broadcast_in_dim3A_320 : vector<16xi1>, vector<16xi32>
      %sub3A_322 = arith.constant 1 : i32
      %sub3A_323 = arith.subi %reduce_sum3A_52, %sub3A_322 : i32
      %broadcast_in_dim3A_324 = vector.broadcast %sub3A_323 : i32 to vector<16xi32>
      %select_n3A_325 = arith.select %lt3A_319, %add3A_251, %broadcast_in_dim3A_324 : vector<16xi1>, vector<16xi32>
      %swap3A_326 = arith.constant 16 : index
      %swap3A_327 = tpu.vector_load %arg13[%swap3A_326] {strides = array<i32>} : memref<96xi32, #tpu.memory_space<vmem>>, vector<16xi32>,
      tpu.vector_store %arg13[%swap3A_326], %select_n3A_321 {strides = array<i32>} : memref<96xi32, #tpu.memory_space<vmem>>, vector<16xi32>,
      %swap3A_328 = arith.constant 48 : index
      %swap3A_329 = tpu.vector_load %arg13[%swap3A_328] {strides = array<i32>} : memref<96xi32, #tpu.memory_space<vmem>>, vector<16xi32>,
      tpu.vector_store %arg13[%swap3A_328], %select_n3A_325 {strides = array<i32>} : memref<96xi32, #tpu.memory_space<vmem>>, vector<16xi32>,
      %jit3A_330 = arith.constant 1 : i32
      %jit3A_331 = arith.constant 0 : i32
      %broadcast_in_dim3A_332 = vector.broadcast %jit3A_330 : i32 to vector<16xi32>
      %broadcast_in_dim3A_333 = vector.broadcast %jit3A_331 : i32 to vector<16xi32>
      %select_n3A_334 = arith.select %lt3A_319, %broadcast_in_dim3A_332, %broadcast_in_dim3A_333 : vector<16xi1>, vector<16xi32>
      %swap3A_335 = arith.constant 80 : index
      %swap3A_336 = tpu.vector_load %arg13[%swap3A_335] {strides = array<i32>} : memref<96xi32, #tpu.memory_space<vmem>>, vector<16xi32>,
      tpu.vector_store %arg13[%swap3A_335], %select_n3A_334 {strides = array<i32>} : memref<96xi32, #tpu.memory_space<vmem>>, vector<16xi32>,
      %scan3A_337 = arith.constant 0 : i32
      %scan3A_338 = arith.constant 256 : i32
      %scan3A_339 = arith.addi %scan3A_337, %scan3A_338 : i32
      %scan3A_340 = arith.constant 1 : i32
      scf.for %scan3A_342 = %scan3A_337 to %scan3A_339 step %scan3A_340  : i32 {
        %mul3A_343 = arith.constant 16 : i32
        %mul3A_344 = arith.muli %scan3A_342, %mul3A_343 : i32
        %get3A = arith.index_cast %mul3A_344 : i32 to index
        %get3A_345 = tpu.vector_load %arg8[%get3A] {strides = array<i32>} : memref<4096xi32, #tpu.memory_space<vmem>>, vector<16xi32>,
        %mul3A_346 = arith.constant 16 : i32
        %mul3A_347 = arith.muli %scan3A_342, %mul3A_346 : i32
        %get3A_348 = arith.index_cast %mul3A_347 : i32 to index
        %get3A_349 = tpu.vector_load %arg9[%get3A_348] {strides = array<i32>} : memref<4096xf32, #tpu.memory_space<vmem>>, vector<16xf32>,
        %iota3A_350 = tpu.iota {dimensions = array<i32: 0>} : vector<16xi32>
        %mul3A_351 = arith.constant 16 : i32
        %mul3A_352 = arith.muli %scan3A_342, %mul3A_351 : i32
        %add3A_353 = vector.broadcast %mul3A_352 : i32 to vector<16xi32>
        %add3A_354 = arith.addi %iota3A_350, %add3A_353 : vector<16xi32>
        %jit3A_355 = arith.constant 2 : i32
        %div3A_356 = vector.broadcast %jit3A_355 : i32 to vector<16xi32>
        %div3A_357 = arith.divsi %add3A_354, %div3A_356 : vector<16xi32>
        %sign3A_358 = arith.constant 0 : i32
        %sign3A_359 = vector.broadcast %sign3A_358 : i32 to vector<16xi32>
        %sign3A_360 = arith.cmpi sgt, %add3A_354, %sign3A_359 : vector<16xi32>
        %sign3A_361 = arith.extui %sign3A_360 : vector<16xi1> to vector<16xi32>
        %sign3A_362 = arith.constant 0 : i32
        %sign3A_363 = vector.broadcast %sign3A_362 : i32 to vector<16xi32>
        %sign3A_364 = arith.cmpi slt, %add3A_354, %sign3A_363 : vector<16xi32>
        %sign3A_365 = arith.extui %sign3A_364 : vector<16xi1> to vector<16xi32>
        %sign3A_366 = arith.subi %sign3A_361, %sign3A_365 : vector<16xi32>
        %sign3A_367 = arith.constant 0 : i32
        %sign3A_368 = arith.cmpi sgt, %jit3A_355, %sign3A_367 : i32
        %sign3A_369 = arith.extui %sign3A_368 : i1 to i32
        %sign3A_370 = arith.constant 0 : i32
        %sign3A_371 = arith.cmpi slt, %jit3A_355, %sign3A_370 : i32
        %sign3A_372 = arith.extui %sign3A_371 : i1 to i32
        %sign3A_373 = arith.subi %sign3A_369, %sign3A_372 : i32
        %ne3A_374 = vector.broadcast %sign3A_373 : i32 to vector<16xi32>
        %ne3A_375 = arith.cmpi ne, %sign3A_366, %ne3A_374 : vector<16xi32>
        %rem3A_376 = vector.broadcast %jit3A_355 : i32 to vector<16xi32>
        %rem3A_377 = arith.remsi %add3A_354, %rem3A_376 : vector<16xi32>
        %ne3A_378 = arith.constant 0 : i32
        %ne3A_379 = vector.broadcast %ne3A_378 : i32 to vector<16xi32>
        %ne3A_380 = arith.cmpi ne, %rem3A_377, %ne3A_379 : vector<16xi32>
        %and3A_381 = arith.andi %ne3A_375, %ne3A_380 : vector<16xi1>
        %sub3A_382 = arith.constant 1 : i32
        %sub3A_383 = vector.broadcast %sub3A_382 : i32 to vector<16xi32>
        %sub3A_384 = arith.subi %div3A_357, %sub3A_383 : vector<16xi32>
        %select_n3A_385 = arith.select %and3A_381, %sub3A_384, %div3A_357 : vector<16xi1>, vector<16xi32>
        %broadcast_in_dim3A_386 = arith.constant 0 : i32
        %broadcast_in_dim3A_387 = vector.broadcast %broadcast_in_dim3A_386 : i32 to vector<16xi32>
        %eq3A_388 = arith.constant 0 : i32
        %eq3A_389 = vector.broadcast %eq3A_388 : i32 to vector<16xi32>
        %eq3A_390 = arith.cmpi eq, %get3A_345, %eq3A_389 : vector<16xi32>
        %jit3A_391 = arith.constant 1 : i32
        %jit3A_392 = arith.constant 0 : i32
        %broadcast_in_dim3A_393 = vector.broadcast %jit3A_391 : i32 to vector<16xi32>
        %broadcast_in_dim3A_394 = vector.broadcast %jit3A_392 : i32 to vector<16xi32>
        %select_n3A_395 = arith.select %eq3A_390, %broadcast_in_dim3A_393, %broadcast_in_dim3A_394 : vector<16xi1>, vector<16xi32>
        %broadcast_in_dim3A_396 = arith.constant true
        %broadcast_in_dim3A_397 = vector.broadcast %broadcast_in_dim3A_396 : i1 to vector<16xi1>
        %masked_cumsum3A_398 = tpu.scan <sum>, %select_n3A_395 masked %broadcast_in_dim3A_397 : vector<16xi32>, vector<16xi1> -> vector<16xi32>
        %sub3A_399 = arith.constant 1 : i32
        %sub3A_400 = vector.broadcast %sub3A_399 : i32 to vector<16xi32>
        %sub3A_401 = arith.subi %masked_cumsum3A_398, %sub3A_400 : vector<16xi32>
        %get3A_402 = arith.constant 0 : i32
        %get3A_403 = arith.index_cast %get3A_402 : i32 to index
        %get3A_404 = memref.load %arg14[%get3A_403] : memref<8xi32, #tpu.memory_space<smem>>
        %add3A_405 = vector.broadcast %get3A_404 : i32 to vector<16xi32>
        %add3A_406 = arith.addi %add3A_405, %sub3A_401 : vector<16xi32>
        %select_n3A_407 = arith.select %eq3A_390, %add3A_406, %broadcast_in_dim3A_387 : vector<16xi1>, vector<16xi32>
        %reduce_sum3A_408 = arith.constant true
        %reduce_sum3A_409 = vector.broadcast %reduce_sum3A_408 : i1 to vector<16xi1>
        %reduce_sum3A_410 = tpu.scan <sum>, %select_n3A_395 masked %reduce_sum3A_409 : vector<16xi32>, vector<16xi1> -> vector<16xi32>
        %reduce_sum3A_411 = vector.extract %reduce_sum3A_410[15] : i32 from vector<16xi32>
        %add3A_412 = arith.addi %get3A_404, %reduce_sum3A_411 : i32
        %swap3A_413 = arith.constant 0 : i32
        %swap3A_414 = arith.index_cast %swap3A_413 : i32 to index
        %swap3A_415 = memref.load %arg14[%swap3A_414] : memref<8xi32, #tpu.memory_space<smem>>
        memref.store %add3A_412, %arg14[%swap3A_414] : memref<8xi32, #tpu.memory_space<smem>>
        %eq3A_416 = arith.constant 1 : i32
        %eq3A_417 = vector.broadcast %eq3A_416 : i32 to vector<16xi32>
        %eq3A_418 = arith.cmpi eq, %get3A_345, %eq3A_417 : vector<16xi32>
        %jit3A_419 = arith.constant 1 : i32
        %jit3A_420 = arith.constant 0 : i32
        %broadcast_in_dim3A_421 = vector.broadcast %jit3A_419 : i32 to vector<16xi32>
        %broadcast_in_dim3A_422 = vector.broadcast %jit3A_420 : i32 to vector<16xi32>
        %select_n3A_423 = arith.select %eq3A_418, %broadcast_in_dim3A_421, %broadcast_in_dim3A_422 : vector<16xi1>, vector<16xi32>
        %broadcast_in_dim3A_424 = arith.constant true
        %broadcast_in_dim3A_425 = vector.broadcast %broadcast_in_dim3A_424 : i1 to vector<16xi1>
        %masked_cumsum3A_426 = tpu.scan <sum>, %select_n3A_423 masked %broadcast_in_dim3A_425 : vector<16xi32>, vector<16xi1> -> vector<16xi32>
        %sub3A_427 = arith.constant 1 : i32
        %sub3A_428 = vector.broadcast %sub3A_427 : i32 to vector<16xi32>
        %sub3A_429 = arith.subi %masked_cumsum3A_426, %sub3A_428 : vector<16xi32>
        %get3A_430 = arith.constant 1 : i32
        %get3A_431 = arith.index_cast %get3A_430 : i32 to index
        %get3A_432 = memref.load %arg14[%get3A_431] : memref<8xi32, #tpu.memory_space<smem>>
        %add3A_433 = vector.broadcast %get3A_432 : i32 to vector<16xi32>
        %add3A_434 = arith.addi %add3A_433, %sub3A_429 : vector<16xi32>
        %select_n3A_435 = arith.select %eq3A_418, %add3A_434, %select_n3A_407 : vector<16xi1>, vector<16xi32>
        %reduce_sum3A_436 = arith.constant true
        %reduce_sum3A_437 = vector.broadcast %reduce_sum3A_436 : i1 to vector<16xi1>
        %reduce_sum3A_438 = tpu.scan <sum>, %select_n3A_423 masked %reduce_sum3A_437 : vector<16xi32>, vector<16xi1> -> vector<16xi32>
        %reduce_sum3A_439 = vector.extract %reduce_sum3A_438[15] : i32 from vector<16xi32>
        %add3A_440 = arith.addi %get3A_432, %reduce_sum3A_439 : i32
        %swap3A_441 = arith.constant 1 : i32
        %swap3A_442 = arith.index_cast %swap3A_441 : i32 to index
        %swap3A_443 = memref.load %arg14[%swap3A_442] : memref<8xi32, #tpu.memory_space<smem>>
        memref.store %add3A_440, %arg14[%swap3A_442] : memref<8xi32, #tpu.memory_space<smem>>
        %eq3A_444 = arith.constant 2 : i32
        %eq3A_445 = vector.broadcast %eq3A_444 : i32 to vector<16xi32>
        %eq3A_446 = arith.cmpi eq, %get3A_345, %eq3A_445 : vector<16xi32>
        %jit3A_447 = arith.constant 1 : i32
        %jit3A_448 = arith.constant 0 : i32
        %broadcast_in_dim3A_449 = vector.broadcast %jit3A_447 : i32 to vector<16xi32>
        %broadcast_in_dim3A_450 = vector.broadcast %jit3A_448 : i32 to vector<16xi32>
        %select_n3A_451 = arith.select %eq3A_446, %broadcast_in_dim3A_449, %broadcast_in_dim3A_450 : vector<16xi1>, vector<16xi32>
        %broadcast_in_dim3A_452 = arith.constant true
        %broadcast_in_dim3A_453 = vector.broadcast %broadcast_in_dim3A_452 : i1 to vector<16xi1>
        %masked_cumsum3A_454 = tpu.scan <sum>, %select_n3A_451 masked %broadcast_in_dim3A_453 : vector<16xi32>, vector<16xi1> -> vector<16xi32>
        %sub3A_455 = arith.constant 1 : i32
        %sub3A_456 = vector.broadcast %sub3A_455 : i32 to vector<16xi32>
        %sub3A_457 = arith.subi %masked_cumsum3A_454, %sub3A_456 : vector<16xi32>
        %get3A_458 = arith.constant 2 : i32
        %get3A_459 = arith.index_cast %get3A_458 : i32 to index
        %get3A_460 = memref.load %arg14[%get3A_459] : memref<8xi32, #tpu.memory_space<smem>>
        %add3A_461 = vector.broadcast %get3A_460 : i32 to vector<16xi32>
        %add3A_462 = arith.addi %add3A_461, %sub3A_457 : vector<16xi32>
        %select_n3A_463 = arith.select %eq3A_446, %add3A_462, %select_n3A_435 : vector<16xi1>, vector<16xi32>
        %reduce_sum3A_464 = arith.constant true
        %reduce_sum3A_465 = vector.broadcast %reduce_sum3A_464 : i1 to vector<16xi1>
        %reduce_sum3A_466 = tpu.scan <sum>, %select_n3A_451 masked %reduce_sum3A_465 : vector<16xi32>, vector<16xi1> -> vector<16xi32>
        %reduce_sum3A_467 = vector.extract %reduce_sum3A_466[15] : i32 from vector<16xi32>
        %add3A_468 = arith.addi %get3A_460, %reduce_sum3A_467 : i32
        %swap3A_469 = arith.constant 2 : i32
        %swap3A_470 = arith.index_cast %swap3A_469 : i32 to index
        %swap3A_471 = memref.load %arg14[%swap3A_470] : memref<8xi32, #tpu.memory_space<smem>>
        memref.store %add3A_468, %arg14[%swap3A_470] : memref<8xi32, #tpu.memory_space<smem>>
        %eq3A_472 = arith.constant 3 : i32
        %eq3A_473 = vector.broadcast %eq3A_472 : i32 to vector<16xi32>
        %eq3A_474 = arith.cmpi eq, %get3A_345, %eq3A_473 : vector<16xi32>
        %jit3A_475 = arith.constant 1 : i32
        %jit3A_476 = arith.constant 0 : i32
        %broadcast_in_dim3A_477 = vector.broadcast %jit3A_475 : i32 to vector<16xi32>
        %broadcast_in_dim3A_478 = vector.broadcast %jit3A_476 : i32 to vector<16xi32>
        %select_n3A_479 = arith.select %eq3A_474, %broadcast_in_dim3A_477, %broadcast_in_dim3A_478 : vector<16xi1>, vector<16xi32>
        %broadcast_in_dim3A_480 = arith.constant true
        %broadcast_in_dim3A_481 = vector.broadcast %broadcast_in_dim3A_480 : i1 to vector<16xi1>
        %masked_cumsum3A_482 = tpu.scan <sum>, %select_n3A_479 masked %broadcast_in_dim3A_481 : vector<16xi32>, vector<16xi1> -> vector<16xi32>
        %sub3A_483 = arith.constant 1 : i32
        %sub3A_484 = vector.broadcast %sub3A_483 : i32 to vector<16xi32>
        %sub3A_485 = arith.subi %masked_cumsum3A_482, %sub3A_484 : vector<16xi32>
        %get3A_486 = arith.constant 3 : i32
        %get3A_487 = arith.index_cast %get3A_486 : i32 to index
        %get3A_488 = memref.load %arg14[%get3A_487] : memref<8xi32, #tpu.memory_space<smem>>
        %add3A_489 = vector.broadcast %get3A_488 : i32 to vector<16xi32>
        %add3A_490 = arith.addi %add3A_489, %sub3A_485 : vector<16xi32>
        %select_n3A_491 = arith.select %eq3A_474, %add3A_490, %select_n3A_463 : vector<16xi1>, vector<16xi32>
        %reduce_sum3A_492 = arith.constant true
        %reduce_sum3A_493 = vector.broadcast %reduce_sum3A_492 : i1 to vector<16xi1>
        %reduce_sum3A_494 = tpu.scan <sum>, %select_n3A_479 masked %reduce_sum3A_493 : vector<16xi32>, vector<16xi1> -> vector<16xi32>
        %reduce_sum3A_495 = vector.extract %reduce_sum3A_494[15] : i32 from vector<16xi32>
        %add3A_496 = arith.addi %get3A_488, %reduce_sum3A_495 : i32
        %swap3A_497 = arith.constant 3 : i32
        %swap3A_498 = arith.index_cast %swap3A_497 : i32 to index
        %swap3A_499 = memref.load %arg14[%swap3A_498] : memref<8xi32, #tpu.memory_space<smem>>
        memref.store %add3A_496, %arg14[%swap3A_498] : memref<8xi32, #tpu.memory_space<smem>>
        %eq3A_500 = arith.constant 4 : i32
        %eq3A_501 = vector.broadcast %eq3A_500 : i32 to vector<16xi32>
        %eq3A_502 = arith.cmpi eq, %get3A_345, %eq3A_501 : vector<16xi32>
        %jit3A_503 = arith.constant 1 : i32
        %jit3A_504 = arith.constant 0 : i32
        %broadcast_in_dim3A_505 = vector.broadcast %jit3A_503 : i32 to vector<16xi32>
        %broadcast_in_dim3A_506 = vector.broadcast %jit3A_504 : i32 to vector<16xi32>
        %select_n3A_507 = arith.select %eq3A_502, %broadcast_in_dim3A_505, %broadcast_in_dim3A_506 : vector<16xi1>, vector<16xi32>
        %broadcast_in_dim3A_508 = arith.constant true
        %broadcast_in_dim3A_509 = vector.broadcast %broadcast_in_dim3A_508 : i1 to vector<16xi1>
        %masked_cumsum3A_510 = tpu.scan <sum>, %select_n3A_507 masked %broadcast_in_dim3A_509 : vector<16xi32>, vector<16xi1> -> vector<16xi32>
        %sub3A_511 = arith.constant 1 : i32
        %sub3A_512 = vector.broadcast %sub3A_511 : i32 to vector<16xi32>
        %sub3A_513 = arith.subi %masked_cumsum3A_510, %sub3A_512 : vector<16xi32>
        %get3A_514 = arith.constant 4 : i32
        %get3A_515 = arith.index_cast %get3A_514 : i32 to index
        %get3A_516 = memref.load %arg14[%get3A_515] : memref<8xi32, #tpu.memory_space<smem>>
        %add3A_517 = vector.broadcast %get3A_516 : i32 to vector<16xi32>
        %add3A_518 = arith.addi %add3A_517, %sub3A_513 : vector<16xi32>
        %select_n3A_519 = arith.select %eq3A_502, %add3A_518, %select_n3A_491 : vector<16xi1>, vector<16xi32>
        %reduce_sum3A_520 = arith.constant true
        %reduce_sum3A_521 = vector.broadcast %reduce_sum3A_520 : i1 to vector<16xi1>
        %reduce_sum3A_522 = tpu.scan <sum>, %select_n3A_507 masked %reduce_sum3A_521 : vector<16xi32>, vector<16xi1> -> vector<16xi32>
        %reduce_sum3A_523 = vector.extract %reduce_sum3A_522[15] : i32 from vector<16xi32>
        %add3A_524 = arith.addi %get3A_516, %reduce_sum3A_523 : i32
        %swap3A_525 = arith.constant 4 : i32
        %swap3A_526 = arith.index_cast %swap3A_525 : i32 to index
        %swap3A_527 = memref.load %arg14[%swap3A_526] : memref<8xi32, #tpu.memory_space<smem>>
        memref.store %add3A_524, %arg14[%swap3A_526] : memref<8xi32, #tpu.memory_space<smem>>
        %eq3A_528 = arith.constant 5 : i32
        %eq3A_529 = vector.broadcast %eq3A_528 : i32 to vector<16xi32>
        %eq3A_530 = arith.cmpi eq, %get3A_345, %eq3A_529 : vector<16xi32>
        %jit3A_531 = arith.constant 1 : i32
        %jit3A_532 = arith.constant 0 : i32
        %broadcast_in_dim3A_533 = vector.broadcast %jit3A_531 : i32 to vector<16xi32>
        %broadcast_in_dim3A_534 = vector.broadcast %jit3A_532 : i32 to vector<16xi32>
        %select_n3A_535 = arith.select %eq3A_530, %broadcast_in_dim3A_533, %broadcast_in_dim3A_534 : vector<16xi1>, vector<16xi32>
        %broadcast_in_dim3A_536 = arith.constant true
        %broadcast_in_dim3A_537 = vector.broadcast %broadcast_in_dim3A_536 : i1 to vector<16xi1>
        %masked_cumsum3A_538 = tpu.scan <sum>, %select_n3A_535 masked %broadcast_in_dim3A_537 : vector<16xi32>, vector<16xi1> -> vector<16xi32>
        %sub3A_539 = arith.constant 1 : i32
        %sub3A_540 = vector.broadcast %sub3A_539 : i32 to vector<16xi32>
        %sub3A_541 = arith.subi %masked_cumsum3A_538, %sub3A_540 : vector<16xi32>
        %get3A_542 = arith.constant 5 : i32
        %get3A_543 = arith.index_cast %get3A_542 : i32 to index
        %get3A_544 = memref.load %arg14[%get3A_543] : memref<8xi32, #tpu.memory_space<smem>>
        %add3A_545 = vector.broadcast %get3A_544 : i32 to vector<16xi32>
        %add3A_546 = arith.addi %add3A_545, %sub3A_541 : vector<16xi32>
        %select_n3A_547 = arith.select %eq3A_530, %add3A_546, %select_n3A_519 : vector<16xi1>, vector<16xi32>
        %reduce_sum3A_548 = arith.constant true
        %reduce_sum3A_549 = vector.broadcast %reduce_sum3A_548 : i1 to vector<16xi1>
        %reduce_sum3A_550 = tpu.scan <sum>, %select_n3A_535 masked %reduce_sum3A_549 : vector<16xi32>, vector<16xi1> -> vector<16xi32>
        %reduce_sum3A_551 = vector.extract %reduce_sum3A_550[15] : i32 from vector<16xi32>
        %add3A_552 = arith.addi %get3A_544, %reduce_sum3A_551 : i32
        %swap3A_553 = arith.constant 5 : i32
        %swap3A_554 = arith.index_cast %swap3A_553 : i32 to index
        %swap3A_555 = memref.load %arg14[%swap3A_554] : memref<8xi32, #tpu.memory_space<smem>>
        memref.store %add3A_552, %arg14[%swap3A_554] : memref<8xi32, #tpu.memory_space<smem>>
        %eq3A_556 = arith.constant 6 : i32
        %eq3A_557 = vector.broadcast %eq3A_556 : i32 to vector<16xi32>
        %eq3A_558 = arith.cmpi eq, %get3A_345, %eq3A_557 : vector<16xi32>
        %jit3A_559 = arith.constant 1 : i32
        %jit3A_560 = arith.constant 0 : i32
        %broadcast_in_dim3A_561 = vector.broadcast %jit3A_559 : i32 to vector<16xi32>
        %broadcast_in_dim3A_562 = vector.broadcast %jit3A_560 : i32 to vector<16xi32>
        %select_n3A_563 = arith.select %eq3A_558, %broadcast_in_dim3A_561, %broadcast_in_dim3A_562 : vector<16xi1>, vector<16xi32>
        %broadcast_in_dim3A_564 = arith.constant true
        %broadcast_in_dim3A_565 = vector.broadcast %broadcast_in_dim3A_564 : i1 to vector<16xi1>
        %masked_cumsum3A_566 = tpu.scan <sum>, %select_n3A_563 masked %broadcast_in_dim3A_565 : vector<16xi32>, vector<16xi1> -> vector<16xi32>
        %sub3A_567 = arith.constant 1 : i32
        %sub3A_568 = vector.broadcast %sub3A_567 : i32 to vector<16xi32>
        %sub3A_569 = arith.subi %masked_cumsum3A_566, %sub3A_568 : vector<16xi32>
        %get3A_570 = arith.constant 6 : i32
        %get3A_571 = arith.index_cast %get3A_570 : i32 to index
        %get3A_572 = memref.load %arg14[%get3A_571] : memref<8xi32, #tpu.memory_space<smem>>
        %add3A_573 = vector.broadcast %get3A_572 : i32 to vector<16xi32>
        %add3A_574 = arith.addi %add3A_573, %sub3A_569 : vector<16xi32>
        %select_n3A_575 = arith.select %eq3A_558, %add3A_574, %select_n3A_547 : vector<16xi1>, vector<16xi32>
        %reduce_sum3A_576 = arith.constant true
        %reduce_sum3A_577 = vector.broadcast %reduce_sum3A_576 : i1 to vector<16xi1>
        %reduce_sum3A_578 = tpu.scan <sum>, %select_n3A_563 masked %reduce_sum3A_577 : vector<16xi32>, vector<16xi1> -> vector<16xi32>
        %reduce_sum3A_579 = vector.extract %reduce_sum3A_578[15] : i32 from vector<16xi32>
        %add3A_580 = arith.addi %get3A_572, %reduce_sum3A_579 : i32
        %swap3A_581 = arith.constant 6 : i32
        %swap3A_582 = arith.index_cast %swap3A_581 : i32 to index
        %swap3A_583 = memref.load %arg14[%swap3A_582] : memref<8xi32, #tpu.memory_space<smem>>
        memref.store %add3A_580, %arg14[%swap3A_582] : memref<8xi32, #tpu.memory_space<smem>>
        %eq3A_584 = arith.constant 7 : i32
        %eq3A_585 = vector.broadcast %eq3A_584 : i32 to vector<16xi32>
        %eq3A_586 = arith.cmpi eq, %get3A_345, %eq3A_585 : vector<16xi32>
        %jit3A_587 = arith.constant 1 : i32
        %jit3A_588 = arith.constant 0 : i32
        %broadcast_in_dim3A_589 = vector.broadcast %jit3A_587 : i32 to vector<16xi32>
        %broadcast_in_dim3A_590 = vector.broadcast %jit3A_588 : i32 to vector<16xi32>
        %select_n3A_591 = arith.select %eq3A_586, %broadcast_in_dim3A_589, %broadcast_in_dim3A_590 : vector<16xi1>, vector<16xi32>
        %broadcast_in_dim3A_592 = arith.constant true
        %broadcast_in_dim3A_593 = vector.broadcast %broadcast_in_dim3A_592 : i1 to vector<16xi1>
        %masked_cumsum3A_594 = tpu.scan <sum>, %select_n3A_591 masked %broadcast_in_dim3A_593 : vector<16xi32>, vector<16xi1> -> vector<16xi32>
        %sub3A_595 = arith.constant 1 : i32
        %sub3A_596 = vector.broadcast %sub3A_595 : i32 to vector<16xi32>
        %sub3A_597 = arith.subi %masked_cumsum3A_594, %sub3A_596 : vector<16xi32>
        %get3A_598 = arith.constant 7 : i32
        %get3A_599 = arith.index_cast %get3A_598 : i32 to index
        %get3A_600 = memref.load %arg14[%get3A_599] : memref<8xi32, #tpu.memory_space<smem>>
        %add3A_601 = vector.broadcast %get3A_600 : i32 to vector<16xi32>
        %add3A_602 = arith.addi %add3A_601, %sub3A_597 : vector<16xi32>
        %select_n3A_603 = arith.select %eq3A_586, %add3A_602, %select_n3A_575 : vector<16xi1>, vector<16xi32>
        %reduce_sum3A_604 = arith.constant true
        %reduce_sum3A_605 = vector.broadcast %reduce_sum3A_604 : i1 to vector<16xi1>
        %reduce_sum3A_606 = tpu.scan <sum>, %select_n3A_591 masked %reduce_sum3A_605 : vector<16xi32>, vector<16xi1> -> vector<16xi32>
        %reduce_sum3A_607 = vector.extract %reduce_sum3A_606[15] : i32 from vector<16xi32>
        %add3A_608 = arith.addi %get3A_600, %reduce_sum3A_607 : i32
        %swap3A_609 = arith.constant 7 : i32
        %swap3A_610 = arith.index_cast %swap3A_609 : i32 to index
        %swap3A_611 = memref.load %arg14[%swap3A_610] : memref<8xi32, #tpu.memory_space<smem>>
        memref.store %add3A_608, %arg14[%swap3A_610] : memref<8xi32, #tpu.memory_space<smem>>
        tpu.vector_store_idx %arg10[%select_n3A_603], %select_n3A_385 : memref<8192xi32, #tpu.memory_space<vmem>>[vector<16xi32>], vector<16xi32>,
        tpu.vector_store_idx %arg11[%select_n3A_603], %get3A_349 : memref<8192xf32, #tpu.memory_space<vmem>>[vector<16xi32>], vector<16xf32>,
        %mul3A_612 = arith.constant 16 : i32
        %mul3A_613 = arith.muli %scan3A_342, %mul3A_612 : i32
        %swap3A_614 = arith.index_cast %mul3A_613 : i32 to index
        %swap3A_615 = tpu.vector_load %arg12[%swap3A_614] {strides = array<i32>} : memref<4096xi32, #tpu.memory_space<vmem>>, vector<16xi32>,
        tpu.vector_store %arg12[%swap3A_614], %select_n3A_603 {strides = array<i32>} : memref<4096xi32, #tpu.memory_space<vmem>>, vector<16xi32>,
      }
      %scan3A_341 = arith.constant 256 : i32
      "tpu.region"() ({
        %run_scoped3A = tpu.sem_alloc : memref<!tpu.dma_semaphore, #tpu.memory_space<semaphore_mem>>
        tpu.enqueue_dma source(%arg10 : memref<8192xi32, #tpu.memory_space<vmem>>) target(%arg4 : memref<8192xi32, #tpu.memory_space<hbm>>) target_semaphore(%run_scoped3A : memref<!tpu.dma_semaphore, #tpu.memory_space<semaphore_mem>>)
        tpu.wait_dma2 semaphore(%run_scoped3A : memref<!tpu.dma_semaphore, #tpu.memory_space<semaphore_mem>>) src(%arg10 : memref<8192xi32, #tpu.memory_space<vmem>>) dst(%arg4 : memref<8192xi32, #tpu.memory_space<hbm>>)
        tpu.yield
      }) : () -> ()
      "tpu.region"() ({
        %run_scoped3A = tpu.sem_alloc : memref<!tpu.dma_semaphore, #tpu.memory_space<semaphore_mem>>
        tpu.enqueue_dma source(%arg11 : memref<8192xf32, #tpu.memory_space<vmem>>) target(%arg5 : memref<8192xf32, #tpu.memory_space<hbm>>) target_semaphore(%run_scoped3A : memref<!tpu.dma_semaphore, #tpu.memory_space<semaphore_mem>>)
        tpu.wait_dma2 semaphore(%run_scoped3A : memref<!tpu.dma_semaphore, #tpu.memory_space<semaphore_mem>>) src(%arg11 : memref<8192xf32, #tpu.memory_space<vmem>>) dst(%arg5 : memref<8192xf32, #tpu.memory_space<hbm>>)
        tpu.yield
      }) : () -> ()
      "tpu.region"() ({
        %run_scoped3A = tpu.sem_alloc : memref<!tpu.dma_semaphore, #tpu.memory_space<semaphore_mem>>
        tpu.enqueue_dma source(%arg12 : memref<4096xi32, #tpu.memory_space<vmem>>) target(%arg6 : memref<4096xi32, #tpu.memory_space<hbm>>) target_semaphore(%run_scoped3A : memref<!tpu.dma_semaphore, #tpu.memory_space<semaphore_mem>>)
        tpu.wait_dma2 semaphore(%run_scoped3A : memref<!tpu.dma_semaphore, #tpu.memory_space<semaphore_mem>>) src(%arg12 : memref<4096xi32, #tpu.memory_space<vmem>>) dst(%arg6 : memref<4096xi32, #tpu.memory_space<hbm>>)
        tpu.yield
      }) : () -> ()
      "tpu.region"() ({
        %run_scoped3A = tpu.sem_alloc : memref<!tpu.dma_semaphore, #tpu.memory_space<semaphore_mem>>
        tpu.enqueue_dma source(%arg13 : memref<96xi32, #tpu.memory_space<vmem>>) target(%arg7 : memref<96xi32, #tpu.memory_space<hbm>>) target_semaphore(%run_scoped3A : memref<!tpu.dma_semaphore, #tpu.memory_space<semaphore_mem>>)
        tpu.wait_dma2 semaphore(%run_scoped3A : memref<!tpu.dma_semaphore, #tpu.memory_space<semaphore_mem>>) src(%arg13 : memref<96xi32, #tpu.memory_space<vmem>>) dst(%arg7 : memref<96xi32, #tpu.memory_space<hbm>>)
        tpu.yield
      }) : () -> ()
    } else {
    }
    return
  }
}

module attributes {stable_mosaic.version = 14 : i64} {
  func.func @_router_kernel(%arg0: memref<2048x1024xf32, #tpu.memory_space<vmem>>, %arg1: memref<8x1024xf32, #tpu.memory_space<vmem>>, %arg2: memref<2048x2xi32, #tpu.memory_space<vmem>>, %arg3: memref<2048x2xf32, #tpu.memory_space<vmem>>, %arg4: memref<2048x1024xbf16, #tpu.memory_space<vmem>>) attributes {dimension_semantics = [], scalar_prefetch = 0 : i64, scratch_operands = 0 : i64, tpu.core_type = #tpu.core_type<tc>} {
    %get3A = arith.constant 0 : index
    %get3A_0 = arith.constant 0 : index
    %get3A_1 = vector.load %arg0[%get3A, %get3A_0] : memref<2048x1024xf32, #tpu.memory_space<vmem>>, vector<2048x1024xf32>
    %get3A_2 = arith.constant 0 : index
    %get3A_3 = arith.constant 0 : index
    %get3A_4 = vector.load %arg1[%get3A_2, %get3A_3] : memref<8x1024xf32, #tpu.memory_space<vmem>>, vector<8x1024xf32>
    %transpose3A = tpu.transpose %get3A_4, [1, 0] : vector<8x1024xf32> -> vector<1024x8xf32>
    %dot_general3A = arith.constant dense<0.000000e+00> : vector<2048x8xf32>
    %dot_general3A_5 = tpu.matmul %get3A_1, %transpose3A, %dot_general3A {dimension_numbers = #tpu.dot_dimension_numbers<[1], [0], [0], [1], [0, 0, 1, 1], [], []>, precision = #tpu.contract_precision<fp32>, transpose_lhs_hint = false} : vector<2048x1024xf32>, vector<1024x8xf32>, vector<2048x8xf32> -> vector<2048x8xf32>
    %mul3A = arith.mulf %get3A_1, %get3A_1 : vector<2048x1024xf32>
    %reduce_sum3A = arith.constant dense<0.000000e+00> : vector<2048xf32>
    %reduce_sum3A_6 = vector.multi_reduction <add>, %mul3A, %reduce_sum3A [1] : vector<2048x1024xf32> to vector<2048xf32>
    %broadcast_in_dim3A = vector.shape_cast %reduce_sum3A_6 : vector<2048xf32> to vector<2048x1xf32>
    %mul3A_7 = arith.mulf %get3A_4, %get3A_4 : vector<8x1024xf32>
    %reduce_sum3A_8 = arith.constant dense<0.000000e+00> : vector<8xf32>
    %reduce_sum3A_9 = vector.multi_reduction <add>, %mul3A_7, %reduce_sum3A_8 [1] : vector<8x1024xf32> to vector<8xf32>
    %broadcast_in_dim3A_10 = vector.shape_cast %reduce_sum3A_9 : vector<8xf32> to vector<1x8xf32>
    %mul3A_11 = arith.constant 2.000000e+00 : f32
    %mul3A_12 = vector.broadcast %mul3A_11 : f32 to vector<2048x8xf32>
    %mul3A_13 = arith.mulf %mul3A_12, %dot_general3A_5 : vector<2048x8xf32>
    %sub3A = vector.broadcast %broadcast_in_dim3A : vector<2048x1xf32> to vector<2048x8xf32>
    %sub3A_14 = arith.subf %sub3A, %mul3A_13 : vector<2048x8xf32>
    %add3A = vector.broadcast %broadcast_in_dim3A_10 : vector<1x8xf32> to vector<2048x8xf32>
    %add3A_15 = arith.addf %sub3A_14, %add3A : vector<2048x8xf32>
    %max3A = arith.constant 0.000000e+00 : f32
    %max3A_16 = vector.broadcast %max3A : f32 to vector<2048x8xf32>
    %max3A_17 = arith.maximumf %add3A_15, %max3A_16 : vector<2048x8xf32>
    %sqrt3A = math.sqrt %max3A_17 : vector<2048x8xf32>
    %reduce_max3A = arith.constant dense<0xFF800000> : vector<2048xf32>
    %reduce_max3A_18 = vector.multi_reduction <maximumf>, %sqrt3A, %reduce_max3A [1] : vector<2048x8xf32> to vector<2048xf32>
    %broadcast_in_dim3A_19 = vector.shape_cast %reduce_max3A_18 : vector<2048xf32> to vector<2048x1xf32>
    %iota3A = tpu.iota {dimensions = array<i32: 1>} : vector<2048x8xi32>
    %eq3A = vector.broadcast %broadcast_in_dim3A_19 : vector<2048x1xf32> to vector<2048x8xf32>
    %eq3A_20 = arith.cmpf oeq, %sqrt3A, %eq3A : vector<2048x8xf32>
    %jit3A = arith.constant 8 : i32
    %broadcast_in_dim3A_21 = vector.broadcast %jit3A : i32 to vector<2048x8xi32>
    %select_n3A = arith.select %eq3A_20, %iota3A, %broadcast_in_dim3A_21 : vector<2048x8xi1>, vector<2048x8xi32>
    %reduce_min3A = arith.constant dense<2147483647> : vector<2048xi32>
    %reduce_min3A_22 = vector.multi_reduction <minsi>, %select_n3A, %reduce_min3A [1] : vector<2048x8xi32> to vector<2048xi32>
    %broadcast_in_dim3A_23 = vector.shape_cast %reduce_min3A_22 : vector<2048xi32> to vector<2048x1xi32>
    %eq3A_24 = vector.broadcast %broadcast_in_dim3A_23 : vector<2048x1xi32> to vector<2048x8xi32>
    %eq3A_25 = arith.cmpi eq, %iota3A, %eq3A_24 : vector<2048x8xi32>
    %jit3A_26 = arith.constant 0xFF800000 : f32
    %broadcast_in_dim3A_27 = vector.broadcast %jit3A_26 : f32 to vector<2048x8xf32>
    %select_n3A_28 = arith.select %eq3A_25, %broadcast_in_dim3A_27, %sqrt3A : vector<2048x8xi1>, vector<2048x8xf32>
    %reduce_max3A_29 = arith.constant dense<0xFF800000> : vector<2048xf32>
    %reduce_max3A_30 = vector.multi_reduction <maximumf>, %select_n3A_28, %reduce_max3A_29 [1] : vector<2048x8xf32> to vector<2048xf32>
    %broadcast_in_dim3A_31 = vector.shape_cast %reduce_max3A_30 : vector<2048xf32> to vector<2048x1xf32>
    %eq3A_32 = vector.broadcast %broadcast_in_dim3A_31 : vector<2048x1xf32> to vector<2048x8xf32>
    %eq3A_33 = arith.cmpf oeq, %select_n3A_28, %eq3A_32 : vector<2048x8xf32>
    %jit3A_34 = arith.constant 8 : i32
    %broadcast_in_dim3A_35 = vector.broadcast %jit3A_34 : i32 to vector<2048x8xi32>
    %select_n3A_36 = arith.select %eq3A_33, %iota3A, %broadcast_in_dim3A_35 : vector<2048x8xi1>, vector<2048x8xi32>
    %reduce_min3A_37 = arith.constant dense<2147483647> : vector<2048xi32>
    %reduce_min3A_38 = vector.multi_reduction <minsi>, %select_n3A_36, %reduce_min3A_37 [1] : vector<2048x8xi32> to vector<2048xi32>
    %broadcast_in_dim3A_39 = vector.shape_cast %reduce_min3A_38 : vector<2048xi32> to vector<2048x1xi32>
    %sub3A_40 = arith.subf %broadcast_in_dim3A_31, %broadcast_in_dim3A_19 : vector<2048x1xf32>
    %exp3A = math.exp %sub3A_40 : vector<2048x1xf32>
    %add3A_41 = arith.constant 1.000000e+00 : f32
    %add3A_42 = vector.broadcast %add3A_41 : f32 to vector<2048x1xf32>
    %add3A_43 = arith.addf %add3A_42, %exp3A : vector<2048x1xf32>
    %div3A = arith.constant 1.000000e+00 : f32
    %div3A_44 = vector.broadcast %div3A : f32 to vector<2048x1xf32>
    %div3A_45 = arith.divf %div3A_44, %add3A_43 : vector<2048x1xf32>
    %add3A_46 = arith.constant 1.000000e+00 : f32
    %add3A_47 = vector.broadcast %add3A_46 : f32 to vector<2048x1xf32>
    %add3A_48 = arith.addf %add3A_47, %exp3A : vector<2048x1xf32>
    %div3A_49 = arith.divf %exp3A, %add3A_48 : vector<2048x1xf32>
    %concatenate3A = tpu.concatenate %broadcast_in_dim3A_23, %broadcast_in_dim3A_39 in 1 : vector<2048x1xi32>, vector<2048x1xi32> -> vector<2048x2xi32>
    %swap3A = arith.constant 0 : index
    %swap3A_50 = arith.constant 0 : index
    %swap3A_51 = vector.load %arg2[%swap3A, %swap3A_50] : memref<2048x2xi32, #tpu.memory_space<vmem>>, vector<2048x2xi32>
    tpu.vector_store %arg2[%swap3A, %swap3A_50], %concatenate3A {strides = array<i32>} : memref<2048x2xi32, #tpu.memory_space<vmem>>, vector<2048x2xi32>,
    %concatenate3A_52 = tpu.concatenate %div3A_45, %div3A_49 in 1 : vector<2048x1xf32>, vector<2048x1xf32> -> vector<2048x2xf32>
    %swap3A_53 = arith.constant 0 : index
    %swap3A_54 = arith.constant 0 : index
    %swap3A_55 = vector.load %arg3[%swap3A_53, %swap3A_54] : memref<2048x2xf32, #tpu.memory_space<vmem>>, vector<2048x2xf32>
    tpu.vector_store %arg3[%swap3A_53, %swap3A_54], %concatenate3A_52 {strides = array<i32>} : memref<2048x2xf32, #tpu.memory_space<vmem>>, vector<2048x2xf32>,
    %convert_element_type3A = arith.truncf %get3A_1 : vector<2048x1024xf32> to vector<2048x1024xbf16>
    %swap3A_56 = arith.constant 0 : index
    %swap3A_57 = arith.constant 0 : index
    %swap3A_58 = vector.load %arg4[%swap3A_56, %swap3A_57] : memref<2048x1024xbf16, #tpu.memory_space<vmem>>, vector<2048x1024xbf16>
    tpu.vector_store %arg4[%swap3A_56, %swap3A_57], %convert_element_type3A {strides = array<i32>} : memref<2048x1024xbf16, #tpu.memory_space<vmem>>, vector<2048x1024xbf16>,
    return
  }
}

module attributes {stable_mosaic.version = 14 : i64} {
  func.func @_ffn_kernel(%arg0: i32, %arg1: i32, %arg2: memref<32xi32, #tpu.memory_space<smem>>, %arg3: memref<32xi32, #tpu.memory_space<smem>>, %arg4: memref<32xi32, #tpu.memory_space<smem>>, %arg5: memref<2048x1024xbf16, #tpu.memory_space<vmem>>, %arg6: memref<512x1xi32, #tpu.memory_space<vmem>>, %arg7: memref<1x512x2736xf32, #tpu.memory_space<vmem>>, %arg8: memref<1x1x2736xf32, #tpu.memory_space<vmem>>, %arg9: memref<1x512x2736xf32, #tpu.memory_space<vmem>>, %arg10: memref<1x1x2736xf32, #tpu.memory_space<vmem>>, %arg11: memref<1x912x1024xf32, #tpu.memory_space<vmem>>, %arg12: memref<1x1x1024xf32, #tpu.memory_space<vmem>>, %arg13: memref<512x1xf32, #tpu.memory_space<vmem>>, %arg14: memref<512x1024xf32, #tpu.memory_space<vmem>>, %arg15: memref<3x512x912xf32, #tpu.memory_space<vmem>>, %arg16: memref<3x512x912xf32, #tpu.memory_space<vmem>>, %arg17: memref<512x1024xf32, #tpu.memory_space<vmem>>) attributes {dimension_semantics = [#tpu.dimension_semantics<arbitrary>, #tpu.dimension_semantics<arbitrary>], iteration_bounds = array<i64: 16, 5>, scalar_prefetch = 3 : i64, scratch_operands = 3 : i64, tpu.core_type = #tpu.core_type<tc>, window_params = [{pipeline_mode = #tpu.pipeline_mode<synchronous>, transform_indices = @transform_0, window_bounds = array<i64: 2048, 1024>}, {transform_indices = @transform_1, window_bounds = array<i64: 512, 1>}, {transform_indices = @transform_2, window_bounds = array<i64: 1, 512, 2736>}, {transform_indices = @transform_3, window_bounds = array<i64: 1, 1, 2736>}, {transform_indices = @transform_4, window_bounds = array<i64: 1, 512, 2736>}, {transform_indices = @transform_5, window_bounds = array<i64: 1, 1, 2736>}, {transform_indices = @transform_6, window_bounds = array<i64: 1, 912, 1024>}, {transform_indices = @transform_7, window_bounds = array<i64: 1, 1, 1024>}, {transform_indices = @transform_8, window_bounds = array<i64: 512, 1>}, {transform_indices = @transform_9, window_bounds = array<i64: 512, 1024>}]} {
    %get3A = arith.index_cast %arg0 : i32 to index
    %get3A_0 = memref.load %arg3[%get3A] : memref<32xi32, #tpu.memory_space<smem>>
    %eq3A = arith.constant 1 : i32
    %eq3A_1 = arith.cmpi eq, %get3A_0, %eq3A : i32
    %convert_element_type3A = arith.extui %eq3A_1 : i1 to i32
    %cond3A = arith.constant 0 : i32
    %cond3A_2 = arith.cmpi ne, %convert_element_type3A, %cond3A : i32
    scf.if %cond3A_2 {
      %eq3A_3 = arith.constant 0 : i32
      %eq3A_4 = arith.cmpi eq, %arg1, %eq3A_3 : i32
      %convert_element_type3A_5 = arith.extui %eq3A_4 : i1 to i32
      %cond3A_6 = arith.constant 0 : i32
      %cond3A_7 = arith.cmpi ne, %convert_element_type3A_5, %cond3A_6 : i32
      scf.if %cond3A_7 {
        %get3A_16 = arith.constant 0 : index
        %get3A_17 = arith.constant 0 : index
        %get3A_18 = vector.load %arg6[%get3A_16, %get3A_17] : memref<512x1xi32, #tpu.memory_space<vmem>>, vector<512x1xi32>
        %iota3A = tpu.iota {dimensions = array<i32: 1>} : vector<512x2048xi32>
        %eq3A_19 = vector.broadcast %get3A_18 : vector<512x1xi32> to vector<512x2048xi32>
        %eq3A_20 = arith.cmpi eq, %iota3A, %eq3A_19 : vector<512x2048xi32>
        %jit3A = arith.constant 1.000000e+00 : f32
        %jit3A_21 = arith.constant 0.000000e+00 : f32
        %broadcast_in_dim3A = vector.broadcast %jit3A : f32 to vector<512x2048xf32>
        %broadcast_in_dim3A_22 = vector.broadcast %jit3A_21 : f32 to vector<512x2048xf32>
        %select_n3A = arith.select %eq3A_20, %broadcast_in_dim3A, %broadcast_in_dim3A_22 : vector<512x2048xi1>, vector<512x2048xf32>
        %convert_element_type3A_23 = arith.truncf %select_n3A : vector<512x2048xf32> to vector<512x2048xbf16>
        %get3A_24 = arith.constant 0 : index
        %get3A_25 = arith.constant 0 : index
        %get3A_26 = vector.load %arg5[%get3A_24, %get3A_25] : memref<2048x1024xbf16, #tpu.memory_space<vmem>>, vector<2048x1024xbf16>
        %dot_general3A = arith.constant dense<0.000000e+00> : vector<512x1024xf32>
        %dot_general3A_27 = tpu.matmul %convert_element_type3A_23, %get3A_26, %dot_general3A {dimension_numbers = #tpu.dot_dimension_numbers<[1], [0], [0], [1], [0, 0, 1, 1], [], []>, transpose_lhs_hint = false} : vector<512x2048xbf16>, vector<2048x1024xbf16>, vector<512x1024xf32> -> vector<512x1024xf32>
        %swap3A = arith.constant 0 : index
        %swap3A_28 = arith.constant 0 : index
        %swap3A_29 = vector.load %arg17[%swap3A, %swap3A_28] : memref<512x1024xf32, #tpu.memory_space<vmem>>, vector<512x1024xf32>
        tpu.vector_store %arg17[%swap3A, %swap3A_28], %dot_general3A_27 {strides = array<i32>} : memref<512x1024xf32, #tpu.memory_space<vmem>>, vector<512x1024xf32>,
      } else {
      }
      %lt3A = arith.constant 2 : i32
      %lt3A_8 = arith.cmpi slt, %arg1, %lt3A : i32
      %convert_element_type3A_9 = arith.extui %lt3A_8 : i1 to i32
      %cond3A_10 = arith.constant 0 : i32
      %cond3A_11 = arith.cmpi ne, %convert_element_type3A_9, %cond3A_10 : i32
      scf.if %cond3A_11 {
        %mul3A = arith.constant 512 : i32
        %mul3A_16 = arith.muli %arg1, %mul3A : i32
        %get3A_17 = arith.constant 0 : index
        %get3A_18 = arith.index_cast %mul3A_16 : i32 to index
        %get3A_19 = vector.load %arg17[%get3A_17, %get3A_18] : memref<512x1024xf32, #tpu.memory_space<vmem>>, vector<512x512xf32>
        %get3A_20 = arith.constant 0 : index
        %get3A_21 = arith.constant 0 : index
        %get3A_22 = arith.constant 0 : index
        %get3A_23 = vector.load %arg7[%get3A_20, %get3A_21, %get3A_22] : memref<1x512x2736xf32, #tpu.memory_space<vmem>>, vector<1x512x2736xf32>
        %get3A_24 = vector.shape_cast %get3A_23 : vector<1x512x2736xf32> to vector<512x2736xf32>
        %dot_general3A = arith.constant dense<0.000000e+00> : vector<512x2736xf32>
        %dot_general3A_25 = tpu.matmul %get3A_19, %get3A_24, %dot_general3A {dimension_numbers = #tpu.dot_dimension_numbers<[1], [0], [0], [1], [0, 0, 1, 1], [], []>, transpose_lhs_hint = false} : vector<512x512xf32>, vector<512x2736xf32>, vector<512x2736xf32> -> vector<512x2736xf32>
        %get3A_26 = arith.constant 0 : index
        %get3A_27 = arith.constant 0 : index
        %get3A_28 = arith.constant 0 : index
        %get3A_29 = vector.load %arg9[%get3A_26, %get3A_27, %get3A_28] : memref<1x512x2736xf32, #tpu.memory_space<vmem>>, vector<1x512x2736xf32>
        %get3A_30 = vector.shape_cast %get3A_29 : vector<1x512x2736xf32> to vector<512x2736xf32>
        %dot_general3A_31 = arith.constant dense<0.000000e+00> : vector<512x2736xf32>
        %dot_general3A_32 = tpu.matmul %get3A_19, %get3A_30, %dot_general3A_31 {dimension_numbers = #tpu.dot_dimension_numbers<[1], [0], [0], [1], [0, 0, 1, 1], [], []>, transpose_lhs_hint = false} : vector<512x512xf32>, vector<512x2736xf32>, vector<512x2736xf32> -> vector<512x2736xf32>
        %slice3A = vector.extract_strided_slice %dot_general3A_25 {offsets = [0, 0], sizes = [512, 912], strides = [1, 1]} : vector<512x2736xf32> to vector<512x912xf32>
        %slice3A_33 = vector.extract_strided_slice %dot_general3A_32 {offsets = [0, 0], sizes = [512, 912], strides = [1, 1]} : vector<512x2736xf32> to vector<512x912xf32>
        %eq3A_34 = arith.constant 0 : i32
        %eq3A_35 = arith.cmpi eq, %arg1, %eq3A_34 : i32
        %convert_element_type3A_36 = arith.extui %eq3A_35 : i1 to i32
        %cond3A_37 = arith.constant 0 : i32
        %cond3A_38 = arith.cmpi ne, %convert_element_type3A_36, %cond3A_37 : i32
        scf.if %cond3A_38 {
          %get3A_67 = arith.constant 0 : index
          %get3A_68 = arith.constant 0 : index
          %get3A_69 = arith.constant 0 : index
          %get3A_70 = vector.load %arg8[%get3A_67, %get3A_68, %get3A_69] : memref<1x1x2736xf32, #tpu.memory_space<vmem>>, vector<1x1x2736xf32>
          %get3A_71 = vector.shape_cast %get3A_70 : vector<1x1x2736xf32> to vector<2736xf32>
          %slice3A_72 = vector.extract_strided_slice %get3A_71 {offsets = [0], sizes = [912], strides = [1]} : vector<2736xf32> to vector<912xf32>
          %broadcast_in_dim3A = vector.shape_cast %slice3A_72 : vector<912xf32> to vector<1x912xf32>
          %add3A = vector.broadcast %broadcast_in_dim3A : vector<1x912xf32> to vector<512x912xf32>
          %add3A_73 = arith.addf %slice3A, %add3A : vector<512x912xf32>
          %swap3A = arith.constant 0 : index
          %swap3A_74 = arith.constant 0 : index
          %swap3A_75 = arith.constant 0 : index
          %swap3A_76 = vector.load %arg15[%swap3A, %swap3A_74, %swap3A_75] : memref<3x512x912xf32, #tpu.memory_space<vmem>>, vector<1x512x912xf32>
          %swap3A_77 = vector.shape_cast %swap3A_76 : vector<1x512x912xf32> to vector<512x912xf32>
          %swap3A_78 = vector.shape_cast %add3A_73 : vector<512x912xf32> to vector<1x512x912xf32>
          tpu.vector_store %arg15[%swap3A, %swap3A_74, %swap3A_75], %swap3A_78 {strides = array<i32>} : memref<3x512x912xf32, #tpu.memory_space<vmem>>, vector<1x512x912xf32>,
          %get3A_79 = arith.constant 0 : index
          %get3A_80 = arith.constant 0 : index
          %get3A_81 = arith.constant 0 : index
          %get3A_82 = vector.load %arg10[%get3A_79, %get3A_80, %get3A_81] : memref<1x1x2736xf32, #tpu.memory_space<vmem>>, vector<1x1x2736xf32>
          %get3A_83 = vector.shape_cast %get3A_82 : vector<1x1x2736xf32> to vector<2736xf32>
          %slice3A_84 = vector.extract_strided_slice %get3A_83 {offsets = [0], sizes = [912], strides = [1]} : vector<2736xf32> to vector<912xf32>
          %broadcast_in_dim3A_85 = vector.shape_cast %slice3A_84 : vector<912xf32> to vector<1x912xf32>
          %add3A_86 = vector.broadcast %broadcast_in_dim3A_85 : vector<1x912xf32> to vector<512x912xf32>
          %add3A_87 = arith.addf %slice3A_33, %add3A_86 : vector<512x912xf32>
          %swap3A_88 = arith.constant 0 : index
          %swap3A_89 = arith.constant 0 : index
          %swap3A_90 = arith.constant 0 : index
          %swap3A_91 = vector.load %arg16[%swap3A_88, %swap3A_89, %swap3A_90] : memref<3x512x912xf32, #tpu.memory_space<vmem>>, vector<1x512x912xf32>
          %swap3A_92 = vector.shape_cast %swap3A_91 : vector<1x512x912xf32> to vector<512x912xf32>
          %swap3A_93 = vector.shape_cast %add3A_87 : vector<512x912xf32> to vector<1x512x912xf32>
          tpu.vector_store %arg16[%swap3A_88, %swap3A_89, %swap3A_90], %swap3A_93 {strides = array<i32>} : memref<3x512x912xf32, #tpu.memory_space<vmem>>, vector<1x512x912xf32>,
        } else {
        }
        %gt3A = arith.constant 0 : i32
        %gt3A_39 = arith.cmpi sgt, %arg1, %gt3A : i32
        %convert_element_type3A_40 = arith.extui %gt3A_39 : i1 to i32
        %cond3A_41 = arith.constant 0 : i32
        %cond3A_42 = arith.cmpi ne, %convert_element_type3A_40, %cond3A_41 : i32
        scf.if %cond3A_42 {
          %get3A_67 = arith.constant 0 : index
          %get3A_68 = arith.constant 0 : index
          %get3A_69 = arith.constant 0 : index
          %get3A_70 = vector.load %arg15[%get3A_67, %get3A_68, %get3A_69] : memref<3x512x912xf32, #tpu.memory_space<vmem>>, vector<1x512x912xf32>
          %get3A_71 = vector.shape_cast %get3A_70 : vector<1x512x912xf32> to vector<512x912xf32>
          %add3A = arith.addf %get3A_71, %slice3A : vector<512x912xf32>
          %swap3A = arith.constant 0 : index
          %swap3A_72 = arith.constant 0 : index
          %swap3A_73 = arith.constant 0 : index
          %swap3A_74 = vector.load %arg15[%swap3A, %swap3A_72, %swap3A_73] : memref<3x512x912xf32, #tpu.memory_space<vmem>>, vector<1x512x912xf32>
          %swap3A_75 = vector.shape_cast %swap3A_74 : vector<1x512x912xf32> to vector<512x912xf32>
          %swap3A_76 = vector.shape_cast %add3A : vector<512x912xf32> to vector<1x512x912xf32>
          tpu.vector_store %arg15[%swap3A, %swap3A_72, %swap3A_73], %swap3A_76 {strides = array<i32>} : memref<3x512x912xf32, #tpu.memory_space<vmem>>, vector<1x512x912xf32>,
          %get3A_77 = arith.constant 0 : index
          %get3A_78 = arith.constant 0 : index
          %get3A_79 = arith.constant 0 : index
          %get3A_80 = vector.load %arg16[%get3A_77, %get3A_78, %get3A_79] : memref<3x512x912xf32, #tpu.memory_space<vmem>>, vector<1x512x912xf32>
          %get3A_81 = vector.shape_cast %get3A_80 : vector<1x512x912xf32> to vector<512x912xf32>
          %add3A_82 = arith.addf %get3A_81, %slice3A_33 : vector<512x912xf32>
          %swap3A_83 = arith.constant 0 : index
          %swap3A_84 = arith.constant 0 : index
          %swap3A_85 = arith.constant 0 : index
          %swap3A_86 = vector.load %arg16[%swap3A_83, %swap3A_84, %swap3A_85] : memref<3x512x912xf32, #tpu.memory_space<vmem>>, vector<1x512x912xf32>
          %swap3A_87 = vector.shape_cast %swap3A_86 : vector<1x512x912xf32> to vector<512x912xf32>
          %swap3A_88 = vector.shape_cast %add3A_82 : vector<512x912xf32> to vector<1x512x912xf32>
          tpu.vector_store %arg16[%swap3A_83, %swap3A_84, %swap3A_85], %swap3A_88 {strides = array<i32>} : memref<3x512x912xf32, #tpu.memory_space<vmem>>, vector<1x512x912xf32>,
        } else {
        }
        %slice3A_43 = vector.extract_strided_slice %dot_general3A_25 {offsets = [0, 912], sizes = [512, 912], strides = [1, 1]} : vector<512x2736xf32> to vector<512x912xf32>
        %slice3A_44 = vector.extract_strided_slice %dot_general3A_32 {offsets = [0, 912], sizes = [512, 912], strides = [1, 1]} : vector<512x2736xf32> to vector<512x912xf32>
        %eq3A_45 = arith.constant 0 : i32
        %eq3A_46 = arith.cmpi eq, %arg1, %eq3A_45 : i32
        %convert_element_type3A_47 = arith.extui %eq3A_46 : i1 to i32
        %cond3A_48 = arith.constant 0 : i32
        %cond3A_49 = arith.cmpi ne, %convert_element_type3A_47, %cond3A_48 : i32
        scf.if %cond3A_49 {
          %get3A_67 = arith.constant 0 : index
          %get3A_68 = arith.constant 0 : index
          %get3A_69 = arith.constant 0 : index
          %get3A_70 = vector.load %arg8[%get3A_67, %get3A_68, %get3A_69] : memref<1x1x2736xf32, #tpu.memory_space<vmem>>, vector<1x1x2736xf32>
          %get3A_71 = vector.shape_cast %get3A_70 : vector<1x1x2736xf32> to vector<2736xf32>
          %slice3A_72 = vector.extract_strided_slice %get3A_71 {offsets = [912], sizes = [912], strides = [1]} : vector<2736xf32> to vector<912xf32>
          %broadcast_in_dim3A = vector.shape_cast %slice3A_72 : vector<912xf32> to vector<1x912xf32>
          %add3A = vector.broadcast %broadcast_in_dim3A : vector<1x912xf32> to vector<512x912xf32>
          %add3A_73 = arith.addf %slice3A_43, %add3A : vector<512x912xf32>
          %swap3A = arith.constant 1 : index
          %swap3A_74 = arith.constant 0 : index
          %swap3A_75 = arith.constant 0 : index
          %swap3A_76 = vector.load %arg15[%swap3A, %swap3A_74, %swap3A_75] : memref<3x512x912xf32, #tpu.memory_space<vmem>>, vector<1x512x912xf32>
          %swap3A_77 = vector.shape_cast %swap3A_76 : vector<1x512x912xf32> to vector<512x912xf32>
          %swap3A_78 = vector.shape_cast %add3A_73 : vector<512x912xf32> to vector<1x512x912xf32>
          tpu.vector_store %arg15[%swap3A, %swap3A_74, %swap3A_75], %swap3A_78 {strides = array<i32>} : memref<3x512x912xf32, #tpu.memory_space<vmem>>, vector<1x512x912xf32>,
          %get3A_79 = arith.constant 0 : index
          %get3A_80 = arith.constant 0 : index
          %get3A_81 = arith.constant 0 : index
          %get3A_82 = vector.load %arg10[%get3A_79, %get3A_80, %get3A_81] : memref<1x1x2736xf32, #tpu.memory_space<vmem>>, vector<1x1x2736xf32>
          %get3A_83 = vector.shape_cast %get3A_82 : vector<1x1x2736xf32> to vector<2736xf32>
          %slice3A_84 = vector.extract_strided_slice %get3A_83 {offsets = [912], sizes = [912], strides = [1]} : vector<2736xf32> to vector<912xf32>
          %broadcast_in_dim3A_85 = vector.shape_cast %slice3A_84 : vector<912xf32> to vector<1x912xf32>
          %add3A_86 = vector.broadcast %broadcast_in_dim3A_85 : vector<1x912xf32> to vector<512x912xf32>
          %add3A_87 = arith.addf %slice3A_44, %add3A_86 : vector<512x912xf32>
          %swap3A_88 = arith.constant 1 : index
          %swap3A_89 = arith.constant 0 : index
          %swap3A_90 = arith.constant 0 : index
          %swap3A_91 = vector.load %arg16[%swap3A_88, %swap3A_89, %swap3A_90] : memref<3x512x912xf32, #tpu.memory_space<vmem>>, vector<1x512x912xf32>
          %swap3A_92 = vector.shape_cast %swap3A_91 : vector<1x512x912xf32> to vector<512x912xf32>
          %swap3A_93 = vector.shape_cast %add3A_87 : vector<512x912xf32> to vector<1x512x912xf32>
          tpu.vector_store %arg16[%swap3A_88, %swap3A_89, %swap3A_90], %swap3A_93 {strides = array<i32>} : memref<3x512x912xf32, #tpu.memory_space<vmem>>, vector<1x512x912xf32>,
        } else {
        }
        %gt3A_50 = arith.constant 0 : i32
        %gt3A_51 = arith.cmpi sgt, %arg1, %gt3A_50 : i32
        %convert_element_type3A_52 = arith.extui %gt3A_51 : i1 to i32
        %cond3A_53 = arith.constant 0 : i32
        %cond3A_54 = arith.cmpi ne, %convert_element_type3A_52, %cond3A_53 : i32
        scf.if %cond3A_54 {
          %get3A_67 = arith.constant 1 : index
          %get3A_68 = arith.constant 0 : index
          %get3A_69 = arith.constant 0 : index
          %get3A_70 = vector.load %arg15[%get3A_67, %get3A_68, %get3A_69] : memref<3x512x912xf32, #tpu.memory_space<vmem>>, vector<1x512x912xf32>
          %get3A_71 = vector.shape_cast %get3A_70 : vector<1x512x912xf32> to vector<512x912xf32>
          %add3A = arith.addf %get3A_71, %slice3A_43 : vector<512x912xf32>
          %swap3A = arith.constant 1 : index
          %swap3A_72 = arith.constant 0 : index
          %swap3A_73 = arith.constant 0 : index
          %swap3A_74 = vector.load %arg15[%swap3A, %swap3A_72, %swap3A_73] : memref<3x512x912xf32, #tpu.memory_space<vmem>>, vector<1x512x912xf32>
          %swap3A_75 = vector.shape_cast %swap3A_74 : vector<1x512x912xf32> to vector<512x912xf32>
          %swap3A_76 = vector.shape_cast %add3A : vector<512x912xf32> to vector<1x512x912xf32>
          tpu.vector_store %arg15[%swap3A, %swap3A_72, %swap3A_73], %swap3A_76 {strides = array<i32>} : memref<3x512x912xf32, #tpu.memory_space<vmem>>, vector<1x512x912xf32>,
          %get3A_77 = arith.constant 1 : index
          %get3A_78 = arith.constant 0 : index
          %get3A_79 = arith.constant 0 : index
          %get3A_80 = vector.load %arg16[%get3A_77, %get3A_78, %get3A_79] : memref<3x512x912xf32, #tpu.memory_space<vmem>>, vector<1x512x912xf32>
          %get3A_81 = vector.shape_cast %get3A_80 : vector<1x512x912xf32> to vector<512x912xf32>
          %add3A_82 = arith.addf %get3A_81, %slice3A_44 : vector<512x912xf32>
          %swap3A_83 = arith.constant 1 : index
          %swap3A_84 = arith.constant 0 : index
          %swap3A_85 = arith.constant 0 : index
          %swap3A_86 = vector.load %arg16[%swap3A_83, %swap3A_84, %swap3A_85] : memref<3x512x912xf32, #tpu.memory_space<vmem>>, vector<1x512x912xf32>
          %swap3A_87 = vector.shape_cast %swap3A_86 : vector<1x512x912xf32> to vector<512x912xf32>
          %swap3A_88 = vector.shape_cast %add3A_82 : vector<512x912xf32> to vector<1x512x912xf32>
          tpu.vector_store %arg16[%swap3A_83, %swap3A_84, %swap3A_85], %swap3A_88 {strides = array<i32>} : memref<3x512x912xf32, #tpu.memory_space<vmem>>, vector<1x512x912xf32>,
        } else {
        }
        %slice3A_55 = vector.extract_strided_slice %dot_general3A_25 {offsets = [0, 1824], sizes = [512, 912], strides = [1, 1]} : vector<512x2736xf32> to vector<512x912xf32>
        %slice3A_56 = vector.extract_strided_slice %dot_general3A_32 {offsets = [0, 1824], sizes = [512, 912], strides = [1, 1]} : vector<512x2736xf32> to vector<512x912xf32>
        %eq3A_57 = arith.constant 0 : i32
        %eq3A_58 = arith.cmpi eq, %arg1, %eq3A_57 : i32
        %convert_element_type3A_59 = arith.extui %eq3A_58 : i1 to i32
        %cond3A_60 = arith.constant 0 : i32
        %cond3A_61 = arith.cmpi ne, %convert_element_type3A_59, %cond3A_60 : i32
        scf.if %cond3A_61 {
          %get3A_67 = arith.constant 0 : index
          %get3A_68 = arith.constant 0 : index
          %get3A_69 = arith.constant 0 : index
          %get3A_70 = vector.load %arg8[%get3A_67, %get3A_68, %get3A_69] : memref<1x1x2736xf32, #tpu.memory_space<vmem>>, vector<1x1x2736xf32>
          %get3A_71 = vector.shape_cast %get3A_70 : vector<1x1x2736xf32> to vector<2736xf32>
          %slice3A_72 = vector.extract_strided_slice %get3A_71 {offsets = [1824], sizes = [912], strides = [1]} : vector<2736xf32> to vector<912xf32>
          %broadcast_in_dim3A = vector.shape_cast %slice3A_72 : vector<912xf32> to vector<1x912xf32>
          %add3A = vector.broadcast %broadcast_in_dim3A : vector<1x912xf32> to vector<512x912xf32>
          %add3A_73 = arith.addf %slice3A_55, %add3A : vector<512x912xf32>
          %swap3A = arith.constant 2 : index
          %swap3A_74 = arith.constant 0 : index
          %swap3A_75 = arith.constant 0 : index
          %swap3A_76 = vector.load %arg15[%swap3A, %swap3A_74, %swap3A_75] : memref<3x512x912xf32, #tpu.memory_space<vmem>>, vector<1x512x912xf32>
          %swap3A_77 = vector.shape_cast %swap3A_76 : vector<1x512x912xf32> to vector<512x912xf32>
          %swap3A_78 = vector.shape_cast %add3A_73 : vector<512x912xf32> to vector<1x512x912xf32>
          tpu.vector_store %arg15[%swap3A, %swap3A_74, %swap3A_75], %swap3A_78 {strides = array<i32>} : memref<3x512x912xf32, #tpu.memory_space<vmem>>, vector<1x512x912xf32>,
          %get3A_79 = arith.constant 0 : index
          %get3A_80 = arith.constant 0 : index
          %get3A_81 = arith.constant 0 : index
          %get3A_82 = vector.load %arg10[%get3A_79, %get3A_80, %get3A_81] : memref<1x1x2736xf32, #tpu.memory_space<vmem>>, vector<1x1x2736xf32>
          %get3A_83 = vector.shape_cast %get3A_82 : vector<1x1x2736xf32> to vector<2736xf32>
          %slice3A_84 = vector.extract_strided_slice %get3A_83 {offsets = [1824], sizes = [912], strides = [1]} : vector<2736xf32> to vector<912xf32>
          %broadcast_in_dim3A_85 = vector.shape_cast %slice3A_84 : vector<912xf32> to vector<1x912xf32>
          %add3A_86 = vector.broadcast %broadcast_in_dim3A_85 : vector<1x912xf32> to vector<512x912xf32>
          %add3A_87 = arith.addf %slice3A_56, %add3A_86 : vector<512x912xf32>
          %swap3A_88 = arith.constant 2 : index
          %swap3A_89 = arith.constant 0 : index
          %swap3A_90 = arith.constant 0 : index
          %swap3A_91 = vector.load %arg16[%swap3A_88, %swap3A_89, %swap3A_90] : memref<3x512x912xf32, #tpu.memory_space<vmem>>, vector<1x512x912xf32>
          %swap3A_92 = vector.shape_cast %swap3A_91 : vector<1x512x912xf32> to vector<512x912xf32>
          %swap3A_93 = vector.shape_cast %add3A_87 : vector<512x912xf32> to vector<1x512x912xf32>
          tpu.vector_store %arg16[%swap3A_88, %swap3A_89, %swap3A_90], %swap3A_93 {strides = array<i32>} : memref<3x512x912xf32, #tpu.memory_space<vmem>>, vector<1x512x912xf32>,
        } else {
        }
        %gt3A_62 = arith.constant 0 : i32
        %gt3A_63 = arith.cmpi sgt, %arg1, %gt3A_62 : i32
        %convert_element_type3A_64 = arith.extui %gt3A_63 : i1 to i32
        %cond3A_65 = arith.constant 0 : i32
        %cond3A_66 = arith.cmpi ne, %convert_element_type3A_64, %cond3A_65 : i32
        scf.if %cond3A_66 {
          %get3A_67 = arith.constant 2 : index
          %get3A_68 = arith.constant 0 : index
          %get3A_69 = arith.constant 0 : index
          %get3A_70 = vector.load %arg15[%get3A_67, %get3A_68, %get3A_69] : memref<3x512x912xf32, #tpu.memory_space<vmem>>, vector<1x512x912xf32>
          %get3A_71 = vector.shape_cast %get3A_70 : vector<1x512x912xf32> to vector<512x912xf32>
          %add3A = arith.addf %get3A_71, %slice3A_55 : vector<512x912xf32>
          %swap3A = arith.constant 2 : index
          %swap3A_72 = arith.constant 0 : index
          %swap3A_73 = arith.constant 0 : index
          %swap3A_74 = vector.load %arg15[%swap3A, %swap3A_72, %swap3A_73] : memref<3x512x912xf32, #tpu.memory_space<vmem>>, vector<1x512x912xf32>
          %swap3A_75 = vector.shape_cast %swap3A_74 : vector<1x512x912xf32> to vector<512x912xf32>
          %swap3A_76 = vector.shape_cast %add3A : vector<512x912xf32> to vector<1x512x912xf32>
          tpu.vector_store %arg15[%swap3A, %swap3A_72, %swap3A_73], %swap3A_76 {strides = array<i32>} : memref<3x512x912xf32, #tpu.memory_space<vmem>>, vector<1x512x912xf32>,
          %get3A_77 = arith.constant 2 : index
          %get3A_78 = arith.constant 0 : index
          %get3A_79 = arith.constant 0 : index
          %get3A_80 = vector.load %arg16[%get3A_77, %get3A_78, %get3A_79] : memref<3x512x912xf32, #tpu.memory_space<vmem>>, vector<1x512x912xf32>
          %get3A_81 = vector.shape_cast %get3A_80 : vector<1x512x912xf32> to vector<512x912xf32>
          %add3A_82 = arith.addf %get3A_81, %slice3A_56 : vector<512x912xf32>
          %swap3A_83 = arith.constant 2 : index
          %swap3A_84 = arith.constant 0 : index
          %swap3A_85 = arith.constant 0 : index
          %swap3A_86 = vector.load %arg16[%swap3A_83, %swap3A_84, %swap3A_85] : memref<3x512x912xf32, #tpu.memory_space<vmem>>, vector<1x512x912xf32>
          %swap3A_87 = vector.shape_cast %swap3A_86 : vector<1x512x912xf32> to vector<512x912xf32>
          %swap3A_88 = vector.shape_cast %add3A_82 : vector<512x912xf32> to vector<1x512x912xf32>
          tpu.vector_store %arg16[%swap3A_83, %swap3A_84, %swap3A_85], %swap3A_88 {strides = array<i32>} : memref<3x512x912xf32, #tpu.memory_space<vmem>>, vector<1x512x912xf32>,
        } else {
        }
      } else {
      }
      %ge3A = arith.constant 2 : i32
      %ge3A_12 = arith.cmpi sge, %arg1, %ge3A : i32
      %convert_element_type3A_13 = arith.extui %ge3A_12 : i1 to i32
      %cond3A_14 = arith.constant 0 : i32
      %cond3A_15 = arith.cmpi ne, %convert_element_type3A_13, %cond3A_14 : i32
      scf.if %cond3A_15 {
        %sub3A = arith.constant 2 : i32
        %sub3A_16 = arith.subi %arg1, %sub3A : i32
        %get3A_17 = arith.constant 0 : index
        %get3A_18 = arith.constant 0 : index
        %get3A_19 = vector.load %arg13[%get3A_17, %get3A_18] : memref<512x1xf32, #tpu.memory_space<vmem>>, vector<512x1xf32>
        %get3A_20 = arith.index_cast %sub3A_16 : i32 to index
        %get3A_21 = arith.constant 0 : index
        %get3A_22 = arith.constant 0 : index
        %get3A_23 = vector.load %arg15[%get3A_20, %get3A_21, %get3A_22] : memref<3x512x912xf32, #tpu.memory_space<vmem>>, vector<1x512x912xf32>
        %get3A_24 = vector.shape_cast %get3A_23 : vector<1x512x912xf32> to vector<512x912xf32>
        %get3A_25 = arith.index_cast %sub3A_16 : i32 to index
        %get3A_26 = arith.constant 0 : index
        %get3A_27 = arith.constant 0 : index
        %get3A_28 = vector.load %arg16[%get3A_25, %get3A_26, %get3A_27] : memref<3x512x912xf32, #tpu.memory_space<vmem>>, vector<1x512x912xf32>
        %get3A_29 = vector.shape_cast %get3A_28 : vector<1x512x912xf32> to vector<512x912xf32>
        %logistic3A = arith.negf %get3A_24 : vector<512x912xf32>
        %logistic3A_30 = math.exp %logistic3A : vector<512x912xf32>
        %logistic3A_31 = arith.constant 1.000000e+00 : f32
        %logistic3A_32 = vector.broadcast %logistic3A_31 : f32 to vector<512x912xf32>
        %logistic3A_33 = arith.addf %logistic3A_32, %logistic3A_30 : vector<512x912xf32>
        %logistic3A_34 = arith.divf %logistic3A_32, %logistic3A_33 : vector<512x912xf32>
        %mul3A = arith.mulf %get3A_24, %logistic3A_34 : vector<512x912xf32>
        %mul3A_35 = vector.broadcast %get3A_19 : vector<512x1xf32> to vector<512x912xf32>
        %mul3A_36 = arith.mulf %mul3A_35, %mul3A : vector<512x912xf32>
        %mul3A_37 = arith.mulf %mul3A_36, %get3A_29 : vector<512x912xf32>
        %get3A_38 = arith.constant 0 : index
        %get3A_39 = arith.constant 0 : index
        %get3A_40 = arith.constant 0 : index
        %get3A_41 = vector.load %arg11[%get3A_38, %get3A_39, %get3A_40] : memref<1x912x1024xf32, #tpu.memory_space<vmem>>, vector<1x912x1024xf32>
        %get3A_42 = vector.shape_cast %get3A_41 : vector<1x912x1024xf32> to vector<912x1024xf32>
        %dot_general3A = arith.constant dense<0.000000e+00> : vector<512x1024xf32>
        %dot_general3A_43 = tpu.matmul %mul3A_37, %get3A_42, %dot_general3A {dimension_numbers = #tpu.dot_dimension_numbers<[1], [0], [0], [1], [0, 0, 1, 1], [], []>, transpose_lhs_hint = false} : vector<512x912xf32>, vector<912x1024xf32>, vector<512x1024xf32> -> vector<512x1024xf32>
        %eq3A_44 = arith.constant 0 : i32
        %eq3A_45 = arith.cmpi eq, %sub3A_16, %eq3A_44 : i32
        %convert_element_type3A_46 = arith.extui %eq3A_45 : i1 to i32
        %cond3A_47 = arith.constant 0 : i32
        %cond3A_48 = arith.cmpi ne, %convert_element_type3A_46, %cond3A_47 : i32
        scf.if %cond3A_48 {
          %get3A_53 = arith.constant 0 : index
          %get3A_54 = arith.constant 0 : index
          %get3A_55 = arith.constant 0 : index
          %get3A_56 = vector.load %arg12[%get3A_53, %get3A_54, %get3A_55] : memref<1x1x1024xf32, #tpu.memory_space<vmem>>, vector<1x1x1024xf32>
          %get3A_57 = vector.shape_cast %get3A_56 : vector<1x1x1024xf32> to vector<1024xf32>
          %broadcast_in_dim3A = vector.shape_cast %get3A_57 : vector<1024xf32> to vector<1x1024xf32>
          %mul3A_58 = vector.broadcast %get3A_19 : vector<512x1xf32> to vector<512x1024xf32>
          %mul3A_59 = vector.broadcast %broadcast_in_dim3A : vector<1x1024xf32> to vector<512x1024xf32>
          %mul3A_60 = arith.mulf %mul3A_58, %mul3A_59 : vector<512x1024xf32>
          %add3A = arith.addf %dot_general3A_43, %mul3A_60 : vector<512x1024xf32>
          %swap3A = arith.constant 0 : index
          %swap3A_61 = arith.constant 0 : index
          %swap3A_62 = vector.load %arg14[%swap3A, %swap3A_61] : memref<512x1024xf32, #tpu.memory_space<vmem>>, vector<512x1024xf32>
          tpu.vector_store %arg14[%swap3A, %swap3A_61], %add3A {strides = array<i32>} : memref<512x1024xf32, #tpu.memory_space<vmem>>, vector<512x1024xf32>,
        } else {
        }
        %gt3A = arith.constant 0 : i32
        %gt3A_49 = arith.cmpi sgt, %sub3A_16, %gt3A : i32
        %convert_element_type3A_50 = arith.extui %gt3A_49 : i1 to i32
        %cond3A_51 = arith.constant 0 : i32
        %cond3A_52 = arith.cmpi ne, %convert_element_type3A_50, %cond3A_51 : i32
        scf.if %cond3A_52 {
          %get3A_53 = arith.constant 0 : index
          %get3A_54 = arith.constant 0 : index
          %get3A_55 = vector.load %arg14[%get3A_53, %get3A_54] : memref<512x1024xf32, #tpu.memory_space<vmem>>, vector<512x1024xf32>
          %add3A = arith.addf %get3A_55, %dot_general3A_43 : vector<512x1024xf32>
          %swap3A = arith.constant 0 : index
          %swap3A_56 = arith.constant 0 : index
          %swap3A_57 = vector.load %arg14[%swap3A, %swap3A_56] : memref<512x1024xf32, #tpu.memory_space<vmem>>, vector<512x1024xf32>
          tpu.vector_store %arg14[%swap3A, %swap3A_56], %add3A {strides = array<i32>} : memref<512x1024xf32, #tpu.memory_space<vmem>>, vector<512x1024xf32>,
        } else {
        }
      } else {
      }
    } else {
    }
    return
  }
  func.func @transform_0(%arg0: i32, %arg1: i32, %arg2: memref<32xi32, #tpu.memory_space<smem>>, %arg3: memref<32xi32, #tpu.memory_space<smem>>, %arg4: memref<32xi32, #tpu.memory_space<smem>>) -> (i32, i32) {
    %c0_i32 = arith.constant 0 : i32
    %c0_i32_0 = arith.constant 0 : i32
    %c0_i32_1 = arith.constant 0 : i32
    return %c0_i32, %c0_i32_0 : i32, i32
  }
  func.func @transform_1(%arg0: i32, %arg1: i32, %arg2: memref<32xi32, #tpu.memory_space<smem>>, %arg3: memref<32xi32, #tpu.memory_space<smem>>, %arg4: memref<32xi32, #tpu.memory_space<smem>>) -> (i32, i32) {
    %get3A = arith.index_cast %arg0 : i32 to index
    %get3A_0 = memref.load %arg4[%get3A] : memref<32xi32, #tpu.memory_space<smem>>
    %c0_i32 = arith.constant 0 : i32
    %c0_i32_1 = arith.constant 0 : i32
    return %get3A_0, %c0_i32 : i32, i32
  }
  func.func @transform_2(%arg0: i32, %arg1: i32, %arg2: memref<32xi32, #tpu.memory_space<smem>>, %arg3: memref<32xi32, #tpu.memory_space<smem>>, %arg4: memref<32xi32, #tpu.memory_space<smem>>) -> (i32, i32, i32) {
    %get3A = arith.index_cast %arg0 : i32 to index
    %get3A_0 = memref.load %arg2[%get3A] : memref<32xi32, #tpu.memory_space<smem>>
    %get3A_1 = arith.index_cast %arg0 : i32 to index
    %get3A_2 = memref.load %arg3[%get3A_1] : memref<32xi32, #tpu.memory_space<smem>>
    %eq3A = arith.constant 1 : i32
    %eq3A_3 = arith.cmpi eq, %get3A_2, %eq3A : i32
    %min3A = arith.constant 1 : i32
    %min3A_4 = arith.minsi %arg1, %min3A : i32
    %jit3A = arith.constant 1 : i32
    %select_n3A = arith.select %eq3A_3, %min3A_4, %jit3A : i32
    %c0_i32 = arith.constant 0 : i32
    %c0_i32_5 = arith.constant 0 : i32
    return %get3A_0, %select_n3A, %c0_i32 : i32, i32, i32
  }
  func.func @transform_3(%arg0: i32, %arg1: i32, %arg2: memref<32xi32, #tpu.memory_space<smem>>, %arg3: memref<32xi32, #tpu.memory_space<smem>>, %arg4: memref<32xi32, #tpu.memory_space<smem>>) -> (i32, i32, i32) {
    %get3A = arith.index_cast %arg0 : i32 to index
    %get3A_0 = memref.load %arg2[%get3A] : memref<32xi32, #tpu.memory_space<smem>>
    %c0_i32 = arith.constant 0 : i32
    %c0_i32_1 = arith.constant 0 : i32
    %c0_i32_2 = arith.constant 0 : i32
    return %get3A_0, %c0_i32, %c0_i32_1 : i32, i32, i32
  }
  func.func @transform_4(%arg0: i32, %arg1: i32, %arg2: memref<32xi32, #tpu.memory_space<smem>>, %arg3: memref<32xi32, #tpu.memory_space<smem>>, %arg4: memref<32xi32, #tpu.memory_space<smem>>) -> (i32, i32, i32) {
    %get3A = arith.index_cast %arg0 : i32 to index
    %get3A_0 = memref.load %arg2[%get3A] : memref<32xi32, #tpu.memory_space<smem>>
    %get3A_1 = arith.index_cast %arg0 : i32 to index
    %get3A_2 = memref.load %arg3[%get3A_1] : memref<32xi32, #tpu.memory_space<smem>>
    %eq3A = arith.constant 1 : i32
    %eq3A_3 = arith.cmpi eq, %get3A_2, %eq3A : i32
    %min3A = arith.constant 1 : i32
    %min3A_4 = arith.minsi %arg1, %min3A : i32
    %jit3A = arith.constant 1 : i32
    %select_n3A = arith.select %eq3A_3, %min3A_4, %jit3A : i32
    %c0_i32 = arith.constant 0 : i32
    %c0_i32_5 = arith.constant 0 : i32
    return %get3A_0, %select_n3A, %c0_i32 : i32, i32, i32
  }
  func.func @transform_5(%arg0: i32, %arg1: i32, %arg2: memref<32xi32, #tpu.memory_space<smem>>, %arg3: memref<32xi32, #tpu.memory_space<smem>>, %arg4: memref<32xi32, #tpu.memory_space<smem>>) -> (i32, i32, i32) {
    %get3A = arith.index_cast %arg0 : i32 to index
    %get3A_0 = memref.load %arg2[%get3A] : memref<32xi32, #tpu.memory_space<smem>>
    %c0_i32 = arith.constant 0 : i32
    %c0_i32_1 = arith.constant 0 : i32
    %c0_i32_2 = arith.constant 0 : i32
    return %get3A_0, %c0_i32, %c0_i32_1 : i32, i32, i32
  }
  func.func @transform_6(%arg0: i32, %arg1: i32, %arg2: memref<32xi32, #tpu.memory_space<smem>>, %arg3: memref<32xi32, #tpu.memory_space<smem>>, %arg4: memref<32xi32, #tpu.memory_space<smem>>) -> (i32, i32, i32) {
    %get3A = arith.index_cast %arg0 : i32 to index
    %get3A_0 = memref.load %arg2[%get3A] : memref<32xi32, #tpu.memory_space<smem>>
    %get3A_1 = arith.index_cast %arg0 : i32 to index
    %get3A_2 = memref.load %arg3[%get3A_1] : memref<32xi32, #tpu.memory_space<smem>>
    %eq3A = arith.constant 1 : i32
    %eq3A_3 = arith.cmpi eq, %get3A_2, %eq3A : i32
    %sub3A = arith.constant 2 : i32
    %sub3A_4 = arith.subi %arg1, %sub3A : i32
    %jit3A = arith.constant 0 : i32
    %jit3A_5 = arith.constant 2 : i32
    %max3A = arith.maxsi %jit3A, %sub3A_4 : i32
    %min3A = arith.minsi %jit3A_5, %max3A : i32
    %jit3A_6 = arith.constant 2 : i32
    %select_n3A = arith.select %eq3A_3, %min3A, %jit3A_6 : i32
    %c0_i32 = arith.constant 0 : i32
    %c0_i32_7 = arith.constant 0 : i32
    return %get3A_0, %select_n3A, %c0_i32 : i32, i32, i32
  }
  func.func @transform_7(%arg0: i32, %arg1: i32, %arg2: memref<32xi32, #tpu.memory_space<smem>>, %arg3: memref<32xi32, #tpu.memory_space<smem>>, %arg4: memref<32xi32, #tpu.memory_space<smem>>) -> (i32, i32, i32) {
    %get3A = arith.index_cast %arg0 : i32 to index
    %get3A_0 = memref.load %arg2[%get3A] : memref<32xi32, #tpu.memory_space<smem>>
    %c0_i32 = arith.constant 0 : i32
    %c0_i32_1 = arith.constant 0 : i32
    %c0_i32_2 = arith.constant 0 : i32
    return %get3A_0, %c0_i32, %c0_i32_1 : i32, i32, i32
  }
  func.func @transform_8(%arg0: i32, %arg1: i32, %arg2: memref<32xi32, #tpu.memory_space<smem>>, %arg3: memref<32xi32, #tpu.memory_space<smem>>, %arg4: memref<32xi32, #tpu.memory_space<smem>>) -> (i32, i32) {
    %get3A = arith.index_cast %arg0 : i32 to index
    %get3A_0 = memref.load %arg4[%get3A] : memref<32xi32, #tpu.memory_space<smem>>
    %c0_i32 = arith.constant 0 : i32
    %c0_i32_1 = arith.constant 0 : i32
    return %get3A_0, %c0_i32 : i32, i32
  }
  func.func @transform_9(%arg0: i32, %arg1: i32, %arg2: memref<32xi32, #tpu.memory_space<smem>>, %arg3: memref<32xi32, #tpu.memory_space<smem>>, %arg4: memref<32xi32, #tpu.memory_space<smem>>) -> (i32, i32) {
    %get3A = arith.index_cast %arg0 : i32 to index
    %get3A_0 = memref.load %arg4[%get3A] : memref<32xi32, #tpu.memory_space<smem>>
    %c0_i32 = arith.constant 0 : i32
    %c0_i32_1 = arith.constant 0 : i32
    return %get3A_0, %c0_i32 : i32, i32
  }
}

</mosaic_0001>

<sc_bundles>
// kernel: _moe_forward.6.cloned.1.call-start
scs
__scs_entry_jumppad:
0x0: {  	(pc) =	sbr.rel $0x88, $3  }
0x1: {  	(tag) =	ssettag $0x0;
	lr =	simm.s32 $0x1  }
0x2: {  	[smem:$0x3F99] =	sst lr;
	_ =	strace $0xD0000000  }
0x3: {  	_ = 	snop  }
0x4: {  	_ = 	snop  }
0x5: {  	_ = 	snop  }
0x6: {  	_ = 	snop  }
0x7: {  	_ = 	snop  }
__scs_overlays_trampoline_lowered:
0x8: {  	[smem:$0x3FA8] =	sst s0  }
0x9: {  	[smem:$0x3FA9] =	sst s1  }
0xa: {  	[smem:$0x3FAA] =	sst s2  }
0xb: {  	[smem:$0x3FAB] =	sst s3  }
0xc: {  	[smem:$0x3FAC] =	sst s4  }
0xd: {  	[smem:$0x3FAD] =	sst s5  }
0xe: {  	[smem:$0x3FAE] =	sst s6  }
0xf: {  	[smem:$0x3FAF] =	sst s7  }
0x10: {  	[smem:$0x3FB0] =	sst s8  }
0x11: {  	[smem:$0x3FB1] =	sst s9;
	s0 =	simm.s32 @!p0 $0x0  }
0x12: {  	s1 =	sld [smem:$0x3F97];
	s0 =	simm.s32 @p0 $0x1  }
0x13: {  	[smem:$0x3FB2] =	sst s0;
	s0 =	simm.s32 @!p1 $0x0  }
0x14: {  	s2 =	sld [smem:$0x3F96];
	s0 =	simm.s32 @p1 $0x1  }
0x15: {  	[smem:$0x3FB3] =	sst s0;
	s0 =	simm.s32 @!p2 $0x0  }
0x16: {  	s3 =	sld [smem:$0x3FDB];
	s0 =	simm.s32 @p2 $0x1  }
0x17: {  	s4 =	simm.s32 $0x1BF5;
	[smem:$0x3FB5] =	sst s0  }
0x18: {  	s0 =	sld [smem:$0x3F98];
	_ =	swait.ge [sflag:s4], $0x0  }
0x19: {  	s7 =	sld [smem:$0x3F99]  }
0x1a: {  	s8 =	sadd.s32 $0xFFFFE003, lr  }
0x1b: {  	s9 =	sadd.s32 $0xFFFFFEF7, lr;
	s5 =	simm.s32 $0xFFFFFFFF;
	p2 =	slt.u32 s8, $0xFFFFF086  }
0x1c: {  	p1 =	slt.u32 s9, $0xF7A;
	s5 =	simm.s32 @!p2 $0x0  }
0x1d: {  	s5 =	simm.s32 @p1 $0x1;
	p0 =	seq.s32 s7, s2  }
0x1e: {  	s7 =	smul.u32 @!p0 $0xF7A, s2;
	p2 =	seq.s32 @!p0 s5, $0x0  }
0x1f: {  	s9 =	smul.u32 $0xF7A, s1;
	s8 =	simm.s32 @!p0 $0x1BF5;
	p2 =	por !p2, p0  }
0x20: {  	[sflag:s8] =	ssyncset.s32 @!p0 $0xFFFFF086;
	s6 =	sadd.s32 @!p0 s3, s7;
	s7 =	simm.s32 @!p0 $0x108  }
0x21: {  	s3 =	sadd.s32 s3, s9;
	s6 =	sadd.s32 @!p0 $0x88, s6;
	s7 =	simm.s32 @p2 $0x1082  }
0x22: {  	[simem:s7], [sflag:s8] =	dma.local @!p0 [hbm:s6], $0xF7A  }
0x23: {  	s9 =	sor.u32 $0xD0000000, s2;
	s6 =	simm.s32 $0x108;
	_ =	swait.ge @!p0 [sflag:s8], $0x0  }
0x24: {  	s3 =	sadd.s32 $0x88, s3;
	s6 =	simm.s32 @!p1 $0x1082;
	[sflag:s4] =	ssyncset.s32 $0xFFFFF086  }
0x25: {  	[simem:s6], [sflag:s4] =	dma.local [hbm:s3], $0xF7A  }
0x26: {  	[smem:$0x3F99] =	sst s1;
	(tag) =	ssettag s2;
	_ =	strace s9  }
0x27: {  	s1 =	sld [smem:$0x3FA9]  }
0x28: {  	s2 =	sld [smem:$0x3FAA]  }
0x29: {  	s4 =	sld [smem:$0x3FAC]  }
0x2a: {  	p0 =	seq.s32 s5, $0x0;
	s5 =	sld [smem:$0x3FAD]  }
0x2b: {  	s6 =	sld [smem:$0x3FAE]  }
0x2c: {  	s7 =	sld [smem:$0x3FAF]  }
0x2d: {  	s3 =	simm.s32 $0x108;
	s8 =	sld [smem:$0x3FB0]  }
0x2e: {  	s3 =	simm.s32 @!p0 $0x1082;
	s9 =	sld [smem:$0x3FB1]  }
0x2f: {  	lr =	sadd.s32 s0, s3;
	s0 =	sld [smem:$0x3FA8]  }
0x30: {  	s3 =	sld [smem:$0x3FAB]  }
0x31: {  	[smem:$0x3FB4] =	sst s10  }
0x32: {  	s10 =	sld [smem:$0x3FB2];
	_ =	sdelay $0x3  }
0x33: {  	p0 =	seq.s32 s10, $0x1;
	s10 =	sld [smem:$0x3FB4];
	_ =	sdelay $0x3  }
0x34: {  	[smem:$0x3FB4] =	sst s10  }
0x35: {  	s10 =	sld [smem:$0x3FB3];
	_ =	sdelay $0x3  }
0x36: {  	p1 =	seq.s32 s10, $0x1;
	s10 =	sld [smem:$0x3FB4];
	_ =	sdelay $0x3  }
0x37: {  	[smem:$0x3FB4] =	sst s10  }
0x38: {  	s10 =	sld [smem:$0x3FB5]  }
0x39: {  	_ = 	snop;
	(pc) =	sbr.ind lr, $3  }
0x3a: {  	_ = 	snop  }
0x3b: {  	_ = 	snop  }
0x3c: {  	p2 =	seq.s32 s10, $0x1;
	s10 =	sld [smem:$0x3FB4]  }
0x3d: {  	_ =	shalt  }
0x3e: {  	_ =	shalt  }
0x3f: {  	_ =	shalt  }
0x40: {  	_ =	shalt  }
0x41: {  	_ =	shalt  }
0x42: {  	_ =	shalt  }
0x43: {  	_ =	shalt  }
0x44: {  	_ =	shalt  }
0x45: {  	_ =	shalt  }
0x46: {  	_ =	shalt  }
0x47: {  	_ =	shalt  }
0x48: {  	_ =	shalt  }
0x49: {  	_ =	shalt  }
0x4a: {  	_ =	shalt  }
0x4b: {  	_ =	shalt  }
0x4c: {  	_ =	shalt  }
0x4d: {  	_ =	shalt  }
0x4e: {  	_ =	shalt  }
0x4f: {  	_ =	shalt  }
0x50: {  	_ =	shalt  }
0x51: {  	_ =	shalt  }
0x52: {  	_ =	shalt  }
0x53: {  	_ =	shalt  }
0x54: {  	_ =	shalt  }
0x55: {  	_ =	shalt  }
0x56: {  	_ =	shalt  }
0x57: {  	_ =	shalt  }
0x58: {  	_ =	shalt  }
0x59: {  	_ =	shalt  }
0x5a: {  	_ =	shalt  }
0x5b: {  	_ =	shalt  }
0x5c: {  	_ =	shalt  }
0x5d: {  	_ =	shalt  }
0x5e: {  	_ =	shalt  }
0x5f: {  	_ =	shalt  }
0x60: {  	_ =	shalt  }
0x61: {  	_ =	shalt  }
0x62: {  	_ =	shalt  }
0x63: {  	_ =	shalt  }
0x64: {  	_ =	shalt  }
0x65: {  	_ =	shalt  }
0x66: {  	_ =	shalt  }
0x67: {  	_ =	shalt  }
0x68: {  	_ =	shalt  }
0x69: {  	_ =	shalt  }
0x6a: {  	_ =	shalt  }
0x6b: {  	_ =	shalt  }
0x6c: {  	_ =	shalt  }
0x6d: {  	_ =	shalt  }
0x6e: {  	_ =	shalt  }
0x6f: {  	_ =	shalt  }
0x70: {  	_ =	shalt  }
0x71: {  	_ =	shalt  }
0x72: {  	_ =	shalt  }
0x73: {  	_ =	shalt  }
0x74: {  	_ =	shalt  }
0x75: {  	_ =	shalt  }
0x76: {  	_ =	shalt  }
0x77: {  	_ =	shalt  }
0x78: {  	_ =	shalt  }
0x79: {  	_ =	shalt  }
0x7a: {  	_ =	shalt  }
0x7b: {  	_ =	shalt  }
0x7c: {  	_ =	shalt  }
0x7d: {  	_ =	shalt  }
0x7e: {  	_ =	shalt  }
0x7f: {  	_ =	shalt  }
0x80: {  	_ =	shalt  }
0x81: {  	_ =	shalt  }
0x82: {  	_ =	shalt  }
0x83: {  	_ =	shalt  }
0x84: {  	_ =	shalt  }
0x85: {  	_ =	shalt  }
0x86: {  	_ =	shalt  }
0x87: {  	_ =	shalt  }
.Lfunc_end0:
.L_simem_size_0:
called_computation_lowered:
.L_overlay_start_0:
0x88: {  	s2 =	sld [smem:$0x3FD9]  }
0x89: {  	s3 =	sld [smem:$0x3FFE];
	_ =	sdelay $0x1  }
0x8a: {  	s1 =	srdreg.scid  }
0x8b: {  	s0 =	sand.u32 $0x1, s1  }
0x8c: {  	s16 =	sshll.u32 s0, $0xA;
	s2 =	sadd.s32 s3, s2  }
0x8d: {  	s2 =	sadd.s32 s2, s16  }
0x8e: {  	[smem:$0x3FC0] =	sst s2  }
0x8f: {  	_ = 	snop  }
0x90: {  	(tm) =	ssettm $0x1  }
0x91: {  	s17 =	sld [smem:$0x3FFB];
	_ =	sdelay $0x3  }
0x92: {  	_ =	strace s17  }
0x93: {  	s2 =	sld [smem:$0x3FFC];
	_ =	sdelay $0x3  }
0x94: {  	_ =	strace s2  }
0x95: {  	s2 =	sld [smem:$0x3FFD];
	_ =	sdelay $0x3  }
0x96: {  	_ =	strace s2  }
0x97: {  	_ =	strace $0x8FFFFFFF  }
0x98: {  	s18 =	sld [smem:$0x3FDB];
	_ =	sdelay $0x1  }
0x99: {  	s19 =	simm.s32 $_scs_section_size  }
0x9a: {  	s4 =	simm.s32 $_size__tile_overlayer_lowered;
	s5 =	simm.s32 $_tile_overlayer_lowered  }
0x9b: {  	s22 =	simm.s32 $0x1BFF;
	s21 =	sshll.u32 s5, $0x1;
	s2 =	sadd.s32 s19, s18  }
0x9c: {  	s6 =	simm.s32 $0x0;
	s20 =	sshll.u32 s4, $0x1;
	s4 =	sadd.s32 s21, s2  }
0x9d: {  	[timem:s6], [sflag:s22] =	dma.local [hbm:s4], s20  }
0x9e: {  	_ =	swait.ge [sflag:s22], s20  }
0x9f: {  	s3 =	ssub.s32 $0x0, s20;
	[sflag:s22] =	ssyncset.done $0x0  }
0xa0: {  	[sflag:s22] =	ssyncadd.s32 s3;
	_ =	sdelay $0x1  }
0xa1: {  	s23 =	simm.s32 $0x1B8B  }
0xa2: {  	_ =	swait.ge [sflag:s23], $0x1  }
0xa3: {  	[sflag:s23] =	ssyncset.done $0x0  }
0xa4: {  	s25 =	simm.s32 $0x1B8E;
	s24 =	sld [smem:$0x3FFE];
	[sflag:s23] =	ssyncadd.s32 $0xFFFFFFFF  }
0xa5: {  	s26 =	simm.s32 $execute0_lowered;
	[smem:$0x3FD2] =	sst s25  }
0xa6: {  	s4 =	sshll.u32 s26, $0x1;
	_ =	strace $0x80000046;
	[dreg:$0x1] =	wrdreg $0xFFFFFFFF  }
0xa7: {  	s28 =	simm.s32 $_size_execute0_lowered;
	s2 =	sadd.s32 s2, s4;
	[dreg:$0x0] =	wrdreg $0x0  }
0xa8: {  	s4 =	sshll.u32 s28, $0x1;
	[dreg:$0x2] =	wrdreg s2  }
0xa9: {  	[dreg:$0x3] =	wrdreg s4  }
0xaa: {  	[dreg:$0x4] =	wrdreg $0xC0  }
0xab: {  	_ =	task [dreg:s6], $0x5FFFF  }
0xac: {  	[dreg:$0x1] =	wrdreg $0xFFFFFFFF  }
0xad: {  	[dreg:$0x0] =	wrdreg $0x60  }
0xae: {  	[dreg:$0x2] =	wrdreg s24  }
0xaf: {  	[dreg:$0x3] =	wrdreg $0x9  }
0xb0: {  	_ =	task.clear_ibuf [dreg:s6], $0x4FFFF;
	_ =	strace $0x90000046  }
0xb1: {  	s29 =	simm.s32 $0x9;
	_ =	strace $0x80000048  }
0xb2: {  	_ =	swait.ge [sflag:s29], $0x1  }
0xb3: {  	[sflag:s29] =	ssyncadd.s32 $0xFFFFFFFF  }
0xb4: {  	_ =	strace $0x90000048  }
0xb5: {  	_ =	sfence  }
0xb6: {  	s30 =	sld [smem:$0x0];
	_ =	sdelay $0x2  }
0xb7: {  	s31 =	sshll.u32 s1, $0xD;
	s1 =	sshrl.u32 s1, $0x2  }
0xb8: {  	s3 =	sand.u32 $0x4000, s31;
	s1 =	sadd.s32 s1, s30  }
0xb9: {  	s0 =	sor.u32 s3, s0;
	s1 =	sshll.u32 s1, $0x11  }
0xba: {  	s0 =	sor.u32 s1, s0  }
0xbb: {  	s0 =	sadd.s32 $0x8F2B, s0  }
0xbc: {  	[sflag:s0] =	ssyncadd.remote.s32 $0x1  }
0xbd: {  	_ =	sfence.sel $0xFFFF  }
0xbe: {  	[dreg:$0x0] =	wrdreg $0xFFFFFFFF;
	(pc) =	sbr.abs _section_cstart, $3  }
0xbf: {  	[dreg:$0x1] =	wrdreg $0xFFFFFFFF  }
0xc0: {  	_ =	task.clear_ibuf [dreg:s6], $0x2FFFF;
	_ =	strace $0x9FFFFFFF  }
0xc1: {  	(tm) =	ssettm $0x7FFFFFFF  }
tec
execute0_lowered:
.L_overlay_start_1:
0x0: {  	(tag) =	ssettag $0x1  }
0x1: {  	s0 =	srdreg.scid  }
0x2: {  	s4 =	sand.u32 $0x1, s0;
	s0 =	stileid.u32  }
0x3: {  	s2 =	sshll.u32 s0, $0x1;
	s3 =	ssub.s32 $0x0, s4  }
0x4: {  	p0 =	sne.s32 s2, s3  }
.Ltmp0:
0x5: {  	_ = 	snop;
	(pc) =	sbr.rel @p0 .LBB2_9-.Ltmp0, $3  }
0x6: {  	_ =	sdelay $0x1  }
0x7: {  	s7 =	rddreg [dreg:$0x0]  }
0x8: {  	s1 =	rddreg [dreg:$0x1];
	_ =	strace $0x80000047  }
0x9: {  	v0 =	vimm.f32 $0.0e+00  }
0xa: {  	v1 =	vimm.s32 $0x0;
	vm13 =	vcmask $0x704;
	vm1 =	vcmask $0xF0C  }
0xb: {  	vm2 =	vmmov $0x1;
	vm3 =	vcmask $0x1714;
	vm0 =	vmor vm13, vm1  }
0xc: {  	s2 =	sadd.s32 $0x1600, s7;
	s3 =	sadd.s32 $0x1800, s7;
	s8 =	ssub.s32 $0x2, s4;
	vm4 =	vcmask $0xB08;
	vm5 =	vcmask $0x1F1C;
	vm0 =	vmor vm0, vm3  }
0xd: {  	s4 =	sadd.s32 $0x1E00, s7;
	s5 =	sadd.s32 $0x1A00, s7;
	vm6 =	vcmask $0x1310;
	vm8 =	vcmask $0x2724;
	s6 =	sadd.s32 $0x2400, s7;
	vm0 =	vmor vm0, vm5  }
0xe: {  	s7 =	sadd.s32 $0x2200, s7;
	vm7 =	vcmask $0x1B18;
	s10 =	simm.s32 $0x1;
	s11 =	simm.s32 $0x1000;
	vm0 =	vmor vm0, vm8;
	vm8 =	vcmask $0x2F2C  }
0xf: {  	v2 =	vlaneseq.u32;
	s12 =	simm.s32 $0x2000;
	s13 =	simm.s32 $0x4000;
	s9 =	sshrl.u32 s8, $0x1;
	vm0 =	vmor vm0, vm8;
	vm8 =	vcmask $0x3734  }
0x10: {  	s14 =	simm.s32 $0x6000;
	s15 =	simm.s32 $0x7000;
	v3 =	vadd.s32 $0x1, v2;
	s8 =	ssub.s32 s8, s9;
	vm0 =	vmor vm0, vm8;
	vm8 =	vcmask $0x3F3C  }
0x11: {  	s16 =	simm.s32 $0x0;
	v4 =	vadd.s32 $0x11, v2;
	v5 =	vor.u32 $0x10, v2;
	s9 =	simm.s32 $0x0;
	s8 =	smax.u32 s8, $0x1;
	vm8 =	vmor vm0, vm8  }
.LBB2_2:
0x12: {  	[tilespmem:s9], [sflag:$0x1] =	stream.linear.gather [hbm4b:s2+s9], $0x1000, $0x38;
	[tilespmem:$0x7080] =	vst v63  }
0x13: {  	_ =	swait.ge [sflag:s10], $0x1000  }
0x14: {  	[sflag:s10] =	ssyncset.done $0x0  }
0x15: {  	[sflag:s10] =	ssyncadd.s32 $0xFFFFF000  }
0x16: {  	[tilespmem:s11], [sflag:$0x1] =	stream.linear.gather [hbm4b:s3+s9], $0x1000, $0x38;
	[tilespmem:$0x7080] =	vst v63  }
0x17: {  	_ =	swait.ge [sflag:s10], $0x1000  }
0x18: {  	[sflag:s10] =	ssyncset.done $0x0  }
0x19: {  	s17 =	simm.s32 $0x0;
	[sflag:s10] =	ssyncadd.s32 $0xFFFFF000  }
.LBB2_3:
0x1a: {  	p0 =	sne.s32 s17, $0x7FC0  }
.Ltmp1:
0x1b: {  	_ = 	snop;
	(pc) =	sbr.rel @p0 .LBB2_3-.Ltmp1, $4  }
0x1c: {  	_ = 	snop  }
0x1d: {  	s18 =	sshra.s32 s17, $0x2;
	v7 =	vimm.s32 $0x0  }
0x1e: {  	[tilespmem:s18+$0x2000] =	vst v7  }
0x1f: {  	s17 =	sadd.s32 $0x40, s17;
	[tilespmem:s18+$0x4000] =	vst v0  }
0x20: {  	s17 =	simm.s32 $0x0  }
0x21: {  	v8 =	vld [tilespmem:s17+$0x0];
	_ =	sdelay $0x4  }
0x22: {  	vm0 =	veq.s32 v8, $0x0  }
0x23: {  	vm9 =	veq.s32 v8, $0x1;
	v6 =	vsel vm0, $0x1, v1  }
0x24: {  	s31 =	simm.s32 $0x10;
	vm0 =	veq.s32 v8, $0x2;
	v9 =	vsel vm9, $0x1, v1;
	(xrf0) =	vadd.scan.msk.s32 $0xffff, v6  }
0x25: {  	vm9 =	veq.s32 v8, $0x3;
	v6 =	vld [tilespmem:s31+$0x0];
	v10 =	vsel vm0, $0x1, v1;
	vm0 =	veq.s32 v8, $0x4;
	(xrf0) =	vadd.scan.msk.s32 $0xffff, v9  }
0x26: {  	v9 =	vsel vm9, $0x1, v1;
	(xrf0) =	vadd.scan.msk.s32 $0xffff, v10;
	v10 =	vsel vm0, $0x1, v1;
	vm0 =	veq.s32 v8, $0x5  }
0x27: {  	(xrf0) =	vadd.scan.msk.s32 $0xffff, v9;
	v9 =	vsel vm0, $0x1, v1  }
0x28: {  	vm0 =	veq.s32 v8, $0x6;
	(xrf0) =	vadd.scan.msk.s32 $0xffff, v10  }
0x29: {  	v10 =	vsel vm0, $0x1, v1;
	vm0 =	veq.s32 v8, $0x7;
	(xrf0) =	vadd.scan.msk.s32 $0xffff, v9  }
0x2a: {  	s17 =	simm.s32 $0x80;
	vm10 =	veq.s32 v6, $0x3;
	vm9 =	veq.s32 v6, $0x4;
	v8 =	vsel vm0, $0x1, v1;
	v9, _, _ =	vpop (xrf0);
	(xrf0) =	vadd.scan.msk.s32 $0xffff, v10  }
.LBB2_5:
0x2b: {  	p0 =	sne.s32 s17, $0x3FC0;
	vm11 =	veq.s32 v6, $0x1;
	vm0 =	veq.s32 v6, $0x2;
	v9 =	vbroadcast v9, $0xF;
	v10, _, _ =	vpop (xrf0);
	(xrf0) =	vadd.scan.msk.s32 $0xffff, v8  }
0x2c: {  	vm12 =	veq.s32 v6, $0x0;
	v8 =	vsel vm11, $0x1, v1;
	v10 =	vbroadcast v10, $0xF;
	v11, _, _ =	vpop (xrf0)  }
0x2d: {  	v12 =	vsel vm12, $0x1, v1;
	v9 =	vnsel vm2, $0x0, v9;
	v11 =	vbroadcast v11, $0xF;
	v13, _, _ =	vpop (xrf0)  }
0x2e: {  	v7 =	vadd.s32 v7, v9;
	v9 =	vnsel vm13, $0x0, v10;
	v10 =	vbroadcast v13, $0xF;
	v13, _, _ =	vpop (xrf0)  }
0x2f: {  	v7 =	vadd.s32 v9, v7;
	v9 =	vnsel vm4, $0x0, v11;
	v11 =	vbroadcast v13, $0xF;
	v13, _, _ =	vpop (xrf0)  }
0x30: {  	v7 =	vadd.s32 v9, v7;
	v9 =	vnsel vm1, $0x0, v10;
	v10 =	vbroadcast v13, $0xF;
	v13, _, _ =	vpop (xrf0)  }
0x31: {  	v7 =	vadd.s32 v9, v7;
	v9 =	vnsel vm6, $0x0, v11;
	v11 =	vbroadcast v13, $0xF;
	v13, _, _ =	vpop (xrf0)  }
0x32: {  	s18 =	sshra.s32 s17, $0x2;
	(xrf0) =	vadd.scan.msk.s32 $0xffff, v12;
	v7 =	vadd.s32 v9, v7;
	v9 =	vnsel vm3, $0x0, v10;
	v10 =	vbroadcast v13, $0xF;
	v12 =	vmovc v6  }
0x33: {  	v13 =	vsel vm0, $0x1, v1;
	v6 =	vld [tilespmem:s18+$0x0];
	(xrf0) =	vadd.scan.msk.s32 $0xffff, v8;
	v7 =	vadd.s32 v9, v7;
	v8 =	vnsel vm7, $0x0, v11  }
.Ltmp2:
0x34: {  	v9 =	vsel vm10, $0x1, v1;
	(xrf0) =	vadd.scan.msk.s32 $0xffff, v13;
	v7 =	vadd.s32 v8, v7;
	v8 =	vnsel vm5, $0x0, v10;
	(pc) =	sbr.rel @p0 .LBB2_5-.Ltmp2, $4  }
0x35: {  	vm0 =	veq.s32 v12, $0x5;
	v10 =	vsel vm9, $0x1, v1;
	(xrf0) =	vadd.scan.msk.s32 $0xffff, v9;
	v7 =	vadd.s32 v8, v7  }
0x36: {  	v8 =	vsel vm0, $0x1, v1;
	vm0 =	veq.s32 v12, $0x6;
	(xrf0) =	vadd.scan.msk.s32 $0xffff, v10  }
0x37: {  	v10 =	vsel vm0, $0x1, v1;
	vm0 =	veq.s32 v12, $0x7;
	(xrf0) =	vadd.scan.msk.s32 $0xffff, v8  }
0x38: {  	s17 =	sadd.s32 $0x40, s17;
	v8 =	vsel vm0, $0x1, v1;
	vm10 =	veq.s32 v6, $0x3;
	vm9 =	veq.s32 v6, $0x4;
	v9, _, _ =	vpop (xrf0);
	(xrf0) =	vadd.scan.msk.s32 $0xffff, v10  }
0x39: {  	v9 =	vbroadcast v9, $0xF;
	v10, _, _ =	vpop (xrf0)  }
0x3a: {  	vm0 =	veq.s32 v6, $0x1;
	vm11 =	veq.s32 v6, $0x2;
	v10 =	vbroadcast v10, $0xF;
	v12, _, _ =	vpop (xrf0)  }
0x3b: {  	vm12 =	veq.s32 v6, $0x0;
	v9 =	vnsel vm2, $0x0, v9;
	v12 =	vbroadcast v12, $0xF;
	v14, _, _ =	vpop (xrf0)  }
0x3c: {  	(xrf0) =	vadd.scan.msk.s32 $0xffff, v8;
	v7 =	vadd.s32 v7, v9;
	v8 =	vnsel vm13, $0x0, v10;
	v9 =	vbroadcast v14, $0xF  }
0x3d: {  	v13 =	vsel vm12, $0x1, v1;
	v7 =	vadd.s32 v8, v7;
	v8 =	vnsel vm4, $0x0, v12  }
0x3e: {  	v10, _, _ =	vpop (xrf0);
	v7 =	vadd.s32 v8, v7;
	v8 =	vnsel vm1, $0x0, v9;
	v9 =	vsel vm11, $0x1, v1  }
0x3f: {  	v11 =	vsel vm0, $0x1, v1;
	(xrf0) =	vadd.scan.msk.s32 $0xffff, v13;
	v10 =	vbroadcast v10, $0xF  }
0x40: {  	vm0 =	veq.s32 v6, $0x5;
	v12, _, _ =	vpop (xrf0);
	(xrf0) =	vadd.scan.msk.s32 $0xffff, v11;
	v7 =	vadd.s32 v8, v7;
	v8 =	vsel vm10, $0x1, v1  }
0x41: {  	v11 =	vbroadcast v12, $0xF;
	(xrf0) =	vadd.scan.msk.s32 $0xffff, v9;
	v12 =	vsel vm9, $0x1, v1;
	v9, _, _ =	vpop (xrf0);
	v10 =	vnsel vm6, $0x0, v10  }
0x42: {  	(xrf0) =	vadd.scan.msk.s32 $0xffff, v8;
	v8 =	vbroadcast v9, $0xF;
	v9 =	vsel vm0, $0x1, v1;
	vm0 =	veq.s32 v6, $0x6  }
0x43: {  	(xrf0) =	vadd.scan.msk.s32 $0xffff, v12;
	v7 =	vadd.s32 v10, v7;
	v10 =	vsel vm0, $0x1, v1  }
0x44: {  	v12, _, _ =	vpop (xrf0);
	vm0 =	veq.s32 v6, $0x7;
	(xrf0) =	vadd.scan.msk.s32 $0xffff, v9  }
0x45: {  	v6 =	vnsel vm3, $0x0, v11;
	v9 =	vbroadcast v12, $0xF;
	v11 =	vsel vm0, $0x1, v1;
	v12, _, _ =	vpop (xrf0);
	(xrf0) =	vadd.scan.msk.s32 $0xffff, v10  }
0x46: {  	v6 =	vadd.s32 v6, v7;
	v7 =	vnsel vm7, $0x0, v8;
	v8 =	vbroadcast v12, $0xF;
	v10, _, _ =	vpop (xrf0);
	(xrf0) =	vadd.scan.msk.s32 $0xffff, v11  }
0x47: {  	v6 =	vadd.s32 v7, v6;
	v7 =	vnsel vm5, $0x0, v9;
	v9 =	vbroadcast v10, $0xF;
	v10, _, _ =	vpop (xrf0)  }
0x48: {  	v6 =	vadd.s32 v7, v6;
	v7 =	vnsel vm2, $0x0, v8;
	v8 =	vbroadcast v10, $0xF;
	v10, _, _ =	vpop (xrf0)  }
0x49: {  	v6 =	vadd.s32 v6, v7;
	v7 =	vnsel vm13, $0x0, v9;
	v9 =	vbroadcast v10, $0xF;
	v10, _, _ =	vpop (xrf0)  }
0x4a: {  	v6 =	vadd.s32 v7, v6;
	v7 =	vnsel vm4, $0x0, v8;
	v8 =	vbroadcast v10, $0xF;
	v10, _, _ =	vpop (xrf0)  }
0x4b: {  	v6 =	vadd.s32 v7, v6;
	v7 =	vnsel vm1, $0x0, v9;
	v9 =	vbroadcast v10, $0xF;
	v10, _, _ =	vpop (xrf0)  }
0x4c: {  	v6 =	vadd.s32 v7, v6;
	v7 =	vnsel vm6, $0x0, v8;
	v8 =	vbroadcast v10, $0xF;
	v10, _, _ =	vpop (xrf0)  }
0x4d: {  	v6 =	vadd.s32 v7, v6;
	v7 =	vnsel vm3, $0x0, v9;
	v9 =	vbroadcast v10, $0xF  }
0x4e: {  	v6 =	vadd.s32 v7, v6;
	v7 =	vnsel vm7, $0x0, v8  }
0x4f: {  	v6 =	vadd.s32 v7, v6;
	v7 =	vnsel vm5, $0x0, v9  }
0x50: {  	v6 =	vadd.s32 v7, v6  }
0x51: {  	v6 =	vadd.s32 $0x1FF, v6  }
0x52: {  	v7 =	vshra.s32 v6, $0x1F;
	v8 =	vand.u32 $0x1FF, v6  }
0x53: {  	vm0 =	vlt.s32 v6, $0x1;
	v7 =	vshrl.u32 v7, $0x17;
	vm9 =	vne.s32 v8, $0x0  }
0x54: {  	v6 =	vadd.s32 v7, v6;
	vm0 =	vmand vm0, vm9  }
0x55: {  	v6 =	vshra.s32 v6, $0x9;
	v7 =	vsel vm0, $0xFFFFFFFF, v1  }
0x56: {  	v6 =	vadd.s32 v7, v6  }
0x57: {  	(xrf0) =	vadd.scan.msk.s32 $0xffff, v6;
	_ =	sdelay $0x5  }
0x58: {  	v7, _, _ =	vpop (xrf0)  }
0x59: {  	v6 =	vsub.s32 v7, v6  }
0x5a: {  	(v2sf) =	vpush v7, $0xF;
	v6 =	vshll.u32 v6, $0x9  }
0x5b: {  	(v2sf) =	vpush v6, $0x0  }
0x5c: {  	(v2sf) =	vpush v6, $0x1  }
0x5d: {  	(v2sf) =	vpush v6, $0x2  }
0x5e: {  	(v2sf) =	vpush v6, $0x3  }
0x5f: {  	(v2sf) =	vpush v6, $0x4  }
0x60: {  	(v2sf) =	vpush v6, $0x5  }
0x61: {  	(v2sf) =	vpush v6, $0x6  }
0x62: {  	(v2sf) =	vpush v6, $0x7  }
0x63: {  	(v2sf) =	vpush v7, $0x0  }
0x64: {  	(v2sf) =	vpush v7, $0x1  }
0x65: {  	(v2sf) =	vpush v7, $0x2;
	_ =	sdelay $0x1  }
0x66: {  	(v2sf) =	vpush v7, $0x3;
	_ =	sdelay $0x1  }
0x67: {  	s25 =	spop (v2sf)  }
0x68: {  	s23 =	spop (v2sf);
	(v2sf) =	vpush v7, $0x4  }
0x69: {  	s22 =	spop (v2sf);
	(v2sf) =	vpush v7, $0x5  }
0x6a: {  	s21 =	spop (v2sf);
	(v2sf) =	vpush v7, $0x6  }
0x6b: {  	s19 =	spop (v2sf)  }
0x6c: {  	v8 =	vbroadcast v7, $0x1;
	v9 =	vbroadcast v7, $0x2;
	s17 =	spop (v2sf)  }
0x6d: {  	v12 =	vbroadcast v7, $0x3;
	v13 =	vbroadcast v7, $0x4;
	(v2sf) =	vpush v7, $0x7;
	s20 =	spop (v2sf)  }
0x6e: {  	v14 =	vbroadcast v7, $0x5;
	v6 =	vbroadcast v7, $0x0;
	s18 =	spop (v2sf)  }
0x6f: {  	v15 =	vbroadcast v7, $0x6;
	v16 =	vbroadcast v7, $0x7;
	vm9 =	vlt.s32 v8, v3;
	s24 =	spop (v2sf)  }
0x70: {  	vm10 =	vlt.s32 v8, v4;
	v11 =	vsel vm9, $0x1, v1;
	vm0 =	vlt.s32 v6, v3;
	s26 =	spop (v2sf)  }
0x71: {  	v8 =	vsel vm10, $0x1, v1;
	vm9 =	vlt.s32 v6, v4;
	v10 =	vsel vm0, $0x1, v1;
	s25 =	sadd.s32 $0xFFFFFFFF, s25;
	s28 =	spop (v2sf)  }
0x72: {  	vm0 =	vlt.s32 v9, v3;
	v6 =	vsel vm9, $0x1, v1;
	vm9 =	vlt.s32 v9, v4;
	p0 =	sle.s32 s26, s25;
	s26 =	simm.s32 $0x1;
	s29 =	spop (v2sf)  }
0x73: {  	v10 =	vadd.s32 v11, v10;
	v11 =	vsel vm0, $0x1, v1;
	vm0 =	vlt.s32 v12, v3;
	s26 =	simm.s32 @!p0 $0x0;
	p0 =	sle.s32 s28, s25;
	s28 =	simm.s32 $0x1  }
0x74: {  	v6 =	vadd.s32 v8, v6;
	v8 =	vsel vm9, $0x1, v1;
	vm9 =	vlt.s32 v12, v4;
	s30 =	spop (v2sf);
	s28 =	simm.s32 @!p0 $0x0  }
0x75: {  	v10 =	vadd.s32 v11, v10;
	v11 =	vsel vm0, $0x1, v1;
	vm0 =	vlt.s32 v13, v3;
	p0 =	sle.s32 s29, s25;
	s26 =	sadd.s32 s28, s26;
	s28 =	simm.s32 $0x1  }
0x76: {  	v6 =	vadd.s32 v8, v6;
	v8 =	vsel vm9, $0x1, v1;
	vm9 =	vlt.s32 v13, v4;
	s29 =	simm.s32 $0x1;
	s28 =	simm.s32 @!p0 $0x0;
	p0 =	sle.s32 s30, s25  }
0x77: {  	v10 =	vadd.s32 v11, v10;
	v11 =	vsel vm0, $0x1, v1;
	vm0 =	vlt.s32 v14, v3;
	s26 =	sadd.s32 s28, s26;
	s29 =	simm.s32 @!p0 $0x0;
	s30 =	spop (v2sf)  }
0x78: {  	v6 =	vadd.s32 v8, v6;
	v8 =	vsel vm9, $0x1, v1;
	vm9 =	vlt.s32 v14, v4;
	s26 =	sadd.s32 s29, s26;
	s28 =	spop (v2sf)  }
0x79: {  	v10 =	vadd.s32 v11, v10;
	v11 =	vsel vm0, $0x1, v1;
	vm0 =	vlt.s32 v15, v3;
	p0 =	sle.s32 s30, s25;
	s30 =	simm.s32 $0x1;
	s29 =	spop (v2sf)  }
0x7a: {  	v6 =	vadd.s32 v8, v6;
	v8 =	vsel vm9, $0x1, v1;
	vm9 =	vlt.s32 v15, v4;
	s30 =	simm.s32 @!p0 $0x0;
	p0 =	sle.s32 s28, s25;
	s28 =	simm.s32 $0x1  }
0x7b: {  	v10 =	vadd.s32 v11, v10;
	v11 =	vsel vm0, $0x1, v1;
	v7 =	vbroadcast v7, $0xF;
	s26 =	sadd.s32 s30, s26;
	s28 =	simm.s32 @!p0 $0x0;
	p0 =	sle.s32 s29, s25  }
0x7c: {  	vm0 =	vlt.s32 v16, v3;
	v6 =	vadd.s32 v8, v6;
	v8 =	vsel vm9, $0x1, v1;
	s30 =	spop (v2sf);
	s26 =	sadd.s32 s28, s26;
	s28 =	simm.s32 $0x1  }
0x7d: {  	v10 =	vadd.s32 v11, v10;
	v11 =	vsel vm0, $0x1, v1;
	vm0 =	vgt.s32 v7, v2;
	s29 =	simm.s32 $0x1;
	s28 =	simm.s32 @!p0 $0x0;
	p0 =	sle.s32 s30, s25  }
0x7e: {  	vm9 =	vlt.s32 v16, v4;
	v6 =	vadd.s32 v8, v6;
	v9 =	vnsel vm0, s25, v2;
	s26 =	sadd.s32 s28, s26;
	s29 =	simm.s32 @!p0 $0x0  }
0x7f: {  	v8 =	vsel vm9, $0x1, v1;
	v10 =	vadd.s32 v11, v10;
	[tilespmem:$0x7020] =	vst v9;
	v9 =	vsel vm0, $0x1, v1;
	s26 =	sadd.s32 s29, s26  }
0x80: {  	v6 =	vadd.s32 v8, v6;
	[tilespmem:$0x7040] =	vst v9;
	v10 =	vnsel vm0, s26, v10;
	vm0 =	vgt.s32 v7, v5  }
0x81: {  	[tilespmem:$0x7000] =	vst v10;
	v6 =	vnsel vm0, s26, v6  }
0x82: {  	v7 =	vnsel vm0, s25, v5;
	[tilespmem:$0x7010] =	vst v6  }
0x83: {  	[smem:$0x0] =	sst s23;
	[tilespmem:$0x7030] =	vst v7;
	v6 =	vsel vm0, $0x1, v1  }
0x84: {  	[smem:$0x1] =	sst s22;
	s26 =	simm.s32 $0x0;
	[tilespmem:$0x7050] =	vst v6  }
0x85: {  	[smem:$0x2] =	sst s21;
	v6 =	vld [tilespmem:s26+$0x0]  }
0x86: {  	[smem:$0x3] =	sst s19  }
0x87: {  	[smem:$0x4] =	sst s17  }
0x88: {  	s25 =	sld [smem:$0x0]  }
0x89: {  	[smem:$0x5] =	sst s20  }
0x8a: {  	s20 =	sld [smem:$0x1];
	vm9 =	veq.s32 v6, $0x0  }
0x8b: {  	[smem:$0x6] =	sst s18;
	v7 =	vmov s25;
	vm12 =	veq.s32 v6, $0x1;
	v8 =	vsel vm9, $0x1, v1  }
0x8c: {  	s21 =	sld [smem:$0x2];
	v7 =	vadd.s32 $0xFFFFFFFF, v7;
	v9 =	vsel vm12, $0x1, v1;
	(xrf0) =	vadd.scan.msk.s32 $0xffff, v8  }
0x8d: {  	[smem:$0x7] =	sst s24;
	v7 =	vbroadcast v7, $0x0;
	vm13 =	veq.s32 v6, $0x2;
	(xrf0) =	vadd.scan.msk.s32 $0xffff, v9  }
0x8e: {  	s22 =	sld [smem:$0x3];
	vm10 =	veq.s32 v6, $0x3;
	vm11 =	veq.s32 v6, $0x4;
	v10 =	vsel vm13, $0x1, v1  }
0x8f: {  	s23 =	sld [smem:$0x4];
	vm0 =	veq.s32 v6, $0x5;
	v12 =	vsel vm11, $0x1, v1;
	v8 =	vmov s20;
	(xrf0) =	vadd.scan.msk.s32 $0xffff, v10  }
0x90: {  	v11 =	vsel vm10, $0x1, v1;
	v8 =	vadd.s32 $0xFFFFFFFF, v8;
	v9 =	vmov s21  }
0x91: {  	v10 =	vmov s22;
	v9 =	vadd.s32 $0xFFFFFFFF, v9;
	v8 =	vbroadcast v8, $0x0;
	(xrf0) =	vadd.scan.msk.s32 $0xffff, v11  }
0x92: {  	v10 =	vadd.s32 $0xFFFFFFFF, v10;
	v11 =	vmov s23;
	v9 =	vbroadcast v9, $0x0;
	(xrf0) =	vadd.scan.msk.s32 $0xffff, v12;
	v12, _, _ =	vpop (xrf0)  }
0x93: {  	v10 =	vbroadcast v10, $0x0;
	v11 =	vadd.s32 $0xFFFFFFFF, v11;
	v7 =	vadd.s32 v12, v7;
	v13, _, _ =	vpop (xrf0)  }
0x94: {  	v7 =	vnsel vm9, $0x0, v7;
	vm9 =	veq.s32 v6, $0x6;
	v8 =	vadd.s32 v13, v8  }
0x95: {  	v14 =	vsel vm0, $0x1, v1;
	v11 =	vbroadcast v11, $0x0;
	v63, _, _ =	vpop (xrf0);
	v15 =	vsel vm9, $0x1, v1  }
0x96: {  	(xrf0) =	vadd.scan.msk.s32 $0xffff, v14;
	v7 =	vsel vm12, v8, v7;
	vm12 =	veq.s32 v6, $0x7;
	v6 =	vadd.s32 v63, v9  }
0x97: {  	s30 =	sld [smem:$0x5];
	(v2sf) =	vpush v12, $0xF;
	v6 =	vsel vm13, v6, v7;
	v7 =	vsel vm12, $0x1, v1;
	(xrf0) =	vadd.scan.msk.s32 $0xffff, v15;
	v8, _, _ =	vpop (xrf0)  }
0x98: {  	s31 =	sld [smem:$0x6];
	(v2sf) =	vpush v13, $0xF;
	(xrf0) =	vadd.scan.msk.s32 $0xffff, v7;
	v9 =	vadd.s32 v8, v10;
	v10, _, _ =	vpop (xrf0)  }
0x99: {  	(v2sf) =	vpush v63, $0xF;
	v6 =	vsel vm10, v9, v6;
	v7 =	vadd.s32 v10, v11  }
0x9a: {  	(v2sf) =	vpush v8, $0xF;
	v6 =	vsel vm11, v7, v6;
	v7 =	vmov s30  }
0x9b: {  	v8 =	vmov s24;
	v9 =	vmov s31;
	v7 =	vadd.s32 $0xFFFFFFFF, v7  }
0x9c: {  	(v2sf) =	vpush v10, $0xF;
	v10, _, _ =	vpop (xrf0);
	v9 =	vadd.s32 $0xFFFFFFFF, v9;
	v7 =	vbroadcast v7, $0x0  }
0x9d: {  	v8 =	vadd.s32 $0xFFFFFFFF, v8;
	(v2sf) =	vpush v10, $0xF;
	v9 =	vbroadcast v9, $0x0;
	v11, _, _ =	vpop (xrf0)  }
0x9e: {  	v8 =	vbroadcast v8, $0x0;
	(v2sf) =	vpush v11, $0xF;
	v7 =	vadd.s32 v10, v7;
	v10, _, _ =	vpop (xrf0)  }
0x9f: {  	v9 =	vadd.s32 v11, v9;
	v6 =	vsel vm0, v7, v6;
	(v2sf) =	vpush v10, $0xF  }
0xa0: {  	v7 =	vadd.s32 v10, v8;
	v6 =	vsel vm9, v9, v6  }
0xa1: {  	s18 =	simm.s32 $0x1000;
	v8 =	vmov s26;
	v6 =	vsel vm12, v7, v6  }
0xa2: {  	vm0 =	veq.s32 v8, v2;
	v7 =	vld [tilespmem:s18+$0x0]  }
0xa3: {  	v8 =	vor.u32 s26, v2;
	vm0 =	vmand vm0, vm8  }
0xa4: {  	v8 =	vshrl.u32 v8, $0x1;
	v9 =	vsel vm0, $0xFFFFFFFF, v1  }
0xa5: {  	v8 =	vadd.s32 v9, v8  }
0xa6: {  	[tilespmem:v6+s12+$0x0] =	vst.idx.msk $0xffff, v8  }
0xa7: {  	s19 =	simm.s32 $0x10;
	s17 =	simm.s32 $0x6000;
	s26 =	spop (v2sf);
	[tilespmem:v6+s13+$0x0] =	vst.idx.msk $0xffff, v7  }
0xa8: {  	s29 =	simm.s32 $0x20;
	s28 =	sadd.s32 s25, s26;
	s26 =	spop (v2sf);
	[tilespmem:s17+$0x0] =	vst v6  }
0xa9: {  	[smem:$0x0] =	sst s28;
	s20 =	sadd.s32 s20, s26;
	s26 =	spop (v2sf);
	v7 =	vld [tilespmem:s19+$0x0]  }
0xaa: {  	[smem:$0x1] =	sst s20;
	s21 =	sadd.s32 s26, s21;
	v8 =	vmov s20;
	s26 =	spop (v2sf);
	v6 =	vmov s28  }
0xab: {  	v10 =	vmov s21;
	[smem:$0x2] =	sst s21;
	v8 =	vadd.s32 $0xFFFFFFFF, v8;
	s22 =	sadd.s32 s26, s22;
	s26 =	spop (v2sf);
	v6 =	vadd.s32 $0xFFFFFFFF, v6  }
0xac: {  	[smem:$0x3] =	sst s22;
	s23 =	sadd.s32 s26, s23;
	s26 =	spop (v2sf);
	v9 =	vbroadcast v6, $0x0;
	v6 =	vadd.s32 $0xFFFFFFFF, v10;
	v10 =	vmov s22  }
0xad: {  	v11 =	vmov s23;
	[smem:$0x4] =	sst s23;
	s25 =	sadd.s32 s26, s30;
	v6 =	vbroadcast v6, $0x0;
	v10 =	vadd.s32 $0xFFFFFFFF, v10;
	s26 =	spop (v2sf)  }
0xae: {  	[smem:$0x5] =	sst s25;
	v10 =	vbroadcast v10, $0x0;
	s26 =	sadd.s32 s26, s31;
	vm11 =	veq.s32 v7, $0x0;
	vm10 =	veq.s32 v7, $0x1;
	s30 =	spop (v2sf)  }
0xaf: {  	vm9 =	veq.s32 v7, $0x2;
	[smem:$0x6] =	sst s26;
	v13 =	vsel vm11, $0x1, v1;
	v12 =	vsel vm10, $0x1, v1;
	s24 =	sadd.s32 s30, s24;
	s30 =	simm.s32 $0x10  }
.LBB2_7:
0xb0: {  	v14 =	vsel vm9, $0x1, v1;
	v11 =	vadd.s32 $0xFFFFFFFF, v11;
	v15 =	vmov s25;
	(xrf0) =	vadd.scan.msk.s32 $0xffff, v13;
	[smem:$0x7] =	sst s24;
	s18 =	sadd.s32 $0x10, s18;
	s17 =	sadd.s32 $0x10, s17  }
0xb1: {  	p0 =	sne.s32 s29, $0xFF0;
	vm13 =	veq.s32 v7, $0x3;
	s31 =	smov.u32 s29;
	s29 =	sadd.s32 $0x10, s29;
	v13 =	vadd.s32 $0xFFFFFFFF, v15;
	v15 =	vmov s26;
	(xrf0) =	vadd.scan.msk.s32 $0xffff, v12  }
0xb2: {  	vm0 =	veq.s32 v7, $0x4;
	v12 =	vsel vm13, $0x1, v1;
	v11 =	vbroadcast v11, $0x0;
	(xrf0) =	vadd.scan.msk.s32 $0xffff, v14  }
0xb3: {  	vm12 =	veq.s32 v7, $0x5;
	v14 =	vsel vm0, $0x1, v1;
	v15 =	vadd.s32 $0xFFFFFFFF, v15;
	(xrf0) =	vadd.scan.msk.s32 $0xffff, v12  }
0xb4: {  	vm14 =	veq.s32 v7, $0x6;
	v12 =	vsel vm12, $0x1, v1;
	v15 =	vbroadcast v15, $0x0;
	(xrf0) =	vadd.scan.msk.s32 $0xffff, v14  }
0xb5: {  	vm15 =	veq.s32 v7, $0x7;
	v17 =	vsel vm14, $0x1, v1;
	v13 =	vbroadcast v13, $0x0;
	(xrf0) =	vadd.scan.msk.s32 $0xffff, v12  }
0xb6: {  	v7 =	vbroadcast v8, $0x0;
	v8 =	vsel vm15, $0x1, v1;
	v12 =	vmov s24;
	v16, _, _ =	vpop (xrf0);
	(xrf0) =	vadd.scan.msk.s32 $0xffff, v17  }
0xb7: {  	v12 =	vadd.s32 $0xFFFFFFFF, v12;
	v17 =	vadd.s32 v16, v9;
	(v2sf) =	vpush v16, $0xF;
	v14, _, _ =	vpop (xrf0);
	(xrf0) =	vadd.scan.msk.s32 $0xffff, v8  }
0xb8: {  	v16 =	vnsel vm11, $0x0, v17;
	v7 =	vadd.s32 v14, v7;
	(v2sf) =	vpush v14, $0xF;
	v9, _, _ =	vpop (xrf0)  }
0xb9: {  	v7 =	vsel vm10, v7, v16;
	v6 =	vadd.s32 v9, v6;
	(v2sf) =	vpush v9, $0xF;
	v8, _, _ =	vpop (xrf0)  }
0xba: {  	v6 =	vsel vm9, v6, v7;
	v7 =	vadd.s32 v8, v10;
	(v2sf) =	vpush v8, $0xF;
	v8, _, _ =	vpop (xrf0)  }
0xbb: {  	v6 =	vsel vm13, v7, v6;
	v7 =	vadd.s32 v8, v11;
	(v2sf) =	vpush v8, $0xF;
	v8, _, _ =	vpop (xrf0)  }
0xbc: {  	v6 =	vsel vm0, v7, v6;
	v7 =	vadd.s32 v8, v13;
	(v2sf) =	vpush v8, $0xF;
	v8, _, _ =	vpop (xrf0)  }
0xbd: {  	v10 =	vbroadcast v12, $0x0;
	v9 =	vadd.s32 v8, v15;
	(v2sf) =	vpush v8, $0xF;
	v8, _, _ =	vpop (xrf0)  }
0xbe: {  	v6 =	vsel vm12, v7, v6;
	(v2sf) =	vpush v8, $0xF  }
0xbf: {  	v6 =	vsel vm14, v9, v6;
	v7 =	vadd.s32 v8, v10  }
0xc0: {  	v8 =	vmov s19;
	v6 =	vsel vm15, v7, v6  }
0xc1: {  	vm0 =	veq.s32 v8, v2;
	v7 =	vld [tilespmem:s18+$0x0]  }
0xc2: {  	v8 =	vor.u32 s19, v2;
	s19 =	smov.u32 s31;
	vm0 =	vmand vm0, vm8  }
0xc3: {  	v8 =	vshrl.u32 v8, $0x1;
	v9 =	vsel vm0, $0xFFFFFFFF, v1  }
0xc4: {  	v8 =	vadd.s32 v9, v8  }
0xc5: {  	[tilespmem:v6+s12+$0x0] =	vst.idx.msk $0xffff, v8  }
0xc6: {  	[tilespmem:v6+s13+$0x0] =	vst.idx.msk $0xffff, v7;
	s31 =	spop (v2sf)  }
0xc7: {  	s30 =	sadd.s32 $0x10, s30;
	s28 =	sadd.s32 s28, s31;
	[tilespmem:s17+$0x0] =	vst v6;
	s31 =	spop (v2sf)  }
0xc8: {  	v7 =	vld [tilespmem:s30+$0x0];
	v6 =	vmov s28;
	[smem:$0x0] =	sst s28;
	s20 =	sadd.s32 s20, s31;
	s31 =	spop (v2sf)  }
0xc9: {  	v6 =	vadd.s32 $0xFFFFFFFF, v6;
	v8 =	vmov s20;
	[smem:$0x1] =	sst s20;
	s21 =	sadd.s32 s31, s21;
	s31 =	spop (v2sf)  }
0xca: {  	[smem:$0x2] =	sst s21  }
.Ltmp3:
0xcb: {  	v8 =	vadd.s32 $0xFFFFFFFF, v8;
	v10 =	vmov s21;
	s22 =	sadd.s32 s31, s22;
	s31 =	spop (v2sf);
	(pc) =	sbr.rel @p0 .LBB2_7-.Ltmp3, $4  }
0xcc: {  	v9 =	vbroadcast v6, $0x0;
	v6 =	vadd.s32 $0xFFFFFFFF, v10;
	v10 =	vmov s22;
	[smem:$0x3] =	sst s22;
	s23 =	sadd.s32 s31, s23;
	s31 =	spop (v2sf)  }
0xcd: {  	v6 =	vbroadcast v6, $0x0;
	v10 =	vadd.s32 $0xFFFFFFFF, v10;
	v11 =	vmov s23;
	[smem:$0x4] =	sst s23;
	s25 =	sadd.s32 s31, s25;
	s31 =	spop (v2sf)  }
0xce: {  	vm11 =	veq.s32 v7, $0x0;
	vm10 =	veq.s32 v7, $0x1;
	vm9 =	veq.s32 v7, $0x2;
	[smem:$0x5] =	sst s25;
	s26 =	sadd.s32 s31, s26;
	s31 =	spop (v2sf)  }
0xcf: {  	v10 =	vbroadcast v10, $0x0;
	v13 =	vsel vm11, $0x1, v1;
	v12 =	vsel vm10, $0x1, v1;
	[smem:$0x6] =	sst s26;
	s24 =	sadd.s32 s31, s24  }
0xd0: {  	(xrf0) =	vadd.scan.msk.s32 $0xffff, v13  }
0xd1: {  	v49 =	vsel vm9, $0x1, v1;
	vm0 =	veq.s32 v7, $0x3;
	(xrf0) =	vadd.scan.msk.s32 $0xffff, v12  }
0xd2: {  	vm15 =	veq.s32 v7, $0x4;
	v50 =	vsel vm0, $0x1, v1;
	(xrf0) =	vadd.scan.msk.s32 $0xffff, v49  }
0xd3: {  	vm13 =	veq.s32 v7, $0x5;
	vm14 =	veq.s32 v7, $0x6;
	vm12 =	veq.s32 v7, $0x7;
	(xrf0) =	vadd.scan.msk.s32 $0xffff, v50  }
0xd4: {  	v8 =	vbroadcast v8, $0x0;
	v57 =	vadd.s32 $0xFFFFFFFF, v11;
	v51 =	vsel vm15, $0x1, v1  }
0xd5: {  	v58 =	vmov s25;
	v59 =	vmov s26;
	v52 =	vsel vm13, $0x1, v1;
	(xrf0) =	vadd.scan.msk.s32 $0xffff, v51  }
0xd6: {  	v53 =	vsel vm14, $0x1, v1;
	v54 =	vsel vm12, $0x1, v1;
	v11 =	vadd.s32 $0xFFFFFFFF, v58;
	(xrf0) =	vadd.scan.msk.s32 $0xffff, v52;
	v7, _, _ =	vpop (xrf0)  }
0xd7: {  	v11 =	vbroadcast v11, $0x0;
	(v2sf) =	vpush v7, $0xF;
	v55, _, _ =	vpop (xrf0);
	v7 =	vadd.s32 v7, v9  }
0xd8: {  	(xrf0) =	vadd.scan.msk.s32 $0xffff, v53;
	(v2sf) =	vpush v55, $0xF;
	v56, _, _ =	vpop (xrf0);
	v7 =	vnsel vm11, $0x0, v7;
	v8 =	vadd.s32 v55, v8  }
0xd9: {  	(xrf0) =	vadd.scan.msk.s32 $0xffff, v54;
	v9 =	vbroadcast v57, $0x0;
	(v2sf) =	vpush v56, $0xF;
	v14, _, _ =	vpop (xrf0);
	v7 =	vsel vm10, v8, v7  }
0xda: {  	v8 =	vadd.s32 $0xFFFFFFFF, v59;
	v6 =	vadd.s32 v56, v6;
	(v2sf) =	vpush v14, $0xF  }
0xdb: {  	v15, _, _ =	vpop (xrf0);
	v8 =	vbroadcast v8, $0x0;
	v6 =	vsel vm9, v6, v7;
	v7 =	vmov s24  }
0xdc: {  	v10 =	vadd.s32 v14, v10;
	(v2sf) =	vpush v15, $0xF;
	v16, _, _ =	vpop (xrf0);
	v7 =	vadd.s32 $0xFFFFFFFF, v7  }
0xdd: {  	v6 =	vsel vm0, v10, v6;
	v9 =	vadd.s32 v15, v9;
	(v2sf) =	vpush v16, $0xF  }
0xde: {  	v17, _, _ =	vpop (xrf0);
	v6 =	vsel vm15, v9, v6;
	v60 =	vadd.s32 v16, v11;
	v7 =	vbroadcast v7, $0x0  }
0xdf: {  	(v2sf) =	vpush v17, $0xF;
	v18, _, _ =	vpop (xrf0);
	v8 =	vadd.s32 v17, v8;
	v6 =	vsel vm13, v60, v6  }
0xe0: {  	(v2sf) =	vpush v18, $0xF;
	v6 =	vsel vm14, v8, v6;
	v7 =	vadd.s32 v18, v7  }
0xe1: {  	s18 =	sadd.s32 $0x10, s18;
	v61 =	vmov s19;
	v6 =	vsel vm12, v7, v6  }
0xe2: {  	vm0 =	veq.s32 v61, v2;
	v7 =	vld [tilespmem:s18+$0x0]  }
0xe3: {  	v62 =	vor.u32 s19, v2;
	vm0 =	vmand vm0, vm8  }
0xe4: {  	v63 =	vsel vm0, $0xFFFFFFFF, v1;
	v8 =	vshrl.u32 v62, $0x1  }
0xe5: {  	v8 =	vadd.s32 v63, v8  }
0xe6: {  	[tilespmem:v6+s12+$0x0] =	vst.idx.msk $0xffff, v8  }
0xe7: {  	s17 =	sadd.s32 $0x10, s17;
	[tilespmem:v6+s13+$0x0] =	vst.idx.msk $0xffff, v7;
	s29 =	spop (v2sf)  }
0xe8: {  	[smem:$0x7] =	sst s24;
	[tilespmem:s17+$0x0] =	vst v6;
	s28 =	sadd.s32 s28, s29;
	s31 =	spop (v2sf)  }
0xe9: {  	[hbm4b:s4+s9] =	stream.linear.scatter [tilespmem:s12], [sflag:$0x1], $0x2000, $0x38;
	[tilespmem:$0x7080] =	vst v63  }
0xea: {  	[smem:$0x0] =	sst s28;
	s20 =	sadd.s32 s20, s31;
	s29 =	spop (v2sf)  }
0xeb: {  	[smem:$0x1] =	sst s20;
	s30 =	sadd.s32 s29, s21;
	s31 =	spop (v2sf)  }
0xec: {  	[smem:$0x2] =	sst s30;
	s20 =	sadd.s32 s31, s22;
	s21 =	spop (v2sf)  }
0xed: {  	[smem:$0x3] =	sst s20;
	s22 =	sadd.s32 s21, s23;
	s23 =	spop (v2sf)  }
0xee: {  	[smem:$0x4] =	sst s22;
	s25 =	sadd.s32 s23, s25;
	s28 =	spop (v2sf)  }
0xef: {  	[smem:$0x5] =	sst s25;
	s29 =	sadd.s32 s28, s26;
	s30 =	spop (v2sf)  }
0xf0: {  	[smem:$0x6] =	sst s29;
	s31 =	sadd.s32 s30, s24  }
0xf1: {  	[smem:$0x7] =	sst s31  }
0xf2: {  	_ =	swait.ge [sflag:s10], $0x2000  }
0xf3: {  	[sflag:s10] =	ssyncset.done $0x0  }
0xf4: {  	[sflag:s10] =	ssyncadd.s32 $0xFFFFE000  }
0xf5: {  	[hbm4b:s5+s9] =	stream.linear.scatter [tilespmem:s13], [sflag:$0x1], $0x2000, $0x38;
	[tilespmem:$0x7080] =	vst v63  }
0xf6: {  	_ =	swait.ge [sflag:s10], $0x2000  }
0xf7: {  	[sflag:s10] =	ssyncset.done $0x0  }
0xf8: {  	[sflag:s10] =	ssyncadd.s32 $0xFFFFE000  }
0xf9: {  	[hbm4b:s6+s9] =	stream.linear.scatter [tilespmem:s14], [sflag:$0x1], $0x1000, $0x38;
	[tilespmem:$0x7080] =	vst v63  }
0xfa: {  	s16 =	sadd.s32 $0x1, s16;
	_ =	swait.ge [sflag:s10], $0x1000  }
0xfb: {  	p0 =	sne.s32 s16, s8;
	[sflag:s10] =	ssyncset.done $0x0  }
.Ltmp4:
0xfc: {  	[sflag:s10] =	ssyncadd.s32 $0xFFFFF000;
	(pc) =	sbr.rel @p0 .LBB2_2-.Ltmp4, $4  }
0xfd: {  	[hbm4b:s7+s9] =	stream.linear.scatter [tilespmem:s15], [sflag:$0x1], $0x80, $0x38;
	[tilespmem:$0x7080] =	vst v63  }
0xfe: {  	_ =	swait.ge [sflag:s10], $0x80  }
0xff: {  	[sflag:s10] =	ssyncset.done $0x0  }
0x100: {  	vm13 =	vcmask $0x704;
	[sflag:s10] =	ssyncadd.s32 $0xFFFFFF80  }
.LBB2_9:
0x101: {  	_ =	sfence.sel $0x180000  }
0x102: {  	[bflag:$0x0] =	sbarrier.arrive $0xFFFF  }
0x103: {  	p0 =	sne.s32 s0, $0x0;
	_ =	strace $0x90000047  }
0x104: {  	s0 =	sadd.s32 @!p0 $0x100000, s1;
	[bflag:$0x2] =	sbarrier.arrive $0xFFFF  }
0x105: {  	[sflag:s0] =	ssyncadd.tile.s32 @!p0 $0x1;
	_ =	shalt  }
.Lfunc_end2:
_tile_overlayer_lowered:
.L_overlay_start_2:
0x106: {  	(tag) =	ssettag $0x2  }
0x107: {  	s0 =	rddreg [dreg:$0x0];
	s2 =	stileid.u32  }
0x108: {  	s1 =	rddreg [dreg:$0x1];
	p0 =	sne.s32 s2, $0x0  }
0x109: {  	s3 =	rddreg [dreg:$0x2];
	[bflag:$0x3] =	sbarrier.arrive $0xFFFF;
	s2 =	simm.s32 @!p0 $0x1C01  }
0x10a: {  	[timem:s3], [sflag:s2] =	dma.local @!p0 [hbm:s0], s1  }
0x10b: {  	s0 =	simm.s32 @!p0 $0x1  }
0x10c: {  	_ =	swait.ge @!p0 [sflag:s0], s1  }
0x10d: {  	s1 =	ssub.s32 @!p0 $0x0, s1;
	[sflag:s0] =	ssyncset.done @!p0 $0x0  }
0x10e: {  	[sflag:s0] =	ssyncadd.s32 @!p0 s1  }
0x10f: {  	[bflag:$0x3] =	sbarrier.arrive $0xFFFF  }
0x110: {  	_ =	shalt  }

// kernel: _moe_forward.9.cloned.1.call-start
scs
__scs_entry_jumppad:
0x0: {  	(pc) =	sbr.rel $0x88, $3  }
0x1: {  	(tag) =	ssettag $0x0;
	lr =	simm.s32 $0x1  }
0x2: {  	[smem:$0x3F99] =	sst lr;
	_ =	strace $0xD0000000  }
0x3: {  	_ = 	snop  }
0x4: {  	_ = 	snop  }
0x5: {  	_ = 	snop  }
0x6: {  	_ = 	snop  }
0x7: {  	_ = 	snop  }
__scs_overlays_trampoline_lowered:
0x8: {  	[smem:$0x3FA8] =	sst s0  }
0x9: {  	[smem:$0x3FA9] =	sst s1  }
0xa: {  	[smem:$0x3FAA] =	sst s2  }
0xb: {  	[smem:$0x3FAB] =	sst s3  }
0xc: {  	[smem:$0x3FAC] =	sst s4  }
0xd: {  	[smem:$0x3FAD] =	sst s5  }
0xe: {  	[smem:$0x3FAE] =	sst s6  }
0xf: {  	[smem:$0x3FAF] =	sst s7  }
0x10: {  	[smem:$0x3FB0] =	sst s8  }
0x11: {  	[smem:$0x3FB1] =	sst s9;
	s0 =	simm.s32 @!p0 $0x0  }
0x12: {  	s1 =	sld [smem:$0x3F97];
	s0 =	simm.s32 @p0 $0x1  }
0x13: {  	[smem:$0x3FB2] =	sst s0;
	s0 =	simm.s32 @!p1 $0x0  }
0x14: {  	s2 =	sld [smem:$0x3F96];
	s0 =	simm.s32 @p1 $0x1  }
0x15: {  	[smem:$0x3FB3] =	sst s0;
	s0 =	simm.s32 @!p2 $0x0  }
0x16: {  	s3 =	sld [smem:$0x3FDB];
	s0 =	simm.s32 @p2 $0x1  }
0x17: {  	s4 =	simm.s32 $0x1BF5;
	[smem:$0x3FB5] =	sst s0  }
0x18: {  	s0 =	sld [smem:$0x3F98];
	_ =	swait.ge [sflag:s4], $0x0  }
0x19: {  	s7 =	sld [smem:$0x3F99]  }
0x1a: {  	s8 =	sadd.s32 $0xFFFFE003, lr  }
0x1b: {  	s9 =	sadd.s32 $0xFFFFFEF7, lr;
	s5 =	simm.s32 $0xFFFFFFFF;
	p2 =	slt.u32 s8, $0xFFFFF086  }
0x1c: {  	p1 =	slt.u32 s9, $0xF7A;
	s5 =	simm.s32 @!p2 $0x0  }
0x1d: {  	s5 =	simm.s32 @p1 $0x1;
	p0 =	seq.s32 s7, s2  }
0x1e: {  	s7 =	smul.u32 @!p0 $0xF7A, s2;
	p2 =	seq.s32 @!p0 s5, $0x0  }
0x1f: {  	s9 =	smul.u32 $0xF7A, s1;
	s8 =	simm.s32 @!p0 $0x1BF5;
	p2 =	por !p2, p0  }
0x20: {  	[sflag:s8] =	ssyncset.s32 @!p0 $0xFFFFF086;
	s6 =	sadd.s32 @!p0 s3, s7;
	s7 =	simm.s32 @!p0 $0x108  }
0x21: {  	s3 =	sadd.s32 s3, s9;
	s6 =	sadd.s32 @!p0 $0x88, s6;
	s7 =	simm.s32 @p2 $0x1082  }
0x22: {  	[simem:s7], [sflag:s8] =	dma.local @!p0 [hbm:s6], $0xF7A  }
0x23: {  	s9 =	sor.u32 $0xD0000000, s2;
	s6 =	simm.s32 $0x108;
	_ =	swait.ge @!p0 [sflag:s8], $0x0  }
0x24: {  	s3 =	sadd.s32 $0x88, s3;
	s6 =	simm.s32 @!p1 $0x1082;
	[sflag:s4] =	ssyncset.s32 $0xFFFFF086  }
0x25: {  	[simem:s6], [sflag:s4] =	dma.local [hbm:s3], $0xF7A  }
0x26: {  	[smem:$0x3F99] =	sst s1;
	(tag) =	ssettag s2;
	_ =	strace s9  }
0x27: {  	s1 =	sld [smem:$0x3FA9]  }
0x28: {  	s2 =	sld [smem:$0x3FAA]  }
0x29: {  	s4 =	sld [smem:$0x3FAC]  }
0x2a: {  	p0 =	seq.s32 s5, $0x0;
	s5 =	sld [smem:$0x3FAD]  }
0x2b: {  	s6 =	sld [smem:$0x3FAE]  }
0x2c: {  	s7 =	sld [smem:$0x3FAF]  }
0x2d: {  	s3 =	simm.s32 $0x108;
	s8 =	sld [smem:$0x3FB0]  }
0x2e: {  	s3 =	simm.s32 @!p0 $0x1082;
	s9 =	sld [smem:$0x3FB1]  }
0x2f: {  	lr =	sadd.s32 s0, s3;
	s0 =	sld [smem:$0x3FA8]  }
0x30: {  	s3 =	sld [smem:$0x3FAB]  }
0x31: {  	[smem:$0x3FB4] =	sst s10  }
0x32: {  	s10 =	sld [smem:$0x3FB2];
	_ =	sdelay $0x3  }
0x33: {  	p0 =	seq.s32 s10, $0x1;
	s10 =	sld [smem:$0x3FB4];
	_ =	sdelay $0x3  }
0x34: {  	[smem:$0x3FB4] =	sst s10  }
0x35: {  	s10 =	sld [smem:$0x3FB3];
	_ =	sdelay $0x3  }
0x36: {  	p1 =	seq.s32 s10, $0x1;
	s10 =	sld [smem:$0x3FB4];
	_ =	sdelay $0x3  }
0x37: {  	[smem:$0x3FB4] =	sst s10  }
0x38: {  	s10 =	sld [smem:$0x3FB5]  }
0x39: {  	_ = 	snop;
	(pc) =	sbr.ind lr, $3  }
0x3a: {  	_ = 	snop  }
0x3b: {  	_ = 	snop  }
0x3c: {  	p2 =	seq.s32 s10, $0x1;
	s10 =	sld [smem:$0x3FB4]  }
0x3d: {  	_ =	shalt  }
0x3e: {  	_ =	shalt  }
0x3f: {  	_ =	shalt  }
0x40: {  	_ =	shalt  }
0x41: {  	_ =	shalt  }
0x42: {  	_ =	shalt  }
0x43: {  	_ =	shalt  }
0x44: {  	_ =	shalt  }
0x45: {  	_ =	shalt  }
0x46: {  	_ =	shalt  }
0x47: {  	_ =	shalt  }
0x48: {  	_ =	shalt  }
0x49: {  	_ =	shalt  }
0x4a: {  	_ =	shalt  }
0x4b: {  	_ =	shalt  }
0x4c: {  	_ =	shalt  }
0x4d: {  	_ =	shalt  }
0x4e: {  	_ =	shalt  }
0x4f: {  	_ =	shalt  }
0x50: {  	_ =	shalt  }
0x51: {  	_ =	shalt  }
0x52: {  	_ =	shalt  }
0x53: {  	_ =	shalt  }
0x54: {  	_ =	shalt  }
0x55: {  	_ =	shalt  }
0x56: {  	_ =	shalt  }
0x57: {  	_ =	shalt  }
0x58: {  	_ =	shalt  }
0x59: {  	_ =	shalt  }
0x5a: {  	_ =	shalt  }
0x5b: {  	_ =	shalt  }
0x5c: {  	_ =	shalt  }
0x5d: {  	_ =	shalt  }
0x5e: {  	_ =	shalt  }
0x5f: {  	_ =	shalt  }
0x60: {  	_ =	shalt  }
0x61: {  	_ =	shalt  }
0x62: {  	_ =	shalt  }
0x63: {  	_ =	shalt  }
0x64: {  	_ =	shalt  }
0x65: {  	_ =	shalt  }
0x66: {  	_ =	shalt  }
0x67: {  	_ =	shalt  }
0x68: {  	_ =	shalt  }
0x69: {  	_ =	shalt  }
0x6a: {  	_ =	shalt  }
0x6b: {  	_ =	shalt  }
0x6c: {  	_ =	shalt  }
0x6d: {  	_ =	shalt  }
0x6e: {  	_ =	shalt  }
0x6f: {  	_ =	shalt  }
0x70: {  	_ =	shalt  }
0x71: {  	_ =	shalt  }
0x72: {  	_ =	shalt  }
0x73: {  	_ =	shalt  }
0x74: {  	_ =	shalt  }
0x75: {  	_ =	shalt  }
0x76: {  	_ =	shalt  }
0x77: {  	_ =	shalt  }
0x78: {  	_ =	shalt  }
0x79: {  	_ =	shalt  }
0x7a: {  	_ =	shalt  }
0x7b: {  	_ =	shalt  }
0x7c: {  	_ =	shalt  }
0x7d: {  	_ =	shalt  }
0x7e: {  	_ =	shalt  }
0x7f: {  	_ =	shalt  }
0x80: {  	_ =	shalt  }
0x81: {  	_ =	shalt  }
0x82: {  	_ =	shalt  }
0x83: {  	_ =	shalt  }
0x84: {  	_ =	shalt  }
0x85: {  	_ =	shalt  }
0x86: {  	_ =	shalt  }
0x87: {  	_ =	shalt  }
.Lfunc_end0:
.L_simem_size_0:
called_computation.1_lowered:
.L_overlay_start_0:
0x88: {  	s2 =	sld [smem:$0x3FD9]  }
0x89: {  	s3 =	sld [smem:$0x3FFE];
	_ =	sdelay $0x1  }
0x8a: {  	s1 =	srdreg.scid  }
0x8b: {  	s0 =	sand.u32 $0x1, s1  }
0x8c: {  	s17 =	sshll.u32 s0, $0xA;
	s2 =	sadd.s32 s3, s2  }
0x8d: {  	s2 =	sadd.s32 s2, s17  }
0x8e: {  	[smem:$0x3FC0] =	sst s2  }
0x8f: {  	_ = 	snop  }
0x90: {  	s2 =	sld [smem:$0x3FD0];
	(tm) =	ssettm $0x1  }
0x91: {  	s18 =	sld [smem:$0x3FFB];
	_ =	sdelay $0x3  }
0x92: {  	_ =	strace s18  }
0x93: {  	s3 =	sld [smem:$0x3FFC];
	_ =	sdelay $0x3  }
0x94: {  	_ =	strace s3  }
0x95: {  	s3 =	sld [smem:$0x3FFD];
	_ =	sdelay $0x3  }
0x96: {  	_ =	strace s3  }
0x97: {  	_ =	strace $0x8FFFFFFF  }
0x98: {  	s19 =	sld [smem:$0x3FDB];
	_ =	sdelay $0x1  }
0x99: {  	s4 =	simm.s32 $_scs_section_size  }
0x9a: {  	s5 =	simm.s32 $_size__tile_overlayer_lowered;
	s6 =	simm.s32 $_tile_overlayer_lowered  }
0x9b: {  	s22 =	simm.s32 $0x1BFF;
	s21 =	sshll.u32 s6, $0x1;
	s3 =	sadd.s32 s4, s19  }
0x9c: {  	s7 =	simm.s32 $0x0;
	s20 =	sshll.u32 s5, $0x1;
	s5 =	sadd.s32 s21, s3  }
0x9d: {  	[timem:s7], [sflag:s22] =	dma.local [hbm:s5], s20  }
0x9e: {  	_ =	swait.ge [sflag:s22], s20  }
0x9f: {  	s4 =	ssub.s32 $0x0, s20;
	[sflag:s22] =	ssyncset.done $0x0  }
0xa0: {  	[sflag:s22] =	ssyncadd.s32 s4;
	_ =	sdelay $0x1  }
0xa1: {  	s23 =	simm.s32 $0x1B8B  }
0xa2: {  	_ =	swait.ge [sflag:s23], $0x1  }
0xa3: {  	[sflag:s23] =	ssyncset.done $0x0  }
0xa4: {  	s25 =	simm.s32 $0x1B8E;
	s24 =	sld [smem:$0x3FFE];
	[sflag:s23] =	ssyncadd.s32 $0xFFFFFFFF  }
0xa5: {  	s26 =	simm.s32 $execute0_lowered;
	[smem:$0x3FD2] =	sst s25  }
0xa6: {  	s5 =	sshll.u32 s26, $0x1;
	_ =	strace $0x80000049;
	[dreg:$0x1] =	wrdreg $0xFFFFFFFF  }
0xa7: {  	s28 =	simm.s32 $_size_execute0_lowered;
	s3 =	sadd.s32 s3, s5;
	[dreg:$0x0] =	wrdreg $0x0  }
0xa8: {  	s5 =	sshll.u32 s28, $0x1;
	[dreg:$0x2] =	wrdreg s3  }
0xa9: {  	[dreg:$0x3] =	wrdreg s5  }
0xaa: {  	[dreg:$0x4] =	wrdreg $0xC0  }
0xab: {  	_ =	task [dreg:s7], $0x5FFFF  }
0xac: {  	[dreg:$0x1] =	wrdreg $0xFFFFFFFF  }
0xad: {  	[dreg:$0x0] =	wrdreg $0x60  }
0xae: {  	[dreg:$0x2] =	wrdreg s24  }
0xaf: {  	[dreg:$0x3] =	wrdreg s2  }
0xb0: {  	[dreg:$0x4] =	wrdreg $0x9  }
0xb1: {  	_ =	task.clear_ibuf [dreg:s7], $0x5FFFF;
	_ =	strace $0x90000049  }
0xb2: {  	s29 =	simm.s32 $0x9;
	_ =	strace $0x8000004B  }
0xb3: {  	_ =	swait.ge [sflag:s29], $0x1  }
0xb4: {  	[sflag:s29] =	ssyncadd.s32 $0xFFFFFFFF  }
0xb5: {  	_ =	strace $0x9000004B  }
0xb6: {  	_ =	sfence  }
0xb7: {  	s30 =	sld [smem:$0x0];
	_ =	sdelay $0x2  }
0xb8: {  	s31 =	sshll.u32 s1, $0xD;
	s1 =	sshrl.u32 s1, $0x2  }
0xb9: {  	s3 =	sand.u32 $0x4000, s31;
	s1 =	sadd.s32 s1, s30  }
0xba: {  	s0 =	sor.u32 s3, s0;
	s1 =	sshll.u32 s1, $0x11  }
0xbb: {  	s0 =	sor.u32 s1, s0  }
0xbc: {  	s0 =	sadd.s32 $0x8F2B, s0  }
0xbd: {  	[sflag:s0] =	ssyncadd.remote.s32 $0x1  }
0xbe: {  	_ =	sfence.sel $0xFFFF  }
0xbf: {  	[dreg:$0x0] =	wrdreg $0xFFFFFFFF;
	(pc) =	sbr.abs _section_cstart, $3  }
0xc0: {  	[dreg:$0x1] =	wrdreg $0xFFFFFFFF  }
0xc1: {  	_ =	task.clear_ibuf [dreg:s7], $0x2FFFF;
	_ =	strace $0x9FFFFFFF  }
0xc2: {  	(tm) =	ssettm $0x7FFFFFFF  }
0xc3: {  	_ =	shalt  }
tec
execute0_lowered:
.L_overlay_start_1:
0x0: {  	(tag) =	ssettag $0x1  }
0x1: {  	s0 =	rddreg [dreg:$0x0]  }
0x2: {  	s1 =	rddreg [dreg:$0x1];
	s3 =	srdreg.scid  }
0x3: {  	s4 =	stileid.u32;
	s2 =	simm.s32 $0x0;
	s11 =	simm.s32 $0x2  }
0x4: {  	s12 =	simm.s32 $0xA880;
	s13 =	simm.s32 $0xB080;
	s14 =	simm.s32 $0xB880  }
0x5: {  	s15 =	simm.s32 $0xC080;
	s16 =	simm.s32 $0xC880;
	s17 =	simm.s32 $0xD880  }
0x6: {  	s18 =	simm.s32 $0xE080;
	s19 =	simm.s32 $0xE880;
	s20 =	simm.s32 $0xF080  }
0x7: {  	s21 =	simm.s32 $0xF880;
	s22 =	simm.s32 $0x1;
	s23 =	simm.s32 $0x0  }
0x8: {  	s3 =	sand.u32 $0x1, s3;
	s4 =	sshll.u32 s4, $0x1;
	[smem:$0x7FF] =	sst s2  }
0x9: {  	s8 =	sadd.s32 $0x5C4500, s0;
	s4 =	sor.u32 s3, s4;
	_ =	strace $0x8000004A  }
0xa: {  	s6 =	ssub.s32 $0x2, s3;
	s3 =	sadd.s32 $0x5C4200, s0;
	s5 =	sshll.u32 s4, $0x4  }
0xb: {  	s7 =	sshrl.u32 s6, $0x1;
	s4 =	sshll.u32 s4, $0xD;
	s5 =	sadd.s32 s5, s0  }
0xc: {  	s9 =	ssub.s32 s6, s7;
	s7 =	sadd.s32 s1, s4;
	s5 =	sadd.s32 $0x2400, s5  }
0xd: {  	v2 =	vlaneseq.u32;
	s6 =	sadd.s32 $0x5C4400, s0;
	s30 =	sadd.s32 $0x1000, s7;
	[dreg:$0x3] =	wrdreg s5  }
0xe: {  	vm0 =	vmmov $0xffff;
	v1 =	vshrl.u32 v2, $0x3;
	s4 =	simm.s32 $0xD080;
	s31 =	smax.u32 s9, $0x1;
	[dreg:$0x4] =	wrdreg s30  }
0xf: {  	v0 =	vand.u32 $0x7, v2;
	v2 =	vor.u32 $0x8, v2;
	v1 =	vmul.u32 $0x8, v1;
	s9 =	simm.s32 $0x10080;
	s5 =	sadd.s32 $0x5C4300, s0;
	[dreg:$0x5] =	wrdreg s31  }
.LBB2_1:
0x10: {  	s0 =	rddreg [dreg:$0x3]  }
0x11: {  	[tilespmem:s2], [sflag:$0x2] =	stream.linear.gather [hbm4b:s0+s2], $0x80, $0x38;
	[tilespmem:$0x18080] =	vst v63  }
0x12: {  	_ =	swait.ge [sflag:s11], $0x80  }
0x13: {  	[sflag:s11] =	ssyncset.done $0x0  }
0x14: {  	[sflag:s11] =	ssyncadd.s32 $0xFFFFFF80  }
0x15: {  	v3 =	vld [tilespmem:$0x0];
	_ =	sdelay $0x4  }
0x16: {  	v4 =	vshll.u32 v3, $0x3  }
0x17: {  	v3 =	vand.u32 $0x7, v3;
	v4 =	vand.u32 $0xFFFFFFC0, v4  }
0x18: {  	v3 =	vor.u32 v3, v4  }
0x19: {  	v4 =	vperm.xlane v3, v0;
	_ =	sdelay $0x1  }
0x1a: {  	v4 =	vadd.s32 v1, v4;
	_ =	sdelay $0x3  }
0x1b: {  	s1 =	simm.s32 $0x80  }
0x1c: {  	[tilespmem:s1], [sflag:$0x1] =	stream.indirect_vreg.gather [hbm4b:s3+s2], $0x80, v4, vm0, $0xb8;
	[tilespmem:$0x18080] =	vst v63  }
0x1d: {  	s10 =	simm.s32 $0x880;
	v3 =	vperm.xlane v3, v2  }
0x1e: {  	[tilespmem:s10], [sflag:$0x1] =	stream.indirect_vreg.gather [hbm4b:s5+s2], $0x80, v4, vm0, $0xb8;
	[tilespmem:$0x18080] =	vst v63  }
0x1f: {  	s24 =	simm.s32 $0x1080;
	v3 =	vadd.s32 v1, v3  }
0x20: {  	[tilespmem:s24], [sflag:$0x1] =	stream.indirect_vreg.gather [hbm4b:s6+s2], $0x80, v4, vm0, $0xb8;
	[tilespmem:$0x18080] =	vst v63  }
0x21: {  	s25 =	simm.s32 $0x1880  }
0x22: {  	[tilespmem:s25], [sflag:$0x1] =	stream.indirect_vreg.gather [hbm4b:s8+s2], $0x80, v4, vm0, $0xb8;
	[tilespmem:$0x18080] =	vst v63  }
0x23: {  	s26 =	simm.s32 $0x2080  }
0x24: {  	[tilespmem:s26], [sflag:$0x1] =	stream.indirect_vreg.gather [hbm4b:s3+s2], $0x80, v3, vm0, $0xb8;
	[tilespmem:$0x18080] =	vst v63  }
0x25: {  	s30 =	simm.s32 $0x2880  }
0x26: {  	[tilespmem:s30], [sflag:$0x1] =	stream.indirect_vreg.gather [hbm4b:s5+s2], $0x80, v3, vm0, $0xb8;
	[tilespmem:$0x18080] =	vst v63  }
0x27: {  	s31 =	simm.s32 $0x3080  }
0x28: {  	[tilespmem:s31], [sflag:$0x1] =	stream.indirect_vreg.gather [hbm4b:s6+s2], $0x80, v3, vm0, $0xb8;
	[tilespmem:$0x18080] =	vst v63  }
0x29: {  	s1 =	simm.s32 $0x3880  }
0x2a: {  	[tilespmem:s1], [sflag:$0x1] =	stream.indirect_vreg.gather [hbm4b:s8+s2], $0x80, v3, vm0, $0xb8;
	[tilespmem:$0x18080] =	vst v63  }
0x2b: {  	v3 =	vld [tilespmem:$0x10];
	_ =	sdelay $0x4  }
0x2c: {  	v61 =	vshll.u32 v3, $0x3  }
0x2d: {  	v3 =	vand.u32 $0x7, v3;
	v4 =	vand.u32 $0xFFFFFFC0, v61  }
0x2e: {  	v3 =	vor.u32 v3, v4  }
0x2f: {  	v4 =	vperm.xlane v3, v0;
	_ =	sdelay $0x1  }
0x30: {  	v4 =	vadd.s32 v1, v4;
	_ =	sdelay $0x3  }
0x31: {  	s10 =	simm.s32 $0x4080  }
0x32: {  	[tilespmem:s10], [sflag:$0x1] =	stream.indirect_vreg.gather [hbm4b:s3+s2], $0x80, v4, vm0, $0xb8;
	[tilespmem:$0x18080] =	vst v63  }
0x33: {  	s24 =	simm.s32 $0x4880;
	v3 =	vperm.xlane v3, v2  }
0x34: {  	[tilespmem:s24], [sflag:$0x1] =	stream.indirect_vreg.gather [hbm4b:s5+s2], $0x80, v4, vm0, $0xb8;
	[tilespmem:$0x18080] =	vst v63  }
0x35: {  	s25 =	simm.s32 $0x5080;
	v3 =	vadd.s32 v1, v3  }
0x36: {  	[tilespmem:s25], [sflag:$0x1] =	stream.indirect_vreg.gather [hbm4b:s6+s2], $0x80, v4, vm0, $0xb8;
	[tilespmem:$0x18080] =	vst v63  }
0x37: {  	s26 =	simm.s32 $0x5880  }
0x38: {  	[tilespmem:s26], [sflag:$0x1] =	stream.indirect_vreg.gather [hbm4b:s8+s2], $0x80, v4, vm0, $0xb8;
	[tilespmem:$0x18080] =	vst v63  }
0x39: {  	s30 =	simm.s32 $0x6080  }
0x3a: {  	[tilespmem:s30], [sflag:$0x1] =	stream.indirect_vreg.gather [hbm4b:s3+s2], $0x80, v3, vm0, $0xb8;
	[tilespmem:$0x18080] =	vst v63  }
0x3b: {  	s31 =	simm.s32 $0x6880  }
0x3c: {  	[tilespmem:s31], [sflag:$0x1] =	stream.indirect_vreg.gather [hbm4b:s5+s2], $0x80, v3, vm0, $0xb8;
	[tilespmem:$0x18080] =	vst v63  }
0x3d: {  	s1 =	simm.s32 $0x7080  }
0x3e: {  	[tilespmem:s1], [sflag:$0x1] =	stream.indirect_vreg.gather [hbm4b:s6+s2], $0x80, v3, vm0, $0xb8;
	[tilespmem:$0x18080] =	vst v63  }
0x3f: {  	s10 =	simm.s32 $0x7880  }
0x40: {  	[tilespmem:s10], [sflag:$0x1] =	stream.indirect_vreg.gather [hbm4b:s8+s2], $0x80, v3, vm0, $0xb8;
	[tilespmem:$0x18080] =	vst v63  }
0x41: {  	v3 =	vld [tilespmem:$0x20];
	_ =	sdelay $0x4  }
0x42: {  	v62 =	vshll.u32 v3, $0x3  }
0x43: {  	v3 =	vand.u32 $0x7, v3;
	v4 =	vand.u32 $0xFFFFFFC0, v62  }
0x44: {  	v3 =	vor.u32 v3, v4  }
0x45: {  	v4 =	vperm.xlane v3, v0;
	_ =	sdelay $0x1  }
0x46: {  	v4 =	vadd.s32 v1, v4;
	_ =	sdelay $0x3  }
0x47: {  	s24 =	simm.s32 $0x8080  }
0x48: {  	[tilespmem:s24], [sflag:$0x1] =	stream.indirect_vreg.gather [hbm4b:s3+s2], $0x80, v4, vm0, $0xb8;
	[tilespmem:$0x18080] =	vst v63  }
0x49: {  	s25 =	simm.s32 $0x8880;
	v3 =	vperm.xlane v3, v2  }
0x4a: {  	[tilespmem:s25], [sflag:$0x1] =	stream.indirect_vreg.gather [hbm4b:s5+s2], $0x80, v4, vm0, $0xb8;
	[tilespmem:$0x18080] =	vst v63  }
0x4b: {  	s26 =	simm.s32 $0x9080;
	v3 =	vadd.s32 v1, v3  }
0x4c: {  	[tilespmem:s26], [sflag:$0x1] =	stream.indirect_vreg.gather [hbm4b:s6+s2], $0x80, v4, vm0, $0xb8;
	[tilespmem:$0x18080] =	vst v63  }
0x4d: {  	s30 =	simm.s32 $0x9880  }
0x4e: {  	[tilespmem:s30], [sflag:$0x1] =	stream.indirect_vreg.gather [hbm4b:s8+s2], $0x80, v4, vm0, $0xb8;
	[tilespmem:$0x18080] =	vst v63  }
0x4f: {  	s31 =	simm.s32 $0xA080  }
0x50: {  	[tilespmem:s31], [sflag:$0x1] =	stream.indirect_vreg.gather [hbm4b:s3+s2], $0x80, v3, vm0, $0xb8;
	[tilespmem:$0x18080] =	vst v63  }
0x51: {  	_ = 	snop  }
0x52: {  	[tilespmem:s12], [sflag:$0x1] =	stream.indirect_vreg.gather [hbm4b:s5+s2], $0x80, v3, vm0, $0xb8;
	[tilespmem:$0x18080] =	vst v63  }
0x53: {  	_ = 	snop  }
0x54: {  	[tilespmem:s13], [sflag:$0x1] =	stream.indirect_vreg.gather [hbm4b:s6+s2], $0x80, v3, vm0, $0xb8;
	[tilespmem:$0x18080] =	vst v63  }
0x55: {  	_ = 	snop  }
0x56: {  	[tilespmem:s14], [sflag:$0x1] =	stream.indirect_vreg.gather [hbm4b:s8+s2], $0x80, v3, vm0, $0xb8;
	[tilespmem:$0x18080] =	vst v63  }
0x57: {  	v3 =	vld [tilespmem:$0x30];
	_ =	sdelay $0x4  }
0x58: {  	v63 =	vshll.u32 v3, $0x3  }
0x59: {  	v3 =	vand.u32 $0x7, v3;
	v4 =	vand.u32 $0xFFFFFFC0, v63  }
0x5a: {  	v3 =	vor.u32 v3, v4  }
0x5b: {  	v4 =	vperm.xlane v3, v0;
	_ =	sdelay $0x1  }
0x5c: {  	v4 =	vadd.s32 v1, v4;
	_ =	sdelay $0x4  }
0x5d: {  	[tilespmem:s15], [sflag:$0x1] =	stream.indirect_vreg.gather [hbm4b:s3+s2], $0x80, v4, vm0, $0xb8;
	[tilespmem:$0x18080] =	vst v63  }
0x5e: {  	v3 =	vperm.xlane v3, v2  }
0x5f: {  	[tilespmem:s16], [sflag:$0x1] =	stream.indirect_vreg.gather [hbm4b:s5+s2], $0x80, v4, vm0, $0xb8;
	[tilespmem:$0x18080] =	vst v63  }
0x60: {  	v3 =	vadd.s32 v1, v3  }
0x61: {  	[tilespmem:s4], [sflag:$0x1] =	stream.indirect_vreg.gather [hbm4b:s6+s2], $0x80, v4, vm0, $0xb8;
	[tilespmem:$0x18080] =	vst v63  }
0x62: {  	_ = 	snop  }
0x63: {  	[tilespmem:s17], [sflag:$0x1] =	stream.indirect_vreg.gather [hbm4b:s8+s2], $0x80, v4, vm0, $0xb8;
	[tilespmem:$0x18080] =	vst v63  }
0x64: {  	_ = 	snop  }
0x65: {  	[tilespmem:s18], [sflag:$0x1] =	stream.indirect_vreg.gather [hbm4b:s3+s2], $0x80, v3, vm0, $0xb8;
	[tilespmem:$0x18080] =	vst v63  }
0x66: {  	_ = 	snop  }
0x67: {  	[tilespmem:s19], [sflag:$0x1] =	stream.indirect_vreg.gather [hbm4b:s5+s2], $0x80, v3, vm0, $0xb8;
	[tilespmem:$0x18080] =	vst v63  }
0x68: {  	_ = 	snop  }
0x69: {  	[tilespmem:s20], [sflag:$0x1] =	stream.indirect_vreg.gather [hbm4b:s6+s2], $0x80, v3, vm0, $0xb8;
	[tilespmem:$0x18080] =	vst v63  }
0x6a: {  	_ = 	snop  }
0x6b: {  	[tilespmem:s21], [sflag:$0x1] =	stream.indirect_vreg.gather [hbm4b:s8+s2], $0x80, v3, vm0, $0xb8;
	[tilespmem:$0x18080] =	vst v63  }
0x6c: {  	s28 =	simm.s32 $0x0;
	s29 =	simm.s32 $0x0;
	_ =	swait.ge [sflag:s22], $0x10000  }
0x6d: {  	s10 =	simm.s32 $0x0;
	s24 =	simm.s32 $0x0;
	[sflag:s22] =	ssyncset.done $0x0  }
0x6e: {  	s25 =	simm.s32 $0x0;
	s26 =	simm.s32 $0x0;
	[sflag:s22] =	ssyncadd.s32 $0xFFFF0000  }
.LBB2_2:
0x6f: {  	s0 =	sand.u32 $0xE000, s24;
	s30 =	sand.u32 $0x300, s29  }
0x70: {  	s31 =	sor.u32 s30, s0  }
0x71: {  	v3 =	vld [tilespmem:s31+$0x80]  }
0x72: {  	v4 =	vld [tilespmem:s31+$0x100];
	_ =	sdelay $0x4  }
0x73: {  	s1 =	sand.u32 $0x380, s28;
	s0 =	sand.u32 $0x6000, s26;
	v3 =	vadd.f32 v4, v3  }
0x74: {  	s0 =	sor.u32 s1, s0  }
0x75: {  	[tilespmem:s0+$0x10080] =	vst v3  }
0x76: {  	v3 =	vld [tilespmem:s31+$0x90]  }
0x77: {  	v57 =	vld [tilespmem:s31+$0x110];
	_ =	sdelay $0x4  }
0x78: {  	v3 =	vadd.f32 v57, v3  }
0x79: {  	s30 =	sadd.s32 $0x10080, s0  }
0x7a: {  	[tilespmem:s30+$0x10] =	vst v3  }
0x7b: {  	v3 =	vld [tilespmem:s31+$0xA0]  }
0x7c: {  	v58 =	vld [tilespmem:s31+$0x120];
	_ =	sdelay $0x4  }
0x7d: {  	v3 =	vadd.f32 v58, v3;
	_ =	sdelay $0x1  }
0x7e: {  	[tilespmem:s30+$0x20] =	vst v3  }
0x7f: {  	v3 =	vld [tilespmem:s31+$0xB0]  }
0x80: {  	v59 =	vld [tilespmem:s31+$0x130];
	_ =	sdelay $0x4  }
0x81: {  	v3 =	vadd.f32 v59, v3;
	_ =	sdelay $0x1  }
0x82: {  	[tilespmem:s30+$0x30] =	vst v3  }
0x83: {  	v3 =	vld [tilespmem:s31+$0xC0]  }
0x84: {  	v60 =	vld [tilespmem:s31+$0x140];
	_ =	sdelay $0x4  }
0x85: {  	v3 =	vadd.f32 v60, v3;
	_ =	sdelay $0x1  }
0x86: {  	[tilespmem:s30+$0x40] =	vst v3  }
0x87: {  	v3 =	vld [tilespmem:s31+$0xD0]  }
0x88: {  	v61 =	vld [tilespmem:s31+$0x150];
	_ =	sdelay $0x4  }
0x89: {  	v3 =	vadd.f32 v61, v3;
	_ =	sdelay $0x1  }
0x8a: {  	[tilespmem:s30+$0x50] =	vst v3  }
0x8b: {  	v3 =	vld [tilespmem:s31+$0xE0]  }
0x8c: {  	v62 =	vld [tilespmem:s31+$0x160];
	_ =	sdelay $0x4  }
0x8d: {  	v3 =	vadd.f32 v62, v3;
	_ =	sdelay $0x1  }
0x8e: {  	[tilespmem:s30+$0x60] =	vst v3  }
0x8f: {  	v3 =	vld [tilespmem:s31+$0xF0]  }
0x90: {  	v63 =	vld [tilespmem:s31+$0x170];
	_ =	sdelay $0x4  }
0x91: {  	v3 =	vadd.f32 v63, v3;
	_ =	sdelay $0x1  }
0x92: {  	[tilespmem:s30+$0x70] =	vst v3  }
0x93: {  	v3 =	vld [tilespmem:s31+$0x480]  }
0x94: {  	v8 =	vld [tilespmem:s31+$0x500];
	_ =	sdelay $0x4  }
0x95: {  	v3 =	vadd.f32 v8, v3;
	_ =	sdelay $0x1  }
0x96: {  	[tilespmem:s30+$0x400] =	vst v3  }
0x97: {  	v3 =	vld [tilespmem:s31+$0x490]  }
0x98: {  	v9 =	vld [tilespmem:s31+$0x510];
	_ =	sdelay $0x4  }
0x99: {  	v3 =	vadd.f32 v9, v3;
	_ =	sdelay $0x1  }
0x9a: {  	[tilespmem:s30+$0x410] =	vst v3  }
0x9b: {  	v3 =	vld [tilespmem:s31+$0x4A0]  }
0x9c: {  	v10 =	vld [tilespmem:s31+$0x520];
	_ =	sdelay $0x4  }
0x9d: {  	v3 =	vadd.f32 v10, v3;
	_ =	sdelay $0x1  }
0x9e: {  	[tilespmem:s30+$0x420] =	vst v3  }
0x9f: {  	v3 =	vld [tilespmem:s31+$0x4B0]  }
0xa0: {  	v11 =	vld [tilespmem:s31+$0x530];
	_ =	sdelay $0x4  }
0xa1: {  	v3 =	vadd.f32 v11, v3;
	_ =	sdelay $0x1  }
0xa2: {  	[tilespmem:s30+$0x430] =	vst v3  }
0xa3: {  	v3 =	vld [tilespmem:s31+$0x4C0]  }
0xa4: {  	v12 =	vld [tilespmem:s31+$0x540];
	_ =	sdelay $0x4  }
0xa5: {  	v3 =	vadd.f32 v12, v3;
	_ =	sdelay $0x1  }
0xa6: {  	[tilespmem:s30+$0x440] =	vst v3  }
0xa7: {  	v3 =	vld [tilespmem:s31+$0x4D0]  }
0xa8: {  	v13 =	vld [tilespmem:s31+$0x550];
	_ =	sdelay $0x4  }
0xa9: {  	v3 =	vadd.f32 v13, v3;
	_ =	sdelay $0x1  }
0xaa: {  	[tilespmem:s30+$0x450] =	vst v3  }
0xab: {  	v3 =	vld [tilespmem:s31+$0x4E0]  }
0xac: {  	v14 =	vld [tilespmem:s31+$0x560];
	_ =	sdelay $0x4  }
0xad: {  	v3 =	vadd.f32 v14, v3;
	_ =	sdelay $0x1  }
0xae: {  	[tilespmem:s30+$0x460] =	vst v3  }
0xaf: {  	v3 =	vld [tilespmem:s31+$0x4F0]  }
0xb0: {  	v15 =	vld [tilespmem:s31+$0x570];
	_ =	sdelay $0x4  }
0xb1: {  	v3 =	vadd.f32 v15, v3;
	_ =	sdelay $0x1  }
0xb2: {  	[tilespmem:s30+$0x470] =	vst v3  }
0xb3: {  	v3 =	vld [tilespmem:s31+$0x880]  }
0xb4: {  	v16 =	vld [tilespmem:s31+$0x900];
	_ =	sdelay $0x4  }
0xb5: {  	v3 =	vadd.f32 v16, v3;
	_ =	sdelay $0x1  }
0xb6: {  	[tilespmem:s30+$0x800] =	vst v3  }
0xb7: {  	v3 =	vld [tilespmem:s31+$0x890]  }
0xb8: {  	v17 =	vld [tilespmem:s31+$0x910];
	_ =	sdelay $0x4  }
0xb9: {  	v3 =	vadd.f32 v17, v3;
	_ =	sdelay $0x1  }
0xba: {  	[tilespmem:s30+$0x810] =	vst v3  }
0xbb: {  	v3 =	vld [tilespmem:s31+$0x8A0]  }
0xbc: {  	v18 =	vld [tilespmem:s31+$0x920];
	_ =	sdelay $0x4  }
0xbd: {  	v3 =	vadd.f32 v18, v3;
	_ =	sdelay $0x1  }
0xbe: {  	[tilespmem:s30+$0x820] =	vst v3  }
0xbf: {  	v3 =	vld [tilespmem:s31+$0x8B0]  }
0xc0: {  	v19 =	vld [tilespmem:s31+$0x930];
	_ =	sdelay $0x4  }
0xc1: {  	v3 =	vadd.f32 v19, v3;
	_ =	sdelay $0x1  }
0xc2: {  	[tilespmem:s30+$0x830] =	vst v3  }
0xc3: {  	v3 =	vld [tilespmem:s31+$0x8C0]  }
0xc4: {  	v20 =	vld [tilespmem:s31+$0x940];
	_ =	sdelay $0x4  }
0xc5: {  	v3 =	vadd.f32 v20, v3;
	_ =	sdelay $0x1  }
0xc6: {  	[tilespmem:s30+$0x840] =	vst v3  }
0xc7: {  	v3 =	vld [tilespmem:s31+$0x8D0]  }
0xc8: {  	v21 =	vld [tilespmem:s31+$0x950];
	_ =	sdelay $0x4  }
0xc9: {  	v3 =	vadd.f32 v21, v3;
	_ =	sdelay $0x1  }
0xca: {  	[tilespmem:s30+$0x850] =	vst v3  }
0xcb: {  	v3 =	vld [tilespmem:s31+$0x8E0]  }
0xcc: {  	v22 =	vld [tilespmem:s31+$0x960];
	_ =	sdelay $0x4  }
0xcd: {  	v3 =	vadd.f32 v22, v3;
	_ =	sdelay $0x1  }
0xce: {  	[tilespmem:s30+$0x860] =	vst v3  }
0xcf: {  	v3 =	vld [tilespmem:s31+$0x8F0]  }
0xd0: {  	v23 =	vld [tilespmem:s31+$0x970];
	_ =	sdelay $0x4  }
0xd1: {  	v3 =	vadd.f32 v23, v3;
	_ =	sdelay $0x1  }
0xd2: {  	[tilespmem:s30+$0x870] =	vst v3  }
0xd3: {  	v3 =	vld [tilespmem:s31+$0xC80]  }
0xd4: {  	v24 =	vld [tilespmem:s31+$0xD00];
	_ =	sdelay $0x4  }
0xd5: {  	v3 =	vadd.f32 v24, v3;
	_ =	sdelay $0x1  }
0xd6: {  	[tilespmem:s30+$0xC00] =	vst v3  }
0xd7: {  	v3 =	vld [tilespmem:s31+$0xC90]  }
0xd8: {  	v25 =	vld [tilespmem:s31+$0xD10];
	_ =	sdelay $0x4  }
0xd9: {  	v3 =	vadd.f32 v25, v3;
	_ =	sdelay $0x1  }
0xda: {  	[tilespmem:s30+$0xC10] =	vst v3  }
0xdb: {  	v3 =	vld [tilespmem:s31+$0xCA0]  }
0xdc: {  	v26 =	vld [tilespmem:s31+$0xD20];
	_ =	sdelay $0x4  }
0xdd: {  	v3 =	vadd.f32 v26, v3;
	_ =	sdelay $0x1  }
0xde: {  	[tilespmem:s30+$0xC20] =	vst v3  }
0xdf: {  	v3 =	vld [tilespmem:s31+$0xCB0]  }
0xe0: {  	v27 =	vld [tilespmem:s31+$0xD30];
	_ =	sdelay $0x4  }
0xe1: {  	v3 =	vadd.f32 v27, v3;
	_ =	sdelay $0x1  }
0xe2: {  	[tilespmem:s30+$0xC30] =	vst v3  }
0xe3: {  	v3 =	vld [tilespmem:s31+$0xCC0]  }
0xe4: {  	v28 =	vld [tilespmem:s31+$0xD40];
	_ =	sdelay $0x4  }
0xe5: {  	v3 =	vadd.f32 v28, v3;
	_ =	sdelay $0x1  }
0xe6: {  	[tilespmem:s30+$0xC40] =	vst v3  }
0xe7: {  	v3 =	vld [tilespmem:s31+$0xCD0]  }
0xe8: {  	v29 =	vld [tilespmem:s31+$0xD50];
	_ =	sdelay $0x4  }
0xe9: {  	v3 =	vadd.f32 v29, v3;
	_ =	sdelay $0x1  }
0xea: {  	[tilespmem:s30+$0xC50] =	vst v3  }
0xeb: {  	v3 =	vld [tilespmem:s31+$0xCE0]  }
0xec: {  	v30 =	vld [tilespmem:s31+$0xD60];
	_ =	sdelay $0x4  }
0xed: {  	v3 =	vadd.f32 v30, v3;
	_ =	sdelay $0x1  }
0xee: {  	[tilespmem:s30+$0xC60] =	vst v3  }
0xef: {  	v3 =	vld [tilespmem:s31+$0xCF0]  }
0xf0: {  	v31 =	vld [tilespmem:s31+$0xD70];
	_ =	sdelay $0x4  }
0xf1: {  	v3 =	vadd.f32 v31, v3;
	_ =	sdelay $0x1  }
0xf2: {  	[tilespmem:s30+$0xC70] =	vst v3  }
0xf3: {  	v3 =	vld [tilespmem:s31+$0x1080]  }
0xf4: {  	v32 =	vld [tilespmem:s31+$0x1100];
	_ =	sdelay $0x4  }
0xf5: {  	v3 =	vadd.f32 v32, v3;
	_ =	sdelay $0x1  }
0xf6: {  	[tilespmem:s30+$0x1000] =	vst v3  }
0xf7: {  	v3 =	vld [tilespmem:s31+$0x1090]  }
0xf8: {  	v33 =	vld [tilespmem:s31+$0x1110];
	_ =	sdelay $0x4  }
0xf9: {  	v3 =	vadd.f32 v33, v3;
	_ =	sdelay $0x1  }
0xfa: {  	[tilespmem:s30+$0x1010] =	vst v3  }
0xfb: {  	v3 =	vld [tilespmem:s31+$0x10A0]  }
0xfc: {  	v34 =	vld [tilespmem:s31+$0x1120];
	_ =	sdelay $0x4  }
0xfd: {  	v3 =	vadd.f32 v34, v3;
	_ =	sdelay $0x1  }
0xfe: {  	[tilespmem:s30+$0x1020] =	vst v3  }
0xff: {  	v3 =	vld [tilespmem:s31+$0x10B0]  }
0x100: {  	v35 =	vld [tilespmem:s31+$0x1130];
	_ =	sdelay $0x4  }
0x101: {  	v3 =	vadd.f32 v35, v3;
	_ =	sdelay $0x1  }
0x102: {  	[tilespmem:s30+$0x1030] =	vst v3  }
0x103: {  	v3 =	vld [tilespmem:s31+$0x10C0]  }
0x104: {  	v36 =	vld [tilespmem:s31+$0x1140];
	_ =	sdelay $0x4  }
0x105: {  	v3 =	vadd.f32 v36, v3;
	_ =	sdelay $0x1  }
0x106: {  	[tilespmem:s30+$0x1040] =	vst v3  }
0x107: {  	v3 =	vld [tilespmem:s31+$0x10D0]  }
0x108: {  	v37 =	vld [tilespmem:s31+$0x1150];
	_ =	sdelay $0x4  }
0x109: {  	v3 =	vadd.f32 v37, v3;
	_ =	sdelay $0x1  }
0x10a: {  	[tilespmem:s30+$0x1050] =	vst v3  }
0x10b: {  	v3 =	vld [tilespmem:s31+$0x10E0]  }
0x10c: {  	v38 =	vld [tilespmem:s31+$0x1160];
	_ =	sdelay $0x4  }
0x10d: {  	v3 =	vadd.f32 v38, v3;
	_ =	sdelay $0x1  }
0x10e: {  	[tilespmem:s30+$0x1060] =	vst v3  }
0x10f: {  	v3 =	vld [tilespmem:s31+$0x10F0]  }
0x110: {  	v39 =	vld [tilespmem:s31+$0x1170];
	_ =	sdelay $0x4  }
0x111: {  	v3 =	vadd.f32 v39, v3;
	_ =	sdelay $0x1  }
0x112: {  	[tilespmem:s30+$0x1070] =	vst v3  }
0x113: {  	v3 =	vld [tilespmem:s31+$0x1480]  }
0x114: {  	v40 =	vld [tilespmem:s31+$0x1500];
	_ =	sdelay $0x4  }
0x115: {  	v3 =	vadd.f32 v40, v3;
	_ =	sdelay $0x1  }
0x116: {  	[tilespmem:s30+$0x1400] =	vst v3  }
0x117: {  	v3 =	vld [tilespmem:s31+$0x1490]  }
0x118: {  	v41 =	vld [tilespmem:s31+$0x1510];
	_ =	sdelay $0x4  }
0x119: {  	v3 =	vadd.f32 v41, v3;
	_ =	sdelay $0x1  }
0x11a: {  	[tilespmem:s30+$0x1410] =	vst v3  }
0x11b: {  	v3 =	vld [tilespmem:s31+$0x14A0]  }
0x11c: {  	v42 =	vld [tilespmem:s31+$0x1520];
	_ =	sdelay $0x4  }
0x11d: {  	v3 =	vadd.f32 v42, v3;
	_ =	sdelay $0x1  }
0x11e: {  	[tilespmem:s30+$0x1420] =	vst v3  }
0x11f: {  	v3 =	vld [tilespmem:s31+$0x14B0]  }
0x120: {  	v43 =	vld [tilespmem:s31+$0x1530];
	_ =	sdelay $0x4  }
0x121: {  	v3 =	vadd.f32 v43, v3;
	_ =	sdelay $0x1  }
0x122: {  	[tilespmem:s30+$0x1430] =	vst v3  }
0x123: {  	v3 =	vld [tilespmem:s31+$0x14C0]  }
0x124: {  	v44 =	vld [tilespmem:s31+$0x1540];
	_ =	sdelay $0x4  }
0x125: {  	v3 =	vadd.f32 v44, v3;
	_ =	sdelay $0x1  }
0x126: {  	[tilespmem:s30+$0x1440] =	vst v3  }
0x127: {  	v3 =	vld [tilespmem:s31+$0x14D0]  }
0x128: {  	v45 =	vld [tilespmem:s31+$0x1550];
	_ =	sdelay $0x4  }
0x129: {  	v3 =	vadd.f32 v45, v3;
	_ =	sdelay $0x1  }
0x12a: {  	[tilespmem:s30+$0x1450] =	vst v3  }
0x12b: {  	v3 =	vld [tilespmem:s31+$0x14E0]  }
0x12c: {  	v46 =	vld [tilespmem:s31+$0x1560];
	_ =	sdelay $0x4  }
0x12d: {  	v3 =	vadd.f32 v46, v3;
	_ =	sdelay $0x1  }
0x12e: {  	[tilespmem:s30+$0x1460] =	vst v3  }
0x12f: {  	v3 =	vld [tilespmem:s31+$0x14F0]  }
0x130: {  	v47 =	vld [tilespmem:s31+$0x1570];
	_ =	sdelay $0x3  }
0x131: {  	s1 =	sand.u32 $0x3, s10  }
0x132: {  	s0 =	sshll.u32 s1, $0x8;
	v3 =	vadd.f32 v47, v3  }
0x133: {  	s31 =	sadd.s32 s0, s24  }
0x134: {  	s1 =	sor.u32 $0x1800, s31;
	s0 =	sadd.s32 $0x80, s31;
	[tilespmem:s30+$0x1470] =	vst v3  }
0x135: {  	v3 =	vld [tilespmem:s1+$0x80];
	s1 =	sor.u32 $0x1800, s0  }
0x136: {  	v48 =	vld [tilespmem:s1+$0x80];
	_ =	sdelay $0x4  }
0x137: {  	v3 =	vadd.f32 v48, v3;
	_ =	sdelay $0x1  }
0x138: {  	s1 =	sor.u32 $0x1810, s31;
	[tilespmem:s30+$0x1800] =	vst v3  }
0x139: {  	v3 =	vld [tilespmem:s1+$0x80];
	s1 =	sor.u32 $0x1810, s0  }
0x13a: {  	v49 =	vld [tilespmem:s1+$0x80];
	_ =	sdelay $0x4  }
0x13b: {  	v3 =	vadd.f32 v49, v3;
	_ =	sdelay $0x1  }
0x13c: {  	s1 =	sor.u32 $0x1820, s31;
	[tilespmem:s30+$0x1810] =	vst v3  }
0x13d: {  	v3 =	vld [tilespmem:s1+$0x80];
	s1 =	sor.u32 $0x1820, s0  }
0x13e: {  	v50 =	vld [tilespmem:s1+$0x80];
	_ =	sdelay $0x4  }
0x13f: {  	v3 =	vadd.f32 v50, v3;
	_ =	sdelay $0x1  }
0x140: {  	s1 =	sor.u32 $0x1830, s31;
	[tilespmem:s30+$0x1820] =	vst v3  }
0x141: {  	v3 =	vld [tilespmem:s1+$0x80];
	s1 =	sor.u32 $0x1830, s0  }
0x142: {  	v51 =	vld [tilespmem:s1+$0x80];
	_ =	sdelay $0x4  }
0x143: {  	v3 =	vadd.f32 v51, v3;
	_ =	sdelay $0x1  }
0x144: {  	s1 =	sor.u32 $0x1840, s31;
	[tilespmem:s30+$0x1830] =	vst v3  }
0x145: {  	v3 =	vld [tilespmem:s1+$0x80];
	s1 =	sor.u32 $0x1840, s0  }
0x146: {  	v52 =	vld [tilespmem:s1+$0x80];
	_ =	sdelay $0x4  }
0x147: {  	v3 =	vadd.f32 v52, v3;
	_ =	sdelay $0x1  }
0x148: {  	s1 =	sor.u32 $0x1850, s31;
	[tilespmem:s30+$0x1840] =	vst v3  }
0x149: {  	v3 =	vld [tilespmem:s1+$0x80];
	s1 =	sor.u32 $0x1850, s0  }
0x14a: {  	v53 =	vld [tilespmem:s1+$0x80];
	_ =	sdelay $0x4  }
0x14b: {  	v3 =	vadd.f32 v53, v3;
	_ =	sdelay $0x1  }
0x14c: {  	s1 =	sor.u32 $0x1860, s31;
	[tilespmem:s30+$0x1850] =	vst v3  }
0x14d: {  	v3 =	vld [tilespmem:s1+$0x80];
	s1 =	sor.u32 $0x1860, s0  }
0x14e: {  	v54 =	vld [tilespmem:s1+$0x80];
	_ =	sdelay $0x4  }
0x14f: {  	v3 =	vadd.f32 v54, v3;
	_ =	sdelay $0x1  }
0x150: {  	s1 =	sor.u32 $0x1870, s31;
	[tilespmem:s30+$0x1860] =	vst v3  }
0x151: {  	v3 =	vld [tilespmem:s1+$0x80];
	s1 =	sor.u32 $0x1870, s0  }
0x152: {  	v55 =	vld [tilespmem:s1+$0x80];
	_ =	sdelay $0x4  }
0x153: {  	v3 =	vadd.f32 v55, v3;
	_ =	sdelay $0x1  }
0x154: {  	[tilespmem:s30+$0x1870] =	vst v3;
	s30 =	sor.u32 $0x1C00, s31  }
0x155: {  	v3 =	vld [tilespmem:s30+$0x80];
	s30 =	sor.u32 $0x1C00, s0  }
0x156: {  	v56 =	vld [tilespmem:s30+$0x80];
	_ =	sdelay $0x2  }
0x157: {  	s30 =	sand.u32 $0x7, s25  }
0x158: {  	s1 =	sshll.u32 s30, $0x7  }
0x159: {  	s1 =	sadd.s32 s1, s26;
	v3 =	vadd.f32 v56, v3  }
0x15a: {  	s30 =	sor.u32 $0x1C00, s1  }
0x15b: {  	[tilespmem:s30+$0x10080] =	vst v3;
	s30 =	sor.u32 $0x1C10, s31  }
0x15c: {  	v3 =	vld [tilespmem:s30+$0x80];
	s30 =	sor.u32 $0x1C10, s0  }
0x15d: {  	v57 =	vld [tilespmem:s30+$0x80];
	_ =	sdelay $0x4  }
0x15e: {  	v3 =	vadd.f32 v57, v3  }
0x15f: {  	s30 =	sor.u32 $0x1C10, s1  }
0x160: {  	[tilespmem:s30+$0x10080] =	vst v3;
	s30 =	sor.u32 $0x1C20, s31  }
0x161: {  	v3 =	vld [tilespmem:s30+$0x80];
	s30 =	sor.u32 $0x1C20, s0  }
0x162: {  	v58 =	vld [tilespmem:s30+$0x80];
	_ =	sdelay $0x4  }
0x163: {  	v3 =	vadd.f32 v58, v3  }
0x164: {  	s30 =	sor.u32 $0x1C20, s1  }
0x165: {  	[tilespmem:s30+$0x10080] =	vst v3;
	s30 =	sor.u32 $0x1C30, s31  }
0x166: {  	v3 =	vld [tilespmem:s30+$0x80];
	s30 =	sor.u32 $0x1C30, s0  }
0x167: {  	v59 =	vld [tilespmem:s30+$0x80];
	_ =	sdelay $0x4  }
0x168: {  	v3 =	vadd.f32 v59, v3  }
0x169: {  	s30 =	sor.u32 $0x1C30, s1  }
0x16a: {  	[tilespmem:s30+$0x10080] =	vst v3;
	s30 =	sor.u32 $0x1C40, s31  }
0x16b: {  	v3 =	vld [tilespmem:s30+$0x80];
	s30 =	sor.u32 $0x1C40, s0  }
0x16c: {  	v60 =	vld [tilespmem:s30+$0x80];
	_ =	sdelay $0x4  }
0x16d: {  	v3 =	vadd.f32 v60, v3  }
0x16e: {  	s30 =	sor.u32 $0x1C40, s1  }
0x16f: {  	[tilespmem:s30+$0x10080] =	vst v3;
	s30 =	sor.u32 $0x1C50, s31  }
0x170: {  	v3 =	vld [tilespmem:s30+$0x80];
	s30 =	sor.u32 $0x1C50, s0  }
0x171: {  	v61 =	vld [tilespmem:s30+$0x80];
	_ =	sdelay $0x4  }
0x172: {  	v3 =	vadd.f32 v61, v3  }
0x173: {  	s30 =	sor.u32 $0x1C50, s1  }
0x174: {  	[tilespmem:s30+$0x10080] =	vst v3;
	s30 =	sor.u32 $0x1C60, s31  }
0x175: {  	v3 =	vld [tilespmem:s30+$0x80];
	s30 =	sor.u32 $0x1C60, s0  }
0x176: {  	v62 =	vld [tilespmem:s30+$0x80];
	_ =	sdelay $0x4  }
0x177: {  	v3 =	vadd.f32 v62, v3  }
0x178: {  	s30 =	sor.u32 $0x1C60, s1  }
0x179: {  	s31 =	sor.u32 $0x1C70, s31;
	[tilespmem:s30+$0x10080] =	vst v3  }
0x17a: {  	s0 =	sor.u32 $0x1C70, s0;
	v3 =	vld [tilespmem:s31+$0x80]  }
0x17b: {  	v63 =	vld [tilespmem:s0+$0x80];
	_ =	sdelay $0x1  }
0x17c: {  	p0 =	sne.s32 s29, $0x1F00  }
.Ltmp0:
0x17d: {  	_ = 	snop;
	(pc) =	sbr.rel @p0 .LBB2_2-.Ltmp0, $4  }
0x17e: {  	_ = 	snop  }
0x17f: {  	s28 =	sadd.s32 $0x80, s28;
	v3 =	vadd.f32 v63, v3  }
0x180: {  	s29 =	sadd.s32 $0x100, s29;
	s10 =	sadd.s32 $0x1, s10;
	s31 =	sor.u32 $0x1C70, s1  }
0x181: {  	s24 =	sadd.s32 $0x800, s24;
	s25 =	sadd.s32 $0x1, s25;
	s26 =	sadd.s32 $0x400, s26;
	[tilespmem:s31+$0x10080] =	vst v3  }
0x182: {  	s10 =	simm.s32 $0x0  }
0x183: {  	[hbm4b:s7+s10] =	stream.linear.scatter [tilespmem:s9], [sflag:$0x2], $0x8000, $0x38;
	[tilespmem:$0x18080] =	vst v63  }
0x184: {  	_ =	swait.ge [sflag:s11], $0x8000  }
0x185: {  	[sflag:s11] =	ssyncset.done $0x0  }
0x186: {  	[sflag:s11] =	ssyncadd.s32 $0xFFFF8000  }
0x187: {  	v3 =	vld [tilespmem:$0x40];
	_ =	sdelay $0x4  }
0x188: {  	v4 =	vshll.u32 v3, $0x3  }
0x189: {  	v3 =	vand.u32 $0x7, v3;
	v4 =	vand.u32 $0xFFFFFFC0, v4  }
0x18a: {  	v3 =	vor.u32 v3, v4  }
0x18b: {  	v4 =	vperm.xlane v3, v0;
	_ =	sdelay $0x1  }
0x18c: {  	v4 =	vadd.s32 v1, v4;
	_ =	sdelay $0x3  }
0x18d: {  	s0 =	simm.s32 $0x80  }
0x18e: {  	[tilespmem:s0], [sflag:$0x1] =	stream.indirect_vreg.gather [hbm4b:s3+s10], $0x80, v4, vm0, $0xb8;
	[tilespmem:$0x18080] =	vst v63  }
0x18f: {  	s30 =	simm.s32 $0x880;
	v3 =	vperm.xlane v3, v2  }
0x190: {  	[tilespmem:s30], [sflag:$0x1] =	stream.indirect_vreg.gather [hbm4b:s5+s10], $0x80, v4, vm0, $0xb8;
	[tilespmem:$0x18080] =	vst v63  }
0x191: {  	s31 =	simm.s32 $0x1080;
	v3 =	vadd.s32 v1, v3  }
0x192: {  	[tilespmem:s31], [sflag:$0x1] =	stream.indirect_vreg.gather [hbm4b:s6+s10], $0x80, v4, vm0, $0xb8;
	[tilespmem:$0x18080] =	vst v63  }
0x193: {  	s1 =	simm.s32 $0x1880  }
0x194: {  	[tilespmem:s1], [sflag:$0x1] =	stream.indirect_vreg.gather [hbm4b:s8+s10], $0x80, v4, vm0, $0xb8;
	[tilespmem:$0x18080] =	vst v63  }
0x195: {  	s24 =	simm.s32 $0x2080  }
0x196: {  	[tilespmem:s24], [sflag:$0x1] =	stream.indirect_vreg.gather [hbm4b:s3+s10], $0x80, v3, vm0, $0xb8;
	[tilespmem:$0x18080] =	vst v63  }
0x197: {  	s25 =	simm.s32 $0x2880  }
0x198: {  	[tilespmem:s25], [sflag:$0x1] =	stream.indirect_vreg.gather [hbm4b:s5+s10], $0x80, v3, vm0, $0xb8;
	[tilespmem:$0x18080] =	vst v63  }
0x199: {  	s26 =	simm.s32 $0x3080  }
0x19a: {  	[tilespmem:s26], [sflag:$0x1] =	stream.indirect_vreg.gather [hbm4b:s6+s10], $0x80, v3, vm0, $0xb8;
	[tilespmem:$0x18080] =	vst v63  }
0x19b: {  	s30 =	simm.s32 $0x3880  }
0x19c: {  	[tilespmem:s30], [sflag:$0x1] =	stream.indirect_vreg.gather [hbm4b:s8+s10], $0x80, v3, vm0, $0xb8;
	[tilespmem:$0x18080] =	vst v63  }
0x19d: {  	v3 =	vld [tilespmem:$0x50];
	_ =	sdelay $0x4  }
0x19e: {  	v61 =	vshll.u32 v3, $0x3  }
0x19f: {  	v3 =	vand.u32 $0x7, v3;
	v4 =	vand.u32 $0xFFFFFFC0, v61  }
0x1a0: {  	v3 =	vor.u32 v3, v4  }
0x1a1: {  	v4 =	vperm.xlane v3, v0;
	_ =	sdelay $0x1  }
0x1a2: {  	v4 =	vadd.s32 v1, v4;
	_ =	sdelay $0x3  }
0x1a3: {  	s31 =	simm.s32 $0x4080  }
0x1a4: {  	[tilespmem:s31], [sflag:$0x1] =	stream.indirect_vreg.gather [hbm4b:s3+s10], $0x80, v4, vm0, $0xb8;
	[tilespmem:$0x18080] =	vst v63  }
0x1a5: {  	s1 =	simm.s32 $0x4880;
	v3 =	vperm.xlane v3, v2  }
0x1a6: {  	[tilespmem:s1], [sflag:$0x1] =	stream.indirect_vreg.gather [hbm4b:s5+s10], $0x80, v4, vm0, $0xb8;
	[tilespmem:$0x18080] =	vst v63  }
0x1a7: {  	s24 =	simm.s32 $0x5080;
	v3 =	vadd.s32 v1, v3  }
0x1a8: {  	[tilespmem:s24], [sflag:$0x1] =	stream.indirect_vreg.gather [hbm4b:s6+s10], $0x80, v4, vm0, $0xb8;
	[tilespmem:$0x18080] =	vst v63  }
0x1a9: {  	s25 =	simm.s32 $0x5880  }
0x1aa: {  	[tilespmem:s25], [sflag:$0x1] =	stream.indirect_vreg.gather [hbm4b:s8+s10], $0x80, v4, vm0, $0xb8;
	[tilespmem:$0x18080] =	vst v63  }
0x1ab: {  	s26 =	simm.s32 $0x6080  }
0x1ac: {  	[tilespmem:s26], [sflag:$0x1] =	stream.indirect_vreg.gather [hbm4b:s3+s10], $0x80, v3, vm0, $0xb8;
	[tilespmem:$0x18080] =	vst v63  }
0x1ad: {  	s30 =	simm.s32 $0x6880  }
0x1ae: {  	[tilespmem:s30], [sflag:$0x1] =	stream.indirect_vreg.gather [hbm4b:s5+s10], $0x80, v3, vm0, $0xb8;
	[tilespmem:$0x18080] =	vst v63  }
0x1af: {  	s31 =	simm.s32 $0x7080  }
0x1b0: {  	[tilespmem:s31], [sflag:$0x1] =	stream.indirect_vreg.gather [hbm4b:s6+s10], $0x80, v3, vm0, $0xb8;
	[tilespmem:$0x18080] =	vst v63  }
0x1b1: {  	s1 =	simm.s32 $0x7880  }
0x1b2: {  	[tilespmem:s1], [sflag:$0x1] =	stream.indirect_vreg.gather [hbm4b:s8+s10], $0x80, v3, vm0, $0xb8;
	[tilespmem:$0x18080] =	vst v63  }
0x1b3: {  	v3 =	vld [tilespmem:$0x60];
	_ =	sdelay $0x4  }
0x1b4: {  	v62 =	vshll.u32 v3, $0x3  }
0x1b5: {  	v3 =	vand.u32 $0x7, v3;
	v4 =	vand.u32 $0xFFFFFFC0, v62  }
0x1b6: {  	v3 =	vor.u32 v3, v4  }
0x1b7: {  	v4 =	vperm.xlane v3, v0;
	_ =	sdelay $0x1  }
0x1b8: {  	v4 =	vadd.s32 v1, v4;
	_ =	sdelay $0x3  }
0x1b9: {  	s24 =	simm.s32 $0x8080  }
0x1ba: {  	[tilespmem:s24], [sflag:$0x1] =	stream.indirect_vreg.gather [hbm4b:s3+s10], $0x80, v4, vm0, $0xb8;
	[tilespmem:$0x18080] =	vst v63  }
0x1bb: {  	s25 =	simm.s32 $0x8880;
	v3 =	vperm.xlane v3, v2  }
0x1bc: {  	[tilespmem:s25], [sflag:$0x1] =	stream.indirect_vreg.gather [hbm4b:s5+s10], $0x80, v4, vm0, $0xb8;
	[tilespmem:$0x18080] =	vst v63  }
0x1bd: {  	s26 =	simm.s32 $0x9080;
	v3 =	vadd.s32 v1, v3  }
0x1be: {  	[tilespmem:s26], [sflag:$0x1] =	stream.indirect_vreg.gather [hbm4b:s6+s10], $0x80, v4, vm0, $0xb8;
	[tilespmem:$0x18080] =	vst v63  }
0x1bf: {  	s30 =	simm.s32 $0x9880  }
0x1c0: {  	[tilespmem:s30], [sflag:$0x1] =	stream.indirect_vreg.gather [hbm4b:s8+s10], $0x80, v4, vm0, $0xb8;
	[tilespmem:$0x18080] =	vst v63  }
0x1c1: {  	s31 =	simm.s32 $0xA080  }
0x1c2: {  	[tilespmem:s31], [sflag:$0x1] =	stream.indirect_vreg.gather [hbm4b:s3+s10], $0x80, v3, vm0, $0xb8;
	[tilespmem:$0x18080] =	vst v63  }
0x1c3: {  	_ = 	snop  }
0x1c4: {  	[tilespmem:s12], [sflag:$0x1] =	stream.indirect_vreg.gather [hbm4b:s5+s10], $0x80, v3, vm0, $0xb8;
	[tilespmem:$0x18080] =	vst v63  }
0x1c5: {  	_ = 	snop  }
0x1c6: {  	[tilespmem:s13], [sflag:$0x1] =	stream.indirect_vreg.gather [hbm4b:s6+s10], $0x80, v3, vm0, $0xb8;
	[tilespmem:$0x18080] =	vst v63  }
0x1c7: {  	_ = 	snop  }
0x1c8: {  	[tilespmem:s14], [sflag:$0x1] =	stream.indirect_vreg.gather [hbm4b:s8+s10], $0x80, v3, vm0, $0xb8;
	[tilespmem:$0x18080] =	vst v63  }
0x1c9: {  	v3 =	vld [tilespmem:$0x70];
	_ =	sdelay $0x4  }
0x1ca: {  	v63 =	vshll.u32 v3, $0x3  }
0x1cb: {  	v3 =	vand.u32 $0x7, v3;
	v4 =	vand.u32 $0xFFFFFFC0, v63  }
0x1cc: {  	v3 =	vor.u32 v3, v4  }
0x1cd: {  	v4 =	vperm.xlane v3, v0;
	_ =	sdelay $0x1  }
0x1ce: {  	v4 =	vadd.s32 v1, v4;
	_ =	sdelay $0x4  }
0x1cf: {  	[tilespmem:s15], [sflag:$0x1] =	stream.indirect_vreg.gather [hbm4b:s3+s10], $0x80, v4, vm0, $0xb8;
	[tilespmem:$0x18080] =	vst v63  }
0x1d0: {  	v3 =	vperm.xlane v3, v2  }
0x1d1: {  	[tilespmem:s16], [sflag:$0x1] =	stream.indirect_vreg.gather [hbm4b:s5+s10], $0x80, v4, vm0, $0xb8;
	[tilespmem:$0x18080] =	vst v63  }
0x1d2: {  	v3 =	vadd.s32 v1, v3  }
0x1d3: {  	[tilespmem:s4], [sflag:$0x1] =	stream.indirect_vreg.gather [hbm4b:s6+s10], $0x80, v4, vm0, $0xb8;
	[tilespmem:$0x18080] =	vst v63  }
0x1d4: {  	_ = 	snop  }
0x1d5: {  	[tilespmem:s17], [sflag:$0x1] =	stream.indirect_vreg.gather [hbm4b:s8+s10], $0x80, v4, vm0, $0xb8;
	[tilespmem:$0x18080] =	vst v63  }
0x1d6: {  	_ = 	snop  }
0x1d7: {  	[tilespmem:s18], [sflag:$0x1] =	stream.indirect_vreg.gather [hbm4b:s3+s10], $0x80, v3, vm0, $0xb8;
	[tilespmem:$0x18080] =	vst v63  }
0x1d8: {  	_ = 	snop  }
0x1d9: {  	[tilespmem:s19], [sflag:$0x1] =	stream.indirect_vreg.gather [hbm4b:s5+s10], $0x80, v3, vm0, $0xb8;
	[tilespmem:$0x18080] =	vst v63  }
0x1da: {  	_ = 	snop  }
0x1db: {  	[tilespmem:s20], [sflag:$0x1] =	stream.indirect_vreg.gather [hbm4b:s6+s10], $0x80, v3, vm0, $0xb8;
	[tilespmem:$0x18080] =	vst v63  }
0x1dc: {  	_ = 	snop  }
0x1dd: {  	[tilespmem:s21], [sflag:$0x1] =	stream.indirect_vreg.gather [hbm4b:s8+s10], $0x80, v3, vm0, $0xb8;
	[tilespmem:$0x18080] =	vst v63  }
0x1de: {  	s28 =	simm.s32 $0x0;
	_ =	swait.ge [sflag:s22], $0x10000  }
0x1df: {  	s29 =	simm.s32 $0x0;
	s24 =	simm.s32 $0x0;
	[sflag:s22] =	ssyncset.done $0x0  }
0x1e0: {  	s25 =	simm.s32 $0x0;
	s26 =	simm.s32 $0x0;
	[sflag:s22] =	ssyncadd.s32 $0xFFFF0000  }
.LBB2_4:
0x1e1: {  	s0 =	sand.u32 $0xE000, s24;
	s1 =	sand.u32 $0x300, s29  }
0x1e2: {  	s31 =	sor.u32 s1, s0  }
0x1e3: {  	v3 =	vld [tilespmem:s31+$0x80]  }
0x1e4: {  	v4 =	vld [tilespmem:s31+$0x100];
	_ =	sdelay $0x4  }
0x1e5: {  	s30 =	sand.u32 $0x380, s28;
	s1 =	sand.u32 $0x6000, s26;
	v3 =	vadd.f32 v4, v3  }
0x1e6: {  	s0 =	sor.u32 s30, s1  }
0x1e7: {  	[tilespmem:s0+$0x10080] =	vst v3  }
0x1e8: {  	v3 =	vld [tilespmem:s31+$0x90]  }
0x1e9: {  	v57 =	vld [tilespmem:s31+$0x110];
	_ =	sdelay $0x4  }
0x1ea: {  	v3 =	vadd.f32 v57, v3  }
0x1eb: {  	s30 =	sadd.s32 $0x10080, s0  }
0x1ec: {  	[tilespmem:s30+$0x10] =	vst v3  }
0x1ed: {  	v3 =	vld [tilespmem:s31+$0xA0]  }
0x1ee: {  	v58 =	vld [tilespmem:s31+$0x120];
	_ =	sdelay $0x4  }
0x1ef: {  	v3 =	vadd.f32 v58, v3;
	_ =	sdelay $0x1  }
0x1f0: {  	[tilespmem:s30+$0x20] =	vst v3  }
0x1f1: {  	v3 =	vld [tilespmem:s31+$0xB0]  }
0x1f2: {  	v59 =	vld [tilespmem:s31+$0x130];
	_ =	sdelay $0x4  }
0x1f3: {  	v3 =	vadd.f32 v59, v3;
	_ =	sdelay $0x1  }
0x1f4: {  	[tilespmem:s30+$0x30] =	vst v3  }
0x1f5: {  	v3 =	vld [tilespmem:s31+$0xC0]  }
0x1f6: {  	v60 =	vld [tilespmem:s31+$0x140];
	_ =	sdelay $0x4  }
0x1f7: {  	v3 =	vadd.f32 v60, v3;
	_ =	sdelay $0x1  }
0x1f8: {  	[tilespmem:s30+$0x40] =	vst v3  }
0x1f9: {  	v3 =	vld [tilespmem:s31+$0xD0]  }
0x1fa: {  	v61 =	vld [tilespmem:s31+$0x150];
	_ =	sdelay $0x4  }
0x1fb: {  	v3 =	vadd.f32 v61, v3;
	_ =	sdelay $0x1  }
0x1fc: {  	[tilespmem:s30+$0x50] =	vst v3  }
0x1fd: {  	v3 =	vld [tilespmem:s31+$0xE0]  }
0x1fe: {  	v62 =	vld [tilespmem:s31+$0x160];
	_ =	sdelay $0x4  }
0x1ff: {  	v3 =	vadd.f32 v62, v3;
	_ =	sdelay $0x1  }
0x200: {  	[tilespmem:s30+$0x60] =	vst v3  }
0x201: {  	v3 =	vld [tilespmem:s31+$0xF0]  }
0x202: {  	v63 =	vld [tilespmem:s31+$0x170];
	_ =	sdelay $0x4  }
0x203: {  	v3 =	vadd.f32 v63, v3;
	_ =	sdelay $0x1  }
0x204: {  	[tilespmem:s30+$0x70] =	vst v3  }
0x205: {  	v3 =	vld [tilespmem:s31+$0x480]  }
0x206: {  	v8 =	vld [tilespmem:s31+$0x500];
	_ =	sdelay $0x4  }
0x207: {  	v3 =	vadd.f32 v8, v3;
	_ =	sdelay $0x1  }
0x208: {  	[tilespmem:s30+$0x400] =	vst v3  }
0x209: {  	v3 =	vld [tilespmem:s31+$0x490]  }
0x20a: {  	v9 =	vld [tilespmem:s31+$0x510];
	_ =	sdelay $0x4  }
0x20b: {  	v3 =	vadd.f32 v9, v3;
	_ =	sdelay $0x1  }
0x20c: {  	[tilespmem:s30+$0x410] =	vst v3  }
0x20d: {  	v3 =	vld [tilespmem:s31+$0x4A0]  }
0x20e: {  	v10 =	vld [tilespmem:s31+$0x520];
	_ =	sdelay $0x4  }
0x20f: {  	v3 =	vadd.f32 v10, v3;
	_ =	sdelay $0x1  }
0x210: {  	[tilespmem:s30+$0x420] =	vst v3  }
0x211: {  	v3 =	vld [tilespmem:s31+$0x4B0]  }
0x212: {  	v11 =	vld [tilespmem:s31+$0x530];
	_ =	sdelay $0x4  }
0x213: {  	v3 =	vadd.f32 v11, v3;
	_ =	sdelay $0x1  }
0x214: {  	[tilespmem:s30+$0x430] =	vst v3  }
0x215: {  	v3 =	vld [tilespmem:s31+$0x4C0]  }
0x216: {  	v12 =	vld [tilespmem:s31+$0x540];
	_ =	sdelay $0x4  }
0x217: {  	v3 =	vadd.f32 v12, v3;
	_ =	sdelay $0x1  }
0x218: {  	[tilespmem:s30+$0x440] =	vst v3  }
0x219: {  	v3 =	vld [tilespmem:s31+$0x4D0]  }
0x21a: {  	v13 =	vld [tilespmem:s31+$0x550];
	_ =	sdelay $0x4  }
0x21b: {  	v3 =	vadd.f32 v13, v3;
	_ =	sdelay $0x1  }
0x21c: {  	[tilespmem:s30+$0x450] =	vst v3  }
0x21d: {  	v3 =	vld [tilespmem:s31+$0x4E0]  }
0x21e: {  	v14 =	vld [tilespmem:s31+$0x560];
	_ =	sdelay $0x4  }
0x21f: {  	v3 =	vadd.f32 v14, v3;
	_ =	sdelay $0x1  }
0x220: {  	[tilespmem:s30+$0x460] =	vst v3  }
0x221: {  	v3 =	vld [tilespmem:s31+$0x4F0]  }
0x222: {  	v15 =	vld [tilespmem:s31+$0x570];
	_ =	sdelay $0x4  }
0x223: {  	v3 =	vadd.f32 v15, v3;
	_ =	sdelay $0x1  }
0x224: {  	[tilespmem:s30+$0x470] =	vst v3  }
0x225: {  	v3 =	vld [tilespmem:s31+$0x880]  }
0x226: {  	v16 =	vld [tilespmem:s31+$0x900];
	_ =	sdelay $0x4  }
0x227: {  	v3 =	vadd.f32 v16, v3;
	_ =	sdelay $0x1  }
0x228: {  	[tilespmem:s30+$0x800] =	vst v3  }
0x229: {  	v3 =	vld [tilespmem:s31+$0x890]  }
0x22a: {  	v17 =	vld [tilespmem:s31+$0x910];
	_ =	sdelay $0x4  }
0x22b: {  	v3 =	vadd.f32 v17, v3;
	_ =	sdelay $0x1  }
0x22c: {  	[tilespmem:s30+$0x810] =	vst v3  }
0x22d: {  	v3 =	vld [tilespmem:s31+$0x8A0]  }
0x22e: {  	v18 =	vld [tilespmem:s31+$0x920];
	_ =	sdelay $0x4  }
0x22f: {  	v3 =	vadd.f32 v18, v3;
	_ =	sdelay $0x1  }
0x230: {  	[tilespmem:s30+$0x820] =	vst v3  }
0x231: {  	v3 =	vld [tilespmem:s31+$0x8B0]  }
0x232: {  	v19 =	vld [tilespmem:s31+$0x930];
	_ =	sdelay $0x4  }
0x233: {  	v3 =	vadd.f32 v19, v3;
	_ =	sdelay $0x1  }
0x234: {  	[tilespmem:s30+$0x830] =	vst v3  }
0x235: {  	v3 =	vld [tilespmem:s31+$0x8C0]  }
0x236: {  	v20 =	vld [tilespmem:s31+$0x940];
	_ =	sdelay $0x4  }
0x237: {  	v3 =	vadd.f32 v20, v3;
	_ =	sdelay $0x1  }
0x238: {  	[tilespmem:s30+$0x840] =	vst v3  }
0x239: {  	v3 =	vld [tilespmem:s31+$0x8D0]  }
0x23a: {  	v21 =	vld [tilespmem:s31+$0x950];
	_ =	sdelay $0x4  }
0x23b: {  	v3 =	vadd.f32 v21, v3;
	_ =	sdelay $0x1  }
0x23c: {  	[tilespmem:s30+$0x850] =	vst v3  }
0x23d: {  	v3 =	vld [tilespmem:s31+$0x8E0]  }
0x23e: {  	v22 =	vld [tilespmem:s31+$0x960];
	_ =	sdelay $0x4  }
0x23f: {  	v3 =	vadd.f32 v22, v3;
	_ =	sdelay $0x1  }
0x240: {  	[tilespmem:s30+$0x860] =	vst v3  }
0x241: {  	v3 =	vld [tilespmem:s31+$0x8F0]  }
0x242: {  	v23 =	vld [tilespmem:s31+$0x970];
	_ =	sdelay $0x4  }
0x243: {  	v3 =	vadd.f32 v23, v3;
	_ =	sdelay $0x1  }
0x244: {  	[tilespmem:s30+$0x870] =	vst v3  }
0x245: {  	v3 =	vld [tilespmem:s31+$0xC80]  }
0x246: {  	v24 =	vld [tilespmem:s31+$0xD00];
	_ =	sdelay $0x4  }
0x247: {  	v3 =	vadd.f32 v24, v3;
	_ =	sdelay $0x1  }
0x248: {  	[tilespmem:s30+$0xC00] =	vst v3  }
0x249: {  	v3 =	vld [tilespmem:s31+$0xC90]  }
0x24a: {  	v25 =	vld [tilespmem:s31+$0xD10];
	_ =	sdelay $0x4  }
0x24b: {  	v3 =	vadd.f32 v25, v3;
	_ =	sdelay $0x1  }
0x24c: {  	[tilespmem:s30+$0xC10] =	vst v3  }
0x24d: {  	v3 =	vld [tilespmem:s31+$0xCA0]  }
0x24e: {  	v26 =	vld [tilespmem:s31+$0xD20];
	_ =	sdelay $0x4  }
0x24f: {  	v3 =	vadd.f32 v26, v3;
	_ =	sdelay $0x1  }
0x250: {  	[tilespmem:s30+$0xC20] =	vst v3  }
0x251: {  	v3 =	vld [tilespmem:s31+$0xCB0]  }
0x252: {  	v27 =	vld [tilespmem:s31+$0xD30];
	_ =	sdelay $0x4  }
0x253: {  	v3 =	vadd.f32 v27, v3;
	_ =	sdelay $0x1  }
0x254: {  	[tilespmem:s30+$0xC30] =	vst v3  }
0x255: {  	v3 =	vld [tilespmem:s31+$0xCC0]  }
0x256: {  	v28 =	vld [tilespmem:s31+$0xD40];
	_ =	sdelay $0x4  }
0x257: {  	v3 =	vadd.f32 v28, v3;
	_ =	sdelay $0x1  }
0x258: {  	[tilespmem:s30+$0xC40] =	vst v3  }
0x259: {  	v3 =	vld [tilespmem:s31+$0xCD0]  }
0x25a: {  	v29 =	vld [tilespmem:s31+$0xD50];
	_ =	sdelay $0x4  }
0x25b: {  	v3 =	vadd.f32 v29, v3;
	_ =	sdelay $0x1  }
0x25c: {  	[tilespmem:s30+$0xC50] =	vst v3  }
0x25d: {  	v3 =	vld [tilespmem:s31+$0xCE0]  }
0x25e: {  	v30 =	vld [tilespmem:s31+$0xD60];
	_ =	sdelay $0x4  }
0x25f: {  	v3 =	vadd.f32 v30, v3;
	_ =	sdelay $0x1  }
0x260: {  	[tilespmem:s30+$0xC60] =	vst v3  }
0x261: {  	v3 =	vld [tilespmem:s31+$0xCF0]  }
0x262: {  	v31 =	vld [tilespmem:s31+$0xD70];
	_ =	sdelay $0x4  }
0x263: {  	v3 =	vadd.f32 v31, v3;
	_ =	sdelay $0x1  }
0x264: {  	[tilespmem:s30+$0xC70] =	vst v3  }
0x265: {  	v3 =	vld [tilespmem:s31+$0x1080]  }
0x266: {  	v32 =	vld [tilespmem:s31+$0x1100];
	_ =	sdelay $0x4  }
0x267: {  	v3 =	vadd.f32 v32, v3;
	_ =	sdelay $0x1  }
0x268: {  	[tilespmem:s30+$0x1000] =	vst v3  }
0x269: {  	v3 =	vld [tilespmem:s31+$0x1090]  }
0x26a: {  	v33 =	vld [tilespmem:s31+$0x1110];
	_ =	sdelay $0x4  }
0x26b: {  	v3 =	vadd.f32 v33, v3;
	_ =	sdelay $0x1  }
0x26c: {  	[tilespmem:s30+$0x1010] =	vst v3  }
0x26d: {  	v3 =	vld [tilespmem:s31+$0x10A0]  }
0x26e: {  	v34 =	vld [tilespmem:s31+$0x1120];
	_ =	sdelay $0x4  }
0x26f: {  	v3 =	vadd.f32 v34, v3;
	_ =	sdelay $0x1  }
0x270: {  	[tilespmem:s30+$0x1020] =	vst v3  }
0x271: {  	v3 =	vld [tilespmem:s31+$0x10B0]  }
0x272: {  	v35 =	vld [tilespmem:s31+$0x1130];
	_ =	sdelay $0x4  }
0x273: {  	v3 =	vadd.f32 v35, v3;
	_ =	sdelay $0x1  }
0x274: {  	[tilespmem:s30+$0x1030] =	vst v3  }
0x275: {  	v3 =	vld [tilespmem:s31+$0x10C0]  }
0x276: {  	v36 =	vld [tilespmem:s31+$0x1140];
	_ =	sdelay $0x4  }
0x277: {  	v3 =	vadd.f32 v36, v3;
	_ =	sdelay $0x1  }
0x278: {  	[tilespmem:s30+$0x1040] =	vst v3  }
0x279: {  	v3 =	vld [tilespmem:s31+$0x10D0]  }
0x27a: {  	v37 =	vld [tilespmem:s31+$0x1150];
	_ =	sdelay $0x4  }
0x27b: {  	v3 =	vadd.f32 v37, v3;
	_ =	sdelay $0x1  }
0x27c: {  	[tilespmem:s30+$0x1050] =	vst v3  }
0x27d: {  	v3 =	vld [tilespmem:s31+$0x10E0]  }
0x27e: {  	v38 =	vld [tilespmem:s31+$0x1160];
	_ =	sdelay $0x4  }
0x27f: {  	v3 =	vadd.f32 v38, v3;
	_ =	sdelay $0x1  }
0x280: {  	[tilespmem:s30+$0x1060] =	vst v3  }
0x281: {  	v3 =	vld [tilespmem:s31+$0x10F0]  }
0x282: {  	v39 =	vld [tilespmem:s31+$0x1170];
	_ =	sdelay $0x4  }
0x283: {  	v3 =	vadd.f32 v39, v3;
	_ =	sdelay $0x1  }
0x284: {  	[tilespmem:s30+$0x1070] =	vst v3  }
0x285: {  	v3 =	vld [tilespmem:s31+$0x1480]  }
0x286: {  	v40 =	vld [tilespmem:s31+$0x1500];
	_ =	sdelay $0x4  }
0x287: {  	v3 =	vadd.f32 v40, v3;
	_ =	sdelay $0x1  }
0x288: {  	[tilespmem:s30+$0x1400] =	vst v3  }
0x289: {  	v3 =	vld [tilespmem:s31+$0x1490]  }
0x28a: {  	v41 =	vld [tilespmem:s31+$0x1510];
	_ =	sdelay $0x4  }
0x28b: {  	v3 =	vadd.f32 v41, v3;
	_ =	sdelay $0x1  }
0x28c: {  	[tilespmem:s30+$0x1410] =	vst v3  }
0x28d: {  	v3 =	vld [tilespmem:s31+$0x14A0]  }
0x28e: {  	v42 =	vld [tilespmem:s31+$0x1520];
	_ =	sdelay $0x4  }
0x28f: {  	v3 =	vadd.f32 v42, v3;
	_ =	sdelay $0x1  }
0x290: {  	[tilespmem:s30+$0x1420] =	vst v3  }
0x291: {  	v3 =	vld [tilespmem:s31+$0x14B0]  }
0x292: {  	v43 =	vld [tilespmem:s31+$0x1530];
	_ =	sdelay $0x4  }
0x293: {  	v3 =	vadd.f32 v43, v3;
	_ =	sdelay $0x1  }
0x294: {  	[tilespmem:s30+$0x1430] =	vst v3  }
0x295: {  	v3 =	vld [tilespmem:s31+$0x14C0]  }
0x296: {  	v44 =	vld [tilespmem:s31+$0x1540];
	_ =	sdelay $0x4  }
0x297: {  	v3 =	vadd.f32 v44, v3;
	_ =	sdelay $0x1  }
0x298: {  	[tilespmem:s30+$0x1440] =	vst v3  }
0x299: {  	v3 =	vld [tilespmem:s31+$0x14D0]  }
0x29a: {  	v45 =	vld [tilespmem:s31+$0x1550];
	_ =	sdelay $0x4  }
0x29b: {  	v3 =	vadd.f32 v45, v3;
	_ =	sdelay $0x1  }
0x29c: {  	[tilespmem:s30+$0x1450] =	vst v3  }
0x29d: {  	v3 =	vld [tilespmem:s31+$0x14E0]  }
0x29e: {  	v46 =	vld [tilespmem:s31+$0x1560];
	_ =	sdelay $0x4  }
0x29f: {  	v3 =	vadd.f32 v46, v3;
	_ =	sdelay $0x1  }
0x2a0: {  	[tilespmem:s30+$0x1460] =	vst v3  }
0x2a1: {  	v3 =	vld [tilespmem:s31+$0x14F0]  }
0x2a2: {  	v47 =	vld [tilespmem:s31+$0x1570];
	_ =	sdelay $0x3  }
0x2a3: {  	s1 =	sand.u32 $0x3, s10  }
0x2a4: {  	s0 =	sshll.u32 s1, $0x8;
	v3 =	vadd.f32 v47, v3  }
0x2a5: {  	s31 =	sadd.s32 s0, s24  }
0x2a6: {  	s1 =	sor.u32 $0x1800, s31;
	s0 =	sadd.s32 $0x80, s31;
	[tilespmem:s30+$0x1470] =	vst v3  }
0x2a7: {  	v3 =	vld [tilespmem:s1+$0x80];
	s1 =	sor.u32 $0x1800, s0  }
0x2a8: {  	v48 =	vld [tilespmem:s1+$0x80];
	_ =	sdelay $0x4  }
0x2a9: {  	v3 =	vadd.f32 v48, v3;
	_ =	sdelay $0x1  }
0x2aa: {  	s1 =	sor.u32 $0x1810, s31;
	[tilespmem:s30+$0x1800] =	vst v3  }
0x2ab: {  	v3 =	vld [tilespmem:s1+$0x80];
	s1 =	sor.u32 $0x1810, s0  }
0x2ac: {  	v49 =	vld [tilespmem:s1+$0x80];
	_ =	sdelay $0x4  }
0x2ad: {  	v3 =	vadd.f32 v49, v3;
	_ =	sdelay $0x1  }
0x2ae: {  	s1 =	sor.u32 $0x1820, s31;
	[tilespmem:s30+$0x1810] =	vst v3  }
0x2af: {  	v3 =	vld [tilespmem:s1+$0x80];
	s1 =	sor.u32 $0x1820, s0  }
0x2b0: {  	v50 =	vld [tilespmem:s1+$0x80];
	_ =	sdelay $0x4  }
0x2b1: {  	v3 =	vadd.f32 v50, v3;
	_ =	sdelay $0x1  }
0x2b2: {  	s1 =	sor.u32 $0x1830, s31;
	[tilespmem:s30+$0x1820] =	vst v3  }
0x2b3: {  	v3 =	vld [tilespmem:s1+$0x80];
	s1 =	sor.u32 $0x1830, s0  }
0x2b4: {  	v51 =	vld [tilespmem:s1+$0x80];
	_ =	sdelay $0x4  }
0x2b5: {  	v3 =	vadd.f32 v51, v3;
	_ =	sdelay $0x1  }
0x2b6: {  	s1 =	sor.u32 $0x1840, s31;
	[tilespmem:s30+$0x1830] =	vst v3  }
0x2b7: {  	v3 =	vld [tilespmem:s1+$0x80];
	s1 =	sor.u32 $0x1840, s0  }
0x2b8: {  	v52 =	vld [tilespmem:s1+$0x80];
	_ =	sdelay $0x4  }
0x2b9: {  	v3 =	vadd.f32 v52, v3;
	_ =	sdelay $0x1  }
0x2ba: {  	s1 =	sor.u32 $0x1850, s31;
	[tilespmem:s30+$0x1840] =	vst v3  }
0x2bb: {  	v3 =	vld [tilespmem:s1+$0x80];
	s1 =	sor.u32 $0x1850, s0  }
0x2bc: {  	v53 =	vld [tilespmem:s1+$0x80];
	_ =	sdelay $0x4  }
0x2bd: {  	v3 =	vadd.f32 v53, v3;
	_ =	sdelay $0x1  }
0x2be: {  	s1 =	sor.u32 $0x1860, s31;
	[tilespmem:s30+$0x1850] =	vst v3  }
0x2bf: {  	v3 =	vld [tilespmem:s1+$0x80];
	s1 =	sor.u32 $0x1860, s0  }
0x2c0: {  	v54 =	vld [tilespmem:s1+$0x80];
	_ =	sdelay $0x4  }
0x2c1: {  	v3 =	vadd.f32 v54, v3;
	_ =	sdelay $0x1  }
0x2c2: {  	s1 =	sor.u32 $0x1870, s31;
	[tilespmem:s30+$0x1860] =	vst v3  }
0x2c3: {  	v3 =	vld [tilespmem:s1+$0x80];
	s1 =	sor.u32 $0x1870, s0  }
0x2c4: {  	v55 =	vld [tilespmem:s1+$0x80];
	_ =	sdelay $0x4  }
0x2c5: {  	v3 =	vadd.f32 v55, v3;
	_ =	sdelay $0x1  }
0x2c6: {  	[tilespmem:s30+$0x1870] =	vst v3;
	s30 =	sor.u32 $0x1C00, s31  }
0x2c7: {  	v3 =	vld [tilespmem:s30+$0x80];
	s30 =	sor.u32 $0x1C00, s0  }
0x2c8: {  	v56 =	vld [tilespmem:s30+$0x80];
	_ =	sdelay $0x2  }
0x2c9: {  	s30 =	sand.u32 $0x7, s25  }
0x2ca: {  	s1 =	sshll.u32 s30, $0x7  }
0x2cb: {  	s1 =	sadd.s32 s1, s26;
	v3 =	vadd.f32 v56, v3  }
0x2cc: {  	s30 =	sor.u32 $0x1C00, s1  }
0x2cd: {  	[tilespmem:s30+$0x10080] =	vst v3;
	s30 =	sor.u32 $0x1C10, s31  }
0x2ce: {  	v3 =	vld [tilespmem:s30+$0x80];
	s30 =	sor.u32 $0x1C10, s0  }
0x2cf: {  	v57 =	vld [tilespmem:s30+$0x80];
	_ =	sdelay $0x4  }
0x2d0: {  	v3 =	vadd.f32 v57, v3  }
0x2d1: {  	s30 =	sor.u32 $0x1C10, s1  }
0x2d2: {  	[tilespmem:s30+$0x10080] =	vst v3;
	s30 =	sor.u32 $0x1C20, s31  }
0x2d3: {  	v3 =	vld [tilespmem:s30+$0x80];
	s30 =	sor.u32 $0x1C20, s0  }
0x2d4: {  	v58 =	vld [tilespmem:s30+$0x80];
	_ =	sdelay $0x4  }
0x2d5: {  	v3 =	vadd.f32 v58, v3  }
0x2d6: {  	s30 =	sor.u32 $0x1C20, s1  }
0x2d7: {  	[tilespmem:s30+$0x10080] =	vst v3;
	s30 =	sor.u32 $0x1C30, s31  }
0x2d8: {  	v3 =	vld [tilespmem:s30+$0x80];
	s30 =	sor.u32 $0x1C30, s0  }
0x2d9: {  	v59 =	vld [tilespmem:s30+$0x80];
	_ =	sdelay $0x4  }
0x2da: {  	v3 =	vadd.f32 v59, v3  }
0x2db: {  	s30 =	sor.u32 $0x1C30, s1  }
0x2dc: {  	[tilespmem:s30+$0x10080] =	vst v3;
	s30 =	sor.u32 $0x1C40, s31  }
0x2dd: {  	v3 =	vld [tilespmem:s30+$0x80];
	s30 =	sor.u32 $0x1C40, s0  }
0x2de: {  	v60 =	vld [tilespmem:s30+$0x80];
	_ =	sdelay $0x4  }
0x2df: {  	v3 =	vadd.f32 v60, v3  }
0x2e0: {  	s30 =	sor.u32 $0x1C40, s1  }
0x2e1: {  	[tilespmem:s30+$0x10080] =	vst v3;
	s30 =	sor.u32 $0x1C50, s31  }
0x2e2: {  	v3 =	vld [tilespmem:s30+$0x80];
	s30 =	sor.u32 $0x1C50, s0  }
0x2e3: {  	v61 =	vld [tilespmem:s30+$0x80];
	_ =	sdelay $0x4  }
0x2e4: {  	v3 =	vadd.f32 v61, v3  }
0x2e5: {  	s30 =	sor.u32 $0x1C50, s1  }
0x2e6: {  	[tilespmem:s30+$0x10080] =	vst v3;
	s30 =	sor.u32 $0x1C60, s31  }
0x2e7: {  	v3 =	vld [tilespmem:s30+$0x80];
	s30 =	sor.u32 $0x1C60, s0  }
0x2e8: {  	v62 =	vld [tilespmem:s30+$0x80];
	_ =	sdelay $0x4  }
0x2e9: {  	v3 =	vadd.f32 v62, v3  }
0x2ea: {  	s30 =	sor.u32 $0x1C60, s1  }
0x2eb: {  	s31 =	sor.u32 $0x1C70, s31;
	[tilespmem:s30+$0x10080] =	vst v3  }
0x2ec: {  	s0 =	sor.u32 $0x1C70, s0;
	v3 =	vld [tilespmem:s31+$0x80]  }
0x2ed: {  	v63 =	vld [tilespmem:s0+$0x80];
	_ =	sdelay $0x1  }
0x2ee: {  	p0 =	sne.s32 s29, $0x1F00  }
.Ltmp1:
0x2ef: {  	_ = 	snop;
	(pc) =	sbr.rel @p0 .LBB2_4-.Ltmp1, $4  }
0x2f0: {  	_ = 	snop  }
0x2f1: {  	s28 =	sadd.s32 $0x80, s28;
	v3 =	vadd.f32 v63, v3  }
0x2f2: {  	s29 =	sadd.s32 $0x100, s29;
	s10 =	sadd.s32 $0x1, s10;
	s31 =	sor.u32 $0x1C70, s1  }
0x2f3: {  	s24 =	sadd.s32 $0x800, s24;
	s25 =	sadd.s32 $0x1, s25;
	s26 =	sadd.s32 $0x400, s26;
	[tilespmem:s31+$0x10080] =	vst v3  }
0x2f4: {  	s0 =	rddreg [dreg:$0x4]  }
0x2f5: {  	[hbm4b:s0+s2] =	stream.linear.scatter [tilespmem:s9], [sflag:$0x2], $0x8000, $0x38;
	[tilespmem:$0x18080] =	vst v63  }
0x2f6: {  	_ =	swait.ge [sflag:s11], $0x8000  }
0x2f7: {  	s23 =	sadd.s32 $0x1, s23;
	s31 =	rddreg [dreg:$0x5]  }
0x2f8: {  	p0 =	sne.s32 s23, s31  }
.Ltmp2:
0x2f9: {  	_ = 	snop;
	(pc) =	sbr.rel @p0 .LBB2_1-.Ltmp2, $3  }
0x2fa: {  	_ =	sdelay $0x1  }
0x2fb: {  	[sflag:s11] =	ssyncset.done $0x0  }
0x2fc: {  	[sflag:s11] =	ssyncadd.s32 $0xFFFF8000  }
0x2fd: {  	_ =	sfence.sel $0x180000  }
0x2fe: {  	[bflag:$0x0] =	sbarrier.arrive $0xFFFF  }
0x2ff: {  	_ =	strace $0x9000004A  }
0x300: {  	s0 =	stileid.u32;
	[bflag:$0x2] =	sbarrier.arrive $0xFFFF  }
0x301: {  	p0 =	sne.s32 s0, $0x0;
	s0 =	rddreg [dreg:$0x2]  }
0x302: {  	s0 =	sadd.s32 @!p0 $0x100000, s0  }
0x303: {  	[sflag:s0] =	ssyncadd.tile.s32 @!p0 $0x1;
	_ =	shalt  }
.Lfunc_end2:
_tile_overlayer_lowered:
.L_overlay_start_2:
0x304: {  	(tag) =	ssettag $0x2  }
0x305: {  	s0 =	rddreg [dreg:$0x0];
	s2 =	stileid.u32  }
0x306: {  	s1 =	rddreg [dreg:$0x1];
	p0 =	sne.s32 s2, $0x0  }
0x307: {  	s3 =	rddreg [dreg:$0x2];
	[bflag:$0x3] =	sbarrier.arrive $0xFFFF;
	s2 =	simm.s32 @!p0 $0x1C02  }
0x308: {  	[timem:s3], [sflag:s2] =	dma.local @!p0 [hbm:s0], s1  }
0x309: {  	s0 =	simm.s32 @!p0 $0x2  }
0x30a: {  	_ =	swait.ge @!p0 [sflag:s0], s1  }
0x30b: {  	s1 =	ssub.s32 @!p0 $0x0, s1;
	[sflag:s0] =	ssyncset.done @!p0 $0x0  }
0x30c: {  	[sflag:s0] =	ssyncadd.s32 @!p0 s1  }
0x30d: {  	[bflag:$0x3] =	sbarrier.arrive $0xFFFF  }
0x30e: {  	_ =	shalt  }

</sc_bundles>
